<compile_context>
chip_gen: v7x
topology: tpu7x:2x2x1
jax: 0.10.2.dev20260603
libtpu: 0.0.44.dev20260713+nightly
codegen_flags: <defaults>
</compile_context>

<pallas_src>
import jax
import jax.numpy as jnp
from jax import lax
from jax.experimental import pallas as pl
from jax.experimental.pallas import tpu as pltpu
from jax.experimental.pallas import tpu_sc as plsc

N = 100000
D = 128
H = 64
G = 512
DL = 64
B = 5000
NBLK = N // B
RS_PAD = 640
RSW = 48
RSP = 576
LAW = 72
LD = 488
SEG_PER = 16
SCW = 256
TCW = 192


def _gelu(z):
    return 0.5 * z * (1.0 + lax.erf(z * 0.7071067811865476))


def _rs_body(batch_ref, rs_ref, rs_scr, co_scr):
    pid = pl.program_id(0)
    b = batch_ref[0, 0, :]
    lo = batch_ref[0, 0, 0]
    hi = batch_ref[0, 0, B - 1]
    wbase = (lo // 8) * 8

    @pl.when(pid == 0)
    def _():
        rs_scr[...] = jnp.zeros((RSP, 1), jnp.int32)
        co_scr[...] = jnp.zeros((RS_PAD // 128, 128), jnp.int32)

    @pl.when(hi - lo <= RSW - 8)
    def _():
        wg = wbase + lax.broadcasted_iota(jnp.int32, (RSW, B), 0)
        cw = jnp.sum((b[None, :] < wg).astype(jnp.int32), axis=1,
                     keepdims=True)
        wg1 = wbase + lax.broadcasted_iota(jnp.int32, (RSW, 1), 0)
        rs_scr[pl.ds(wbase, RSW), :] += jnp.where(wg1 <= hi, cw, 0)

    @pl.when(hi - lo > RSW - 8)
    def _():
        git = lax.broadcasted_iota(jnp.int32, (RSP, B), 0)
        cf = jnp.sum((b[None, :] < git).astype(jnp.int32), axis=1,
                     keepdims=True)
        git1 = lax.broadcasted_iota(jnp.int32, (RSP, 1), 0)
        rs_scr[...] += jnp.where(git1 <= hi, cf, 0)

    gflat = (lax.broadcasted_iota(jnp.int32, (RS_PAD // 128, 128), 0) * 128
             + lax.broadcasted_iota(jnp.int32, (RS_PAD // 128, 128), 1))
    co_scr[...] += jnp.where(gflat > hi, B, 0)

    @pl.when(pid == NBLK - 1)
    def _():
        win = jnp.concatenate(
            [rs_scr[...][:G, 0], jnp.zeros((RS_PAD - G,), jnp.int32)])
        total = win + co_scr[...].reshape(RS_PAD)
        rs_ref[...] = jnp.where(lax.iota(jnp.int32, RS_PAD) >= G, N, total)


def _tc_body(batch_ref, x_ref, wcat_ref, bcat_ref, w2t_ref,
             out_ref, ex_scr, la_scr):
    pid = pl.program_id(0)
    x = x_ref[...]
    h = _gelu(jnp.dot(x, wcat_ref[...], preferred_element_type=jnp.float32)
              + bcat_ref[...])
    gate = jnp.sum(h[:, :H] * w2t_ref[...], axis=1, keepdims=True)
    e = jnp.exp(gate)
    exr = x * e
    la = jnp.concatenate(
        [h[:, H:], jnp.ones((B, 1), jnp.float32), e,
         jnp.zeros((B, LAW - DL - 2), jnp.float32)], axis=1)

    b = batch_ref[0, 0, :]
    lo = batch_ref[0, 0, 0]
    hi = batch_ref[0, 0, B - 1]
    wbase = (lo // 8) * 8

    @pl.when(pid == 0)
    def _():
        ex_scr[...] = jnp.zeros((RSP, D), jnp.float32)
        la_scr[...] = jnp.zeros((RSP, LAW), jnp.float32)

    @pl.when(hi - lo <= RSW - 8)
    def _():
        wg = wbase + lax.broadcasted_iota(jnp.int32, (RSW, B), 0)
        oh = (b[None, :] == wg).astype(jnp.float32)
        ex_scr[pl.ds(wbase, RSW), :] += jnp.dot(
            oh, exr, preferred_element_type=jnp.float32)
        la_scr[pl.ds(wbase, RSW), :] += jnp.dot(
            oh, la, preferred_element_type=jnp.float32)

    @pl.when(hi - lo > RSW - 8)
    def _():
        git = lax.broadcasted_iota(jnp.int32, (RSP, B), 0)
        oh = (b[None, :] == git).astype(jnp.float32)
        ex_scr[...] += jnp.dot(oh, exr, preferred_element_type=jnp.float32)
        la_scr[...] += jnp.dot(oh, la, preferred_element_type=jnp.float32)

    @pl.when(pid == NBLK - 1)
    def _():
        cnt = la_scr[...][:G, DL:DL + 1]
        esum = la_scr[...][:G, DL + 1:DL + 2]
        den = jnp.where(esum > 0.0, esum, 1.0)
        att = ex_scr[...][:G, :] / den
        locm = la_scr[...][:G, :DL] / jnp.maximum(cnt, 1.0)
        out_ref[...] = jnp.concatenate([att, locm], axis=1)


def _sc_body(x_hbm, rs_hbm, out_hbm, rsb, xb0, xb1, outb, sx0, sx1):
    c = lax.axis_index("c")
    s = lax.axis_index("s")
    wid = s * 2 + c
    base_seg = wid * SEG_PER
    pltpu.sync_copy(rs_hbm.at[pl.ds(base_seg, 32)], rsb)
    rv1 = rsb[pl.ds(1, 16)]
    tile_s = rsb[pl.ds(0, 16)][0]
    tile_e = rv1[15]
    ts0 = (tile_s // 8) * 8
    nch = (tile_e - ts0 + LD - 1) // LD

    zero = jnp.zeros((16,), jnp.float32)
    ninf = jnp.full((16,), -jnp.inf, jnp.float32)

    def prefill(j, _):
        for k in range(8):
            outb[j, pl.ds(16 * k, 16)] = zero
        for k in range(8):
            outb[j, pl.ds(128 + 16 * k, 16)] = ninf
        return 0

    lax.fori_loop(0, SEG_PER, prefill, 0)

    def chunk_base(cix):
        return jnp.minimum(ts0 + cix * LD, N - LD)

    def start(cix, xb, sx):
        pltpu.make_async_copy(
            x_hbm.at[pl.ds(chunk_base(cix), LD)], xb, sx).start()

    def wait(xb, sx):
        pltpu.make_async_copy(x_hbm.at[pl.ds(0, LD)], xb, sx).wait()

    init_carry = (jnp.int32(0),) + (zero,) * 8 + (ninf,) * 8

    def rows(lo, hi, base, xb, car):
        def row(r, rc):
            idx = r - base
            xs = [xb[idx, pl.ds(16 * k, 16)] for k in range(8)]
            sx_ = tuple(rc[k] + xs[k] for k in range(8))
            mx_ = tuple(jnp.maximum(rc[8 + k], xs[k]) for k in range(8))
            return sx_ + mx_

        return lax.fori_loop(lo, hi, row, car)

    def flush(jj, cnt, rc):
        cntf = jnp.maximum(cnt.astype(jnp.float32), 1.0)
        inv = 1.0 / jnp.broadcast_to(cntf, (16,))
        for k in range(8):
            outb[jj, pl.ds(16 * k, 16)] = rc[k] * inv
        for k in range(8):
            outb[jj, pl.ds(128 + 16 * k, 16)] = rc[8 + k]
        return (zero,) * 8 + (ninf,) * 8

    def process(cix, xb, car):
        base = chunk_base(cix)
        lo_c = jnp.minimum(jnp.maximum(tile_s, ts0 + cix * LD), tile_e)
        hi_c = jnp.minimum(tile_e, ts0 + (cix + 1) * LD)
        hi_c = jnp.maximum(hi_c, lo_c)
        hival = hi_c - 1
        j_end = jnp.int32(0)
        for k in range(16):
            j_end = j_end + (rv1[k] <= hival).astype(jnp.int32)
        j_cur = car[0]

        def jbody(jj, rc):
            rvj = rsb[pl.ds(jj, 16)]
            lo = jnp.maximum(rvj[0], lo_c)
            hi = jnp.minimum(rvj[1], hi_c)
            rc = rows(lo, hi, base, xb, rc)
            return flush(jj, rvj[1] - rvj[0], rc)

        rc = lax.fori_loop(j_cur, j_end, jbody, car[1:])
        rvj = rsb[pl.ds(j_end, 16)]
        lo = jnp.maximum(rvj[0], lo_c)
        hi = jnp.minimum(rvj[1], hi_c)
        rc = rows(lo, hi, base, xb, rc)
        return (j_end,) + rc

    start(0, xb0, sx0)
    nc2 = (nch + 1) // 2

    def c2body(c2, car):
        wait(xb0, sx0)
        start(2 * c2 + 1, xb1, sx1)
        car = process(2 * c2, xb0, car)
        wait(xb1, sx1)
        start(2 * c2 + 2, xb0, sx0)
        car = process(2 * c2 + 1, xb1, car)
        return car

    car = lax.fori_loop(0, nc2, c2body, init_carry)
    wait(xb0, sx0)
    jf = car[0]
    rvj = rsb[pl.ds(jf, 16)]
    flush(jf, rvj[1] - rvj[0], car[1:])
    pltpu.sync_copy(outb, out_hbm.at[pl.ds(base_seg, SEG_PER)])


def kernel(x, batch, W_g1, b_g1, W_g2, b_g2, W_l, b_l):
    del b_g2
    batch3 = batch.astype(jnp.int32).reshape(NBLK, 1, B)
    w2t = W_g2.reshape(1, H)
    wcat = jnp.concatenate([W_g1, W_l], axis=1)
    bcat = jnp.concatenate([b_g1, b_l]).reshape(1, H + DL)

    rs = pl.pallas_call(
        _rs_body,
        grid=(NBLK,),
        in_specs=[pl.BlockSpec((1, 1, B), lambda i: (i, 0, 0))],
        out_specs=pl.BlockSpec((RS_PAD,), lambda i: (0,)),
        out_shape=jax.ShapeDtypeStruct((RS_PAD,), jnp.int32),
        scratch_shapes=[pltpu.VMEM((RSP, 1), jnp.int32),
                        pltpu.VMEM((RS_PAD // 128, 128), jnp.int32)],
    )(batch3)

    sc_out = pl.kernel(
        _sc_body,
        out_type=jax.ShapeDtypeStruct((G, SCW), jnp.float32),
        mesh=plsc.VectorSubcoreMesh(core_axis_name="c", subcore_axis_name="s",
                                    num_cores=2, num_subcores=16),
        scratch_types=[
            pltpu.VMEM((32,), jnp.int32),
            pltpu.VMEM((LD, D), jnp.float32),
            pltpu.VMEM((LD, D), jnp.float32),
            pltpu.VMEM((SEG_PER, SCW), jnp.float32),
            pltpu.SemaphoreType.DMA,
            pltpu.SemaphoreType.DMA,
        ],
    )(x, rs)

    tc_out = pl.pallas_call(
        _tc_body,
        grid=(NBLK,),
        in_specs=[
            pl.BlockSpec((1, 1, B), lambda i: (i, 0, 0)),
            pl.BlockSpec((B, D), lambda i: (i, 0)),
            pl.BlockSpec((D, H + DL), lambda i: (0, 0)),
            pl.BlockSpec((1, H + DL), lambda i: (0, 0)),
            pl.BlockSpec((1, H), lambda i: (0, 0)),
        ],
        out_specs=pl.BlockSpec((G, TCW), lambda i: (0, 0)),
        out_shape=jax.ShapeDtypeStruct((G, TCW), jnp.float32),
        scratch_shapes=[
            pltpu.VMEM((RSP, D), jnp.float32),
            pltpu.VMEM((RSP, LAW), jnp.float32),
        ],
    )(batch3, x, wcat, bcat, w2t)

    return jnp.concatenate([sc_out, tc_out], axis=1)

# --- scband reference (transcript-rebuilt; emitter-appended) ---
"""Pipeline reference for scband-multi-scale-readout-32401233281334 (READ-ONLY COPY).

The authoritative reference and input builder live on the scoring server;
editing this copy changes nothing except your own understanding.
"""

import jax, jax.numpy as jnp
import numpy as np

N = 100000
D = 128
H = max(32, D // 2)  # gate hidden = 64
G = 512

def setup_inputs(seed: int = 0) -> dict:
    key = jax.random.key(seed)
    ks = jax.random.split(key, 8)
    x = jax.random.normal(ks[0], (N, D), dtype=jnp.float32)
    batch = jnp.sort(jax.random.randint(ks[1], (N,), 0, G)).astype(jnp.int64)
    s1 = 1.0 / np.sqrt(D)
    W_g1 = jax.random.uniform(ks[2], (D, H), minval=-s1, maxval=s1, dtype=jnp.float32)
    b_g1 = jnp.zeros((H,), dtype=jnp.float32)
    s2 = 1.0 / np.sqrt(H)
    W_g2 = jax.random.uniform(ks[3], (H, 1), minval=-s2, maxval=s2, dtype=jnp.float32)
    b_g2 = jnp.zeros((1,), dtype=jnp.float32)
    W_l = jax.random.uniform(ks[4], (D, D // 2), minval=-s1, maxval=s1, dtype=jnp.float32)
    b_l = jnp.zeros((D // 2,), dtype=jnp.float32)
    return {"x": x, "batch": batch, "W_g1": W_g1, "b_g1": b_g1,
            "W_g2": W_g2, "b_g2": b_g2, "W_l": W_l, "b_l": b_l}

def reference(x, batch, W_g1, b_g1, W_g2, b_g2, W_l, b_l):
    # counts per graph (clamped to 1, matching torch_scatter mean semantics)
    ones = jnp.ones((x.shape[0],), dtype=x.dtype)
    count = jax.ops.segment_sum(ones, batch, num_segments=G)
    count = jnp.maximum(count, 1.0)
    # global_mean_pool
    sum_p = jax.ops.segment_sum(x, batch, num_segments=G)
    mean_p = sum_p / count[:, None]
    # global_max_pool
    max_p = jax.ops.segment_max(x, batch, num_segments=G)
    # GlobalAttention: gate_nn = Linear -> GELU -> (Dropout=identity in eval) -> Linear
    h = jax.nn.gelu(x @ W_g1 + b_g1, approximate=False)
    gate = (h @ W_g2 + b_g2)[:, 0]
    gmax = jax.ops.segment_max(gate, batch, num_segments=G)
    e = jnp.exp(gate - gmax[batch])
    denom = jax.ops.segment_sum(e, batch, num_segments=G)
    attn = e / denom[batch]
    att_p = jax.ops.segment_sum(attn[:, None] * x, batch, num_segments=G)
    # local_pool: Linear -> GELU, then global_mean_pool
    local = jax.nn.gelu(x @ W_l + b_l, approximate=False)
    local_sum = jax.ops.segment_sum(local, batch, num_segments=G)
    local_mean = local_sum / count[:, None]
    return jnp.concatenate([mean_p, max_p, att_p, local_mean], axis=-1)

if __name__ == "__main__":
    import jax
    _d = setup_inputs()
    print(jax.jit(kernel)(*tuple(_d.values())))

</pallas_src>

<mosaic_0001>
#map = affine_map<(d0, d1) -> (0, 0)>
#map1 = affine_map<(d0, d1) -> (0)>
module attributes {stable_mosaic.version = 14 : i64} {
  func.func @_sc_body(%arg0: i32, %arg1: i32, %arg2: memref<100000x128xf32, #tpu.memory_space<hbm>>, %arg3: memref<640xi32, #tpu.memory_space<hbm>>, %arg4: memref<512x256xf32, #tpu.memory_space<hbm>>, %arg5: memref<32xi32, #tpu.memory_space<vmem>>, %arg6: memref<488x128xf32, #tpu.memory_space<vmem>>, %arg7: memref<488x128xf32, #tpu.memory_space<vmem>>, %arg8: memref<16x256xf32, #tpu.memory_space<vmem>>, %arg9: memref<!tpu.dma_semaphore, #tpu.memory_space<semaphore_mem>>, %arg10: memref<!tpu.dma_semaphore, #tpu.memory_space<semaphore_mem>>) attributes {dimension_semantics = [#tpu.dimension_semantics<core_parallel>, #tpu.dimension_semantics<subcore_parallel>], iteration_bounds = array<i64: 2, 16>, scalar_prefetch = 0 : i64, scratch_operands = 6 : i64, tpu.core_type = #tpu.core_type<sc_vector_subcore>, window_params = [{transform_indices = #map}, {transform_indices = #map1}, {transform_indices = #map}]} {
    %mul3A = arith.constant 2 : i32
    %mul3A_0 = arith.muli %arg1, %mul3A : i32
    %add3A = arith.addi %mul3A_0, %arg0 : i32
    %mul3A_1 = arith.constant 16 : i32
    %mul3A_2 = arith.muli %add3A, %mul3A_1 : i32
    "tpu.region"() ({
      %run_scoped3A = tpu.sem_alloc : memref<!tpu.dma_semaphore, #tpu.memory_space<semaphore_mem>>
      %dma_start3A_214 = tpu.memref_slice %arg3[%mul3A_2] : memref<640xi32, #tpu.memory_space<hbm>> -> memref<32xi32, #tpu.memory_space<hbm>>
      %dma_start3A_215 = tpu.memref_slice %arg3[%mul3A_2] : memref<640xi32, #tpu.memory_space<hbm>> -> memref<32xi32, #tpu.memory_space<hbm>>
      tpu.enqueue_dma source(%dma_start3A_215 : memref<32xi32, #tpu.memory_space<hbm>>) target(%arg5 : memref<32xi32, #tpu.memory_space<vmem>>) target_semaphore(%run_scoped3A : memref<!tpu.dma_semaphore, #tpu.memory_space<semaphore_mem>>)
      %dma_wait3A_216 = tpu.memref_slice %arg3[%mul3A_2] : memref<640xi32, #tpu.memory_space<hbm>> -> memref<32xi32, #tpu.memory_space<hbm>>
      %dma_wait3A_217 = tpu.memref_slice %arg3[%mul3A_2] : memref<640xi32, #tpu.memory_space<hbm>> -> memref<32xi32, #tpu.memory_space<hbm>>
      tpu.wait_dma2 semaphore(%run_scoped3A : memref<!tpu.dma_semaphore, #tpu.memory_space<semaphore_mem>>) src(%dma_wait3A_217 : memref<32xi32, #tpu.memory_space<hbm>>) dst(%arg5 : memref<32xi32, #tpu.memory_space<vmem>>)
      tpu.yield
    }) : () -> ()
    %get3A = arith.constant 1 : index
    %get3A_3 = tpu.vector_load %arg5[%get3A] {strides = array<i32>} : memref<32xi32, #tpu.memory_space<vmem>>, vector<16xi32>,
    %get3A_4 = vector.shape_cast %get3A_3 : vector<16xi32> to vector<16xi32>
    %get3A_5 = arith.constant 0 : index
    %get3A_6 = tpu.vector_load %arg5[%get3A_5] {strides = array<i32>} : memref<32xi32, #tpu.memory_space<vmem>>, vector<16xi32>,
    %get3A_7 = vector.shape_cast %get3A_6 : vector<16xi32> to vector<16xi32>
    %slice3A = vector.extract_strided_slice %get3A_7 {offsets = [0], sizes = [1], strides = [1]} : vector<16xi32> to vector<1xi32>
    %squeeze3A = vector.extract %slice3A[0] : i32 from vector<1xi32>
    %slice3A_8 = vector.extract_strided_slice %get3A_4 {offsets = [15], sizes = [1], strides = [1]} : vector<16xi32> to vector<1xi32>
    %squeeze3A_9 = vector.extract %slice3A_8[0] : i32 from vector<1xi32>
    %jit3A = arith.constant 8 : i32
    %div3A = arith.divsi %squeeze3A, %jit3A : i32
    %sign3A = arith.constant 0 : i32
    %sign3A_10 = arith.cmpi sgt, %squeeze3A, %sign3A : i32
    %sign3A_11 = arith.extui %sign3A_10 : i1 to i32
    %sign3A_12 = arith.constant 0 : i32
    %sign3A_13 = arith.cmpi slt, %squeeze3A, %sign3A_12 : i32
    %sign3A_14 = arith.extui %sign3A_13 : i1 to i32
    %sign3A_15 = arith.subi %sign3A_11, %sign3A_14 : i32
    %sign3A_16 = arith.constant 0 : i32
    %sign3A_17 = arith.cmpi sgt, %jit3A, %sign3A_16 : i32
    %sign3A_18 = arith.extui %sign3A_17 : i1 to i32
    %sign3A_19 = arith.constant 0 : i32
    %sign3A_20 = arith.cmpi slt, %jit3A, %sign3A_19 : i32
    %sign3A_21 = arith.extui %sign3A_20 : i1 to i32
    %sign3A_22 = arith.subi %sign3A_18, %sign3A_21 : i32
    %ne3A = arith.cmpi ne, %sign3A_15, %sign3A_22 : i32
    %rem3A = arith.remsi %squeeze3A, %jit3A : i32
    %ne3A_23 = arith.constant 0 : i32
    %ne3A_24 = arith.cmpi ne, %rem3A, %ne3A_23 : i32
    %and3A = arith.andi %ne3A, %ne3A_24 : i1
    %sub3A = arith.constant 1 : i32
    %sub3A_25 = arith.subi %div3A, %sub3A : i32
    %select_n3A = arith.select %and3A, %sub3A_25, %div3A : i32
    %mul3A_26 = arith.constant 8 : i32
    %mul3A_27 = arith.muli %select_n3A, %mul3A_26 : i32
    %sub3A_28 = arith.subi %squeeze3A_9, %mul3A_27 : i32
    %add3A_29 = arith.constant 488 : i32
    %add3A_30 = arith.addi %sub3A_28, %add3A_29 : i32
    %sub3A_31 = arith.constant 1 : i32
    %sub3A_32 = arith.subi %add3A_30, %sub3A_31 : i32
    %jit3A_33 = arith.constant 488 : i32
    %div3A_34 = arith.divsi %sub3A_32, %jit3A_33 : i32
    %sign3A_35 = arith.constant 0 : i32
    %sign3A_36 = arith.cmpi sgt, %sub3A_32, %sign3A_35 : i32
    %sign3A_37 = arith.extui %sign3A_36 : i1 to i32
    %sign3A_38 = arith.constant 0 : i32
    %sign3A_39 = arith.cmpi slt, %sub3A_32, %sign3A_38 : i32
    %sign3A_40 = arith.extui %sign3A_39 : i1 to i32
    %sign3A_41 = arith.subi %sign3A_37, %sign3A_40 : i32
    %sign3A_42 = arith.constant 0 : i32
    %sign3A_43 = arith.cmpi sgt, %jit3A_33, %sign3A_42 : i32
    %sign3A_44 = arith.extui %sign3A_43 : i1 to i32
    %sign3A_45 = arith.constant 0 : i32
    %sign3A_46 = arith.cmpi slt, %jit3A_33, %sign3A_45 : i32
    %sign3A_47 = arith.extui %sign3A_46 : i1 to i32
    %sign3A_48 = arith.subi %sign3A_44, %sign3A_47 : i32
    %ne3A_49 = arith.cmpi ne, %sign3A_41, %sign3A_48 : i32
    %rem3A_50 = arith.remsi %sub3A_32, %jit3A_33 : i32
    %ne3A_51 = arith.constant 0 : i32
    %ne3A_52 = arith.cmpi ne, %rem3A_50, %ne3A_51 : i32
    %and3A_53 = arith.andi %ne3A_49, %ne3A_52 : i1
    %sub3A_54 = arith.constant 1 : i32
    %sub3A_55 = arith.subi %div3A_34, %sub3A_54 : i32
    %select_n3A_56 = arith.select %and3A_53, %sub3A_55, %div3A_34 : i32
    %broadcast_in_dim3A = arith.constant 0.000000e+00 : f32
    %broadcast_in_dim3A_57 = vector.broadcast %broadcast_in_dim3A : f32 to vector<16xf32>
    %broadcast_in_dim3A_58 = arith.constant 0xFF800000 : f32
    %broadcast_in_dim3A_59 = vector.broadcast %broadcast_in_dim3A_58 : f32 to vector<16xf32>
    %scan3A = arith.constant 0 : i32
    %scan3A_60 = arith.constant 0 : i32
    %scan3A_61 = arith.constant 16 : i32
    %scan3A_62 = arith.addi %scan3A_60, %scan3A_61 : i32
    %scan3A_63 = arith.constant 1 : i32
    %scan3A_64 = scf.for %scan3A_214 = %scan3A_60 to %scan3A_62 step %scan3A_63 iter_args(%scan3A_215 = %scan3A) -> (i32)  : i32 {
      %swap3A_216 = arith.index_cast %scan3A_214 : i32 to index
      %swap3A_217 = arith.constant 0 : index
      %swap3A_218 = tpu.vector_load %arg8[%swap3A_216, %swap3A_217] {strides = array<i32>} : memref<16x256xf32, #tpu.memory_space<vmem>>, vector<1x16xf32>,
      %swap3A_219 = vector.shape_cast %swap3A_218 : vector<1x16xf32> to vector<16xf32>
      %swap3A_220 = vector.shape_cast %broadcast_in_dim3A_57 : vector<16xf32> to vector<1x16xf32>
      tpu.vector_store %arg8[%swap3A_216, %swap3A_217], %swap3A_220 {strides = array<i32>} : memref<16x256xf32, #tpu.memory_space<vmem>>, vector<1x16xf32>,
      %swap3A_221 = arith.index_cast %scan3A_214 : i32 to index
      %swap3A_222 = arith.constant 16 : index
      %swap3A_223 = tpu.vector_load %arg8[%swap3A_221, %swap3A_222] {strides = array<i32>} : memref<16x256xf32, #tpu.memory_space<vmem>>, vector<1x16xf32>,
      %swap3A_224 = vector.shape_cast %swap3A_223 : vector<1x16xf32> to vector<16xf32>
      %swap3A_225 = vector.shape_cast %broadcast_in_dim3A_57 : vector<16xf32> to vector<1x16xf32>
      tpu.vector_store %arg8[%swap3A_221, %swap3A_222], %swap3A_225 {strides = array<i32>} : memref<16x256xf32, #tpu.memory_space<vmem>>, vector<1x16xf32>,
      %swap3A_226 = arith.index_cast %scan3A_214 : i32 to index
      %swap3A_227 = arith.constant 32 : index
      %swap3A_228 = tpu.vector_load %arg8[%swap3A_226, %swap3A_227] {strides = array<i32>} : memref<16x256xf32, #tpu.memory_space<vmem>>, vector<1x16xf32>,
      %swap3A_229 = vector.shape_cast %swap3A_228 : vector<1x16xf32> to vector<16xf32>
      %swap3A_230 = vector.shape_cast %broadcast_in_dim3A_57 : vector<16xf32> to vector<1x16xf32>
      tpu.vector_store %arg8[%swap3A_226, %swap3A_227], %swap3A_230 {strides = array<i32>} : memref<16x256xf32, #tpu.memory_space<vmem>>, vector<1x16xf32>,
      %swap3A_231 = arith.index_cast %scan3A_214 : i32 to index
      %swap3A_232 = arith.constant 48 : index
      %swap3A_233 = tpu.vector_load %arg8[%swap3A_231, %swap3A_232] {strides = array<i32>} : memref<16x256xf32, #tpu.memory_space<vmem>>, vector<1x16xf32>,
      %swap3A_234 = vector.shape_cast %swap3A_233 : vector<1x16xf32> to vector<16xf32>
      %swap3A_235 = vector.shape_cast %broadcast_in_dim3A_57 : vector<16xf32> to vector<1x16xf32>
      tpu.vector_store %arg8[%swap3A_231, %swap3A_232], %swap3A_235 {strides = array<i32>} : memref<16x256xf32, #tpu.memory_space<vmem>>, vector<1x16xf32>,
      %swap3A_236 = arith.index_cast %scan3A_214 : i32 to index
      %swap3A_237 = arith.constant 64 : index
      %swap3A_238 = tpu.vector_load %arg8[%swap3A_236, %swap3A_237] {strides = array<i32>} : memref<16x256xf32, #tpu.memory_space<vmem>>, vector<1x16xf32>,
      %swap3A_239 = vector.shape_cast %swap3A_238 : vector<1x16xf32> to vector<16xf32>
      %swap3A_240 = vector.shape_cast %broadcast_in_dim3A_57 : vector<16xf32> to vector<1x16xf32>
      tpu.vector_store %arg8[%swap3A_236, %swap3A_237], %swap3A_240 {strides = array<i32>} : memref<16x256xf32, #tpu.memory_space<vmem>>, vector<1x16xf32>,
      %swap3A_241 = arith.index_cast %scan3A_214 : i32 to index
      %swap3A_242 = arith.constant 80 : index
      %swap3A_243 = tpu.vector_load %arg8[%swap3A_241, %swap3A_242] {strides = array<i32>} : memref<16x256xf32, #tpu.memory_space<vmem>>, vector<1x16xf32>,
      %swap3A_244 = vector.shape_cast %swap3A_243 : vector<1x16xf32> to vector<16xf32>
      %swap3A_245 = vector.shape_cast %broadcast_in_dim3A_57 : vector<16xf32> to vector<1x16xf32>
      tpu.vector_store %arg8[%swap3A_241, %swap3A_242], %swap3A_245 {strides = array<i32>} : memref<16x256xf32, #tpu.memory_space<vmem>>, vector<1x16xf32>,
      %swap3A_246 = arith.index_cast %scan3A_214 : i32 to index
      %swap3A_247 = arith.constant 96 : index
      %swap3A_248 = tpu.vector_load %arg8[%swap3A_246, %swap3A_247] {strides = array<i32>} : memref<16x256xf32, #tpu.memory_space<vmem>>, vector<1x16xf32>,
      %swap3A_249 = vector.shape_cast %swap3A_248 : vector<1x16xf32> to vector<16xf32>
      %swap3A_250 = vector.shape_cast %broadcast_in_dim3A_57 : vector<16xf32> to vector<1x16xf32>
      tpu.vector_store %arg8[%swap3A_246, %swap3A_247], %swap3A_250 {strides = array<i32>} : memref<16x256xf32, #tpu.memory_space<vmem>>, vector<1x16xf32>,
      %swap3A_251 = arith.index_cast %scan3A_214 : i32 to index
      %swap3A_252 = arith.constant 112 : index
      %swap3A_253 = tpu.vector_load %arg8[%swap3A_251, %swap3A_252] {strides = array<i32>} : memref<16x256xf32, #tpu.memory_space<vmem>>, vector<1x16xf32>,
      %swap3A_254 = vector.shape_cast %swap3A_253 : vector<1x16xf32> to vector<16xf32>
      %swap3A_255 = vector.shape_cast %broadcast_in_dim3A_57 : vector<16xf32> to vector<1x16xf32>
      tpu.vector_store %arg8[%swap3A_251, %swap3A_252], %swap3A_255 {strides = array<i32>} : memref<16x256xf32, #tpu.memory_space<vmem>>, vector<1x16xf32>,
      %swap3A_256 = arith.index_cast %scan3A_214 : i32 to index
      %swap3A_257 = arith.constant 128 : index
      %swap3A_258 = tpu.vector_load %arg8[%swap3A_256, %swap3A_257] {strides = array<i32>} : memref<16x256xf32, #tpu.memory_space<vmem>>, vector<1x16xf32>,
      %swap3A_259 = vector.shape_cast %swap3A_258 : vector<1x16xf32> to vector<16xf32>
      %swap3A_260 = vector.shape_cast %broadcast_in_dim3A_59 : vector<16xf32> to vector<1x16xf32>
      tpu.vector_store %arg8[%swap3A_256, %swap3A_257], %swap3A_260 {strides = array<i32>} : memref<16x256xf32, #tpu.memory_space<vmem>>, vector<1x16xf32>,
      %swap3A_261 = arith.index_cast %scan3A_214 : i32 to index
      %swap3A_262 = arith.constant 144 : index
      %swap3A_263 = tpu.vector_load %arg8[%swap3A_261, %swap3A_262] {strides = array<i32>} : memref<16x256xf32, #tpu.memory_space<vmem>>, vector<1x16xf32>,
      %swap3A_264 = vector.shape_cast %swap3A_263 : vector<1x16xf32> to vector<16xf32>
      %swap3A_265 = vector.shape_cast %broadcast_in_dim3A_59 : vector<16xf32> to vector<1x16xf32>
      tpu.vector_store %arg8[%swap3A_261, %swap3A_262], %swap3A_265 {strides = array<i32>} : memref<16x256xf32, #tpu.memory_space<vmem>>, vector<1x16xf32>,
      %swap3A_266 = arith.index_cast %scan3A_214 : i32 to index
      %swap3A_267 = arith.constant 160 : index
      %swap3A_268 = tpu.vector_load %arg8[%swap3A_266, %swap3A_267] {strides = array<i32>} : memref<16x256xf32, #tpu.memory_space<vmem>>, vector<1x16xf32>,
      %swap3A_269 = vector.shape_cast %swap3A_268 : vector<1x16xf32> to vector<16xf32>
      %swap3A_270 = vector.shape_cast %broadcast_in_dim3A_59 : vector<16xf32> to vector<1x16xf32>
      tpu.vector_store %arg8[%swap3A_266, %swap3A_267], %swap3A_270 {strides = array<i32>} : memref<16x256xf32, #tpu.memory_space<vmem>>, vector<1x16xf32>,
      %swap3A_271 = arith.index_cast %scan3A_214 : i32 to index
      %swap3A_272 = arith.constant 176 : index
      %swap3A_273 = tpu.vector_load %arg8[%swap3A_271, %swap3A_272] {strides = array<i32>} : memref<16x256xf32, #tpu.memory_space<vmem>>, vector<1x16xf32>,
      %swap3A_274 = vector.shape_cast %swap3A_273 : vector<1x16xf32> to vector<16xf32>
      %swap3A_275 = vector.shape_cast %broadcast_in_dim3A_59 : vector<16xf32> to vector<1x16xf32>
      tpu.vector_store %arg8[%swap3A_271, %swap3A_272], %swap3A_275 {strides = array<i32>} : memref<16x256xf32, #tpu.memory_space<vmem>>, vector<1x16xf32>,
      %swap3A_276 = arith.index_cast %scan3A_214 : i32 to index
      %swap3A_277 = arith.constant 192 : index
      %swap3A_278 = tpu.vector_load %arg8[%swap3A_276, %swap3A_277] {strides = array<i32>} : memref<16x256xf32, #tpu.memory_space<vmem>>, vector<1x16xf32>,
      %swap3A_279 = vector.shape_cast %swap3A_278 : vector<1x16xf32> to vector<16xf32>
      %swap3A_280 = vector.shape_cast %broadcast_in_dim3A_59 : vector<16xf32> to vector<1x16xf32>
      tpu.vector_store %arg8[%swap3A_276, %swap3A_277], %swap3A_280 {strides = array<i32>} : memref<16x256xf32, #tpu.memory_space<vmem>>, vector<1x16xf32>,
      %swap3A_281 = arith.index_cast %scan3A_214 : i32 to index
      %swap3A_282 = arith.constant 208 : index
      %swap3A_283 = tpu.vector_load %arg8[%swap3A_281, %swap3A_282] {strides = array<i32>} : memref<16x256xf32, #tpu.memory_space<vmem>>, vector<1x16xf32>,
      %swap3A_284 = vector.shape_cast %swap3A_283 : vector<1x16xf32> to vector<16xf32>
      %swap3A_285 = vector.shape_cast %broadcast_in_dim3A_59 : vector<16xf32> to vector<1x16xf32>
      tpu.vector_store %arg8[%swap3A_281, %swap3A_282], %swap3A_285 {strides = array<i32>} : memref<16x256xf32, #tpu.memory_space<vmem>>, vector<1x16xf32>,
      %swap3A_286 = arith.index_cast %scan3A_214 : i32 to index
      %swap3A_287 = arith.constant 224 : index
      %swap3A_288 = tpu.vector_load %arg8[%swap3A_286, %swap3A_287] {strides = array<i32>} : memref<16x256xf32, #tpu.memory_space<vmem>>, vector<1x16xf32>,
      %swap3A_289 = vector.shape_cast %swap3A_288 : vector<1x16xf32> to vector<16xf32>
      %swap3A_290 = vector.shape_cast %broadcast_in_dim3A_59 : vector<16xf32> to vector<1x16xf32>
      tpu.vector_store %arg8[%swap3A_286, %swap3A_287], %swap3A_290 {strides = array<i32>} : memref<16x256xf32, #tpu.memory_space<vmem>>, vector<1x16xf32>,
      %swap3A_291 = arith.index_cast %scan3A_214 : i32 to index
      %swap3A_292 = arith.constant 240 : index
      %swap3A_293 = tpu.vector_load %arg8[%swap3A_291, %swap3A_292] {strides = array<i32>} : memref<16x256xf32, #tpu.memory_space<vmem>>, vector<1x16xf32>,
      %swap3A_294 = vector.shape_cast %swap3A_293 : vector<1x16xf32> to vector<16xf32>
      %swap3A_295 = vector.shape_cast %broadcast_in_dim3A_59 : vector<16xf32> to vector<1x16xf32>
      tpu.vector_store %arg8[%swap3A_291, %swap3A_292], %swap3A_295 {strides = array<i32>} : memref<16x256xf32, #tpu.memory_space<vmem>>, vector<1x16xf32>,
      %scan3A_296 = arith.constant 0 : i32
      scf.yield %scan3A_296 : i32
    }
    %scan3A_65 = arith.constant 16 : i32
    %add3A_66 = arith.constant 0 : i32
    %add3A_67 = arith.addi %mul3A_27, %add3A_66 : i32
    %min3A = arith.constant 99512 : i32
    %min3A_68 = arith.minsi %add3A_67, %min3A : i32
    %dma_start3A = arith.constant 0 : i32
    %dma_start3A_69 = tpu.memref_slice %arg2[%min3A_68, %dma_start3A] : memref<100000x128xf32, #tpu.memory_space<hbm>> -> memref<488x128xf32, #tpu.memory_space<hbm>>
    %dma_start3A_70 = arith.constant 0 : i32
    %dma_start3A_71 = tpu.memref_slice %arg2[%min3A_68, %dma_start3A_70] : memref<100000x128xf32, #tpu.memory_space<hbm>> -> memref<488x128xf32, #tpu.memory_space<hbm>>
    tpu.enqueue_dma source(%dma_start3A_71 : memref<488x128xf32, #tpu.memory_space<hbm>>) target(%arg6 : memref<488x128xf32, #tpu.memory_space<vmem>>) target_semaphore(%arg9 : memref<!tpu.dma_semaphore, #tpu.memory_space<semaphore_mem>>)
    %add3A_72 = arith.constant 1 : i32
    %add3A_73 = arith.addi %select_n3A_56, %add3A_72 : i32
    %jit3A_74 = arith.constant 2 : i32
    %div3A_75 = arith.divsi %add3A_73, %jit3A_74 : i32
    %sign3A_76 = arith.constant 0 : i32
    %sign3A_77 = arith.cmpi sgt, %add3A_73, %sign3A_76 : i32
    %sign3A_78 = arith.extui %sign3A_77 : i1 to i32
    %sign3A_79 = arith.constant 0 : i32
    %sign3A_80 = arith.cmpi slt, %add3A_73, %sign3A_79 : i32
    %sign3A_81 = arith.extui %sign3A_80 : i1 to i32
    %sign3A_82 = arith.subi %sign3A_78, %sign3A_81 : i32
    %sign3A_83 = arith.constant 0 : i32
    %sign3A_84 = arith.cmpi sgt, %jit3A_74, %sign3A_83 : i32
    %sign3A_85 = arith.extui %sign3A_84 : i1 to i32
    %sign3A_86 = arith.constant 0 : i32
    %sign3A_87 = arith.cmpi slt, %jit3A_74, %sign3A_86 : i32
    %sign3A_88 = arith.extui %sign3A_87 : i1 to i32
    %sign3A_89 = arith.subi %sign3A_85, %sign3A_88 : i32
    %ne3A_90 = arith.cmpi ne, %sign3A_82, %sign3A_89 : i32
    %rem3A_91 = arith.remsi %add3A_73, %jit3A_74 : i32
    %ne3A_92 = arith.constant 0 : i32
    %ne3A_93 = arith.cmpi ne, %rem3A_91, %ne3A_92 : i32
    %and3A_94 = arith.andi %ne3A_90, %ne3A_93 : i1
    %sub3A_95 = arith.constant 1 : i32
    %sub3A_96 = arith.subi %div3A_75, %sub3A_95 : i32
    %select_n3A_97 = arith.select %and3A_94, %sub3A_96, %div3A_75 : i32
    %while3A = arith.constant 0 : i32
    %while3A_98 = arith.constant 0 : i32
    %while3A_99 = arith.subi %select_n3A_97, %while3A : i32
    %while3A_100 = arith.addi %while3A, %while3A_99 : i32
    %while3A_101 = arith.constant 1 : i32
    %while3A_102 = arith.divsi %while3A_99, %while3A_101 : i32
    %while3A_103 = arith.muli %while3A_102, %while3A_101 : i32
    %while3A_104 = arith.addi %while3A, %while3A_103 : i32
    %while3A_105 = arith.constant 1 : i32
    %while3A_106:17 = scf.for %while3A_214 = %while3A to %while3A_104 step %while3A_105 iter_args(%while3A_215 = %while3A_98, %while3A_216 = %broadcast_in_dim3A_57, %while3A_217 = %broadcast_in_dim3A_57, %while3A_218 = %broadcast_in_dim3A_57, %while3A_219 = %broadcast_in_dim3A_57, %while3A_220 = %broadcast_in_dim3A_57, %while3A_221 = %broadcast_in_dim3A_57, %while3A_222 = %broadcast_in_dim3A_57, %while3A_223 = %broadcast_in_dim3A_57, %while3A_224 = %broadcast_in_dim3A_59, %while3A_225 = %broadcast_in_dim3A_59, %while3A_226 = %broadcast_in_dim3A_59, %while3A_227 = %broadcast_in_dim3A_59, %while3A_228 = %broadcast_in_dim3A_59, %while3A_229 = %broadcast_in_dim3A_59, %while3A_230 = %broadcast_in_dim3A_59, %while3A_231 = %broadcast_in_dim3A_59) -> (i32, vector<16xf32>, vector<16xf32>, vector<16xf32>, vector<16xf32>, vector<16xf32>, vector<16xf32>, vector<16xf32>, vector<16xf32>, vector<16xf32>, vector<16xf32>, vector<16xf32>, vector<16xf32>, vector<16xf32>, vector<16xf32>, vector<16xf32>, vector<16xf32>)  : i32 {
      %dma_wait3A_232 = arith.constant 0 : i32
      %dma_wait3A_233 = arith.constant 0 : i32
      %dma_wait3A_234 = tpu.memref_slice %arg2[%dma_wait3A_232, %dma_wait3A_233] : memref<100000x128xf32, #tpu.memory_space<hbm>> -> memref<488x128xf32, #tpu.memory_space<hbm>>
      %dma_wait3A_235 = arith.constant 0 : i32
      %dma_wait3A_236 = arith.constant 0 : i32
      %dma_wait3A_237 = tpu.memref_slice %arg2[%dma_wait3A_235, %dma_wait3A_236] : memref<100000x128xf32, #tpu.memory_space<hbm>> -> memref<488x128xf32, #tpu.memory_space<hbm>>
      tpu.wait_dma2 semaphore(%arg9 : memref<!tpu.dma_semaphore, #tpu.memory_space<semaphore_mem>>) src(%dma_wait3A_237 : memref<488x128xf32, #tpu.memory_space<hbm>>) dst(%arg6 : memref<488x128xf32, #tpu.memory_space<vmem>>)
      %mul3A_238 = arith.constant 2 : i32
      %mul3A_239 = arith.muli %mul3A_238, %while3A_214 : i32
      %add3A_240 = arith.constant 1 : i32
      %add3A_241 = arith.addi %mul3A_239, %add3A_240 : i32
      %mul3A_242 = arith.constant 488 : i32
      %mul3A_243 = arith.muli %add3A_241, %mul3A_242 : i32
      %add3A_244 = arith.addi %mul3A_27, %mul3A_243 : i32
      %min3A_245 = arith.constant 99512 : i32
      %min3A_246 = arith.minsi %add3A_244, %min3A_245 : i32
      %dma_start3A_247 = arith.constant 0 : i32
      %dma_start3A_248 = tpu.memref_slice %arg2[%min3A_246, %dma_start3A_247] : memref<100000x128xf32, #tpu.memory_space<hbm>> -> memref<488x128xf32, #tpu.memory_space<hbm>>
      %dma_start3A_249 = arith.constant 0 : i32
      %dma_start3A_250 = tpu.memref_slice %arg2[%min3A_246, %dma_start3A_249] : memref<100000x128xf32, #tpu.memory_space<hbm>> -> memref<488x128xf32, #tpu.memory_space<hbm>>
      tpu.enqueue_dma source(%dma_start3A_250 : memref<488x128xf32, #tpu.memory_space<hbm>>) target(%arg7 : memref<488x128xf32, #tpu.memory_space<vmem>>) target_semaphore(%arg10 : memref<!tpu.dma_semaphore, #tpu.memory_space<semaphore_mem>>)
      %mul3A_251 = arith.constant 2 : i32
      %mul3A_252 = arith.muli %mul3A_251, %while3A_214 : i32
      %mul3A_253 = arith.constant 488 : i32
      %mul3A_254 = arith.muli %mul3A_252, %mul3A_253 : i32
      %add3A_255 = arith.addi %mul3A_27, %mul3A_254 : i32
      %min3A_256 = arith.constant 99512 : i32
      %min3A_257 = arith.minsi %add3A_255, %min3A_256 : i32
      %mul3A_258 = arith.constant 488 : i32
      %mul3A_259 = arith.muli %mul3A_252, %mul3A_258 : i32
      %add3A_260 = arith.addi %mul3A_27, %mul3A_259 : i32
      %max3A_261 = arith.maxsi %squeeze3A, %add3A_260 : i32
      %min3A_262 = arith.minsi %max3A_261, %squeeze3A_9 : i32
      %add3A_263 = arith.constant 1 : i32
      %add3A_264 = arith.addi %mul3A_252, %add3A_263 : i32
      %mul3A_265 = arith.constant 488 : i32
      %mul3A_266 = arith.muli %add3A_264, %mul3A_265 : i32
      %add3A_267 = arith.addi %mul3A_27, %mul3A_266 : i32
      %min3A_268 = arith.minsi %squeeze3A_9, %add3A_267 : i32
      %max3A_269 = arith.maxsi %min3A_268, %min3A_262 : i32
      %sub3A_270 = arith.constant 1 : i32
      %sub3A_271 = arith.subi %max3A_269, %sub3A_270 : i32
      %slice3A_272 = vector.extract_strided_slice %get3A_4 {offsets = [0], sizes = [1], strides = [1]} : vector<16xi32> to vector<1xi32>
      %squeeze3A_273 = vector.extract %slice3A_272[0] : i32 from vector<1xi32>
      %le3A = arith.cmpi sle, %squeeze3A_273, %sub3A_271 : i32
      %convert_element_type3A_274 = arith.extui %le3A : i1 to i32
      %add3A_275 = arith.constant 0 : i32
      %add3A_276 = arith.addi %add3A_275, %convert_element_type3A_274 : i32
      %slice3A_277 = vector.extract_strided_slice %get3A_4 {offsets = [1], sizes = [1], strides = [1]} : vector<16xi32> to vector<1xi32>
      %squeeze3A_278 = vector.extract %slice3A_277[0] : i32 from vector<1xi32>
      %le3A_279 = arith.cmpi sle, %squeeze3A_278, %sub3A_271 : i32
      %convert_element_type3A_280 = arith.extui %le3A_279 : i1 to i32
      %add3A_281 = arith.addi %add3A_276, %convert_element_type3A_280 : i32
      %slice3A_282 = vector.extract_strided_slice %get3A_4 {offsets = [2], sizes = [1], strides = [1]} : vector<16xi32> to vector<1xi32>
      %squeeze3A_283 = vector.extract %slice3A_282[0] : i32 from vector<1xi32>
      %le3A_284 = arith.cmpi sle, %squeeze3A_283, %sub3A_271 : i32
      %convert_element_type3A_285 = arith.extui %le3A_284 : i1 to i32
      %add3A_286 = arith.addi %add3A_281, %convert_element_type3A_285 : i32
      %slice3A_287 = vector.extract_strided_slice %get3A_4 {offsets = [3], sizes = [1], strides = [1]} : vector<16xi32> to vector<1xi32>
      %squeeze3A_288 = vector.extract %slice3A_287[0] : i32 from vector<1xi32>
      %le3A_289 = arith.cmpi sle, %squeeze3A_288, %sub3A_271 : i32
      %convert_element_type3A_290 = arith.extui %le3A_289 : i1 to i32
      %add3A_291 = arith.addi %add3A_286, %convert_element_type3A_290 : i32
      %slice3A_292 = vector.extract_strided_slice %get3A_4 {offsets = [4], sizes = [1], strides = [1]} : vector<16xi32> to vector<1xi32>
      %squeeze3A_293 = vector.extract %slice3A_292[0] : i32 from vector<1xi32>
      %le3A_294 = arith.cmpi sle, %squeeze3A_293, %sub3A_271 : i32
      %convert_element_type3A_295 = arith.extui %le3A_294 : i1 to i32
      %add3A_296 = arith.addi %add3A_291, %convert_element_type3A_295 : i32
      %slice3A_297 = vector.extract_strided_slice %get3A_4 {offsets = [5], sizes = [1], strides = [1]} : vector<16xi32> to vector<1xi32>
      %squeeze3A_298 = vector.extract %slice3A_297[0] : i32 from vector<1xi32>
      %le3A_299 = arith.cmpi sle, %squeeze3A_298, %sub3A_271 : i32
      %convert_element_type3A_300 = arith.extui %le3A_299 : i1 to i32
      %add3A_301 = arith.addi %add3A_296, %convert_element_type3A_300 : i32
      %slice3A_302 = vector.extract_strided_slice %get3A_4 {offsets = [6], sizes = [1], strides = [1]} : vector<16xi32> to vector<1xi32>
      %squeeze3A_303 = vector.extract %slice3A_302[0] : i32 from vector<1xi32>
      %le3A_304 = arith.cmpi sle, %squeeze3A_303, %sub3A_271 : i32
      %convert_element_type3A_305 = arith.extui %le3A_304 : i1 to i32
      %add3A_306 = arith.addi %add3A_301, %convert_element_type3A_305 : i32
      %slice3A_307 = vector.extract_strided_slice %get3A_4 {offsets = [7], sizes = [1], strides = [1]} : vector<16xi32> to vector<1xi32>
      %squeeze3A_308 = vector.extract %slice3A_307[0] : i32 from vector<1xi32>
      %le3A_309 = arith.cmpi sle, %squeeze3A_308, %sub3A_271 : i32
      %convert_element_type3A_310 = arith.extui %le3A_309 : i1 to i32
      %add3A_311 = arith.addi %add3A_306, %convert_element_type3A_310 : i32
      %slice3A_312 = vector.extract_strided_slice %get3A_4 {offsets = [8], sizes = [1], strides = [1]} : vector<16xi32> to vector<1xi32>
      %squeeze3A_313 = vector.extract %slice3A_312[0] : i32 from vector<1xi32>
      %le3A_314 = arith.cmpi sle, %squeeze3A_313, %sub3A_271 : i32
      %convert_element_type3A_315 = arith.extui %le3A_314 : i1 to i32
      %add3A_316 = arith.addi %add3A_311, %convert_element_type3A_315 : i32
      %slice3A_317 = vector.extract_strided_slice %get3A_4 {offsets = [9], sizes = [1], strides = [1]} : vector<16xi32> to vector<1xi32>
      %squeeze3A_318 = vector.extract %slice3A_317[0] : i32 from vector<1xi32>
      %le3A_319 = arith.cmpi sle, %squeeze3A_318, %sub3A_271 : i32
      %convert_element_type3A_320 = arith.extui %le3A_319 : i1 to i32
      %add3A_321 = arith.addi %add3A_316, %convert_element_type3A_320 : i32
      %slice3A_322 = vector.extract_strided_slice %get3A_4 {offsets = [10], sizes = [1], strides = [1]} : vector<16xi32> to vector<1xi32>
      %squeeze3A_323 = vector.extract %slice3A_322[0] : i32 from vector<1xi32>
      %le3A_324 = arith.cmpi sle, %squeeze3A_323, %sub3A_271 : i32
      %convert_element_type3A_325 = arith.extui %le3A_324 : i1 to i32
      %add3A_326 = arith.addi %add3A_321, %convert_element_type3A_325 : i32
      %slice3A_327 = vector.extract_strided_slice %get3A_4 {offsets = [11], sizes = [1], strides = [1]} : vector<16xi32> to vector<1xi32>
      %squeeze3A_328 = vector.extract %slice3A_327[0] : i32 from vector<1xi32>
      %le3A_329 = arith.cmpi sle, %squeeze3A_328, %sub3A_271 : i32
      %convert_element_type3A_330 = arith.extui %le3A_329 : i1 to i32
      %add3A_331 = arith.addi %add3A_326, %convert_element_type3A_330 : i32
      %slice3A_332 = vector.extract_strided_slice %get3A_4 {offsets = [12], sizes = [1], strides = [1]} : vector<16xi32> to vector<1xi32>
      %squeeze3A_333 = vector.extract %slice3A_332[0] : i32 from vector<1xi32>
      %le3A_334 = arith.cmpi sle, %squeeze3A_333, %sub3A_271 : i32
      %convert_element_type3A_335 = arith.extui %le3A_334 : i1 to i32
      %add3A_336 = arith.addi %add3A_331, %convert_element_type3A_335 : i32
      %slice3A_337 = vector.extract_strided_slice %get3A_4 {offsets = [13], sizes = [1], strides = [1]} : vector<16xi32> to vector<1xi32>
      %squeeze3A_338 = vector.extract %slice3A_337[0] : i32 from vector<1xi32>
      %le3A_339 = arith.cmpi sle, %squeeze3A_338, %sub3A_271 : i32
      %convert_element_type3A_340 = arith.extui %le3A_339 : i1 to i32
      %add3A_341 = arith.addi %add3A_336, %convert_element_type3A_340 : i32
      %slice3A_342 = vector.extract_strided_slice %get3A_4 {offsets = [14], sizes = [1], strides = [1]} : vector<16xi32> to vector<1xi32>
      %squeeze3A_343 = vector.extract %slice3A_342[0] : i32 from vector<1xi32>
      %le3A_344 = arith.cmpi sle, %squeeze3A_343, %sub3A_271 : i32
      %convert_element_type3A_345 = arith.extui %le3A_344 : i1 to i32
      %add3A_346 = arith.addi %add3A_341, %convert_element_type3A_345 : i32
      %slice3A_347 = vector.extract_strided_slice %get3A_4 {offsets = [15], sizes = [1], strides = [1]} : vector<16xi32> to vector<1xi32>
      %squeeze3A_348 = vector.extract %slice3A_347[0] : i32 from vector<1xi32>
      %le3A_349 = arith.cmpi sle, %squeeze3A_348, %sub3A_271 : i32
      %convert_element_type3A_350 = arith.extui %le3A_349 : i1 to i32
      %add3A_351 = arith.addi %add3A_346, %convert_element_type3A_350 : i32
      %while3A_352 = arith.subi %add3A_351, %while3A_215 : i32
      %while3A_353 = arith.addi %while3A_215, %while3A_352 : i32
      %while3A_354 = arith.constant 1 : i32
      %while3A_355 = arith.divsi %while3A_352, %while3A_354 : i32
      %while3A_356 = arith.muli %while3A_355, %while3A_354 : i32
      %while3A_357 = arith.addi %while3A_215, %while3A_356 : i32
      %while3A_358 = arith.constant 1 : i32
      %while3A_359:16 = scf.for %while3A_533 = %while3A_215 to %while3A_357 step %while3A_358 iter_args(%while3A_534 = %while3A_216, %while3A_535 = %while3A_217, %while3A_536 = %while3A_218, %while3A_537 = %while3A_219, %while3A_538 = %while3A_220, %while3A_539 = %while3A_221, %while3A_540 = %while3A_222, %while3A_541 = %while3A_223, %while3A_542 = %while3A_224, %while3A_543 = %while3A_225, %while3A_544 = %while3A_226, %while3A_545 = %while3A_227, %while3A_546 = %while3A_228, %while3A_547 = %while3A_229, %while3A_548 = %while3A_230, %while3A_549 = %while3A_231) -> (vector<16xf32>, vector<16xf32>, vector<16xf32>, vector<16xf32>, vector<16xf32>, vector<16xf32>, vector<16xf32>, vector<16xf32>, vector<16xf32>, vector<16xf32>, vector<16xf32>, vector<16xf32>, vector<16xf32>, vector<16xf32>, vector<16xf32>, vector<16xf32>)  : i32 {
        %get3A_550 = arith.index_cast %while3A_533 : i32 to index
        %get3A_551 = tpu.vector_load %arg5[%get3A_550] {strides = array<i32>} : memref<32xi32, #tpu.memory_space<vmem>>, vector<16xi32>,
        %get3A_552 = vector.shape_cast %get3A_551 : vector<16xi32> to vector<16xi32>
        %slice3A_553 = vector.extract_strided_slice %get3A_552 {offsets = [0], sizes = [1], strides = [1]} : vector<16xi32> to vector<1xi32>
        %squeeze3A_554 = vector.extract %slice3A_553[0] : i32 from vector<1xi32>
        %max3A_555 = arith.maxsi %squeeze3A_554, %min3A_262 : i32
        %slice3A_556 = vector.extract_strided_slice %get3A_552 {offsets = [1], sizes = [1], strides = [1]} : vector<16xi32> to vector<1xi32>
        %squeeze3A_557 = vector.extract %slice3A_556[0] : i32 from vector<1xi32>
        %min3A_558 = arith.minsi %squeeze3A_557, %max3A_269 : i32
        %while3A_559 = arith.subi %min3A_558, %max3A_555 : i32
        %while3A_560 = arith.addi %max3A_555, %while3A_559 : i32
        %while3A_561 = arith.constant 1 : i32
        %while3A_562 = arith.divsi %while3A_559, %while3A_561 : i32
        %while3A_563 = arith.muli %while3A_562, %while3A_561 : i32
        %while3A_564 = arith.addi %max3A_555, %while3A_563 : i32
        %while3A_565 = arith.constant 1 : i32
        %while3A_566:16 = scf.for %while3A_669 = %max3A_555 to %while3A_564 step %while3A_565 iter_args(%while3A_670 = %while3A_534, %while3A_671 = %while3A_535, %while3A_672 = %while3A_536, %while3A_673 = %while3A_537, %while3A_674 = %while3A_538, %while3A_675 = %while3A_539, %while3A_676 = %while3A_540, %while3A_677 = %while3A_541, %while3A_678 = %while3A_542, %while3A_679 = %while3A_543, %while3A_680 = %while3A_544, %while3A_681 = %while3A_545, %while3A_682 = %while3A_546, %while3A_683 = %while3A_547, %while3A_684 = %while3A_548, %while3A_685 = %while3A_549) -> (vector<16xf32>, vector<16xf32>, vector<16xf32>, vector<16xf32>, vector<16xf32>, vector<16xf32>, vector<16xf32>, vector<16xf32>, vector<16xf32>, vector<16xf32>, vector<16xf32>, vector<16xf32>, vector<16xf32>, vector<16xf32>, vector<16xf32>, vector<16xf32>)  : i32 {
          %sub3A_686 = arith.subi %while3A_669, %min3A_257 : i32
          %get3A_687 = arith.index_cast %sub3A_686 : i32 to index
          %get3A_688 = arith.constant 0 : index
          %get3A_689 = tpu.vector_load %arg6[%get3A_687, %get3A_688] {strides = array<i32>} : memref<488x128xf32, #tpu.memory_space<vmem>>, vector<1x16xf32>,
          %get3A_690 = vector.shape_cast %get3A_689 : vector<1x16xf32> to vector<16xf32>
          %get3A_691 = arith.index_cast %sub3A_686 : i32 to index
          %get3A_692 = arith.constant 16 : index
          %get3A_693 = tpu.vector_load %arg6[%get3A_691, %get3A_692] {strides = array<i32>} : memref<488x128xf32, #tpu.memory_space<vmem>>, vector<1x16xf32>,
          %get3A_694 = vector.shape_cast %get3A_693 : vector<1x16xf32> to vector<16xf32>
          %get3A_695 = arith.index_cast %sub3A_686 : i32 to index
          %get3A_696 = arith.constant 32 : index
          %get3A_697 = tpu.vector_load %arg6[%get3A_695, %get3A_696] {strides = array<i32>} : memref<488x128xf32, #tpu.memory_space<vmem>>, vector<1x16xf32>,
          %get3A_698 = vector.shape_cast %get3A_697 : vector<1x16xf32> to vector<16xf32>
          %get3A_699 = arith.index_cast %sub3A_686 : i32 to index
          %get3A_700 = arith.constant 48 : index
          %get3A_701 = tpu.vector_load %arg6[%get3A_699, %get3A_700] {strides = array<i32>} : memref<488x128xf32, #tpu.memory_space<vmem>>, vector<1x16xf32>,
          %get3A_702 = vector.shape_cast %get3A_701 : vector<1x16xf32> to vector<16xf32>
          %get3A_703 = arith.index_cast %sub3A_686 : i32 to index
          %get3A_704 = arith.constant 64 : index
          %get3A_705 = tpu.vector_load %arg6[%get3A_703, %get3A_704] {strides = array<i32>} : memref<488x128xf32, #tpu.memory_space<vmem>>, vector<1x16xf32>,
          %get3A_706 = vector.shape_cast %get3A_705 : vector<1x16xf32> to vector<16xf32>
          %get3A_707 = arith.index_cast %sub3A_686 : i32 to index
          %get3A_708 = arith.constant 80 : index
          %get3A_709 = tpu.vector_load %arg6[%get3A_707, %get3A_708] {strides = array<i32>} : memref<488x128xf32, #tpu.memory_space<vmem>>, vector<1x16xf32>,
          %get3A_710 = vector.shape_cast %get3A_709 : vector<1x16xf32> to vector<16xf32>
          %get3A_711 = arith.index_cast %sub3A_686 : i32 to index
          %get3A_712 = arith.constant 96 : index
          %get3A_713 = tpu.vector_load %arg6[%get3A_711, %get3A_712] {strides = array<i32>} : memref<488x128xf32, #tpu.memory_space<vmem>>, vector<1x16xf32>,
          %get3A_714 = vector.shape_cast %get3A_713 : vector<1x16xf32> to vector<16xf32>
          %get3A_715 = arith.index_cast %sub3A_686 : i32 to index
          %get3A_716 = arith.constant 112 : index
          %get3A_717 = tpu.vector_load %arg6[%get3A_715, %get3A_716] {strides = array<i32>} : memref<488x128xf32, #tpu.memory_space<vmem>>, vector<1x16xf32>,
          %get3A_718 = vector.shape_cast %get3A_717 : vector<1x16xf32> to vector<16xf32>
          %add3A_719 = arith.addf %while3A_670, %get3A_690 : vector<16xf32>
          %add3A_720 = arith.addf %while3A_671, %get3A_694 : vector<16xf32>
          %add3A_721 = arith.addf %while3A_672, %get3A_698 : vector<16xf32>
          %add3A_722 = arith.addf %while3A_673, %get3A_702 : vector<16xf32>
          %add3A_723 = arith.addf %while3A_674, %get3A_706 : vector<16xf32>
          %add3A_724 = arith.addf %while3A_675, %get3A_710 : vector<16xf32>
          %add3A_725 = arith.addf %while3A_676, %get3A_714 : vector<16xf32>
          %add3A_726 = arith.addf %while3A_677, %get3A_718 : vector<16xf32>
          %max3A_727 = arith.maximumf %while3A_678, %get3A_690 : vector<16xf32>
          %max3A_728 = arith.maximumf %while3A_679, %get3A_694 : vector<16xf32>
          %max3A_729 = arith.maximumf %while3A_680, %get3A_698 : vector<16xf32>
          %max3A_730 = arith.maximumf %while3A_681, %get3A_702 : vector<16xf32>
          %max3A_731 = arith.maximumf %while3A_682, %get3A_706 : vector<16xf32>
          %max3A_732 = arith.maximumf %while3A_683, %get3A_710 : vector<16xf32>
          %max3A_733 = arith.maximumf %while3A_684, %get3A_714 : vector<16xf32>
          %max3A_734 = arith.maximumf %while3A_685, %get3A_718 : vector<16xf32>
          scf.yield %add3A_719, %add3A_720, %add3A_721, %add3A_722, %add3A_723, %add3A_724, %add3A_725, %add3A_726, %max3A_727, %max3A_728, %max3A_729, %max3A_730, %max3A_731, %max3A_732, %max3A_733, %max3A_734 : vector<16xf32>, vector<16xf32>, vector<16xf32>, vector<16xf32>, vector<16xf32>, vector<16xf32>, vector<16xf32>, vector<16xf32>, vector<16xf32>, vector<16xf32>, vector<16xf32>, vector<16xf32>, vector<16xf32>, vector<16xf32>, vector<16xf32>, vector<16xf32>
        }
        %while3A_567 = arith.constant 1 : i32
        %while3A_568:16 = scf.for %while3A_669 = %while3A_564 to %while3A_560 step %while3A_567 iter_args(%while3A_670 = %while3A_566#0, %while3A_671 = %while3A_566#1, %while3A_672 = %while3A_566#2, %while3A_673 = %while3A_566#3, %while3A_674 = %while3A_566#4, %while3A_675 = %while3A_566#5, %while3A_676 = %while3A_566#6, %while3A_677 = %while3A_566#7, %while3A_678 = %while3A_566#8, %while3A_679 = %while3A_566#9, %while3A_680 = %while3A_566#10, %while3A_681 = %while3A_566#11, %while3A_682 = %while3A_566#12, %while3A_683 = %while3A_566#13, %while3A_684 = %while3A_566#14, %while3A_685 = %while3A_566#15) -> (vector<16xf32>, vector<16xf32>, vector<16xf32>, vector<16xf32>, vector<16xf32>, vector<16xf32>, vector<16xf32>, vector<16xf32>, vector<16xf32>, vector<16xf32>, vector<16xf32>, vector<16xf32>, vector<16xf32>, vector<16xf32>, vector<16xf32>, vector<16xf32>)  : i32 {
          %sub3A_686 = arith.subi %while3A_669, %min3A_257 : i32
          %get3A_687 = arith.index_cast %sub3A_686 : i32 to index
          %get3A_688 = arith.constant 0 : index
          %get3A_689 = tpu.vector_load %arg6[%get3A_687, %get3A_688] {strides = array<i32>} : memref<488x128xf32, #tpu.memory_space<vmem>>, vector<1x16xf32>,
          %get3A_690 = vector.shape_cast %get3A_689 : vector<1x16xf32> to vector<16xf32>
          %get3A_691 = arith.index_cast %sub3A_686 : i32 to index
          %get3A_692 = arith.constant 16 : index
          %get3A_693 = tpu.vector_load %arg6[%get3A_691, %get3A_692] {strides = array<i32>} : memref<488x128xf32, #tpu.memory_space<vmem>>, vector<1x16xf32>,
          %get3A_694 = vector.shape_cast %get3A_693 : vector<1x16xf32> to vector<16xf32>
          %get3A_695 = arith.index_cast %sub3A_686 : i32 to index
          %get3A_696 = arith.constant 32 : index
          %get3A_697 = tpu.vector_load %arg6[%get3A_695, %get3A_696] {strides = array<i32>} : memref<488x128xf32, #tpu.memory_space<vmem>>, vector<1x16xf32>,
          %get3A_698 = vector.shape_cast %get3A_697 : vector<1x16xf32> to vector<16xf32>
          %get3A_699 = arith.index_cast %sub3A_686 : i32 to index
          %get3A_700 = arith.constant 48 : index
          %get3A_701 = tpu.vector_load %arg6[%get3A_699, %get3A_700] {strides = array<i32>} : memref<488x128xf32, #tpu.memory_space<vmem>>, vector<1x16xf32>,
          %get3A_702 = vector.shape_cast %get3A_701 : vector<1x16xf32> to vector<16xf32>
          %get3A_703 = arith.index_cast %sub3A_686 : i32 to index
          %get3A_704 = arith.constant 64 : index
          %get3A_705 = tpu.vector_load %arg6[%get3A_703, %get3A_704] {strides = array<i32>} : memref<488x128xf32, #tpu.memory_space<vmem>>, vector<1x16xf32>,
          %get3A_706 = vector.shape_cast %get3A_705 : vector<1x16xf32> to vector<16xf32>
          %get3A_707 = arith.index_cast %sub3A_686 : i32 to index
          %get3A_708 = arith.constant 80 : index
          %get3A_709 = tpu.vector_load %arg6[%get3A_707, %get3A_708] {strides = array<i32>} : memref<488x128xf32, #tpu.memory_space<vmem>>, vector<1x16xf32>,
          %get3A_710 = vector.shape_cast %get3A_709 : vector<1x16xf32> to vector<16xf32>
          %get3A_711 = arith.index_cast %sub3A_686 : i32 to index
          %get3A_712 = arith.constant 96 : index
          %get3A_713 = tpu.vector_load %arg6[%get3A_711, %get3A_712] {strides = array<i32>} : memref<488x128xf32, #tpu.memory_space<vmem>>, vector<1x16xf32>,
          %get3A_714 = vector.shape_cast %get3A_713 : vector<1x16xf32> to vector<16xf32>
          %get3A_715 = arith.index_cast %sub3A_686 : i32 to index
          %get3A_716 = arith.constant 112 : index
          %get3A_717 = tpu.vector_load %arg6[%get3A_715, %get3A_716] {strides = array<i32>} : memref<488x128xf32, #tpu.memory_space<vmem>>, vector<1x16xf32>,
          %get3A_718 = vector.shape_cast %get3A_717 : vector<1x16xf32> to vector<16xf32>
          %add3A_719 = arith.addf %while3A_670, %get3A_690 : vector<16xf32>
          %add3A_720 = arith.addf %while3A_671, %get3A_694 : vector<16xf32>
          %add3A_721 = arith.addf %while3A_672, %get3A_698 : vector<16xf32>
          %add3A_722 = arith.addf %while3A_673, %get3A_702 : vector<16xf32>
          %add3A_723 = arith.addf %while3A_674, %get3A_706 : vector<16xf32>
          %add3A_724 = arith.addf %while3A_675, %get3A_710 : vector<16xf32>
          %add3A_725 = arith.addf %while3A_676, %get3A_714 : vector<16xf32>
          %add3A_726 = arith.addf %while3A_677, %get3A_718 : vector<16xf32>
          %max3A_727 = arith.maximumf %while3A_678, %get3A_690 : vector<16xf32>
          %max3A_728 = arith.maximumf %while3A_679, %get3A_694 : vector<16xf32>
          %max3A_729 = arith.maximumf %while3A_680, %get3A_698 : vector<16xf32>
          %max3A_730 = arith.maximumf %while3A_681, %get3A_702 : vector<16xf32>
          %max3A_731 = arith.maximumf %while3A_682, %get3A_706 : vector<16xf32>
          %max3A_732 = arith.maximumf %while3A_683, %get3A_710 : vector<16xf32>
          %max3A_733 = arith.maximumf %while3A_684, %get3A_714 : vector<16xf32>
          %max3A_734 = arith.maximumf %while3A_685, %get3A_718 : vector<16xf32>
          scf.yield %add3A_719, %add3A_720, %add3A_721, %add3A_722, %add3A_723, %add3A_724, %add3A_725, %add3A_726, %max3A_727, %max3A_728, %max3A_729, %max3A_730, %max3A_731, %max3A_732, %max3A_733, %max3A_734 : vector<16xf32>, vector<16xf32>, vector<16xf32>, vector<16xf32>, vector<16xf32>, vector<16xf32>, vector<16xf32>, vector<16xf32>, vector<16xf32>, vector<16xf32>, vector<16xf32>, vector<16xf32>, vector<16xf32>, vector<16xf32>, vector<16xf32>, vector<16xf32>
        }
        %slice3A_569 = vector.extract_strided_slice %get3A_552 {offsets = [1], sizes = [1], strides = [1]} : vector<16xi32> to vector<1xi32>
        %squeeze3A_570 = vector.extract %slice3A_569[0] : i32 from vector<1xi32>
        %slice3A_571 = vector.extract_strided_slice %get3A_552 {offsets = [0], sizes = [1], strides = [1]} : vector<16xi32> to vector<1xi32>
        %squeeze3A_572 = vector.extract %slice3A_571[0] : i32 from vector<1xi32>
        %sub3A_573 = arith.subi %squeeze3A_570, %squeeze3A_572 : i32
        %convert_element_type3A_574 = arith.sitofp %sub3A_573 : i32 to f32
        %max3A_575 = arith.constant 1.000000e+00 : f32
        %max3A_576 = arith.maximumf %convert_element_type3A_574, %max3A_575 : f32
        %broadcast_in_dim3A_577 = vector.broadcast %max3A_576 : f32 to vector<16xf32>
        %div3A_578 = arith.constant 1.000000e+00 : f32
        %div3A_579 = vector.broadcast %div3A_578 : f32 to vector<16xf32>
        %div3A_580 = arith.divf %div3A_579, %broadcast_in_dim3A_577 : vector<16xf32>
        %mul3A_581 = arith.mulf %while3A_568#0, %div3A_580 : vector<16xf32>
        %swap3A_582 = arith.index_cast %while3A_533 : i32 to index
        %swap3A_583 = arith.constant 0 : index
        %swap3A_584 = tpu.vector_load %arg8[%swap3A_582, %swap3A_583] {strides = array<i32>} : memref<16x256xf32, #tpu.memory_space<vmem>>, vector<1x16xf32>,
        %swap3A_585 = vector.shape_cast %swap3A_584 : vector<1x16xf32> to vector<16xf32>
        %swap3A_586 = vector.shape_cast %mul3A_581 : vector<16xf32> to vector<1x16xf32>
        tpu.vector_store %arg8[%swap3A_582, %swap3A_583], %swap3A_586 {strides = array<i32>} : memref<16x256xf32, #tpu.memory_space<vmem>>, vector<1x16xf32>,
        %mul3A_587 = arith.mulf %while3A_568#1, %div3A_580 : vector<16xf32>
        %swap3A_588 = arith.index_cast %while3A_533 : i32 to index
        %swap3A_589 = arith.constant 16 : index
        %swap3A_590 = tpu.vector_load %arg8[%swap3A_588, %swap3A_589] {strides = array<i32>} : memref<16x256xf32, #tpu.memory_space<vmem>>, vector<1x16xf32>,
        %swap3A_591 = vector.shape_cast %swap3A_590 : vector<1x16xf32> to vector<16xf32>
        %swap3A_592 = vector.shape_cast %mul3A_587 : vector<16xf32> to vector<1x16xf32>
        tpu.vector_store %arg8[%swap3A_588, %swap3A_589], %swap3A_592 {strides = array<i32>} : memref<16x256xf32, #tpu.memory_space<vmem>>, vector<1x16xf32>,
        %mul3A_593 = arith.mulf %while3A_568#2, %div3A_580 : vector<16xf32>
        %swap3A_594 = arith.index_cast %while3A_533 : i32 to index
        %swap3A_595 = arith.constant 32 : index
        %swap3A_596 = tpu.vector_load %arg8[%swap3A_594, %swap3A_595] {strides = array<i32>} : memref<16x256xf32, #tpu.memory_space<vmem>>, vector<1x16xf32>,
        %swap3A_597 = vector.shape_cast %swap3A_596 : vector<1x16xf32> to vector<16xf32>
        %swap3A_598 = vector.shape_cast %mul3A_593 : vector<16xf32> to vector<1x16xf32>
        tpu.vector_store %arg8[%swap3A_594, %swap3A_595], %swap3A_598 {strides = array<i32>} : memref<16x256xf32, #tpu.memory_space<vmem>>, vector<1x16xf32>,
        %mul3A_599 = arith.mulf %while3A_568#3, %div3A_580 : vector<16xf32>
        %swap3A_600 = arith.index_cast %while3A_533 : i32 to index
        %swap3A_601 = arith.constant 48 : index
        %swap3A_602 = tpu.vector_load %arg8[%swap3A_600, %swap3A_601] {strides = array<i32>} : memref<16x256xf32, #tpu.memory_space<vmem>>, vector<1x16xf32>,
        %swap3A_603 = vector.shape_cast %swap3A_602 : vector<1x16xf32> to vector<16xf32>
        %swap3A_604 = vector.shape_cast %mul3A_599 : vector<16xf32> to vector<1x16xf32>
        tpu.vector_store %arg8[%swap3A_600, %swap3A_601], %swap3A_604 {strides = array<i32>} : memref<16x256xf32, #tpu.memory_space<vmem>>, vector<1x16xf32>,
        %mul3A_605 = arith.mulf %while3A_568#4, %div3A_580 : vector<16xf32>
        %swap3A_606 = arith.index_cast %while3A_533 : i32 to index
        %swap3A_607 = arith.constant 64 : index
        %swap3A_608 = tpu.vector_load %arg8[%swap3A_606, %swap3A_607] {strides = array<i32>} : memref<16x256xf32, #tpu.memory_space<vmem>>, vector<1x16xf32>,
        %swap3A_609 = vector.shape_cast %swap3A_608 : vector<1x16xf32> to vector<16xf32>
        %swap3A_610 = vector.shape_cast %mul3A_605 : vector<16xf32> to vector<1x16xf32>
        tpu.vector_store %arg8[%swap3A_606, %swap3A_607], %swap3A_610 {strides = array<i32>} : memref<16x256xf32, #tpu.memory_space<vmem>>, vector<1x16xf32>,
        %mul3A_611 = arith.mulf %while3A_568#5, %div3A_580 : vector<16xf32>
        %swap3A_612 = arith.index_cast %while3A_533 : i32 to index
        %swap3A_613 = arith.constant 80 : index
        %swap3A_614 = tpu.vector_load %arg8[%swap3A_612, %swap3A_613] {strides = array<i32>} : memref<16x256xf32, #tpu.memory_space<vmem>>, vector<1x16xf32>,
        %swap3A_615 = vector.shape_cast %swap3A_614 : vector<1x16xf32> to vector<16xf32>
        %swap3A_616 = vector.shape_cast %mul3A_611 : vector<16xf32> to vector<1x16xf32>
        tpu.vector_store %arg8[%swap3A_612, %swap3A_613], %swap3A_616 {strides = array<i32>} : memref<16x256xf32, #tpu.memory_space<vmem>>, vector<1x16xf32>,
        %mul3A_617 = arith.mulf %while3A_568#6, %div3A_580 : vector<16xf32>
        %swap3A_618 = arith.index_cast %while3A_533 : i32 to index
        %swap3A_619 = arith.constant 96 : index
        %swap3A_620 = tpu.vector_load %arg8[%swap3A_618, %swap3A_619] {strides = array<i32>} : memref<16x256xf32, #tpu.memory_space<vmem>>, vector<1x16xf32>,
        %swap3A_621 = vector.shape_cast %swap3A_620 : vector<1x16xf32> to vector<16xf32>
        %swap3A_622 = vector.shape_cast %mul3A_617 : vector<16xf32> to vector<1x16xf32>
        tpu.vector_store %arg8[%swap3A_618, %swap3A_619], %swap3A_622 {strides = array<i32>} : memref<16x256xf32, #tpu.memory_space<vmem>>, vector<1x16xf32>,
        %mul3A_623 = arith.mulf %while3A_568#7, %div3A_580 : vector<16xf32>
        %swap3A_624 = arith.index_cast %while3A_533 : i32 to index
        %swap3A_625 = arith.constant 112 : index
        %swap3A_626 = tpu.vector_load %arg8[%swap3A_624, %swap3A_625] {strides = array<i32>} : memref<16x256xf32, #tpu.memory_space<vmem>>, vector<1x16xf32>,
        %swap3A_627 = vector.shape_cast %swap3A_626 : vector<1x16xf32> to vector<16xf32>
        %swap3A_628 = vector.shape_cast %mul3A_623 : vector<16xf32> to vector<1x16xf32>
        tpu.vector_store %arg8[%swap3A_624, %swap3A_625], %swap3A_628 {strides = array<i32>} : memref<16x256xf32, #tpu.memory_space<vmem>>, vector<1x16xf32>,
        %swap3A_629 = arith.index_cast %while3A_533 : i32 to index
        %swap3A_630 = arith.constant 128 : index
        %swap3A_631 = tpu.vector_load %arg8[%swap3A_629, %swap3A_630] {strides = array<i32>} : memref<16x256xf32, #tpu.memory_space<vmem>>, vector<1x16xf32>,
        %swap3A_632 = vector.shape_cast %swap3A_631 : vector<1x16xf32> to vector<16xf32>
        %swap3A_633 = vector.shape_cast %while3A_568#8 : vector<16xf32> to vector<1x16xf32>
        tpu.vector_store %arg8[%swap3A_629, %swap3A_630], %swap3A_633 {strides = array<i32>} : memref<16x256xf32, #tpu.memory_space<vmem>>, vector<1x16xf32>,
        %swap3A_634 = arith.index_cast %while3A_533 : i32 to index
        %swap3A_635 = arith.constant 144 : index
        %swap3A_636 = tpu.vector_load %arg8[%swap3A_634, %swap3A_635] {strides = array<i32>} : memref<16x256xf32, #tpu.memory_space<vmem>>, vector<1x16xf32>,
        %swap3A_637 = vector.shape_cast %swap3A_636 : vector<1x16xf32> to vector<16xf32>
        %swap3A_638 = vector.shape_cast %while3A_568#9 : vector<16xf32> to vector<1x16xf32>
        tpu.vector_store %arg8[%swap3A_634, %swap3A_635], %swap3A_638 {strides = array<i32>} : memref<16x256xf32, #tpu.memory_space<vmem>>, vector<1x16xf32>,
        %swap3A_639 = arith.index_cast %while3A_533 : i32 to index
        %swap3A_640 = arith.constant 160 : index
        %swap3A_641 = tpu.vector_load %arg8[%swap3A_639, %swap3A_640] {strides = array<i32>} : memref<16x256xf32, #tpu.memory_space<vmem>>, vector<1x16xf32>,
        %swap3A_642 = vector.shape_cast %swap3A_641 : vector<1x16xf32> to vector<16xf32>
        %swap3A_643 = vector.shape_cast %while3A_568#10 : vector<16xf32> to vector<1x16xf32>
        tpu.vector_store %arg8[%swap3A_639, %swap3A_640], %swap3A_643 {strides = array<i32>} : memref<16x256xf32, #tpu.memory_space<vmem>>, vector<1x16xf32>,
        %swap3A_644 = arith.index_cast %while3A_533 : i32 to index
        %swap3A_645 = arith.constant 176 : index
        %swap3A_646 = tpu.vector_load %arg8[%swap3A_644, %swap3A_645] {strides = array<i32>} : memref<16x256xf32, #tpu.memory_space<vmem>>, vector<1x16xf32>,
        %swap3A_647 = vector.shape_cast %swap3A_646 : vector<1x16xf32> to vector<16xf32>
        %swap3A_648 = vector.shape_cast %while3A_568#11 : vector<16xf32> to vector<1x16xf32>
        tpu.vector_store %arg8[%swap3A_644, %swap3A_645], %swap3A_648 {strides = array<i32>} : memref<16x256xf32, #tpu.memory_space<vmem>>, vector<1x16xf32>,
        %swap3A_649 = arith.index_cast %while3A_533 : i32 to index
        %swap3A_650 = arith.constant 192 : index
        %swap3A_651 = tpu.vector_load %arg8[%swap3A_649, %swap3A_650] {strides = array<i32>} : memref<16x256xf32, #tpu.memory_space<vmem>>, vector<1x16xf32>,
        %swap3A_652 = vector.shape_cast %swap3A_651 : vector<1x16xf32> to vector<16xf32>
        %swap3A_653 = vector.shape_cast %while3A_568#12 : vector<16xf32> to vector<1x16xf32>
        tpu.vector_store %arg8[%swap3A_649, %swap3A_650], %swap3A_653 {strides = array<i32>} : memref<16x256xf32, #tpu.memory_space<vmem>>, vector<1x16xf32>,
        %swap3A_654 = arith.index_cast %while3A_533 : i32 to index
        %swap3A_655 = arith.constant 208 : index
        %swap3A_656 = tpu.vector_load %arg8[%swap3A_654, %swap3A_655] {strides = array<i32>} : memref<16x256xf32, #tpu.memory_space<vmem>>, vector<1x16xf32>,
        %swap3A_657 = vector.shape_cast %swap3A_656 : vector<1x16xf32> to vector<16xf32>
        %swap3A_658 = vector.shape_cast %while3A_568#13 : vector<16xf32> to vector<1x16xf32>
        tpu.vector_store %arg8[%swap3A_654, %swap3A_655], %swap3A_658 {strides = array<i32>} : memref<16x256xf32, #tpu.memory_space<vmem>>, vector<1x16xf32>,
        %swap3A_659 = arith.index_cast %while3A_533 : i32 to index
        %swap3A_660 = arith.constant 224 : index
        %swap3A_661 = tpu.vector_load %arg8[%swap3A_659, %swap3A_660] {strides = array<i32>} : memref<16x256xf32, #tpu.memory_space<vmem>>, vector<1x16xf32>,
        %swap3A_662 = vector.shape_cast %swap3A_661 : vector<1x16xf32> to vector<16xf32>
        %swap3A_663 = vector.shape_cast %while3A_568#14 : vector<16xf32> to vector<1x16xf32>
        tpu.vector_store %arg8[%swap3A_659, %swap3A_660], %swap3A_663 {strides = array<i32>} : memref<16x256xf32, #tpu.memory_space<vmem>>, vector<1x16xf32>,
        %swap3A_664 = arith.index_cast %while3A_533 : i32 to index
        %swap3A_665 = arith.constant 240 : index
        %swap3A_666 = tpu.vector_load %arg8[%swap3A_664, %swap3A_665] {strides = array<i32>} : memref<16x256xf32, #tpu.memory_space<vmem>>, vector<1x16xf32>,
        %swap3A_667 = vector.shape_cast %swap3A_666 : vector<1x16xf32> to vector<16xf32>
        %swap3A_668 = vector.shape_cast %while3A_568#15 : vector<16xf32> to vector<1x16xf32>
        tpu.vector_store %arg8[%swap3A_664, %swap3A_665], %swap3A_668 {strides = array<i32>} : memref<16x256xf32, #tpu.memory_space<vmem>>, vector<1x16xf32>,
        scf.yield %broadcast_in_dim3A_57, %broadcast_in_dim3A_57, %broadcast_in_dim3A_57, %broadcast_in_dim3A_57, %broadcast_in_dim3A_57, %broadcast_in_dim3A_57, %broadcast_in_dim3A_57, %broadcast_in_dim3A_57, %broadcast_in_dim3A_59, %broadcast_in_dim3A_59, %broadcast_in_dim3A_59, %broadcast_in_dim3A_59, %broadcast_in_dim3A_59, %broadcast_in_dim3A_59, %broadcast_in_dim3A_59, %broadcast_in_dim3A_59 : vector<16xf32>, vector<16xf32>, vector<16xf32>, vector<16xf32>, vector<16xf32>, vector<16xf32>, vector<16xf32>, vector<16xf32>, vector<16xf32>, vector<16xf32>, vector<16xf32>, vector<16xf32>, vector<16xf32>, vector<16xf32>, vector<16xf32>, vector<16xf32>
      }
      %while3A_360 = arith.constant 1 : i32
      %while3A_361:16 = scf.for %while3A_533 = %while3A_357 to %while3A_353 step %while3A_360 iter_args(%while3A_534 = %while3A_359#0, %while3A_535 = %while3A_359#1, %while3A_536 = %while3A_359#2, %while3A_537 = %while3A_359#3, %while3A_538 = %while3A_359#4, %while3A_539 = %while3A_359#5, %while3A_540 = %while3A_359#6, %while3A_541 = %while3A_359#7, %while3A_542 = %while3A_359#8, %while3A_543 = %while3A_359#9, %while3A_544 = %while3A_359#10, %while3A_545 = %while3A_359#11, %while3A_546 = %while3A_359#12, %while3A_547 = %while3A_359#13, %while3A_548 = %while3A_359#14, %while3A_549 = %while3A_359#15) -> (vector<16xf32>, vector<16xf32>, vector<16xf32>, vector<16xf32>, vector<16xf32>, vector<16xf32>, vector<16xf32>, vector<16xf32>, vector<16xf32>, vector<16xf32>, vector<16xf32>, vector<16xf32>, vector<16xf32>, vector<16xf32>, vector<16xf32>, vector<16xf32>)  : i32 {
        %get3A_550 = arith.index_cast %while3A_533 : i32 to index
        %get3A_551 = tpu.vector_load %arg5[%get3A_550] {strides = array<i32>} : memref<32xi32, #tpu.memory_space<vmem>>, vector<16xi32>,
        %get3A_552 = vector.shape_cast %get3A_551 : vector<16xi32> to vector<16xi32>
        %slice3A_553 = vector.extract_strided_slice %get3A_552 {offsets = [0], sizes = [1], strides = [1]} : vector<16xi32> to vector<1xi32>
        %squeeze3A_554 = vector.extract %slice3A_553[0] : i32 from vector<1xi32>
        %max3A_555 = arith.maxsi %squeeze3A_554, %min3A_262 : i32
        %slice3A_556 = vector.extract_strided_slice %get3A_552 {offsets = [1], sizes = [1], strides = [1]} : vector<16xi32> to vector<1xi32>
        %squeeze3A_557 = vector.extract %slice3A_556[0] : i32 from vector<1xi32>
        %min3A_558 = arith.minsi %squeeze3A_557, %max3A_269 : i32
        %while3A_559 = arith.subi %min3A_558, %max3A_555 : i32
        %while3A_560 = arith.addi %max3A_555, %while3A_559 : i32
        %while3A_561 = arith.constant 1 : i32
        %while3A_562 = arith.divsi %while3A_559, %while3A_561 : i32
        %while3A_563 = arith.muli %while3A_562, %while3A_561 : i32
        %while3A_564 = arith.addi %max3A_555, %while3A_563 : i32
        %while3A_565 = arith.constant 1 : i32
        %while3A_566:16 = scf.for %while3A_669 = %max3A_555 to %while3A_564 step %while3A_565 iter_args(%while3A_670 = %while3A_534, %while3A_671 = %while3A_535, %while3A_672 = %while3A_536, %while3A_673 = %while3A_537, %while3A_674 = %while3A_538, %while3A_675 = %while3A_539, %while3A_676 = %while3A_540, %while3A_677 = %while3A_541, %while3A_678 = %while3A_542, %while3A_679 = %while3A_543, %while3A_680 = %while3A_544, %while3A_681 = %while3A_545, %while3A_682 = %while3A_546, %while3A_683 = %while3A_547, %while3A_684 = %while3A_548, %while3A_685 = %while3A_549) -> (vector<16xf32>, vector<16xf32>, vector<16xf32>, vector<16xf32>, vector<16xf32>, vector<16xf32>, vector<16xf32>, vector<16xf32>, vector<16xf32>, vector<16xf32>, vector<16xf32>, vector<16xf32>, vector<16xf32>, vector<16xf32>, vector<16xf32>, vector<16xf32>)  : i32 {
          %sub3A_686 = arith.subi %while3A_669, %min3A_257 : i32
          %get3A_687 = arith.index_cast %sub3A_686 : i32 to index
          %get3A_688 = arith.constant 0 : index
          %get3A_689 = tpu.vector_load %arg6[%get3A_687, %get3A_688] {strides = array<i32>} : memref<488x128xf32, #tpu.memory_space<vmem>>, vector<1x16xf32>,
          %get3A_690 = vector.shape_cast %get3A_689 : vector<1x16xf32> to vector<16xf32>
          %get3A_691 = arith.index_cast %sub3A_686 : i32 to index
          %get3A_692 = arith.constant 16 : index
          %get3A_693 = tpu.vector_load %arg6[%get3A_691, %get3A_692] {strides = array<i32>} : memref<488x128xf32, #tpu.memory_space<vmem>>, vector<1x16xf32>,
          %get3A_694 = vector.shape_cast %get3A_693 : vector<1x16xf32> to vector<16xf32>
          %get3A_695 = arith.index_cast %sub3A_686 : i32 to index
          %get3A_696 = arith.constant 32 : index
          %get3A_697 = tpu.vector_load %arg6[%get3A_695, %get3A_696] {strides = array<i32>} : memref<488x128xf32, #tpu.memory_space<vmem>>, vector<1x16xf32>,
          %get3A_698 = vector.shape_cast %get3A_697 : vector<1x16xf32> to vector<16xf32>
          %get3A_699 = arith.index_cast %sub3A_686 : i32 to index
          %get3A_700 = arith.constant 48 : index
          %get3A_701 = tpu.vector_load %arg6[%get3A_699, %get3A_700] {strides = array<i32>} : memref<488x128xf32, #tpu.memory_space<vmem>>, vector<1x16xf32>,
          %get3A_702 = vector.shape_cast %get3A_701 : vector<1x16xf32> to vector<16xf32>
          %get3A_703 = arith.index_cast %sub3A_686 : i32 to index
          %get3A_704 = arith.constant 64 : index
          %get3A_705 = tpu.vector_load %arg6[%get3A_703, %get3A_704] {strides = array<i32>} : memref<488x128xf32, #tpu.memory_space<vmem>>, vector<1x16xf32>,
          %get3A_706 = vector.shape_cast %get3A_705 : vector<1x16xf32> to vector<16xf32>
          %get3A_707 = arith.index_cast %sub3A_686 : i32 to index
          %get3A_708 = arith.constant 80 : index
          %get3A_709 = tpu.vector_load %arg6[%get3A_707, %get3A_708] {strides = array<i32>} : memref<488x128xf32, #tpu.memory_space<vmem>>, vector<1x16xf32>,
          %get3A_710 = vector.shape_cast %get3A_709 : vector<1x16xf32> to vector<16xf32>
          %get3A_711 = arith.index_cast %sub3A_686 : i32 to index
          %get3A_712 = arith.constant 96 : index
          %get3A_713 = tpu.vector_load %arg6[%get3A_711, %get3A_712] {strides = array<i32>} : memref<488x128xf32, #tpu.memory_space<vmem>>, vector<1x16xf32>,
          %get3A_714 = vector.shape_cast %get3A_713 : vector<1x16xf32> to vector<16xf32>
          %get3A_715 = arith.index_cast %sub3A_686 : i32 to index
          %get3A_716 = arith.constant 112 : index
          %get3A_717 = tpu.vector_load %arg6[%get3A_715, %get3A_716] {strides = array<i32>} : memref<488x128xf32, #tpu.memory_space<vmem>>, vector<1x16xf32>,
          %get3A_718 = vector.shape_cast %get3A_717 : vector<1x16xf32> to vector<16xf32>
          %add3A_719 = arith.addf %while3A_670, %get3A_690 : vector<16xf32>
          %add3A_720 = arith.addf %while3A_671, %get3A_694 : vector<16xf32>
          %add3A_721 = arith.addf %while3A_672, %get3A_698 : vector<16xf32>
          %add3A_722 = arith.addf %while3A_673, %get3A_702 : vector<16xf32>
          %add3A_723 = arith.addf %while3A_674, %get3A_706 : vector<16xf32>
          %add3A_724 = arith.addf %while3A_675, %get3A_710 : vector<16xf32>
          %add3A_725 = arith.addf %while3A_676, %get3A_714 : vector<16xf32>
          %add3A_726 = arith.addf %while3A_677, %get3A_718 : vector<16xf32>
          %max3A_727 = arith.maximumf %while3A_678, %get3A_690 : vector<16xf32>
          %max3A_728 = arith.maximumf %while3A_679, %get3A_694 : vector<16xf32>
          %max3A_729 = arith.maximumf %while3A_680, %get3A_698 : vector<16xf32>
          %max3A_730 = arith.maximumf %while3A_681, %get3A_702 : vector<16xf32>
          %max3A_731 = arith.maximumf %while3A_682, %get3A_706 : vector<16xf32>
          %max3A_732 = arith.maximumf %while3A_683, %get3A_710 : vector<16xf32>
          %max3A_733 = arith.maximumf %while3A_684, %get3A_714 : vector<16xf32>
          %max3A_734 = arith.maximumf %while3A_685, %get3A_718 : vector<16xf32>
          scf.yield %add3A_719, %add3A_720, %add3A_721, %add3A_722, %add3A_723, %add3A_724, %add3A_725, %add3A_726, %max3A_727, %max3A_728, %max3A_729, %max3A_730, %max3A_731, %max3A_732, %max3A_733, %max3A_734 : vector<16xf32>, vector<16xf32>, vector<16xf32>, vector<16xf32>, vector<16xf32>, vector<16xf32>, vector<16xf32>, vector<16xf32>, vector<16xf32>, vector<16xf32>, vector<16xf32>, vector<16xf32>, vector<16xf32>, vector<16xf32>, vector<16xf32>, vector<16xf32>
        }
        %while3A_567 = arith.constant 1 : i32
        %while3A_568:16 = scf.for %while3A_669 = %while3A_564 to %while3A_560 step %while3A_567 iter_args(%while3A_670 = %while3A_566#0, %while3A_671 = %while3A_566#1, %while3A_672 = %while3A_566#2, %while3A_673 = %while3A_566#3, %while3A_674 = %while3A_566#4, %while3A_675 = %while3A_566#5, %while3A_676 = %while3A_566#6, %while3A_677 = %while3A_566#7, %while3A_678 = %while3A_566#8, %while3A_679 = %while3A_566#9, %while3A_680 = %while3A_566#10, %while3A_681 = %while3A_566#11, %while3A_682 = %while3A_566#12, %while3A_683 = %while3A_566#13, %while3A_684 = %while3A_566#14, %while3A_685 = %while3A_566#15) -> (vector<16xf32>, vector<16xf32>, vector<16xf32>, vector<16xf32>, vector<16xf32>, vector<16xf32>, vector<16xf32>, vector<16xf32>, vector<16xf32>, vector<16xf32>, vector<16xf32>, vector<16xf32>, vector<16xf32>, vector<16xf32>, vector<16xf32>, vector<16xf32>)  : i32 {
          %sub3A_686 = arith.subi %while3A_669, %min3A_257 : i32
          %get3A_687 = arith.index_cast %sub3A_686 : i32 to index
          %get3A_688 = arith.constant 0 : index
          %get3A_689 = tpu.vector_load %arg6[%get3A_687, %get3A_688] {strides = array<i32>} : memref<488x128xf32, #tpu.memory_space<vmem>>, vector<1x16xf32>,
          %get3A_690 = vector.shape_cast %get3A_689 : vector<1x16xf32> to vector<16xf32>
          %get3A_691 = arith.index_cast %sub3A_686 : i32 to index
          %get3A_692 = arith.constant 16 : index
          %get3A_693 = tpu.vector_load %arg6[%get3A_691, %get3A_692] {strides = array<i32>} : memref<488x128xf32, #tpu.memory_space<vmem>>, vector<1x16xf32>,
          %get3A_694 = vector.shape_cast %get3A_693 : vector<1x16xf32> to vector<16xf32>
          %get3A_695 = arith.index_cast %sub3A_686 : i32 to index
          %get3A_696 = arith.constant 32 : index
          %get3A_697 = tpu.vector_load %arg6[%get3A_695, %get3A_696] {strides = array<i32>} : memref<488x128xf32, #tpu.memory_space<vmem>>, vector<1x16xf32>,
          %get3A_698 = vector.shape_cast %get3A_697 : vector<1x16xf32> to vector<16xf32>
          %get3A_699 = arith.index_cast %sub3A_686 : i32 to index
          %get3A_700 = arith.constant 48 : index
          %get3A_701 = tpu.vector_load %arg6[%get3A_699, %get3A_700] {strides = array<i32>} : memref<488x128xf32, #tpu.memory_space<vmem>>, vector<1x16xf32>,
          %get3A_702 = vector.shape_cast %get3A_701 : vector<1x16xf32> to vector<16xf32>
          %get3A_703 = arith.index_cast %sub3A_686 : i32 to index
          %get3A_704 = arith.constant 64 : index
          %get3A_705 = tpu.vector_load %arg6[%get3A_703, %get3A_704] {strides = array<i32>} : memref<488x128xf32, #tpu.memory_space<vmem>>, vector<1x16xf32>,
          %get3A_706 = vector.shape_cast %get3A_705 : vector<1x16xf32> to vector<16xf32>
          %get3A_707 = arith.index_cast %sub3A_686 : i32 to index
          %get3A_708 = arith.constant 80 : index
          %get3A_709 = tpu.vector_load %arg6[%get3A_707, %get3A_708] {strides = array<i32>} : memref<488x128xf32, #tpu.memory_space<vmem>>, vector<1x16xf32>,
          %get3A_710 = vector.shape_cast %get3A_709 : vector<1x16xf32> to vector<16xf32>
          %get3A_711 = arith.index_cast %sub3A_686 : i32 to index
          %get3A_712 = arith.constant 96 : index
          %get3A_713 = tpu.vector_load %arg6[%get3A_711, %get3A_712] {strides = array<i32>} : memref<488x128xf32, #tpu.memory_space<vmem>>, vector<1x16xf32>,
          %get3A_714 = vector.shape_cast %get3A_713 : vector<1x16xf32> to vector<16xf32>
          %get3A_715 = arith.index_cast %sub3A_686 : i32 to index
          %get3A_716 = arith.constant 112 : index
          %get3A_717 = tpu.vector_load %arg6[%get3A_715, %get3A_716] {strides = array<i32>} : memref<488x128xf32, #tpu.memory_space<vmem>>, vector<1x16xf32>,
          %get3A_718 = vector.shape_cast %get3A_717 : vector<1x16xf32> to vector<16xf32>
          %add3A_719 = arith.addf %while3A_670, %get3A_690 : vector<16xf32>
          %add3A_720 = arith.addf %while3A_671, %get3A_694 : vector<16xf32>
          %add3A_721 = arith.addf %while3A_672, %get3A_698 : vector<16xf32>
          %add3A_722 = arith.addf %while3A_673, %get3A_702 : vector<16xf32>
          %add3A_723 = arith.addf %while3A_674, %get3A_706 : vector<16xf32>
          %add3A_724 = arith.addf %while3A_675, %get3A_710 : vector<16xf32>
          %add3A_725 = arith.addf %while3A_676, %get3A_714 : vector<16xf32>
          %add3A_726 = arith.addf %while3A_677, %get3A_718 : vector<16xf32>
          %max3A_727 = arith.maximumf %while3A_678, %get3A_690 : vector<16xf32>
          %max3A_728 = arith.maximumf %while3A_679, %get3A_694 : vector<16xf32>
          %max3A_729 = arith.maximumf %while3A_680, %get3A_698 : vector<16xf32>
          %max3A_730 = arith.maximumf %while3A_681, %get3A_702 : vector<16xf32>
          %max3A_731 = arith.maximumf %while3A_682, %get3A_706 : vector<16xf32>
          %max3A_732 = arith.maximumf %while3A_683, %get3A_710 : vector<16xf32>
          %max3A_733 = arith.maximumf %while3A_684, %get3A_714 : vector<16xf32>
          %max3A_734 = arith.maximumf %while3A_685, %get3A_718 : vector<16xf32>
          scf.yield %add3A_719, %add3A_720, %add3A_721, %add3A_722, %add3A_723, %add3A_724, %add3A_725, %add3A_726, %max3A_727, %max3A_728, %max3A_729, %max3A_730, %max3A_731, %max3A_732, %max3A_733, %max3A_734 : vector<16xf32>, vector<16xf32>, vector<16xf32>, vector<16xf32>, vector<16xf32>, vector<16xf32>, vector<16xf32>, vector<16xf32>, vector<16xf32>, vector<16xf32>, vector<16xf32>, vector<16xf32>, vector<16xf32>, vector<16xf32>, vector<16xf32>, vector<16xf32>
        }
        %slice3A_569 = vector.extract_strided_slice %get3A_552 {offsets = [1], sizes = [1], strides = [1]} : vector<16xi32> to vector<1xi32>
        %squeeze3A_570 = vector.extract %slice3A_569[0] : i32 from vector<1xi32>
        %slice3A_571 = vector.extract_strided_slice %get3A_552 {offsets = [0], sizes = [1], strides = [1]} : vector<16xi32> to vector<1xi32>
        %squeeze3A_572 = vector.extract %slice3A_571[0] : i32 from vector<1xi32>
        %sub3A_573 = arith.subi %squeeze3A_570, %squeeze3A_572 : i32
        %convert_element_type3A_574 = arith.sitofp %sub3A_573 : i32 to f32
        %max3A_575 = arith.constant 1.000000e+00 : f32
        %max3A_576 = arith.maximumf %convert_element_type3A_574, %max3A_575 : f32
        %broadcast_in_dim3A_577 = vector.broadcast %max3A_576 : f32 to vector<16xf32>
        %div3A_578 = arith.constant 1.000000e+00 : f32
        %div3A_579 = vector.broadcast %div3A_578 : f32 to vector<16xf32>
        %div3A_580 = arith.divf %div3A_579, %broadcast_in_dim3A_577 : vector<16xf32>
        %mul3A_581 = arith.mulf %while3A_568#0, %div3A_580 : vector<16xf32>
        %swap3A_582 = arith.index_cast %while3A_533 : i32 to index
        %swap3A_583 = arith.constant 0 : index
        %swap3A_584 = tpu.vector_load %arg8[%swap3A_582, %swap3A_583] {strides = array<i32>} : memref<16x256xf32, #tpu.memory_space<vmem>>, vector<1x16xf32>,
        %swap3A_585 = vector.shape_cast %swap3A_584 : vector<1x16xf32> to vector<16xf32>
        %swap3A_586 = vector.shape_cast %mul3A_581 : vector<16xf32> to vector<1x16xf32>
        tpu.vector_store %arg8[%swap3A_582, %swap3A_583], %swap3A_586 {strides = array<i32>} : memref<16x256xf32, #tpu.memory_space<vmem>>, vector<1x16xf32>,
        %mul3A_587 = arith.mulf %while3A_568#1, %div3A_580 : vector<16xf32>
        %swap3A_588 = arith.index_cast %while3A_533 : i32 to index
        %swap3A_589 = arith.constant 16 : index
        %swap3A_590 = tpu.vector_load %arg8[%swap3A_588, %swap3A_589] {strides = array<i32>} : memref<16x256xf32, #tpu.memory_space<vmem>>, vector<1x16xf32>,
        %swap3A_591 = vector.shape_cast %swap3A_590 : vector<1x16xf32> to vector<16xf32>
        %swap3A_592 = vector.shape_cast %mul3A_587 : vector<16xf32> to vector<1x16xf32>
        tpu.vector_store %arg8[%swap3A_588, %swap3A_589], %swap3A_592 {strides = array<i32>} : memref<16x256xf32, #tpu.memory_space<vmem>>, vector<1x16xf32>,
        %mul3A_593 = arith.mulf %while3A_568#2, %div3A_580 : vector<16xf32>
        %swap3A_594 = arith.index_cast %while3A_533 : i32 to index
        %swap3A_595 = arith.constant 32 : index
        %swap3A_596 = tpu.vector_load %arg8[%swap3A_594, %swap3A_595] {strides = array<i32>} : memref<16x256xf32, #tpu.memory_space<vmem>>, vector<1x16xf32>,
        %swap3A_597 = vector.shape_cast %swap3A_596 : vector<1x16xf32> to vector<16xf32>
        %swap3A_598 = vector.shape_cast %mul3A_593 : vector<16xf32> to vector<1x16xf32>
        tpu.vector_store %arg8[%swap3A_594, %swap3A_595], %swap3A_598 {strides = array<i32>} : memref<16x256xf32, #tpu.memory_space<vmem>>, vector<1x16xf32>,
        %mul3A_599 = arith.mulf %while3A_568#3, %div3A_580 : vector<16xf32>
        %swap3A_600 = arith.index_cast %while3A_533 : i32 to index
        %swap3A_601 = arith.constant 48 : index
        %swap3A_602 = tpu.vector_load %arg8[%swap3A_600, %swap3A_601] {strides = array<i32>} : memref<16x256xf32, #tpu.memory_space<vmem>>, vector<1x16xf32>,
        %swap3A_603 = vector.shape_cast %swap3A_602 : vector<1x16xf32> to vector<16xf32>
        %swap3A_604 = vector.shape_cast %mul3A_599 : vector<16xf32> to vector<1x16xf32>
        tpu.vector_store %arg8[%swap3A_600, %swap3A_601], %swap3A_604 {strides = array<i32>} : memref<16x256xf32, #tpu.memory_space<vmem>>, vector<1x16xf32>,
        %mul3A_605 = arith.mulf %while3A_568#4, %div3A_580 : vector<16xf32>
        %swap3A_606 = arith.index_cast %while3A_533 : i32 to index
        %swap3A_607 = arith.constant 64 : index
        %swap3A_608 = tpu.vector_load %arg8[%swap3A_606, %swap3A_607] {strides = array<i32>} : memref<16x256xf32, #tpu.memory_space<vmem>>, vector<1x16xf32>,
        %swap3A_609 = vector.shape_cast %swap3A_608 : vector<1x16xf32> to vector<16xf32>
        %swap3A_610 = vector.shape_cast %mul3A_605 : vector<16xf32> to vector<1x16xf32>
        tpu.vector_store %arg8[%swap3A_606, %swap3A_607], %swap3A_610 {strides = array<i32>} : memref<16x256xf32, #tpu.memory_space<vmem>>, vector<1x16xf32>,
        %mul3A_611 = arith.mulf %while3A_568#5, %div3A_580 : vector<16xf32>
        %swap3A_612 = arith.index_cast %while3A_533 : i32 to index
        %swap3A_613 = arith.constant 80 : index
        %swap3A_614 = tpu.vector_load %arg8[%swap3A_612, %swap3A_613] {strides = array<i32>} : memref<16x256xf32, #tpu.memory_space<vmem>>, vector<1x16xf32>,
        %swap3A_615 = vector.shape_cast %swap3A_614 : vector<1x16xf32> to vector<16xf32>
        %swap3A_616 = vector.shape_cast %mul3A_611 : vector<16xf32> to vector<1x16xf32>
        tpu.vector_store %arg8[%swap3A_612, %swap3A_613], %swap3A_616 {strides = array<i32>} : memref<16x256xf32, #tpu.memory_space<vmem>>, vector<1x16xf32>,
        %mul3A_617 = arith.mulf %while3A_568#6, %div3A_580 : vector<16xf32>
        %swap3A_618 = arith.index_cast %while3A_533 : i32 to index
        %swap3A_619 = arith.constant 96 : index
        %swap3A_620 = tpu.vector_load %arg8[%swap3A_618, %swap3A_619] {strides = array<i32>} : memref<16x256xf32, #tpu.memory_space<vmem>>, vector<1x16xf32>,
        %swap3A_621 = vector.shape_cast %swap3A_620 : vector<1x16xf32> to vector<16xf32>
        %swap3A_622 = vector.shape_cast %mul3A_617 : vector<16xf32> to vector<1x16xf32>
        tpu.vector_store %arg8[%swap3A_618, %swap3A_619], %swap3A_622 {strides = array<i32>} : memref<16x256xf32, #tpu.memory_space<vmem>>, vector<1x16xf32>,
        %mul3A_623 = arith.mulf %while3A_568#7, %div3A_580 : vector<16xf32>
        %swap3A_624 = arith.index_cast %while3A_533 : i32 to index
        %swap3A_625 = arith.constant 112 : index
        %swap3A_626 = tpu.vector_load %arg8[%swap3A_624, %swap3A_625] {strides = array<i32>} : memref<16x256xf32, #tpu.memory_space<vmem>>, vector<1x16xf32>,
        %swap3A_627 = vector.shape_cast %swap3A_626 : vector<1x16xf32> to vector<16xf32>
        %swap3A_628 = vector.shape_cast %mul3A_623 : vector<16xf32> to vector<1x16xf32>
        tpu.vector_store %arg8[%swap3A_624, %swap3A_625], %swap3A_628 {strides = array<i32>} : memref<16x256xf32, #tpu.memory_space<vmem>>, vector<1x16xf32>,
        %swap3A_629 = arith.index_cast %while3A_533 : i32 to index
        %swap3A_630 = arith.constant 128 : index
        %swap3A_631 = tpu.vector_load %arg8[%swap3A_629, %swap3A_630] {strides = array<i32>} : memref<16x256xf32, #tpu.memory_space<vmem>>, vector<1x16xf32>,
        %swap3A_632 = vector.shape_cast %swap3A_631 : vector<1x16xf32> to vector<16xf32>
        %swap3A_633 = vector.shape_cast %while3A_568#8 : vector<16xf32> to vector<1x16xf32>
        tpu.vector_store %arg8[%swap3A_629, %swap3A_630], %swap3A_633 {strides = array<i32>} : memref<16x256xf32, #tpu.memory_space<vmem>>, vector<1x16xf32>,
        %swap3A_634 = arith.index_cast %while3A_533 : i32 to index
        %swap3A_635 = arith.constant 144 : index
        %swap3A_636 = tpu.vector_load %arg8[%swap3A_634, %swap3A_635] {strides = array<i32>} : memref<16x256xf32, #tpu.memory_space<vmem>>, vector<1x16xf32>,
        %swap3A_637 = vector.shape_cast %swap3A_636 : vector<1x16xf32> to vector<16xf32>
        %swap3A_638 = vector.shape_cast %while3A_568#9 : vector<16xf32> to vector<1x16xf32>
        tpu.vector_store %arg8[%swap3A_634, %swap3A_635], %swap3A_638 {strides = array<i32>} : memref<16x256xf32, #tpu.memory_space<vmem>>, vector<1x16xf32>,
        %swap3A_639 = arith.index_cast %while3A_533 : i32 to index
        %swap3A_640 = arith.constant 160 : index
        %swap3A_641 = tpu.vector_load %arg8[%swap3A_639, %swap3A_640] {strides = array<i32>} : memref<16x256xf32, #tpu.memory_space<vmem>>, vector<1x16xf32>,
        %swap3A_642 = vector.shape_cast %swap3A_641 : vector<1x16xf32> to vector<16xf32>
        %swap3A_643 = vector.shape_cast %while3A_568#10 : vector<16xf32> to vector<1x16xf32>
        tpu.vector_store %arg8[%swap3A_639, %swap3A_640], %swap3A_643 {strides = array<i32>} : memref<16x256xf32, #tpu.memory_space<vmem>>, vector<1x16xf32>,
        %swap3A_644 = arith.index_cast %while3A_533 : i32 to index
        %swap3A_645 = arith.constant 176 : index
        %swap3A_646 = tpu.vector_load %arg8[%swap3A_644, %swap3A_645] {strides = array<i32>} : memref<16x256xf32, #tpu.memory_space<vmem>>, vector<1x16xf32>,
        %swap3A_647 = vector.shape_cast %swap3A_646 : vector<1x16xf32> to vector<16xf32>
        %swap3A_648 = vector.shape_cast %while3A_568#11 : vector<16xf32> to vector<1x16xf32>
        tpu.vector_store %arg8[%swap3A_644, %swap3A_645], %swap3A_648 {strides = array<i32>} : memref<16x256xf32, #tpu.memory_space<vmem>>, vector<1x16xf32>,
        %swap3A_649 = arith.index_cast %while3A_533 : i32 to index
        %swap3A_650 = arith.constant 192 : index
        %swap3A_651 = tpu.vector_load %arg8[%swap3A_649, %swap3A_650] {strides = array<i32>} : memref<16x256xf32, #tpu.memory_space<vmem>>, vector<1x16xf32>,
        %swap3A_652 = vector.shape_cast %swap3A_651 : vector<1x16xf32> to vector<16xf32>
        %swap3A_653 = vector.shape_cast %while3A_568#12 : vector<16xf32> to vector<1x16xf32>
        tpu.vector_store %arg8[%swap3A_649, %swap3A_650], %swap3A_653 {strides = array<i32>} : memref<16x256xf32, #tpu.memory_space<vmem>>, vector<1x16xf32>,
        %swap3A_654 = arith.index_cast %while3A_533 : i32 to index
        %swap3A_655 = arith.constant 208 : index
        %swap3A_656 = tpu.vector_load %arg8[%swap3A_654, %swap3A_655] {strides = array<i32>} : memref<16x256xf32, #tpu.memory_space<vmem>>, vector<1x16xf32>,
        %swap3A_657 = vector.shape_cast %swap3A_656 : vector<1x16xf32> to vector<16xf32>
        %swap3A_658 = vector.shape_cast %while3A_568#13 : vector<16xf32> to vector<1x16xf32>
        tpu.vector_store %arg8[%swap3A_654, %swap3A_655], %swap3A_658 {strides = array<i32>} : memref<16x256xf32, #tpu.memory_space<vmem>>, vector<1x16xf32>,
        %swap3A_659 = arith.index_cast %while3A_533 : i32 to index
        %swap3A_660 = arith.constant 224 : index
        %swap3A_661 = tpu.vector_load %arg8[%swap3A_659, %swap3A_660] {strides = array<i32>} : memref<16x256xf32, #tpu.memory_space<vmem>>, vector<1x16xf32>,
        %swap3A_662 = vector.shape_cast %swap3A_661 : vector<1x16xf32> to vector<16xf32>
        %swap3A_663 = vector.shape_cast %while3A_568#14 : vector<16xf32> to vector<1x16xf32>
        tpu.vector_store %arg8[%swap3A_659, %swap3A_660], %swap3A_663 {strides = array<i32>} : memref<16x256xf32, #tpu.memory_space<vmem>>, vector<1x16xf32>,
        %swap3A_664 = arith.index_cast %while3A_533 : i32 to index
        %swap3A_665 = arith.constant 240 : index
        %swap3A_666 = tpu.vector_load %arg8[%swap3A_664, %swap3A_665] {strides = array<i32>} : memref<16x256xf32, #tpu.memory_space<vmem>>, vector<1x16xf32>,
        %swap3A_667 = vector.shape_cast %swap3A_666 : vector<1x16xf32> to vector<16xf32>
        %swap3A_668 = vector.shape_cast %while3A_568#15 : vector<16xf32> to vector<1x16xf32>
        tpu.vector_store %arg8[%swap3A_664, %swap3A_665], %swap3A_668 {strides = array<i32>} : memref<16x256xf32, #tpu.memory_space<vmem>>, vector<1x16xf32>,
        scf.yield %broadcast_in_dim3A_57, %broadcast_in_dim3A_57, %broadcast_in_dim3A_57, %broadcast_in_dim3A_57, %broadcast_in_dim3A_57, %broadcast_in_dim3A_57, %broadcast_in_dim3A_57, %broadcast_in_dim3A_57, %broadcast_in_dim3A_59, %broadcast_in_dim3A_59, %broadcast_in_dim3A_59, %broadcast_in_dim3A_59, %broadcast_in_dim3A_59, %broadcast_in_dim3A_59, %broadcast_in_dim3A_59, %broadcast_in_dim3A_59 : vector<16xf32>, vector<16xf32>, vector<16xf32>, vector<16xf32>, vector<16xf32>, vector<16xf32>, vector<16xf32>, vector<16xf32>, vector<16xf32>, vector<16xf32>, vector<16xf32>, vector<16xf32>, vector<16xf32>, vector<16xf32>, vector<16xf32>, vector<16xf32>
      }
      %get3A_362 = arith.index_cast %add3A_351 : i32 to index
      %get3A_363 = tpu.vector_load %arg5[%get3A_362] {strides = array<i32>} : memref<32xi32, #tpu.memory_space<vmem>>, vector<16xi32>,
      %get3A_364 = vector.shape_cast %get3A_363 : vector<16xi32> to vector<16xi32>
      %slice3A_365 = vector.extract_strided_slice %get3A_364 {offsets = [0], sizes = [1], strides = [1]} : vector<16xi32> to vector<1xi32>
      %squeeze3A_366 = vector.extract %slice3A_365[0] : i32 from vector<1xi32>
      %max3A_367 = arith.maxsi %squeeze3A_366, %min3A_262 : i32
      %slice3A_368 = vector.extract_strided_slice %get3A_364 {offsets = [1], sizes = [1], strides = [1]} : vector<16xi32> to vector<1xi32>
      %squeeze3A_369 = vector.extract %slice3A_368[0] : i32 from vector<1xi32>
      %min3A_370 = arith.minsi %squeeze3A_369, %max3A_269 : i32
      %while3A_371 = arith.subi %min3A_370, %max3A_367 : i32
      %while3A_372 = arith.addi %max3A_367, %while3A_371 : i32
      %while3A_373 = arith.constant 1 : i32
      %while3A_374 = arith.divsi %while3A_371, %while3A_373 : i32
      %while3A_375 = arith.muli %while3A_374, %while3A_373 : i32
      %while3A_376 = arith.addi %max3A_367, %while3A_375 : i32
      %while3A_377 = arith.constant 1 : i32
      %while3A_378:16 = scf.for %while3A_533 = %max3A_367 to %while3A_376 step %while3A_377 iter_args(%while3A_534 = %while3A_361#0, %while3A_535 = %while3A_361#1, %while3A_536 = %while3A_361#2, %while3A_537 = %while3A_361#3, %while3A_538 = %while3A_361#4, %while3A_539 = %while3A_361#5, %while3A_540 = %while3A_361#6, %while3A_541 = %while3A_361#7, %while3A_542 = %while3A_361#8, %while3A_543 = %while3A_361#9, %while3A_544 = %while3A_361#10, %while3A_545 = %while3A_361#11, %while3A_546 = %while3A_361#12, %while3A_547 = %while3A_361#13, %while3A_548 = %while3A_361#14, %while3A_549 = %while3A_361#15) -> (vector<16xf32>, vector<16xf32>, vector<16xf32>, vector<16xf32>, vector<16xf32>, vector<16xf32>, vector<16xf32>, vector<16xf32>, vector<16xf32>, vector<16xf32>, vector<16xf32>, vector<16xf32>, vector<16xf32>, vector<16xf32>, vector<16xf32>, vector<16xf32>)  : i32 {
        %sub3A_550 = arith.subi %while3A_533, %min3A_257 : i32
        %get3A_551 = arith.index_cast %sub3A_550 : i32 to index
        %get3A_552 = arith.constant 0 : index
        %get3A_553 = tpu.vector_load %arg6[%get3A_551, %get3A_552] {strides = array<i32>} : memref<488x128xf32, #tpu.memory_space<vmem>>, vector<1x16xf32>,
        %get3A_554 = vector.shape_cast %get3A_553 : vector<1x16xf32> to vector<16xf32>
        %get3A_555 = arith.index_cast %sub3A_550 : i32 to index
        %get3A_556 = arith.constant 16 : index
        %get3A_557 = tpu.vector_load %arg6[%get3A_555, %get3A_556] {strides = array<i32>} : memref<488x128xf32, #tpu.memory_space<vmem>>, vector<1x16xf32>,
        %get3A_558 = vector.shape_cast %get3A_557 : vector<1x16xf32> to vector<16xf32>
        %get3A_559 = arith.index_cast %sub3A_550 : i32 to index
        %get3A_560 = arith.constant 32 : index
        %get3A_561 = tpu.vector_load %arg6[%get3A_559, %get3A_560] {strides = array<i32>} : memref<488x128xf32, #tpu.memory_space<vmem>>, vector<1x16xf32>,
        %get3A_562 = vector.shape_cast %get3A_561 : vector<1x16xf32> to vector<16xf32>
        %get3A_563 = arith.index_cast %sub3A_550 : i32 to index
        %get3A_564 = arith.constant 48 : index
        %get3A_565 = tpu.vector_load %arg6[%get3A_563, %get3A_564] {strides = array<i32>} : memref<488x128xf32, #tpu.memory_space<vmem>>, vector<1x16xf32>,
        %get3A_566 = vector.shape_cast %get3A_565 : vector<1x16xf32> to vector<16xf32>
        %get3A_567 = arith.index_cast %sub3A_550 : i32 to index
        %get3A_568 = arith.constant 64 : index
        %get3A_569 = tpu.vector_load %arg6[%get3A_567, %get3A_568] {strides = array<i32>} : memref<488x128xf32, #tpu.memory_space<vmem>>, vector<1x16xf32>,
        %get3A_570 = vector.shape_cast %get3A_569 : vector<1x16xf32> to vector<16xf32>
        %get3A_571 = arith.index_cast %sub3A_550 : i32 to index
        %get3A_572 = arith.constant 80 : index
        %get3A_573 = tpu.vector_load %arg6[%get3A_571, %get3A_572] {strides = array<i32>} : memref<488x128xf32, #tpu.memory_space<vmem>>, vector<1x16xf32>,
        %get3A_574 = vector.shape_cast %get3A_573 : vector<1x16xf32> to vector<16xf32>
        %get3A_575 = arith.index_cast %sub3A_550 : i32 to index
        %get3A_576 = arith.constant 96 : index
        %get3A_577 = tpu.vector_load %arg6[%get3A_575, %get3A_576] {strides = array<i32>} : memref<488x128xf32, #tpu.memory_space<vmem>>, vector<1x16xf32>,
        %get3A_578 = vector.shape_cast %get3A_577 : vector<1x16xf32> to vector<16xf32>
        %get3A_579 = arith.index_cast %sub3A_550 : i32 to index
        %get3A_580 = arith.constant 112 : index
        %get3A_581 = tpu.vector_load %arg6[%get3A_579, %get3A_580] {strides = array<i32>} : memref<488x128xf32, #tpu.memory_space<vmem>>, vector<1x16xf32>,
        %get3A_582 = vector.shape_cast %get3A_581 : vector<1x16xf32> to vector<16xf32>
        %add3A_583 = arith.addf %while3A_534, %get3A_554 : vector<16xf32>
        %add3A_584 = arith.addf %while3A_535, %get3A_558 : vector<16xf32>
        %add3A_585 = arith.addf %while3A_536, %get3A_562 : vector<16xf32>
        %add3A_586 = arith.addf %while3A_537, %get3A_566 : vector<16xf32>
        %add3A_587 = arith.addf %while3A_538, %get3A_570 : vector<16xf32>
        %add3A_588 = arith.addf %while3A_539, %get3A_574 : vector<16xf32>
        %add3A_589 = arith.addf %while3A_540, %get3A_578 : vector<16xf32>
        %add3A_590 = arith.addf %while3A_541, %get3A_582 : vector<16xf32>
        %max3A_591 = arith.maximumf %while3A_542, %get3A_554 : vector<16xf32>
        %max3A_592 = arith.maximumf %while3A_543, %get3A_558 : vector<16xf32>
        %max3A_593 = arith.maximumf %while3A_544, %get3A_562 : vector<16xf32>
        %max3A_594 = arith.maximumf %while3A_545, %get3A_566 : vector<16xf32>
        %max3A_595 = arith.maximumf %while3A_546, %get3A_570 : vector<16xf32>
        %max3A_596 = arith.maximumf %while3A_547, %get3A_574 : vector<16xf32>
        %max3A_597 = arith.maximumf %while3A_548, %get3A_578 : vector<16xf32>
        %max3A_598 = arith.maximumf %while3A_549, %get3A_582 : vector<16xf32>
        scf.yield %add3A_583, %add3A_584, %add3A_585, %add3A_586, %add3A_587, %add3A_588, %add3A_589, %add3A_590, %max3A_591, %max3A_592, %max3A_593, %max3A_594, %max3A_595, %max3A_596, %max3A_597, %max3A_598 : vector<16xf32>, vector<16xf32>, vector<16xf32>, vector<16xf32>, vector<16xf32>, vector<16xf32>, vector<16xf32>, vector<16xf32>, vector<16xf32>, vector<16xf32>, vector<16xf32>, vector<16xf32>, vector<16xf32>, vector<16xf32>, vector<16xf32>, vector<16xf32>
      }
      %while3A_379 = arith.constant 1 : i32
      %while3A_380:16 = scf.for %while3A_533 = %while3A_376 to %while3A_372 step %while3A_379 iter_args(%while3A_534 = %while3A_378#0, %while3A_535 = %while3A_378#1, %while3A_536 = %while3A_378#2, %while3A_537 = %while3A_378#3, %while3A_538 = %while3A_378#4, %while3A_539 = %while3A_378#5, %while3A_540 = %while3A_378#6, %while3A_541 = %while3A_378#7, %while3A_542 = %while3A_378#8, %while3A_543 = %while3A_378#9, %while3A_544 = %while3A_378#10, %while3A_545 = %while3A_378#11, %while3A_546 = %while3A_378#12, %while3A_547 = %while3A_378#13, %while3A_548 = %while3A_378#14, %while3A_549 = %while3A_378#15) -> (vector<16xf32>, vector<16xf32>, vector<16xf32>, vector<16xf32>, vector<16xf32>, vector<16xf32>, vector<16xf32>, vector<16xf32>, vector<16xf32>, vector<16xf32>, vector<16xf32>, vector<16xf32>, vector<16xf32>, vector<16xf32>, vector<16xf32>, vector<16xf32>)  : i32 {
        %sub3A_550 = arith.subi %while3A_533, %min3A_257 : i32
        %get3A_551 = arith.index_cast %sub3A_550 : i32 to index
        %get3A_552 = arith.constant 0 : index
        %get3A_553 = tpu.vector_load %arg6[%get3A_551, %get3A_552] {strides = array<i32>} : memref<488x128xf32, #tpu.memory_space<vmem>>, vector<1x16xf32>,
        %get3A_554 = vector.shape_cast %get3A_553 : vector<1x16xf32> to vector<16xf32>
        %get3A_555 = arith.index_cast %sub3A_550 : i32 to index
        %get3A_556 = arith.constant 16 : index
        %get3A_557 = tpu.vector_load %arg6[%get3A_555, %get3A_556] {strides = array<i32>} : memref<488x128xf32, #tpu.memory_space<vmem>>, vector<1x16xf32>,
        %get3A_558 = vector.shape_cast %get3A_557 : vector<1x16xf32> to vector<16xf32>
        %get3A_559 = arith.index_cast %sub3A_550 : i32 to index
        %get3A_560 = arith.constant 32 : index
        %get3A_561 = tpu.vector_load %arg6[%get3A_559, %get3A_560] {strides = array<i32>} : memref<488x128xf32, #tpu.memory_space<vmem>>, vector<1x16xf32>,
        %get3A_562 = vector.shape_cast %get3A_561 : vector<1x16xf32> to vector<16xf32>
        %get3A_563 = arith.index_cast %sub3A_550 : i32 to index
        %get3A_564 = arith.constant 48 : index
        %get3A_565 = tpu.vector_load %arg6[%get3A_563, %get3A_564] {strides = array<i32>} : memref<488x128xf32, #tpu.memory_space<vmem>>, vector<1x16xf32>,
        %get3A_566 = vector.shape_cast %get3A_565 : vector<1x16xf32> to vector<16xf32>
        %get3A_567 = arith.index_cast %sub3A_550 : i32 to index
        %get3A_568 = arith.constant 64 : index
        %get3A_569 = tpu.vector_load %arg6[%get3A_567, %get3A_568] {strides = array<i32>} : memref<488x128xf32, #tpu.memory_space<vmem>>, vector<1x16xf32>,
        %get3A_570 = vector.shape_cast %get3A_569 : vector<1x16xf32> to vector<16xf32>
        %get3A_571 = arith.index_cast %sub3A_550 : i32 to index
        %get3A_572 = arith.constant 80 : index
        %get3A_573 = tpu.vector_load %arg6[%get3A_571, %get3A_572] {strides = array<i32>} : memref<488x128xf32, #tpu.memory_space<vmem>>, vector<1x16xf32>,
        %get3A_574 = vector.shape_cast %get3A_573 : vector<1x16xf32> to vector<16xf32>
        %get3A_575 = arith.index_cast %sub3A_550 : i32 to index
        %get3A_576 = arith.constant 96 : index
        %get3A_577 = tpu.vector_load %arg6[%get3A_575, %get3A_576] {strides = array<i32>} : memref<488x128xf32, #tpu.memory_space<vmem>>, vector<1x16xf32>,
        %get3A_578 = vector.shape_cast %get3A_577 : vector<1x16xf32> to vector<16xf32>
        %get3A_579 = arith.index_cast %sub3A_550 : i32 to index
        %get3A_580 = arith.constant 112 : index
        %get3A_581 = tpu.vector_load %arg6[%get3A_579, %get3A_580] {strides = array<i32>} : memref<488x128xf32, #tpu.memory_space<vmem>>, vector<1x16xf32>,
        %get3A_582 = vector.shape_cast %get3A_581 : vector<1x16xf32> to vector<16xf32>
        %add3A_583 = arith.addf %while3A_534, %get3A_554 : vector<16xf32>
        %add3A_584 = arith.addf %while3A_535, %get3A_558 : vector<16xf32>
        %add3A_585 = arith.addf %while3A_536, %get3A_562 : vector<16xf32>
        %add3A_586 = arith.addf %while3A_537, %get3A_566 : vector<16xf32>
        %add3A_587 = arith.addf %while3A_538, %get3A_570 : vector<16xf32>
        %add3A_588 = arith.addf %while3A_539, %get3A_574 : vector<16xf32>
        %add3A_589 = arith.addf %while3A_540, %get3A_578 : vector<16xf32>
        %add3A_590 = arith.addf %while3A_541, %get3A_582 : vector<16xf32>
        %max3A_591 = arith.maximumf %while3A_542, %get3A_554 : vector<16xf32>
        %max3A_592 = arith.maximumf %while3A_543, %get3A_558 : vector<16xf32>
        %max3A_593 = arith.maximumf %while3A_544, %get3A_562 : vector<16xf32>
        %max3A_594 = arith.maximumf %while3A_545, %get3A_566 : vector<16xf32>
        %max3A_595 = arith.maximumf %while3A_546, %get3A_570 : vector<16xf32>
        %max3A_596 = arith.maximumf %while3A_547, %get3A_574 : vector<16xf32>
        %max3A_597 = arith.maximumf %while3A_548, %get3A_578 : vector<16xf32>
        %max3A_598 = arith.maximumf %while3A_549, %get3A_582 : vector<16xf32>
        scf.yield %add3A_583, %add3A_584, %add3A_585, %add3A_586, %add3A_587, %add3A_588, %add3A_589, %add3A_590, %max3A_591, %max3A_592, %max3A_593, %max3A_594, %max3A_595, %max3A_596, %max3A_597, %max3A_598 : vector<16xf32>, vector<16xf32>, vector<16xf32>, vector<16xf32>, vector<16xf32>, vector<16xf32>, vector<16xf32>, vector<16xf32>, vector<16xf32>, vector<16xf32>, vector<16xf32>, vector<16xf32>, vector<16xf32>, vector<16xf32>, vector<16xf32>, vector<16xf32>
      }
      %dma_wait3A_381 = arith.constant 0 : i32
      %dma_wait3A_382 = arith.constant 0 : i32
      %dma_wait3A_383 = tpu.memref_slice %arg2[%dma_wait3A_381, %dma_wait3A_382] : memref<100000x128xf32, #tpu.memory_space<hbm>> -> memref<488x128xf32, #tpu.memory_space<hbm>>
      %dma_wait3A_384 = arith.constant 0 : i32
      %dma_wait3A_385 = arith.constant 0 : i32
      %dma_wait3A_386 = tpu.memref_slice %arg2[%dma_wait3A_384, %dma_wait3A_385] : memref<100000x128xf32, #tpu.memory_space<hbm>> -> memref<488x128xf32, #tpu.memory_space<hbm>>
      tpu.wait_dma2 semaphore(%arg10 : memref<!tpu.dma_semaphore, #tpu.memory_space<semaphore_mem>>) src(%dma_wait3A_386 : memref<488x128xf32, #tpu.memory_space<hbm>>) dst(%arg7 : memref<488x128xf32, #tpu.memory_space<vmem>>)
      %mul3A_387 = arith.constant 2 : i32
      %mul3A_388 = arith.muli %mul3A_387, %while3A_214 : i32
      %add3A_389 = arith.constant 2 : i32
      %add3A_390 = arith.addi %mul3A_388, %add3A_389 : i32
      %mul3A_391 = arith.constant 488 : i32
      %mul3A_392 = arith.muli %add3A_390, %mul3A_391 : i32
      %add3A_393 = arith.addi %mul3A_27, %mul3A_392 : i32
      %min3A_394 = arith.constant 99512 : i32
      %min3A_395 = arith.minsi %add3A_393, %min3A_394 : i32
      %dma_start3A_396 = arith.constant 0 : i32
      %dma_start3A_397 = tpu.memref_slice %arg2[%min3A_395, %dma_start3A_396] : memref<100000x128xf32, #tpu.memory_space<hbm>> -> memref<488x128xf32, #tpu.memory_space<hbm>>
      %dma_start3A_398 = arith.constant 0 : i32
      %dma_start3A_399 = tpu.memref_slice %arg2[%min3A_395, %dma_start3A_398] : memref<100000x128xf32, #tpu.memory_space<hbm>> -> memref<488x128xf32, #tpu.memory_space<hbm>>
      tpu.enqueue_dma source(%dma_start3A_399 : memref<488x128xf32, #tpu.memory_space<hbm>>) target(%arg6 : memref<488x128xf32, #tpu.memory_space<vmem>>) target_semaphore(%arg9 : memref<!tpu.dma_semaphore, #tpu.memory_space<semaphore_mem>>)
      %mul3A_400 = arith.constant 2 : i32
      %mul3A_401 = arith.muli %mul3A_400, %while3A_214 : i32
      %add3A_402 = arith.constant 1 : i32
      %add3A_403 = arith.addi %mul3A_401, %add3A_402 : i32
      %mul3A_404 = arith.constant 488 : i32
      %mul3A_405 = arith.muli %add3A_403, %mul3A_404 : i32
      %add3A_406 = arith.addi %mul3A_27, %mul3A_405 : i32
      %min3A_407 = arith.constant 99512 : i32
      %min3A_408 = arith.minsi %add3A_406, %min3A_407 : i32
      %mul3A_409 = arith.constant 488 : i32
      %mul3A_410 = arith.muli %add3A_403, %mul3A_409 : i32
      %add3A_411 = arith.addi %mul3A_27, %mul3A_410 : i32
      %max3A_412 = arith.maxsi %squeeze3A, %add3A_411 : i32
      %min3A_413 = arith.minsi %max3A_412, %squeeze3A_9 : i32
      %add3A_414 = arith.constant 1 : i32
      %add3A_415 = arith.addi %add3A_403, %add3A_414 : i32
      %mul3A_416 = arith.constant 488 : i32
      %mul3A_417 = arith.muli %add3A_415, %mul3A_416 : i32
      %add3A_418 = arith.addi %mul3A_27, %mul3A_417 : i32
      %min3A_419 = arith.minsi %squeeze3A_9, %add3A_418 : i32
      %max3A_420 = arith.maxsi %min3A_419, %min3A_413 : i32
      %sub3A_421 = arith.constant 1 : i32
      %sub3A_422 = arith.subi %max3A_420, %sub3A_421 : i32
      %slice3A_423 = vector.extract_strided_slice %get3A_4 {offsets = [0], sizes = [1], strides = [1]} : vector<16xi32> to vector<1xi32>
      %squeeze3A_424 = vector.extract %slice3A_423[0] : i32 from vector<1xi32>
      %le3A_425 = arith.cmpi sle, %squeeze3A_424, %sub3A_422 : i32
      %convert_element_type3A_426 = arith.extui %le3A_425 : i1 to i32
      %add3A_427 = arith.constant 0 : i32
      %add3A_428 = arith.addi %add3A_427, %convert_element_type3A_426 : i32
      %slice3A_429 = vector.extract_strided_slice %get3A_4 {offsets = [1], sizes = [1], strides = [1]} : vector<16xi32> to vector<1xi32>
      %squeeze3A_430 = vector.extract %slice3A_429[0] : i32 from vector<1xi32>
      %le3A_431 = arith.cmpi sle, %squeeze3A_430, %sub3A_422 : i32
      %convert_element_type3A_432 = arith.extui %le3A_431 : i1 to i32
      %add3A_433 = arith.addi %add3A_428, %convert_element_type3A_432 : i32
      %slice3A_434 = vector.extract_strided_slice %get3A_4 {offsets = [2], sizes = [1], strides = [1]} : vector<16xi32> to vector<1xi32>
      %squeeze3A_435 = vector.extract %slice3A_434[0] : i32 from vector<1xi32>
      %le3A_436 = arith.cmpi sle, %squeeze3A_435, %sub3A_422 : i32
      %convert_element_type3A_437 = arith.extui %le3A_436 : i1 to i32
      %add3A_438 = arith.addi %add3A_433, %convert_element_type3A_437 : i32
      %slice3A_439 = vector.extract_strided_slice %get3A_4 {offsets = [3], sizes = [1], strides = [1]} : vector<16xi32> to vector<1xi32>
      %squeeze3A_440 = vector.extract %slice3A_439[0] : i32 from vector<1xi32>
      %le3A_441 = arith.cmpi sle, %squeeze3A_440, %sub3A_422 : i32
      %convert_element_type3A_442 = arith.extui %le3A_441 : i1 to i32
      %add3A_443 = arith.addi %add3A_438, %convert_element_type3A_442 : i32
      %slice3A_444 = vector.extract_strided_slice %get3A_4 {offsets = [4], sizes = [1], strides = [1]} : vector<16xi32> to vector<1xi32>
      %squeeze3A_445 = vector.extract %slice3A_444[0] : i32 from vector<1xi32>
      %le3A_446 = arith.cmpi sle, %squeeze3A_445, %sub3A_422 : i32
      %convert_element_type3A_447 = arith.extui %le3A_446 : i1 to i32
      %add3A_448 = arith.addi %add3A_443, %convert_element_type3A_447 : i32
      %slice3A_449 = vector.extract_strided_slice %get3A_4 {offsets = [5], sizes = [1], strides = [1]} : vector<16xi32> to vector<1xi32>
      %squeeze3A_450 = vector.extract %slice3A_449[0] : i32 from vector<1xi32>
      %le3A_451 = arith.cmpi sle, %squeeze3A_450, %sub3A_422 : i32
      %convert_element_type3A_452 = arith.extui %le3A_451 : i1 to i32
      %add3A_453 = arith.addi %add3A_448, %convert_element_type3A_452 : i32
      %slice3A_454 = vector.extract_strided_slice %get3A_4 {offsets = [6], sizes = [1], strides = [1]} : vector<16xi32> to vector<1xi32>
      %squeeze3A_455 = vector.extract %slice3A_454[0] : i32 from vector<1xi32>
      %le3A_456 = arith.cmpi sle, %squeeze3A_455, %sub3A_422 : i32
      %convert_element_type3A_457 = arith.extui %le3A_456 : i1 to i32
      %add3A_458 = arith.addi %add3A_453, %convert_element_type3A_457 : i32
      %slice3A_459 = vector.extract_strided_slice %get3A_4 {offsets = [7], sizes = [1], strides = [1]} : vector<16xi32> to vector<1xi32>
      %squeeze3A_460 = vector.extract %slice3A_459[0] : i32 from vector<1xi32>
      %le3A_461 = arith.cmpi sle, %squeeze3A_460, %sub3A_422 : i32
      %convert_element_type3A_462 = arith.extui %le3A_461 : i1 to i32
      %add3A_463 = arith.addi %add3A_458, %convert_element_type3A_462 : i32
      %slice3A_464 = vector.extract_strided_slice %get3A_4 {offsets = [8], sizes = [1], strides = [1]} : vector<16xi32> to vector<1xi32>
      %squeeze3A_465 = vector.extract %slice3A_464[0] : i32 from vector<1xi32>
      %le3A_466 = arith.cmpi sle, %squeeze3A_465, %sub3A_422 : i32
      %convert_element_type3A_467 = arith.extui %le3A_466 : i1 to i32
      %add3A_468 = arith.addi %add3A_463, %convert_element_type3A_467 : i32
      %slice3A_469 = vector.extract_strided_slice %get3A_4 {offsets = [9], sizes = [1], strides = [1]} : vector<16xi32> to vector<1xi32>
      %squeeze3A_470 = vector.extract %slice3A_469[0] : i32 from vector<1xi32>
      %le3A_471 = arith.cmpi sle, %squeeze3A_470, %sub3A_422 : i32
      %convert_element_type3A_472 = arith.extui %le3A_471 : i1 to i32
      %add3A_473 = arith.addi %add3A_468, %convert_element_type3A_472 : i32
      %slice3A_474 = vector.extract_strided_slice %get3A_4 {offsets = [10], sizes = [1], strides = [1]} : vector<16xi32> to vector<1xi32>
      %squeeze3A_475 = vector.extract %slice3A_474[0] : i32 from vector<1xi32>
      %le3A_476 = arith.cmpi sle, %squeeze3A_475, %sub3A_422 : i32
      %convert_element_type3A_477 = arith.extui %le3A_476 : i1 to i32
      %add3A_478 = arith.addi %add3A_473, %convert_element_type3A_477 : i32
      %slice3A_479 = vector.extract_strided_slice %get3A_4 {offsets = [11], sizes = [1], strides = [1]} : vector<16xi32> to vector<1xi32>
      %squeeze3A_480 = vector.extract %slice3A_479[0] : i32 from vector<1xi32>
      %le3A_481 = arith.cmpi sle, %squeeze3A_480, %sub3A_422 : i32
      %convert_element_type3A_482 = arith.extui %le3A_481 : i1 to i32
      %add3A_483 = arith.addi %add3A_478, %convert_element_type3A_482 : i32
      %slice3A_484 = vector.extract_strided_slice %get3A_4 {offsets = [12], sizes = [1], strides = [1]} : vector<16xi32> to vector<1xi32>
      %squeeze3A_485 = vector.extract %slice3A_484[0] : i32 from vector<1xi32>
      %le3A_486 = arith.cmpi sle, %squeeze3A_485, %sub3A_422 : i32
      %convert_element_type3A_487 = arith.extui %le3A_486 : i1 to i32
      %add3A_488 = arith.addi %add3A_483, %convert_element_type3A_487 : i32
      %slice3A_489 = vector.extract_strided_slice %get3A_4 {offsets = [13], sizes = [1], strides = [1]} : vector<16xi32> to vector<1xi32>
      %squeeze3A_490 = vector.extract %slice3A_489[0] : i32 from vector<1xi32>
      %le3A_491 = arith.cmpi sle, %squeeze3A_490, %sub3A_422 : i32
      %convert_element_type3A_492 = arith.extui %le3A_491 : i1 to i32
      %add3A_493 = arith.addi %add3A_488, %convert_element_type3A_492 : i32
      %slice3A_494 = vector.extract_strided_slice %get3A_4 {offsets = [14], sizes = [1], strides = [1]} : vector<16xi32> to vector<1xi32>
      %squeeze3A_495 = vector.extract %slice3A_494[0] : i32 from vector<1xi32>
      %le3A_496 = arith.cmpi sle, %squeeze3A_495, %sub3A_422 : i32
      %convert_element_type3A_497 = arith.extui %le3A_496 : i1 to i32
      %add3A_498 = arith.addi %add3A_493, %convert_element_type3A_497 : i32
      %slice3A_499 = vector.extract_strided_slice %get3A_4 {offsets = [15], sizes = [1], strides = [1]} : vector<16xi32> to vector<1xi32>
      %squeeze3A_500 = vector.extract %slice3A_499[0] : i32 from vector<1xi32>
      %le3A_501 = arith.cmpi sle, %squeeze3A_500, %sub3A_422 : i32
      %convert_element_type3A_502 = arith.extui %le3A_501 : i1 to i32
      %add3A_503 = arith.addi %add3A_498, %convert_element_type3A_502 : i32
      %while3A_504 = arith.subi %add3A_503, %add3A_351 : i32
      %while3A_505 = arith.addi %add3A_351, %while3A_504 : i32
      %while3A_506 = arith.constant 1 : i32
      %while3A_507 = arith.divsi %while3A_504, %while3A_506 : i32
      %while3A_508 = arith.muli %while3A_507, %while3A_506 : i32
      %while3A_509 = arith.addi %add3A_351, %while3A_508 : i32
      %while3A_510 = arith.constant 1 : i32
      %while3A_511:16 = scf.for %while3A_533 = %add3A_351 to %while3A_509 step %while3A_510 iter_args(%while3A_534 = %while3A_380#0, %while3A_535 = %while3A_380#1, %while3A_536 = %while3A_380#2, %while3A_537 = %while3A_380#3, %while3A_538 = %while3A_380#4, %while3A_539 = %while3A_380#5, %while3A_540 = %while3A_380#6, %while3A_541 = %while3A_380#7, %while3A_542 = %while3A_380#8, %while3A_543 = %while3A_380#9, %while3A_544 = %while3A_380#10, %while3A_545 = %while3A_380#11, %while3A_546 = %while3A_380#12, %while3A_547 = %while3A_380#13, %while3A_548 = %while3A_380#14, %while3A_549 = %while3A_380#15) -> (vector<16xf32>, vector<16xf32>, vector<16xf32>, vector<16xf32>, vector<16xf32>, vector<16xf32>, vector<16xf32>, vector<16xf32>, vector<16xf32>, vector<16xf32>, vector<16xf32>, vector<16xf32>, vector<16xf32>, vector<16xf32>, vector<16xf32>, vector<16xf32>)  : i32 {
        %get3A_550 = arith.index_cast %while3A_533 : i32 to index
        %get3A_551 = tpu.vector_load %arg5[%get3A_550] {strides = array<i32>} : memref<32xi32, #tpu.memory_space<vmem>>, vector<16xi32>,
        %get3A_552 = vector.shape_cast %get3A_551 : vector<16xi32> to vector<16xi32>
        %slice3A_553 = vector.extract_strided_slice %get3A_552 {offsets = [0], sizes = [1], strides = [1]} : vector<16xi32> to vector<1xi32>
        %squeeze3A_554 = vector.extract %slice3A_553[0] : i32 from vector<1xi32>
        %max3A_555 = arith.maxsi %squeeze3A_554, %min3A_413 : i32
        %slice3A_556 = vector.extract_strided_slice %get3A_552 {offsets = [1], sizes = [1], strides = [1]} : vector<16xi32> to vector<1xi32>
        %squeeze3A_557 = vector.extract %slice3A_556[0] : i32 from vector<1xi32>
        %min3A_558 = arith.minsi %squeeze3A_557, %max3A_420 : i32
        %while3A_559 = arith.subi %min3A_558, %max3A_555 : i32
        %while3A_560 = arith.addi %max3A_555, %while3A_559 : i32
        %while3A_561 = arith.constant 1 : i32
        %while3A_562 = arith.divsi %while3A_559, %while3A_561 : i32
        %while3A_563 = arith.muli %while3A_562, %while3A_561 : i32
        %while3A_564 = arith.addi %max3A_555, %while3A_563 : i32
        %while3A_565 = arith.constant 1 : i32
        %while3A_566:16 = scf.for %while3A_669 = %max3A_555 to %while3A_564 step %while3A_565 iter_args(%while3A_670 = %while3A_534, %while3A_671 = %while3A_535, %while3A_672 = %while3A_536, %while3A_673 = %while3A_537, %while3A_674 = %while3A_538, %while3A_675 = %while3A_539, %while3A_676 = %while3A_540, %while3A_677 = %while3A_541, %while3A_678 = %while3A_542, %while3A_679 = %while3A_543, %while3A_680 = %while3A_544, %while3A_681 = %while3A_545, %while3A_682 = %while3A_546, %while3A_683 = %while3A_547, %while3A_684 = %while3A_548, %while3A_685 = %while3A_549) -> (vector<16xf32>, vector<16xf32>, vector<16xf32>, vector<16xf32>, vector<16xf32>, vector<16xf32>, vector<16xf32>, vector<16xf32>, vector<16xf32>, vector<16xf32>, vector<16xf32>, vector<16xf32>, vector<16xf32>, vector<16xf32>, vector<16xf32>, vector<16xf32>)  : i32 {
          %sub3A_686 = arith.subi %while3A_669, %min3A_408 : i32
          %get3A_687 = arith.index_cast %sub3A_686 : i32 to index
          %get3A_688 = arith.constant 0 : index
          %get3A_689 = tpu.vector_load %arg7[%get3A_687, %get3A_688] {strides = array<i32>} : memref<488x128xf32, #tpu.memory_space<vmem>>, vector<1x16xf32>,
          %get3A_690 = vector.shape_cast %get3A_689 : vector<1x16xf32> to vector<16xf32>
          %get3A_691 = arith.index_cast %sub3A_686 : i32 to index
          %get3A_692 = arith.constant 16 : index
          %get3A_693 = tpu.vector_load %arg7[%get3A_691, %get3A_692] {strides = array<i32>} : memref<488x128xf32, #tpu.memory_space<vmem>>, vector<1x16xf32>,
          %get3A_694 = vector.shape_cast %get3A_693 : vector<1x16xf32> to vector<16xf32>
          %get3A_695 = arith.index_cast %sub3A_686 : i32 to index
          %get3A_696 = arith.constant 32 : index
          %get3A_697 = tpu.vector_load %arg7[%get3A_695, %get3A_696] {strides = array<i32>} : memref<488x128xf32, #tpu.memory_space<vmem>>, vector<1x16xf32>,
          %get3A_698 = vector.shape_cast %get3A_697 : vector<1x16xf32> to vector<16xf32>
          %get3A_699 = arith.index_cast %sub3A_686 : i32 to index
          %get3A_700 = arith.constant 48 : index
          %get3A_701 = tpu.vector_load %arg7[%get3A_699, %get3A_700] {strides = array<i32>} : memref<488x128xf32, #tpu.memory_space<vmem>>, vector<1x16xf32>,
          %get3A_702 = vector.shape_cast %get3A_701 : vector<1x16xf32> to vector<16xf32>
          %get3A_703 = arith.index_cast %sub3A_686 : i32 to index
          %get3A_704 = arith.constant 64 : index
          %get3A_705 = tpu.vector_load %arg7[%get3A_703, %get3A_704] {strides = array<i32>} : memref<488x128xf32, #tpu.memory_space<vmem>>, vector<1x16xf32>,
          %get3A_706 = vector.shape_cast %get3A_705 : vector<1x16xf32> to vector<16xf32>
          %get3A_707 = arith.index_cast %sub3A_686 : i32 to index
          %get3A_708 = arith.constant 80 : index
          %get3A_709 = tpu.vector_load %arg7[%get3A_707, %get3A_708] {strides = array<i32>} : memref<488x128xf32, #tpu.memory_space<vmem>>, vector<1x16xf32>,
          %get3A_710 = vector.shape_cast %get3A_709 : vector<1x16xf32> to vector<16xf32>
          %get3A_711 = arith.index_cast %sub3A_686 : i32 to index
          %get3A_712 = arith.constant 96 : index
          %get3A_713 = tpu.vector_load %arg7[%get3A_711, %get3A_712] {strides = array<i32>} : memref<488x128xf32, #tpu.memory_space<vmem>>, vector<1x16xf32>,
          %get3A_714 = vector.shape_cast %get3A_713 : vector<1x16xf32> to vector<16xf32>
          %get3A_715 = arith.index_cast %sub3A_686 : i32 to index
          %get3A_716 = arith.constant 112 : index
          %get3A_717 = tpu.vector_load %arg7[%get3A_715, %get3A_716] {strides = array<i32>} : memref<488x128xf32, #tpu.memory_space<vmem>>, vector<1x16xf32>,
          %get3A_718 = vector.shape_cast %get3A_717 : vector<1x16xf32> to vector<16xf32>
          %add3A_719 = arith.addf %while3A_670, %get3A_690 : vector<16xf32>
          %add3A_720 = arith.addf %while3A_671, %get3A_694 : vector<16xf32>
          %add3A_721 = arith.addf %while3A_672, %get3A_698 : vector<16xf32>
          %add3A_722 = arith.addf %while3A_673, %get3A_702 : vector<16xf32>
          %add3A_723 = arith.addf %while3A_674, %get3A_706 : vector<16xf32>
          %add3A_724 = arith.addf %while3A_675, %get3A_710 : vector<16xf32>
          %add3A_725 = arith.addf %while3A_676, %get3A_714 : vector<16xf32>
          %add3A_726 = arith.addf %while3A_677, %get3A_718 : vector<16xf32>
          %max3A_727 = arith.maximumf %while3A_678, %get3A_690 : vector<16xf32>
          %max3A_728 = arith.maximumf %while3A_679, %get3A_694 : vector<16xf32>
          %max3A_729 = arith.maximumf %while3A_680, %get3A_698 : vector<16xf32>
          %max3A_730 = arith.maximumf %while3A_681, %get3A_702 : vector<16xf32>
          %max3A_731 = arith.maximumf %while3A_682, %get3A_706 : vector<16xf32>
          %max3A_732 = arith.maximumf %while3A_683, %get3A_710 : vector<16xf32>
          %max3A_733 = arith.maximumf %while3A_684, %get3A_714 : vector<16xf32>
          %max3A_734 = arith.maximumf %while3A_685, %get3A_718 : vector<16xf32>
          scf.yield %add3A_719, %add3A_720, %add3A_721, %add3A_722, %add3A_723, %add3A_724, %add3A_725, %add3A_726, %max3A_727, %max3A_728, %max3A_729, %max3A_730, %max3A_731, %max3A_732, %max3A_733, %max3A_734 : vector<16xf32>, vector<16xf32>, vector<16xf32>, vector<16xf32>, vector<16xf32>, vector<16xf32>, vector<16xf32>, vector<16xf32>, vector<16xf32>, vector<16xf32>, vector<16xf32>, vector<16xf32>, vector<16xf32>, vector<16xf32>, vector<16xf32>, vector<16xf32>
        }
        %while3A_567 = arith.constant 1 : i32
        %while3A_568:16 = scf.for %while3A_669 = %while3A_564 to %while3A_560 step %while3A_567 iter_args(%while3A_670 = %while3A_566#0, %while3A_671 = %while3A_566#1, %while3A_672 = %while3A_566#2, %while3A_673 = %while3A_566#3, %while3A_674 = %while3A_566#4, %while3A_675 = %while3A_566#5, %while3A_676 = %while3A_566#6, %while3A_677 = %while3A_566#7, %while3A_678 = %while3A_566#8, %while3A_679 = %while3A_566#9, %while3A_680 = %while3A_566#10, %while3A_681 = %while3A_566#11, %while3A_682 = %while3A_566#12, %while3A_683 = %while3A_566#13, %while3A_684 = %while3A_566#14, %while3A_685 = %while3A_566#15) -> (vector<16xf32>, vector<16xf32>, vector<16xf32>, vector<16xf32>, vector<16xf32>, vector<16xf32>, vector<16xf32>, vector<16xf32>, vector<16xf32>, vector<16xf32>, vector<16xf32>, vector<16xf32>, vector<16xf32>, vector<16xf32>, vector<16xf32>, vector<16xf32>)  : i32 {
          %sub3A_686 = arith.subi %while3A_669, %min3A_408 : i32
          %get3A_687 = arith.index_cast %sub3A_686 : i32 to index
          %get3A_688 = arith.constant 0 : index
          %get3A_689 = tpu.vector_load %arg7[%get3A_687, %get3A_688] {strides = array<i32>} : memref<488x128xf32, #tpu.memory_space<vmem>>, vector<1x16xf32>,
          %get3A_690 = vector.shape_cast %get3A_689 : vector<1x16xf32> to vector<16xf32>
          %get3A_691 = arith.index_cast %sub3A_686 : i32 to index
          %get3A_692 = arith.constant 16 : index
          %get3A_693 = tpu.vector_load %arg7[%get3A_691, %get3A_692] {strides = array<i32>} : memref<488x128xf32, #tpu.memory_space<vmem>>, vector<1x16xf32>,
          %get3A_694 = vector.shape_cast %get3A_693 : vector<1x16xf32> to vector<16xf32>
          %get3A_695 = arith.index_cast %sub3A_686 : i32 to index
          %get3A_696 = arith.constant 32 : index
          %get3A_697 = tpu.vector_load %arg7[%get3A_695, %get3A_696] {strides = array<i32>} : memref<488x128xf32, #tpu.memory_space<vmem>>, vector<1x16xf32>,
          %get3A_698 = vector.shape_cast %get3A_697 : vector<1x16xf32> to vector<16xf32>
          %get3A_699 = arith.index_cast %sub3A_686 : i32 to index
          %get3A_700 = arith.constant 48 : index
          %get3A_701 = tpu.vector_load %arg7[%get3A_699, %get3A_700] {strides = array<i32>} : memref<488x128xf32, #tpu.memory_space<vmem>>, vector<1x16xf32>,
          %get3A_702 = vector.shape_cast %get3A_701 : vector<1x16xf32> to vector<16xf32>
          %get3A_703 = arith.index_cast %sub3A_686 : i32 to index
          %get3A_704 = arith.constant 64 : index
          %get3A_705 = tpu.vector_load %arg7[%get3A_703, %get3A_704] {strides = array<i32>} : memref<488x128xf32, #tpu.memory_space<vmem>>, vector<1x16xf32>,
          %get3A_706 = vector.shape_cast %get3A_705 : vector<1x16xf32> to vector<16xf32>
          %get3A_707 = arith.index_cast %sub3A_686 : i32 to index
          %get3A_708 = arith.constant 80 : index
          %get3A_709 = tpu.vector_load %arg7[%get3A_707, %get3A_708] {strides = array<i32>} : memref<488x128xf32, #tpu.memory_space<vmem>>, vector<1x16xf32>,
          %get3A_710 = vector.shape_cast %get3A_709 : vector<1x16xf32> to vector<16xf32>
          %get3A_711 = arith.index_cast %sub3A_686 : i32 to index
          %get3A_712 = arith.constant 96 : index
          %get3A_713 = tpu.vector_load %arg7[%get3A_711, %get3A_712] {strides = array<i32>} : memref<488x128xf32, #tpu.memory_space<vmem>>, vector<1x16xf32>,
          %get3A_714 = vector.shape_cast %get3A_713 : vector<1x16xf32> to vector<16xf32>
          %get3A_715 = arith.index_cast %sub3A_686 : i32 to index
          %get3A_716 = arith.constant 112 : index
          %get3A_717 = tpu.vector_load %arg7[%get3A_715, %get3A_716] {strides = array<i32>} : memref<488x128xf32, #tpu.memory_space<vmem>>, vector<1x16xf32>,
          %get3A_718 = vector.shape_cast %get3A_717 : vector<1x16xf32> to vector<16xf32>
          %add3A_719 = arith.addf %while3A_670, %get3A_690 : vector<16xf32>
          %add3A_720 = arith.addf %while3A_671, %get3A_694 : vector<16xf32>
          %add3A_721 = arith.addf %while3A_672, %get3A_698 : vector<16xf32>
          %add3A_722 = arith.addf %while3A_673, %get3A_702 : vector<16xf32>
          %add3A_723 = arith.addf %while3A_674, %get3A_706 : vector<16xf32>
          %add3A_724 = arith.addf %while3A_675, %get3A_710 : vector<16xf32>
          %add3A_725 = arith.addf %while3A_676, %get3A_714 : vector<16xf32>
          %add3A_726 = arith.addf %while3A_677, %get3A_718 : vector<16xf32>
          %max3A_727 = arith.maximumf %while3A_678, %get3A_690 : vector<16xf32>
          %max3A_728 = arith.maximumf %while3A_679, %get3A_694 : vector<16xf32>
          %max3A_729 = arith.maximumf %while3A_680, %get3A_698 : vector<16xf32>
          %max3A_730 = arith.maximumf %while3A_681, %get3A_702 : vector<16xf32>
          %max3A_731 = arith.maximumf %while3A_682, %get3A_706 : vector<16xf32>
          %max3A_732 = arith.maximumf %while3A_683, %get3A_710 : vector<16xf32>
          %max3A_733 = arith.maximumf %while3A_684, %get3A_714 : vector<16xf32>
          %max3A_734 = arith.maximumf %while3A_685, %get3A_718 : vector<16xf32>
          scf.yield %add3A_719, %add3A_720, %add3A_721, %add3A_722, %add3A_723, %add3A_724, %add3A_725, %add3A_726, %max3A_727, %max3A_728, %max3A_729, %max3A_730, %max3A_731, %max3A_732, %max3A_733, %max3A_734 : vector<16xf32>, vector<16xf32>, vector<16xf32>, vector<16xf32>, vector<16xf32>, vector<16xf32>, vector<16xf32>, vector<16xf32>, vector<16xf32>, vector<16xf32>, vector<16xf32>, vector<16xf32>, vector<16xf32>, vector<16xf32>, vector<16xf32>, vector<16xf32>
        }
        %slice3A_569 = vector.extract_strided_slice %get3A_552 {offsets = [1], sizes = [1], strides = [1]} : vector<16xi32> to vector<1xi32>
        %squeeze3A_570 = vector.extract %slice3A_569[0] : i32 from vector<1xi32>
        %slice3A_571 = vector.extract_strided_slice %get3A_552 {offsets = [0], sizes = [1], strides = [1]} : vector<16xi32> to vector<1xi32>
        %squeeze3A_572 = vector.extract %slice3A_571[0] : i32 from vector<1xi32>
        %sub3A_573 = arith.subi %squeeze3A_570, %squeeze3A_572 : i32
        %convert_element_type3A_574 = arith.sitofp %sub3A_573 : i32 to f32
        %max3A_575 = arith.constant 1.000000e+00 : f32
        %max3A_576 = arith.maximumf %convert_element_type3A_574, %max3A_575 : f32
        %broadcast_in_dim3A_577 = vector.broadcast %max3A_576 : f32 to vector<16xf32>
        %div3A_578 = arith.constant 1.000000e+00 : f32
        %div3A_579 = vector.broadcast %div3A_578 : f32 to vector<16xf32>
        %div3A_580 = arith.divf %div3A_579, %broadcast_in_dim3A_577 : vector<16xf32>
        %mul3A_581 = arith.mulf %while3A_568#0, %div3A_580 : vector<16xf32>
        %swap3A_582 = arith.index_cast %while3A_533 : i32 to index
        %swap3A_583 = arith.constant 0 : index
        %swap3A_584 = tpu.vector_load %arg8[%swap3A_582, %swap3A_583] {strides = array<i32>} : memref<16x256xf32, #tpu.memory_space<vmem>>, vector<1x16xf32>,
        %swap3A_585 = vector.shape_cast %swap3A_584 : vector<1x16xf32> to vector<16xf32>
        %swap3A_586 = vector.shape_cast %mul3A_581 : vector<16xf32> to vector<1x16xf32>
        tpu.vector_store %arg8[%swap3A_582, %swap3A_583], %swap3A_586 {strides = array<i32>} : memref<16x256xf32, #tpu.memory_space<vmem>>, vector<1x16xf32>,
        %mul3A_587 = arith.mulf %while3A_568#1, %div3A_580 : vector<16xf32>
        %swap3A_588 = arith.index_cast %while3A_533 : i32 to index
        %swap3A_589 = arith.constant 16 : index
        %swap3A_590 = tpu.vector_load %arg8[%swap3A_588, %swap3A_589] {strides = array<i32>} : memref<16x256xf32, #tpu.memory_space<vmem>>, vector<1x16xf32>,
        %swap3A_591 = vector.shape_cast %swap3A_590 : vector<1x16xf32> to vector<16xf32>
        %swap3A_592 = vector.shape_cast %mul3A_587 : vector<16xf32> to vector<1x16xf32>
        tpu.vector_store %arg8[%swap3A_588, %swap3A_589], %swap3A_592 {strides = array<i32>} : memref<16x256xf32, #tpu.memory_space<vmem>>, vector<1x16xf32>,
        %mul3A_593 = arith.mulf %while3A_568#2, %div3A_580 : vector<16xf32>
        %swap3A_594 = arith.index_cast %while3A_533 : i32 to index
        %swap3A_595 = arith.constant 32 : index
        %swap3A_596 = tpu.vector_load %arg8[%swap3A_594, %swap3A_595] {strides = array<i32>} : memref<16x256xf32, #tpu.memory_space<vmem>>, vector<1x16xf32>,
        %swap3A_597 = vector.shape_cast %swap3A_596 : vector<1x16xf32> to vector<16xf32>
        %swap3A_598 = vector.shape_cast %mul3A_593 : vector<16xf32> to vector<1x16xf32>
        tpu.vector_store %arg8[%swap3A_594, %swap3A_595], %swap3A_598 {strides = array<i32>} : memref<16x256xf32, #tpu.memory_space<vmem>>, vector<1x16xf32>,
        %mul3A_599 = arith.mulf %while3A_568#3, %div3A_580 : vector<16xf32>
        %swap3A_600 = arith.index_cast %while3A_533 : i32 to index
        %swap3A_601 = arith.constant 48 : index
        %swap3A_602 = tpu.vector_load %arg8[%swap3A_600, %swap3A_601] {strides = array<i32>} : memref<16x256xf32, #tpu.memory_space<vmem>>, vector<1x16xf32>,
        %swap3A_603 = vector.shape_cast %swap3A_602 : vector<1x16xf32> to vector<16xf32>
        %swap3A_604 = vector.shape_cast %mul3A_599 : vector<16xf32> to vector<1x16xf32>
        tpu.vector_store %arg8[%swap3A_600, %swap3A_601], %swap3A_604 {strides = array<i32>} : memref<16x256xf32, #tpu.memory_space<vmem>>, vector<1x16xf32>,
        %mul3A_605 = arith.mulf %while3A_568#4, %div3A_580 : vector<16xf32>
        %swap3A_606 = arith.index_cast %while3A_533 : i32 to index
        %swap3A_607 = arith.constant 64 : index
        %swap3A_608 = tpu.vector_load %arg8[%swap3A_606, %swap3A_607] {strides = array<i32>} : memref<16x256xf32, #tpu.memory_space<vmem>>, vector<1x16xf32>,
        %swap3A_609 = vector.shape_cast %swap3A_608 : vector<1x16xf32> to vector<16xf32>
        %swap3A_610 = vector.shape_cast %mul3A_605 : vector<16xf32> to vector<1x16xf32>
        tpu.vector_store %arg8[%swap3A_606, %swap3A_607], %swap3A_610 {strides = array<i32>} : memref<16x256xf32, #tpu.memory_space<vmem>>, vector<1x16xf32>,
        %mul3A_611 = arith.mulf %while3A_568#5, %div3A_580 : vector<16xf32>
        %swap3A_612 = arith.index_cast %while3A_533 : i32 to index
        %swap3A_613 = arith.constant 80 : index
        %swap3A_614 = tpu.vector_load %arg8[%swap3A_612, %swap3A_613] {strides = array<i32>} : memref<16x256xf32, #tpu.memory_space<vmem>>, vector<1x16xf32>,
        %swap3A_615 = vector.shape_cast %swap3A_614 : vector<1x16xf32> to vector<16xf32>
        %swap3A_616 = vector.shape_cast %mul3A_611 : vector<16xf32> to vector<1x16xf32>
        tpu.vector_store %arg8[%swap3A_612, %swap3A_613], %swap3A_616 {strides = array<i32>} : memref<16x256xf32, #tpu.memory_space<vmem>>, vector<1x16xf32>,
        %mul3A_617 = arith.mulf %while3A_568#6, %div3A_580 : vector<16xf32>
        %swap3A_618 = arith.index_cast %while3A_533 : i32 to index
        %swap3A_619 = arith.constant 96 : index
        %swap3A_620 = tpu.vector_load %arg8[%swap3A_618, %swap3A_619] {strides = array<i32>} : memref<16x256xf32, #tpu.memory_space<vmem>>, vector<1x16xf32>,
        %swap3A_621 = vector.shape_cast %swap3A_620 : vector<1x16xf32> to vector<16xf32>
        %swap3A_622 = vector.shape_cast %mul3A_617 : vector<16xf32> to vector<1x16xf32>
        tpu.vector_store %arg8[%swap3A_618, %swap3A_619], %swap3A_622 {strides = array<i32>} : memref<16x256xf32, #tpu.memory_space<vmem>>, vector<1x16xf32>,
        %mul3A_623 = arith.mulf %while3A_568#7, %div3A_580 : vector<16xf32>
        %swap3A_624 = arith.index_cast %while3A_533 : i32 to index
        %swap3A_625 = arith.constant 112 : index
        %swap3A_626 = tpu.vector_load %arg8[%swap3A_624, %swap3A_625] {strides = array<i32>} : memref<16x256xf32, #tpu.memory_space<vmem>>, vector<1x16xf32>,
        %swap3A_627 = vector.shape_cast %swap3A_626 : vector<1x16xf32> to vector<16xf32>
        %swap3A_628 = vector.shape_cast %mul3A_623 : vector<16xf32> to vector<1x16xf32>
        tpu.vector_store %arg8[%swap3A_624, %swap3A_625], %swap3A_628 {strides = array<i32>} : memref<16x256xf32, #tpu.memory_space<vmem>>, vector<1x16xf32>,
        %swap3A_629 = arith.index_cast %while3A_533 : i32 to index
        %swap3A_630 = arith.constant 128 : index
        %swap3A_631 = tpu.vector_load %arg8[%swap3A_629, %swap3A_630] {strides = array<i32>} : memref<16x256xf32, #tpu.memory_space<vmem>>, vector<1x16xf32>,
        %swap3A_632 = vector.shape_cast %swap3A_631 : vector<1x16xf32> to vector<16xf32>
        %swap3A_633 = vector.shape_cast %while3A_568#8 : vector<16xf32> to vector<1x16xf32>
        tpu.vector_store %arg8[%swap3A_629, %swap3A_630], %swap3A_633 {strides = array<i32>} : memref<16x256xf32, #tpu.memory_space<vmem>>, vector<1x16xf32>,
        %swap3A_634 = arith.index_cast %while3A_533 : i32 to index
        %swap3A_635 = arith.constant 144 : index
        %swap3A_636 = tpu.vector_load %arg8[%swap3A_634, %swap3A_635] {strides = array<i32>} : memref<16x256xf32, #tpu.memory_space<vmem>>, vector<1x16xf32>,
        %swap3A_637 = vector.shape_cast %swap3A_636 : vector<1x16xf32> to vector<16xf32>
        %swap3A_638 = vector.shape_cast %while3A_568#9 : vector<16xf32> to vector<1x16xf32>
        tpu.vector_store %arg8[%swap3A_634, %swap3A_635], %swap3A_638 {strides = array<i32>} : memref<16x256xf32, #tpu.memory_space<vmem>>, vector<1x16xf32>,
        %swap3A_639 = arith.index_cast %while3A_533 : i32 to index
        %swap3A_640 = arith.constant 160 : index
        %swap3A_641 = tpu.vector_load %arg8[%swap3A_639, %swap3A_640] {strides = array<i32>} : memref<16x256xf32, #tpu.memory_space<vmem>>, vector<1x16xf32>,
        %swap3A_642 = vector.shape_cast %swap3A_641 : vector<1x16xf32> to vector<16xf32>
        %swap3A_643 = vector.shape_cast %while3A_568#10 : vector<16xf32> to vector<1x16xf32>
        tpu.vector_store %arg8[%swap3A_639, %swap3A_640], %swap3A_643 {strides = array<i32>} : memref<16x256xf32, #tpu.memory_space<vmem>>, vector<1x16xf32>,
        %swap3A_644 = arith.index_cast %while3A_533 : i32 to index
        %swap3A_645 = arith.constant 176 : index
        %swap3A_646 = tpu.vector_load %arg8[%swap3A_644, %swap3A_645] {strides = array<i32>} : memref<16x256xf32, #tpu.memory_space<vmem>>, vector<1x16xf32>,
        %swap3A_647 = vector.shape_cast %swap3A_646 : vector<1x16xf32> to vector<16xf32>
        %swap3A_648 = vector.shape_cast %while3A_568#11 : vector<16xf32> to vector<1x16xf32>
        tpu.vector_store %arg8[%swap3A_644, %swap3A_645], %swap3A_648 {strides = array<i32>} : memref<16x256xf32, #tpu.memory_space<vmem>>, vector<1x16xf32>,
        %swap3A_649 = arith.index_cast %while3A_533 : i32 to index
        %swap3A_650 = arith.constant 192 : index
        %swap3A_651 = tpu.vector_load %arg8[%swap3A_649, %swap3A_650] {strides = array<i32>} : memref<16x256xf32, #tpu.memory_space<vmem>>, vector<1x16xf32>,
        %swap3A_652 = vector.shape_cast %swap3A_651 : vector<1x16xf32> to vector<16xf32>
        %swap3A_653 = vector.shape_cast %while3A_568#12 : vector<16xf32> to vector<1x16xf32>
        tpu.vector_store %arg8[%swap3A_649, %swap3A_650], %swap3A_653 {strides = array<i32>} : memref<16x256xf32, #tpu.memory_space<vmem>>, vector<1x16xf32>,
        %swap3A_654 = arith.index_cast %while3A_533 : i32 to index
        %swap3A_655 = arith.constant 208 : index
        %swap3A_656 = tpu.vector_load %arg8[%swap3A_654, %swap3A_655] {strides = array<i32>} : memref<16x256xf32, #tpu.memory_space<vmem>>, vector<1x16xf32>,
        %swap3A_657 = vector.shape_cast %swap3A_656 : vector<1x16xf32> to vector<16xf32>
        %swap3A_658 = vector.shape_cast %while3A_568#13 : vector<16xf32> to vector<1x16xf32>
        tpu.vector_store %arg8[%swap3A_654, %swap3A_655], %swap3A_658 {strides = array<i32>} : memref<16x256xf32, #tpu.memory_space<vmem>>, vector<1x16xf32>,
        %swap3A_659 = arith.index_cast %while3A_533 : i32 to index
        %swap3A_660 = arith.constant 224 : index
        %swap3A_661 = tpu.vector_load %arg8[%swap3A_659, %swap3A_660] {strides = array<i32>} : memref<16x256xf32, #tpu.memory_space<vmem>>, vector<1x16xf32>,
        %swap3A_662 = vector.shape_cast %swap3A_661 : vector<1x16xf32> to vector<16xf32>
        %swap3A_663 = vector.shape_cast %while3A_568#14 : vector<16xf32> to vector<1x16xf32>
        tpu.vector_store %arg8[%swap3A_659, %swap3A_660], %swap3A_663 {strides = array<i32>} : memref<16x256xf32, #tpu.memory_space<vmem>>, vector<1x16xf32>,
        %swap3A_664 = arith.index_cast %while3A_533 : i32 to index
        %swap3A_665 = arith.constant 240 : index
        %swap3A_666 = tpu.vector_load %arg8[%swap3A_664, %swap3A_665] {strides = array<i32>} : memref<16x256xf32, #tpu.memory_space<vmem>>, vector<1x16xf32>,
        %swap3A_667 = vector.shape_cast %swap3A_666 : vector<1x16xf32> to vector<16xf32>
        %swap3A_668 = vector.shape_cast %while3A_568#15 : vector<16xf32> to vector<1x16xf32>
        tpu.vector_store %arg8[%swap3A_664, %swap3A_665], %swap3A_668 {strides = array<i32>} : memref<16x256xf32, #tpu.memory_space<vmem>>, vector<1x16xf32>,
        scf.yield %broadcast_in_dim3A_57, %broadcast_in_dim3A_57, %broadcast_in_dim3A_57, %broadcast_in_dim3A_57, %broadcast_in_dim3A_57, %broadcast_in_dim3A_57, %broadcast_in_dim3A_57, %broadcast_in_dim3A_57, %broadcast_in_dim3A_59, %broadcast_in_dim3A_59, %broadcast_in_dim3A_59, %broadcast_in_dim3A_59, %broadcast_in_dim3A_59, %broadcast_in_dim3A_59, %broadcast_in_dim3A_59, %broadcast_in_dim3A_59 : vector<16xf32>, vector<16xf32>, vector<16xf32>, vector<16xf32>, vector<16xf32>, vector<16xf32>, vector<16xf32>, vector<16xf32>, vector<16xf32>, vector<16xf32>, vector<16xf32>, vector<16xf32>, vector<16xf32>, vector<16xf32>, vector<16xf32>, vector<16xf32>
      }
      %while3A_512 = arith.constant 1 : i32
      %while3A_513:16 = scf.for %while3A_533 = %while3A_509 to %while3A_505 step %while3A_512 iter_args(%while3A_534 = %while3A_511#0, %while3A_535 = %while3A_511#1, %while3A_536 = %while3A_511#2, %while3A_537 = %while3A_511#3, %while3A_538 = %while3A_511#4, %while3A_539 = %while3A_511#5, %while3A_540 = %while3A_511#6, %while3A_541 = %while3A_511#7, %while3A_542 = %while3A_511#8, %while3A_543 = %while3A_511#9, %while3A_544 = %while3A_511#10, %while3A_545 = %while3A_511#11, %while3A_546 = %while3A_511#12, %while3A_547 = %while3A_511#13, %while3A_548 = %while3A_511#14, %while3A_549 = %while3A_511#15) -> (vector<16xf32>, vector<16xf32>, vector<16xf32>, vector<16xf32>, vector<16xf32>, vector<16xf32>, vector<16xf32>, vector<16xf32>, vector<16xf32>, vector<16xf32>, vector<16xf32>, vector<16xf32>, vector<16xf32>, vector<16xf32>, vector<16xf32>, vector<16xf32>)  : i32 {
        %get3A_550 = arith.index_cast %while3A_533 : i32 to index
        %get3A_551 = tpu.vector_load %arg5[%get3A_550] {strides = array<i32>} : memref<32xi32, #tpu.memory_space<vmem>>, vector<16xi32>,
        %get3A_552 = vector.shape_cast %get3A_551 : vector<16xi32> to vector<16xi32>
        %slice3A_553 = vector.extract_strided_slice %get3A_552 {offsets = [0], sizes = [1], strides = [1]} : vector<16xi32> to vector<1xi32>
        %squeeze3A_554 = vector.extract %slice3A_553[0] : i32 from vector<1xi32>
        %max3A_555 = arith.maxsi %squeeze3A_554, %min3A_413 : i32
        %slice3A_556 = vector.extract_strided_slice %get3A_552 {offsets = [1], sizes = [1], strides = [1]} : vector<16xi32> to vector<1xi32>
        %squeeze3A_557 = vector.extract %slice3A_556[0] : i32 from vector<1xi32>
        %min3A_558 = arith.minsi %squeeze3A_557, %max3A_420 : i32
        %while3A_559 = arith.subi %min3A_558, %max3A_555 : i32
        %while3A_560 = arith.addi %max3A_555, %while3A_559 : i32
        %while3A_561 = arith.constant 1 : i32
        %while3A_562 = arith.divsi %while3A_559, %while3A_561 : i32
        %while3A_563 = arith.muli %while3A_562, %while3A_561 : i32
        %while3A_564 = arith.addi %max3A_555, %while3A_563 : i32
        %while3A_565 = arith.constant 1 : i32
        %while3A_566:16 = scf.for %while3A_669 = %max3A_555 to %while3A_564 step %while3A_565 iter_args(%while3A_670 = %while3A_534, %while3A_671 = %while3A_535, %while3A_672 = %while3A_536, %while3A_673 = %while3A_537, %while3A_674 = %while3A_538, %while3A_675 = %while3A_539, %while3A_676 = %while3A_540, %while3A_677 = %while3A_541, %while3A_678 = %while3A_542, %while3A_679 = %while3A_543, %while3A_680 = %while3A_544, %while3A_681 = %while3A_545, %while3A_682 = %while3A_546, %while3A_683 = %while3A_547, %while3A_684 = %while3A_548, %while3A_685 = %while3A_549) -> (vector<16xf32>, vector<16xf32>, vector<16xf32>, vector<16xf32>, vector<16xf32>, vector<16xf32>, vector<16xf32>, vector<16xf32>, vector<16xf32>, vector<16xf32>, vector<16xf32>, vector<16xf32>, vector<16xf32>, vector<16xf32>, vector<16xf32>, vector<16xf32>)  : i32 {
          %sub3A_686 = arith.subi %while3A_669, %min3A_408 : i32
          %get3A_687 = arith.index_cast %sub3A_686 : i32 to index
          %get3A_688 = arith.constant 0 : index
          %get3A_689 = tpu.vector_load %arg7[%get3A_687, %get3A_688] {strides = array<i32>} : memref<488x128xf32, #tpu.memory_space<vmem>>, vector<1x16xf32>,
          %get3A_690 = vector.shape_cast %get3A_689 : vector<1x16xf32> to vector<16xf32>
          %get3A_691 = arith.index_cast %sub3A_686 : i32 to index
          %get3A_692 = arith.constant 16 : index
          %get3A_693 = tpu.vector_load %arg7[%get3A_691, %get3A_692] {strides = array<i32>} : memref<488x128xf32, #tpu.memory_space<vmem>>, vector<1x16xf32>,
          %get3A_694 = vector.shape_cast %get3A_693 : vector<1x16xf32> to vector<16xf32>
          %get3A_695 = arith.index_cast %sub3A_686 : i32 to index
          %get3A_696 = arith.constant 32 : index
          %get3A_697 = tpu.vector_load %arg7[%get3A_695, %get3A_696] {strides = array<i32>} : memref<488x128xf32, #tpu.memory_space<vmem>>, vector<1x16xf32>,
          %get3A_698 = vector.shape_cast %get3A_697 : vector<1x16xf32> to vector<16xf32>
          %get3A_699 = arith.index_cast %sub3A_686 : i32 to index
          %get3A_700 = arith.constant 48 : index
          %get3A_701 = tpu.vector_load %arg7[%get3A_699, %get3A_700] {strides = array<i32>} : memref<488x128xf32, #tpu.memory_space<vmem>>, vector<1x16xf32>,
          %get3A_702 = vector.shape_cast %get3A_701 : vector<1x16xf32> to vector<16xf32>
          %get3A_703 = arith.index_cast %sub3A_686 : i32 to index
          %get3A_704 = arith.constant 64 : index
          %get3A_705 = tpu.vector_load %arg7[%get3A_703, %get3A_704] {strides = array<i32>} : memref<488x128xf32, #tpu.memory_space<vmem>>, vector<1x16xf32>,
          %get3A_706 = vector.shape_cast %get3A_705 : vector<1x16xf32> to vector<16xf32>
          %get3A_707 = arith.index_cast %sub3A_686 : i32 to index
          %get3A_708 = arith.constant 80 : index
          %get3A_709 = tpu.vector_load %arg7[%get3A_707, %get3A_708] {strides = array<i32>} : memref<488x128xf32, #tpu.memory_space<vmem>>, vector<1x16xf32>,
          %get3A_710 = vector.shape_cast %get3A_709 : vector<1x16xf32> to vector<16xf32>
          %get3A_711 = arith.index_cast %sub3A_686 : i32 to index
          %get3A_712 = arith.constant 96 : index
          %get3A_713 = tpu.vector_load %arg7[%get3A_711, %get3A_712] {strides = array<i32>} : memref<488x128xf32, #tpu.memory_space<vmem>>, vector<1x16xf32>,
          %get3A_714 = vector.shape_cast %get3A_713 : vector<1x16xf32> to vector<16xf32>
          %get3A_715 = arith.index_cast %sub3A_686 : i32 to index
          %get3A_716 = arith.constant 112 : index
          %get3A_717 = tpu.vector_load %arg7[%get3A_715, %get3A_716] {strides = array<i32>} : memref<488x128xf32, #tpu.memory_space<vmem>>, vector<1x16xf32>,
          %get3A_718 = vector.shape_cast %get3A_717 : vector<1x16xf32> to vector<16xf32>
          %add3A_719 = arith.addf %while3A_670, %get3A_690 : vector<16xf32>
          %add3A_720 = arith.addf %while3A_671, %get3A_694 : vector<16xf32>
          %add3A_721 = arith.addf %while3A_672, %get3A_698 : vector<16xf32>
          %add3A_722 = arith.addf %while3A_673, %get3A_702 : vector<16xf32>
          %add3A_723 = arith.addf %while3A_674, %get3A_706 : vector<16xf32>
          %add3A_724 = arith.addf %while3A_675, %get3A_710 : vector<16xf32>
          %add3A_725 = arith.addf %while3A_676, %get3A_714 : vector<16xf32>
          %add3A_726 = arith.addf %while3A_677, %get3A_718 : vector<16xf32>
          %max3A_727 = arith.maximumf %while3A_678, %get3A_690 : vector<16xf32>
          %max3A_728 = arith.maximumf %while3A_679, %get3A_694 : vector<16xf32>
          %max3A_729 = arith.maximumf %while3A_680, %get3A_698 : vector<16xf32>
          %max3A_730 = arith.maximumf %while3A_681, %get3A_702 : vector<16xf32>
          %max3A_731 = arith.maximumf %while3A_682, %get3A_706 : vector<16xf32>
          %max3A_732 = arith.maximumf %while3A_683, %get3A_710 : vector<16xf32>
          %max3A_733 = arith.maximumf %while3A_684, %get3A_714 : vector<16xf32>
          %max3A_734 = arith.maximumf %while3A_685, %get3A_718 : vector<16xf32>
          scf.yield %add3A_719, %add3A_720, %add3A_721, %add3A_722, %add3A_723, %add3A_724, %add3A_725, %add3A_726, %max3A_727, %max3A_728, %max3A_729, %max3A_730, %max3A_731, %max3A_732, %max3A_733, %max3A_734 : vector<16xf32>, vector<16xf32>, vector<16xf32>, vector<16xf32>, vector<16xf32>, vector<16xf32>, vector<16xf32>, vector<16xf32>, vector<16xf32>, vector<16xf32>, vector<16xf32>, vector<16xf32>, vector<16xf32>, vector<16xf32>, vector<16xf32>, vector<16xf32>
        }
        %while3A_567 = arith.constant 1 : i32
        %while3A_568:16 = scf.for %while3A_669 = %while3A_564 to %while3A_560 step %while3A_567 iter_args(%while3A_670 = %while3A_566#0, %while3A_671 = %while3A_566#1, %while3A_672 = %while3A_566#2, %while3A_673 = %while3A_566#3, %while3A_674 = %while3A_566#4, %while3A_675 = %while3A_566#5, %while3A_676 = %while3A_566#6, %while3A_677 = %while3A_566#7, %while3A_678 = %while3A_566#8, %while3A_679 = %while3A_566#9, %while3A_680 = %while3A_566#10, %while3A_681 = %while3A_566#11, %while3A_682 = %while3A_566#12, %while3A_683 = %while3A_566#13, %while3A_684 = %while3A_566#14, %while3A_685 = %while3A_566#15) -> (vector<16xf32>, vector<16xf32>, vector<16xf32>, vector<16xf32>, vector<16xf32>, vector<16xf32>, vector<16xf32>, vector<16xf32>, vector<16xf32>, vector<16xf32>, vector<16xf32>, vector<16xf32>, vector<16xf32>, vector<16xf32>, vector<16xf32>, vector<16xf32>)  : i32 {
          %sub3A_686 = arith.subi %while3A_669, %min3A_408 : i32
          %get3A_687 = arith.index_cast %sub3A_686 : i32 to index
          %get3A_688 = arith.constant 0 : index
          %get3A_689 = tpu.vector_load %arg7[%get3A_687, %get3A_688] {strides = array<i32>} : memref<488x128xf32, #tpu.memory_space<vmem>>, vector<1x16xf32>,
          %get3A_690 = vector.shape_cast %get3A_689 : vector<1x16xf32> to vector<16xf32>
          %get3A_691 = arith.index_cast %sub3A_686 : i32 to index
          %get3A_692 = arith.constant 16 : index
          %get3A_693 = tpu.vector_load %arg7[%get3A_691, %get3A_692] {strides = array<i32>} : memref<488x128xf32, #tpu.memory_space<vmem>>, vector<1x16xf32>,
          %get3A_694 = vector.shape_cast %get3A_693 : vector<1x16xf32> to vector<16xf32>
          %get3A_695 = arith.index_cast %sub3A_686 : i32 to index
          %get3A_696 = arith.constant 32 : index
          %get3A_697 = tpu.vector_load %arg7[%get3A_695, %get3A_696] {strides = array<i32>} : memref<488x128xf32, #tpu.memory_space<vmem>>, vector<1x16xf32>,
          %get3A_698 = vector.shape_cast %get3A_697 : vector<1x16xf32> to vector<16xf32>
          %get3A_699 = arith.index_cast %sub3A_686 : i32 to index
          %get3A_700 = arith.constant 48 : index
          %get3A_701 = tpu.vector_load %arg7[%get3A_699, %get3A_700] {strides = array<i32>} : memref<488x128xf32, #tpu.memory_space<vmem>>, vector<1x16xf32>,
          %get3A_702 = vector.shape_cast %get3A_701 : vector<1x16xf32> to vector<16xf32>
          %get3A_703 = arith.index_cast %sub3A_686 : i32 to index
          %get3A_704 = arith.constant 64 : index
          %get3A_705 = tpu.vector_load %arg7[%get3A_703, %get3A_704] {strides = array<i32>} : memref<488x128xf32, #tpu.memory_space<vmem>>, vector<1x16xf32>,
          %get3A_706 = vector.shape_cast %get3A_705 : vector<1x16xf32> to vector<16xf32>
          %get3A_707 = arith.index_cast %sub3A_686 : i32 to index
          %get3A_708 = arith.constant 80 : index
          %get3A_709 = tpu.vector_load %arg7[%get3A_707, %get3A_708] {strides = array<i32>} : memref<488x128xf32, #tpu.memory_space<vmem>>, vector<1x16xf32>,
          %get3A_710 = vector.shape_cast %get3A_709 : vector<1x16xf32> to vector<16xf32>
          %get3A_711 = arith.index_cast %sub3A_686 : i32 to index
          %get3A_712 = arith.constant 96 : index
          %get3A_713 = tpu.vector_load %arg7[%get3A_711, %get3A_712] {strides = array<i32>} : memref<488x128xf32, #tpu.memory_space<vmem>>, vector<1x16xf32>,
          %get3A_714 = vector.shape_cast %get3A_713 : vector<1x16xf32> to vector<16xf32>
          %get3A_715 = arith.index_cast %sub3A_686 : i32 to index
          %get3A_716 = arith.constant 112 : index
          %get3A_717 = tpu.vector_load %arg7[%get3A_715, %get3A_716] {strides = array<i32>} : memref<488x128xf32, #tpu.memory_space<vmem>>, vector<1x16xf32>,
          %get3A_718 = vector.shape_cast %get3A_717 : vector<1x16xf32> to vector<16xf32>
          %add3A_719 = arith.addf %while3A_670, %get3A_690 : vector<16xf32>
          %add3A_720 = arith.addf %while3A_671, %get3A_694 : vector<16xf32>
          %add3A_721 = arith.addf %while3A_672, %get3A_698 : vector<16xf32>
          %add3A_722 = arith.addf %while3A_673, %get3A_702 : vector<16xf32>
          %add3A_723 = arith.addf %while3A_674, %get3A_706 : vector<16xf32>
          %add3A_724 = arith.addf %while3A_675, %get3A_710 : vector<16xf32>
          %add3A_725 = arith.addf %while3A_676, %get3A_714 : vector<16xf32>
          %add3A_726 = arith.addf %while3A_677, %get3A_718 : vector<16xf32>
          %max3A_727 = arith.maximumf %while3A_678, %get3A_690 : vector<16xf32>
          %max3A_728 = arith.maximumf %while3A_679, %get3A_694 : vector<16xf32>
          %max3A_729 = arith.maximumf %while3A_680, %get3A_698 : vector<16xf32>
          %max3A_730 = arith.maximumf %while3A_681, %get3A_702 : vector<16xf32>
          %max3A_731 = arith.maximumf %while3A_682, %get3A_706 : vector<16xf32>
          %max3A_732 = arith.maximumf %while3A_683, %get3A_710 : vector<16xf32>
          %max3A_733 = arith.maximumf %while3A_684, %get3A_714 : vector<16xf32>
          %max3A_734 = arith.maximumf %while3A_685, %get3A_718 : vector<16xf32>
          scf.yield %add3A_719, %add3A_720, %add3A_721, %add3A_722, %add3A_723, %add3A_724, %add3A_725, %add3A_726, %max3A_727, %max3A_728, %max3A_729, %max3A_730, %max3A_731, %max3A_732, %max3A_733, %max3A_734 : vector<16xf32>, vector<16xf32>, vector<16xf32>, vector<16xf32>, vector<16xf32>, vector<16xf32>, vector<16xf32>, vector<16xf32>, vector<16xf32>, vector<16xf32>, vector<16xf32>, vector<16xf32>, vector<16xf32>, vector<16xf32>, vector<16xf32>, vector<16xf32>
        }
        %slice3A_569 = vector.extract_strided_slice %get3A_552 {offsets = [1], sizes = [1], strides = [1]} : vector<16xi32> to vector<1xi32>
        %squeeze3A_570 = vector.extract %slice3A_569[0] : i32 from vector<1xi32>
        %slice3A_571 = vector.extract_strided_slice %get3A_552 {offsets = [0], sizes = [1], strides = [1]} : vector<16xi32> to vector<1xi32>
        %squeeze3A_572 = vector.extract %slice3A_571[0] : i32 from vector<1xi32>
        %sub3A_573 = arith.subi %squeeze3A_570, %squeeze3A_572 : i32
        %convert_element_type3A_574 = arith.sitofp %sub3A_573 : i32 to f32
        %max3A_575 = arith.constant 1.000000e+00 : f32
        %max3A_576 = arith.maximumf %convert_element_type3A_574, %max3A_575 : f32
        %broadcast_in_dim3A_577 = vector.broadcast %max3A_576 : f32 to vector<16xf32>
        %div3A_578 = arith.constant 1.000000e+00 : f32
        %div3A_579 = vector.broadcast %div3A_578 : f32 to vector<16xf32>
        %div3A_580 = arith.divf %div3A_579, %broadcast_in_dim3A_577 : vector<16xf32>
        %mul3A_581 = arith.mulf %while3A_568#0, %div3A_580 : vector<16xf32>
        %swap3A_582 = arith.index_cast %while3A_533 : i32 to index
        %swap3A_583 = arith.constant 0 : index
        %swap3A_584 = tpu.vector_load %arg8[%swap3A_582, %swap3A_583] {strides = array<i32>} : memref<16x256xf32, #tpu.memory_space<vmem>>, vector<1x16xf32>,
        %swap3A_585 = vector.shape_cast %swap3A_584 : vector<1x16xf32> to vector<16xf32>
        %swap3A_586 = vector.shape_cast %mul3A_581 : vector<16xf32> to vector<1x16xf32>
        tpu.vector_store %arg8[%swap3A_582, %swap3A_583], %swap3A_586 {strides = array<i32>} : memref<16x256xf32, #tpu.memory_space<vmem>>, vector<1x16xf32>,
        %mul3A_587 = arith.mulf %while3A_568#1, %div3A_580 : vector<16xf32>
        %swap3A_588 = arith.index_cast %while3A_533 : i32 to index
        %swap3A_589 = arith.constant 16 : index
        %swap3A_590 = tpu.vector_load %arg8[%swap3A_588, %swap3A_589] {strides = array<i32>} : memref<16x256xf32, #tpu.memory_space<vmem>>, vector<1x16xf32>,
        %swap3A_591 = vector.shape_cast %swap3A_590 : vector<1x16xf32> to vector<16xf32>
        %swap3A_592 = vector.shape_cast %mul3A_587 : vector<16xf32> to vector<1x16xf32>
        tpu.vector_store %arg8[%swap3A_588, %swap3A_589], %swap3A_592 {strides = array<i32>} : memref<16x256xf32, #tpu.memory_space<vmem>>, vector<1x16xf32>,
        %mul3A_593 = arith.mulf %while3A_568#2, %div3A_580 : vector<16xf32>
        %swap3A_594 = arith.index_cast %while3A_533 : i32 to index
        %swap3A_595 = arith.constant 32 : index
        %swap3A_596 = tpu.vector_load %arg8[%swap3A_594, %swap3A_595] {strides = array<i32>} : memref<16x256xf32, #tpu.memory_space<vmem>>, vector<1x16xf32>,
        %swap3A_597 = vector.shape_cast %swap3A_596 : vector<1x16xf32> to vector<16xf32>
        %swap3A_598 = vector.shape_cast %mul3A_593 : vector<16xf32> to vector<1x16xf32>
        tpu.vector_store %arg8[%swap3A_594, %swap3A_595], %swap3A_598 {strides = array<i32>} : memref<16x256xf32, #tpu.memory_space<vmem>>, vector<1x16xf32>,
        %mul3A_599 = arith.mulf %while3A_568#3, %div3A_580 : vector<16xf32>
        %swap3A_600 = arith.index_cast %while3A_533 : i32 to index
        %swap3A_601 = arith.constant 48 : index
        %swap3A_602 = tpu.vector_load %arg8[%swap3A_600, %swap3A_601] {strides = array<i32>} : memref<16x256xf32, #tpu.memory_space<vmem>>, vector<1x16xf32>,
        %swap3A_603 = vector.shape_cast %swap3A_602 : vector<1x16xf32> to vector<16xf32>
        %swap3A_604 = vector.shape_cast %mul3A_599 : vector<16xf32> to vector<1x16xf32>
        tpu.vector_store %arg8[%swap3A_600, %swap3A_601], %swap3A_604 {strides = array<i32>} : memref<16x256xf32, #tpu.memory_space<vmem>>, vector<1x16xf32>,
        %mul3A_605 = arith.mulf %while3A_568#4, %div3A_580 : vector<16xf32>
        %swap3A_606 = arith.index_cast %while3A_533 : i32 to index
        %swap3A_607 = arith.constant 64 : index
        %swap3A_608 = tpu.vector_load %arg8[%swap3A_606, %swap3A_607] {strides = array<i32>} : memref<16x256xf32, #tpu.memory_space<vmem>>, vector<1x16xf32>,
        %swap3A_609 = vector.shape_cast %swap3A_608 : vector<1x16xf32> to vector<16xf32>
        %swap3A_610 = vector.shape_cast %mul3A_605 : vector<16xf32> to vector<1x16xf32>
        tpu.vector_store %arg8[%swap3A_606, %swap3A_607], %swap3A_610 {strides = array<i32>} : memref<16x256xf32, #tpu.memory_space<vmem>>, vector<1x16xf32>,
        %mul3A_611 = arith.mulf %while3A_568#5, %div3A_580 : vector<16xf32>
        %swap3A_612 = arith.index_cast %while3A_533 : i32 to index
        %swap3A_613 = arith.constant 80 : index
        %swap3A_614 = tpu.vector_load %arg8[%swap3A_612, %swap3A_613] {strides = array<i32>} : memref<16x256xf32, #tpu.memory_space<vmem>>, vector<1x16xf32>,
        %swap3A_615 = vector.shape_cast %swap3A_614 : vector<1x16xf32> to vector<16xf32>
        %swap3A_616 = vector.shape_cast %mul3A_611 : vector<16xf32> to vector<1x16xf32>
        tpu.vector_store %arg8[%swap3A_612, %swap3A_613], %swap3A_616 {strides = array<i32>} : memref<16x256xf32, #tpu.memory_space<vmem>>, vector<1x16xf32>,
        %mul3A_617 = arith.mulf %while3A_568#6, %div3A_580 : vector<16xf32>
        %swap3A_618 = arith.index_cast %while3A_533 : i32 to index
        %swap3A_619 = arith.constant 96 : index
        %swap3A_620 = tpu.vector_load %arg8[%swap3A_618, %swap3A_619] {strides = array<i32>} : memref<16x256xf32, #tpu.memory_space<vmem>>, vector<1x16xf32>,
        %swap3A_621 = vector.shape_cast %swap3A_620 : vector<1x16xf32> to vector<16xf32>
        %swap3A_622 = vector.shape_cast %mul3A_617 : vector<16xf32> to vector<1x16xf32>
        tpu.vector_store %arg8[%swap3A_618, %swap3A_619], %swap3A_622 {strides = array<i32>} : memref<16x256xf32, #tpu.memory_space<vmem>>, vector<1x16xf32>,
        %mul3A_623 = arith.mulf %while3A_568#7, %div3A_580 : vector<16xf32>
        %swap3A_624 = arith.index_cast %while3A_533 : i32 to index
        %swap3A_625 = arith.constant 112 : index
        %swap3A_626 = tpu.vector_load %arg8[%swap3A_624, %swap3A_625] {strides = array<i32>} : memref<16x256xf32, #tpu.memory_space<vmem>>, vector<1x16xf32>,
        %swap3A_627 = vector.shape_cast %swap3A_626 : vector<1x16xf32> to vector<16xf32>
        %swap3A_628 = vector.shape_cast %mul3A_623 : vector<16xf32> to vector<1x16xf32>
        tpu.vector_store %arg8[%swap3A_624, %swap3A_625], %swap3A_628 {strides = array<i32>} : memref<16x256xf32, #tpu.memory_space<vmem>>, vector<1x16xf32>,
        %swap3A_629 = arith.index_cast %while3A_533 : i32 to index
        %swap3A_630 = arith.constant 128 : index
        %swap3A_631 = tpu.vector_load %arg8[%swap3A_629, %swap3A_630] {strides = array<i32>} : memref<16x256xf32, #tpu.memory_space<vmem>>, vector<1x16xf32>,
        %swap3A_632 = vector.shape_cast %swap3A_631 : vector<1x16xf32> to vector<16xf32>
        %swap3A_633 = vector.shape_cast %while3A_568#8 : vector<16xf32> to vector<1x16xf32>
        tpu.vector_store %arg8[%swap3A_629, %swap3A_630], %swap3A_633 {strides = array<i32>} : memref<16x256xf32, #tpu.memory_space<vmem>>, vector<1x16xf32>,
        %swap3A_634 = arith.index_cast %while3A_533 : i32 to index
        %swap3A_635 = arith.constant 144 : index
        %swap3A_636 = tpu.vector_load %arg8[%swap3A_634, %swap3A_635] {strides = array<i32>} : memref<16x256xf32, #tpu.memory_space<vmem>>, vector<1x16xf32>,
        %swap3A_637 = vector.shape_cast %swap3A_636 : vector<1x16xf32> to vector<16xf32>
        %swap3A_638 = vector.shape_cast %while3A_568#9 : vector<16xf32> to vector<1x16xf32>
        tpu.vector_store %arg8[%swap3A_634, %swap3A_635], %swap3A_638 {strides = array<i32>} : memref<16x256xf32, #tpu.memory_space<vmem>>, vector<1x16xf32>,
        %swap3A_639 = arith.index_cast %while3A_533 : i32 to index
        %swap3A_640 = arith.constant 160 : index
        %swap3A_641 = tpu.vector_load %arg8[%swap3A_639, %swap3A_640] {strides = array<i32>} : memref<16x256xf32, #tpu.memory_space<vmem>>, vector<1x16xf32>,
        %swap3A_642 = vector.shape_cast %swap3A_641 : vector<1x16xf32> to vector<16xf32>
        %swap3A_643 = vector.shape_cast %while3A_568#10 : vector<16xf32> to vector<1x16xf32>
        tpu.vector_store %arg8[%swap3A_639, %swap3A_640], %swap3A_643 {strides = array<i32>} : memref<16x256xf32, #tpu.memory_space<vmem>>, vector<1x16xf32>,
        %swap3A_644 = arith.index_cast %while3A_533 : i32 to index
        %swap3A_645 = arith.constant 176 : index
        %swap3A_646 = tpu.vector_load %arg8[%swap3A_644, %swap3A_645] {strides = array<i32>} : memref<16x256xf32, #tpu.memory_space<vmem>>, vector<1x16xf32>,
        %swap3A_647 = vector.shape_cast %swap3A_646 : vector<1x16xf32> to vector<16xf32>
        %swap3A_648 = vector.shape_cast %while3A_568#11 : vector<16xf32> to vector<1x16xf32>
        tpu.vector_store %arg8[%swap3A_644, %swap3A_645], %swap3A_648 {strides = array<i32>} : memref<16x256xf32, #tpu.memory_space<vmem>>, vector<1x16xf32>,
        %swap3A_649 = arith.index_cast %while3A_533 : i32 to index
        %swap3A_650 = arith.constant 192 : index
        %swap3A_651 = tpu.vector_load %arg8[%swap3A_649, %swap3A_650] {strides = array<i32>} : memref<16x256xf32, #tpu.memory_space<vmem>>, vector<1x16xf32>,
        %swap3A_652 = vector.shape_cast %swap3A_651 : vector<1x16xf32> to vector<16xf32>
        %swap3A_653 = vector.shape_cast %while3A_568#12 : vector<16xf32> to vector<1x16xf32>
        tpu.vector_store %arg8[%swap3A_649, %swap3A_650], %swap3A_653 {strides = array<i32>} : memref<16x256xf32, #tpu.memory_space<vmem>>, vector<1x16xf32>,
        %swap3A_654 = arith.index_cast %while3A_533 : i32 to index
        %swap3A_655 = arith.constant 208 : index
        %swap3A_656 = tpu.vector_load %arg8[%swap3A_654, %swap3A_655] {strides = array<i32>} : memref<16x256xf32, #tpu.memory_space<vmem>>, vector<1x16xf32>,
        %swap3A_657 = vector.shape_cast %swap3A_656 : vector<1x16xf32> to vector<16xf32>
        %swap3A_658 = vector.shape_cast %while3A_568#13 : vector<16xf32> to vector<1x16xf32>
        tpu.vector_store %arg8[%swap3A_654, %swap3A_655], %swap3A_658 {strides = array<i32>} : memref<16x256xf32, #tpu.memory_space<vmem>>, vector<1x16xf32>,
        %swap3A_659 = arith.index_cast %while3A_533 : i32 to index
        %swap3A_660 = arith.constant 224 : index
        %swap3A_661 = tpu.vector_load %arg8[%swap3A_659, %swap3A_660] {strides = array<i32>} : memref<16x256xf32, #tpu.memory_space<vmem>>, vector<1x16xf32>,
        %swap3A_662 = vector.shape_cast %swap3A_661 : vector<1x16xf32> to vector<16xf32>
        %swap3A_663 = vector.shape_cast %while3A_568#14 : vector<16xf32> to vector<1x16xf32>
        tpu.vector_store %arg8[%swap3A_659, %swap3A_660], %swap3A_663 {strides = array<i32>} : memref<16x256xf32, #tpu.memory_space<vmem>>, vector<1x16xf32>,
        %swap3A_664 = arith.index_cast %while3A_533 : i32 to index
        %swap3A_665 = arith.constant 240 : index
        %swap3A_666 = tpu.vector_load %arg8[%swap3A_664, %swap3A_665] {strides = array<i32>} : memref<16x256xf32, #tpu.memory_space<vmem>>, vector<1x16xf32>,
        %swap3A_667 = vector.shape_cast %swap3A_666 : vector<1x16xf32> to vector<16xf32>
        %swap3A_668 = vector.shape_cast %while3A_568#15 : vector<16xf32> to vector<1x16xf32>
        tpu.vector_store %arg8[%swap3A_664, %swap3A_665], %swap3A_668 {strides = array<i32>} : memref<16x256xf32, #tpu.memory_space<vmem>>, vector<1x16xf32>,
        scf.yield %broadcast_in_dim3A_57, %broadcast_in_dim3A_57, %broadcast_in_dim3A_57, %broadcast_in_dim3A_57, %broadcast_in_dim3A_57, %broadcast_in_dim3A_57, %broadcast_in_dim3A_57, %broadcast_in_dim3A_57, %broadcast_in_dim3A_59, %broadcast_in_dim3A_59, %broadcast_in_dim3A_59, %broadcast_in_dim3A_59, %broadcast_in_dim3A_59, %broadcast_in_dim3A_59, %broadcast_in_dim3A_59, %broadcast_in_dim3A_59 : vector<16xf32>, vector<16xf32>, vector<16xf32>, vector<16xf32>, vector<16xf32>, vector<16xf32>, vector<16xf32>, vector<16xf32>, vector<16xf32>, vector<16xf32>, vector<16xf32>, vector<16xf32>, vector<16xf32>, vector<16xf32>, vector<16xf32>, vector<16xf32>
      }
      %get3A_514 = arith.index_cast %add3A_503 : i32 to index
      %get3A_515 = tpu.vector_load %arg5[%get3A_514] {strides = array<i32>} : memref<32xi32, #tpu.memory_space<vmem>>, vector<16xi32>,
      %get3A_516 = vector.shape_cast %get3A_515 : vector<16xi32> to vector<16xi32>
      %slice3A_517 = vector.extract_strided_slice %get3A_516 {offsets = [0], sizes = [1], strides = [1]} : vector<16xi32> to vector<1xi32>
      %squeeze3A_518 = vector.extract %slice3A_517[0] : i32 from vector<1xi32>
      %max3A_519 = arith.maxsi %squeeze3A_518, %min3A_413 : i32
      %slice3A_520 = vector.extract_strided_slice %get3A_516 {offsets = [1], sizes = [1], strides = [1]} : vector<16xi32> to vector<1xi32>
      %squeeze3A_521 = vector.extract %slice3A_520[0] : i32 from vector<1xi32>
      %min3A_522 = arith.minsi %squeeze3A_521, %max3A_420 : i32
      %while3A_523 = arith.subi %min3A_522, %max3A_519 : i32
      %while3A_524 = arith.addi %max3A_519, %while3A_523 : i32
      %while3A_525 = arith.constant 1 : i32
      %while3A_526 = arith.divsi %while3A_523, %while3A_525 : i32
      %while3A_527 = arith.muli %while3A_526, %while3A_525 : i32
      %while3A_528 = arith.addi %max3A_519, %while3A_527 : i32
      %while3A_529 = arith.constant 1 : i32
      %while3A_530:16 = scf.for %while3A_533 = %max3A_519 to %while3A_528 step %while3A_529 iter_args(%while3A_534 = %while3A_513#0, %while3A_535 = %while3A_513#1, %while3A_536 = %while3A_513#2, %while3A_537 = %while3A_513#3, %while3A_538 = %while3A_513#4, %while3A_539 = %while3A_513#5, %while3A_540 = %while3A_513#6, %while3A_541 = %while3A_513#7, %while3A_542 = %while3A_513#8, %while3A_543 = %while3A_513#9, %while3A_544 = %while3A_513#10, %while3A_545 = %while3A_513#11, %while3A_546 = %while3A_513#12, %while3A_547 = %while3A_513#13, %while3A_548 = %while3A_513#14, %while3A_549 = %while3A_513#15) -> (vector<16xf32>, vector<16xf32>, vector<16xf32>, vector<16xf32>, vector<16xf32>, vector<16xf32>, vector<16xf32>, vector<16xf32>, vector<16xf32>, vector<16xf32>, vector<16xf32>, vector<16xf32>, vector<16xf32>, vector<16xf32>, vector<16xf32>, vector<16xf32>)  : i32 {
        %sub3A_550 = arith.subi %while3A_533, %min3A_408 : i32
        %get3A_551 = arith.index_cast %sub3A_550 : i32 to index
        %get3A_552 = arith.constant 0 : index
        %get3A_553 = tpu.vector_load %arg7[%get3A_551, %get3A_552] {strides = array<i32>} : memref<488x128xf32, #tpu.memory_space<vmem>>, vector<1x16xf32>,
        %get3A_554 = vector.shape_cast %get3A_553 : vector<1x16xf32> to vector<16xf32>
        %get3A_555 = arith.index_cast %sub3A_550 : i32 to index
        %get3A_556 = arith.constant 16 : index
        %get3A_557 = tpu.vector_load %arg7[%get3A_555, %get3A_556] {strides = array<i32>} : memref<488x128xf32, #tpu.memory_space<vmem>>, vector<1x16xf32>,
        %get3A_558 = vector.shape_cast %get3A_557 : vector<1x16xf32> to vector<16xf32>
        %get3A_559 = arith.index_cast %sub3A_550 : i32 to index
        %get3A_560 = arith.constant 32 : index
        %get3A_561 = tpu.vector_load %arg7[%get3A_559, %get3A_560] {strides = array<i32>} : memref<488x128xf32, #tpu.memory_space<vmem>>, vector<1x16xf32>,
        %get3A_562 = vector.shape_cast %get3A_561 : vector<1x16xf32> to vector<16xf32>
        %get3A_563 = arith.index_cast %sub3A_550 : i32 to index
        %get3A_564 = arith.constant 48 : index
        %get3A_565 = tpu.vector_load %arg7[%get3A_563, %get3A_564] {strides = array<i32>} : memref<488x128xf32, #tpu.memory_space<vmem>>, vector<1x16xf32>,
        %get3A_566 = vector.shape_cast %get3A_565 : vector<1x16xf32> to vector<16xf32>
        %get3A_567 = arith.index_cast %sub3A_550 : i32 to index
        %get3A_568 = arith.constant 64 : index
        %get3A_569 = tpu.vector_load %arg7[%get3A_567, %get3A_568] {strides = array<i32>} : memref<488x128xf32, #tpu.memory_space<vmem>>, vector<1x16xf32>,
        %get3A_570 = vector.shape_cast %get3A_569 : vector<1x16xf32> to vector<16xf32>
        %get3A_571 = arith.index_cast %sub3A_550 : i32 to index
        %get3A_572 = arith.constant 80 : index
        %get3A_573 = tpu.vector_load %arg7[%get3A_571, %get3A_572] {strides = array<i32>} : memref<488x128xf32, #tpu.memory_space<vmem>>, vector<1x16xf32>,
        %get3A_574 = vector.shape_cast %get3A_573 : vector<1x16xf32> to vector<16xf32>
        %get3A_575 = arith.index_cast %sub3A_550 : i32 to index
        %get3A_576 = arith.constant 96 : index
        %get3A_577 = tpu.vector_load %arg7[%get3A_575, %get3A_576] {strides = array<i32>} : memref<488x128xf32, #tpu.memory_space<vmem>>, vector<1x16xf32>,
        %get3A_578 = vector.shape_cast %get3A_577 : vector<1x16xf32> to vector<16xf32>
        %get3A_579 = arith.index_cast %sub3A_550 : i32 to index
        %get3A_580 = arith.constant 112 : index
        %get3A_581 = tpu.vector_load %arg7[%get3A_579, %get3A_580] {strides = array<i32>} : memref<488x128xf32, #tpu.memory_space<vmem>>, vector<1x16xf32>,
        %get3A_582 = vector.shape_cast %get3A_581 : vector<1x16xf32> to vector<16xf32>
        %add3A_583 = arith.addf %while3A_534, %get3A_554 : vector<16xf32>
        %add3A_584 = arith.addf %while3A_535, %get3A_558 : vector<16xf32>
        %add3A_585 = arith.addf %while3A_536, %get3A_562 : vector<16xf32>
        %add3A_586 = arith.addf %while3A_537, %get3A_566 : vector<16xf32>
        %add3A_587 = arith.addf %while3A_538, %get3A_570 : vector<16xf32>
        %add3A_588 = arith.addf %while3A_539, %get3A_574 : vector<16xf32>
        %add3A_589 = arith.addf %while3A_540, %get3A_578 : vector<16xf32>
        %add3A_590 = arith.addf %while3A_541, %get3A_582 : vector<16xf32>
        %max3A_591 = arith.maximumf %while3A_542, %get3A_554 : vector<16xf32>
        %max3A_592 = arith.maximumf %while3A_543, %get3A_558 : vector<16xf32>
        %max3A_593 = arith.maximumf %while3A_544, %get3A_562 : vector<16xf32>
        %max3A_594 = arith.maximumf %while3A_545, %get3A_566 : vector<16xf32>
        %max3A_595 = arith.maximumf %while3A_546, %get3A_570 : vector<16xf32>
        %max3A_596 = arith.maximumf %while3A_547, %get3A_574 : vector<16xf32>
        %max3A_597 = arith.maximumf %while3A_548, %get3A_578 : vector<16xf32>
        %max3A_598 = arith.maximumf %while3A_549, %get3A_582 : vector<16xf32>
        scf.yield %add3A_583, %add3A_584, %add3A_585, %add3A_586, %add3A_587, %add3A_588, %add3A_589, %add3A_590, %max3A_591, %max3A_592, %max3A_593, %max3A_594, %max3A_595, %max3A_596, %max3A_597, %max3A_598 : vector<16xf32>, vector<16xf32>, vector<16xf32>, vector<16xf32>, vector<16xf32>, vector<16xf32>, vector<16xf32>, vector<16xf32>, vector<16xf32>, vector<16xf32>, vector<16xf32>, vector<16xf32>, vector<16xf32>, vector<16xf32>, vector<16xf32>, vector<16xf32>
      }
      %while3A_531 = arith.constant 1 : i32
      %while3A_532:16 = scf.for %while3A_533 = %while3A_528 to %while3A_524 step %while3A_531 iter_args(%while3A_534 = %while3A_530#0, %while3A_535 = %while3A_530#1, %while3A_536 = %while3A_530#2, %while3A_537 = %while3A_530#3, %while3A_538 = %while3A_530#4, %while3A_539 = %while3A_530#5, %while3A_540 = %while3A_530#6, %while3A_541 = %while3A_530#7, %while3A_542 = %while3A_530#8, %while3A_543 = %while3A_530#9, %while3A_544 = %while3A_530#10, %while3A_545 = %while3A_530#11, %while3A_546 = %while3A_530#12, %while3A_547 = %while3A_530#13, %while3A_548 = %while3A_530#14, %while3A_549 = %while3A_530#15) -> (vector<16xf32>, vector<16xf32>, vector<16xf32>, vector<16xf32>, vector<16xf32>, vector<16xf32>, vector<16xf32>, vector<16xf32>, vector<16xf32>, vector<16xf32>, vector<16xf32>, vector<16xf32>, vector<16xf32>, vector<16xf32>, vector<16xf32>, vector<16xf32>)  : i32 {
        %sub3A_550 = arith.subi %while3A_533, %min3A_408 : i32
        %get3A_551 = arith.index_cast %sub3A_550 : i32 to index
        %get3A_552 = arith.constant 0 : index
        %get3A_553 = tpu.vector_load %arg7[%get3A_551, %get3A_552] {strides = array<i32>} : memref<488x128xf32, #tpu.memory_space<vmem>>, vector<1x16xf32>,
        %get3A_554 = vector.shape_cast %get3A_553 : vector<1x16xf32> to vector<16xf32>
        %get3A_555 = arith.index_cast %sub3A_550 : i32 to index
        %get3A_556 = arith.constant 16 : index
        %get3A_557 = tpu.vector_load %arg7[%get3A_555, %get3A_556] {strides = array<i32>} : memref<488x128xf32, #tpu.memory_space<vmem>>, vector<1x16xf32>,
        %get3A_558 = vector.shape_cast %get3A_557 : vector<1x16xf32> to vector<16xf32>
        %get3A_559 = arith.index_cast %sub3A_550 : i32 to index
        %get3A_560 = arith.constant 32 : index
        %get3A_561 = tpu.vector_load %arg7[%get3A_559, %get3A_560] {strides = array<i32>} : memref<488x128xf32, #tpu.memory_space<vmem>>, vector<1x16xf32>,
        %get3A_562 = vector.shape_cast %get3A_561 : vector<1x16xf32> to vector<16xf32>
        %get3A_563 = arith.index_cast %sub3A_550 : i32 to index
        %get3A_564 = arith.constant 48 : index
        %get3A_565 = tpu.vector_load %arg7[%get3A_563, %get3A_564] {strides = array<i32>} : memref<488x128xf32, #tpu.memory_space<vmem>>, vector<1x16xf32>,
        %get3A_566 = vector.shape_cast %get3A_565 : vector<1x16xf32> to vector<16xf32>
        %get3A_567 = arith.index_cast %sub3A_550 : i32 to index
        %get3A_568 = arith.constant 64 : index
        %get3A_569 = tpu.vector_load %arg7[%get3A_567, %get3A_568] {strides = array<i32>} : memref<488x128xf32, #tpu.memory_space<vmem>>, vector<1x16xf32>,
        %get3A_570 = vector.shape_cast %get3A_569 : vector<1x16xf32> to vector<16xf32>
        %get3A_571 = arith.index_cast %sub3A_550 : i32 to index
        %get3A_572 = arith.constant 80 : index
        %get3A_573 = tpu.vector_load %arg7[%get3A_571, %get3A_572] {strides = array<i32>} : memref<488x128xf32, #tpu.memory_space<vmem>>, vector<1x16xf32>,
        %get3A_574 = vector.shape_cast %get3A_573 : vector<1x16xf32> to vector<16xf32>
        %get3A_575 = arith.index_cast %sub3A_550 : i32 to index
        %get3A_576 = arith.constant 96 : index
        %get3A_577 = tpu.vector_load %arg7[%get3A_575, %get3A_576] {strides = array<i32>} : memref<488x128xf32, #tpu.memory_space<vmem>>, vector<1x16xf32>,
        %get3A_578 = vector.shape_cast %get3A_577 : vector<1x16xf32> to vector<16xf32>
        %get3A_579 = arith.index_cast %sub3A_550 : i32 to index
        %get3A_580 = arith.constant 112 : index
        %get3A_581 = tpu.vector_load %arg7[%get3A_579, %get3A_580] {strides = array<i32>} : memref<488x128xf32, #tpu.memory_space<vmem>>, vector<1x16xf32>,
        %get3A_582 = vector.shape_cast %get3A_581 : vector<1x16xf32> to vector<16xf32>
        %add3A_583 = arith.addf %while3A_534, %get3A_554 : vector<16xf32>
        %add3A_584 = arith.addf %while3A_535, %get3A_558 : vector<16xf32>
        %add3A_585 = arith.addf %while3A_536, %get3A_562 : vector<16xf32>
        %add3A_586 = arith.addf %while3A_537, %get3A_566 : vector<16xf32>
        %add3A_587 = arith.addf %while3A_538, %get3A_570 : vector<16xf32>
        %add3A_588 = arith.addf %while3A_539, %get3A_574 : vector<16xf32>
        %add3A_589 = arith.addf %while3A_540, %get3A_578 : vector<16xf32>
        %add3A_590 = arith.addf %while3A_541, %get3A_582 : vector<16xf32>
        %max3A_591 = arith.maximumf %while3A_542, %get3A_554 : vector<16xf32>
        %max3A_592 = arith.maximumf %while3A_543, %get3A_558 : vector<16xf32>
        %max3A_593 = arith.maximumf %while3A_544, %get3A_562 : vector<16xf32>
        %max3A_594 = arith.maximumf %while3A_545, %get3A_566 : vector<16xf32>
        %max3A_595 = arith.maximumf %while3A_546, %get3A_570 : vector<16xf32>
        %max3A_596 = arith.maximumf %while3A_547, %get3A_574 : vector<16xf32>
        %max3A_597 = arith.maximumf %while3A_548, %get3A_578 : vector<16xf32>
        %max3A_598 = arith.maximumf %while3A_549, %get3A_582 : vector<16xf32>
        scf.yield %add3A_583, %add3A_584, %add3A_585, %add3A_586, %add3A_587, %add3A_588, %add3A_589, %add3A_590, %max3A_591, %max3A_592, %max3A_593, %max3A_594, %max3A_595, %max3A_596, %max3A_597, %max3A_598 : vector<16xf32>, vector<16xf32>, vector<16xf32>, vector<16xf32>, vector<16xf32>, vector<16xf32>, vector<16xf32>, vector<16xf32>, vector<16xf32>, vector<16xf32>, vector<16xf32>, vector<16xf32>, vector<16xf32>, vector<16xf32>, vector<16xf32>, vector<16xf32>
      }
      scf.yield %add3A_503, %while3A_532#0, %while3A_532#1, %while3A_532#2, %while3A_532#3, %while3A_532#4, %while3A_532#5, %while3A_532#6, %while3A_532#7, %while3A_532#8, %while3A_532#9, %while3A_532#10, %while3A_532#11, %while3A_532#12, %while3A_532#13, %while3A_532#14, %while3A_532#15 : i32, vector<16xf32>, vector<16xf32>, vector<16xf32>, vector<16xf32>, vector<16xf32>, vector<16xf32>, vector<16xf32>, vector<16xf32>, vector<16xf32>, vector<16xf32>, vector<16xf32>, vector<16xf32>, vector<16xf32>, vector<16xf32>, vector<16xf32>, vector<16xf32>
    }
    %while3A_107 = arith.constant 1 : i32
    %while3A_108:17 = scf.for %while3A_214 = %while3A_104 to %while3A_100 step %while3A_107 iter_args(%while3A_215 = %while3A_106#0, %while3A_216 = %while3A_106#1, %while3A_217 = %while3A_106#2, %while3A_218 = %while3A_106#3, %while3A_219 = %while3A_106#4, %while3A_220 = %while3A_106#5, %while3A_221 = %while3A_106#6, %while3A_222 = %while3A_106#7, %while3A_223 = %while3A_106#8, %while3A_224 = %while3A_106#9, %while3A_225 = %while3A_106#10, %while3A_226 = %while3A_106#11, %while3A_227 = %while3A_106#12, %while3A_228 = %while3A_106#13, %while3A_229 = %while3A_106#14, %while3A_230 = %while3A_106#15, %while3A_231 = %while3A_106#16) -> (i32, vector<16xf32>, vector<16xf32>, vector<16xf32>, vector<16xf32>, vector<16xf32>, vector<16xf32>, vector<16xf32>, vector<16xf32>, vector<16xf32>, vector<16xf32>, vector<16xf32>, vector<16xf32>, vector<16xf32>, vector<16xf32>, vector<16xf32>, vector<16xf32>)  : i32 {
      %dma_wait3A_232 = arith.constant 0 : i32
      %dma_wait3A_233 = arith.constant 0 : i32
      %dma_wait3A_234 = tpu.memref_slice %arg2[%dma_wait3A_232, %dma_wait3A_233] : memref<100000x128xf32, #tpu.memory_space<hbm>> -> memref<488x128xf32, #tpu.memory_space<hbm>>
      %dma_wait3A_235 = arith.constant 0 : i32
      %dma_wait3A_236 = arith.constant 0 : i32
      %dma_wait3A_237 = tpu.memref_slice %arg2[%dma_wait3A_235, %dma_wait3A_236] : memref<100000x128xf32, #tpu.memory_space<hbm>> -> memref<488x128xf32, #tpu.memory_space<hbm>>
      tpu.wait_dma2 semaphore(%arg9 : memref<!tpu.dma_semaphore, #tpu.memory_space<semaphore_mem>>) src(%dma_wait3A_237 : memref<488x128xf32, #tpu.memory_space<hbm>>) dst(%arg6 : memref<488x128xf32, #tpu.memory_space<vmem>>)
      %mul3A_238 = arith.constant 2 : i32
      %mul3A_239 = arith.muli %mul3A_238, %while3A_214 : i32
      %add3A_240 = arith.constant 1 : i32
      %add3A_241 = arith.addi %mul3A_239, %add3A_240 : i32
      %mul3A_242 = arith.constant 488 : i32
      %mul3A_243 = arith.muli %add3A_241, %mul3A_242 : i32
      %add3A_244 = arith.addi %mul3A_27, %mul3A_243 : i32
      %min3A_245 = arith.constant 99512 : i32
      %min3A_246 = arith.minsi %add3A_244, %min3A_245 : i32
      %dma_start3A_247 = arith.constant 0 : i32
      %dma_start3A_248 = tpu.memref_slice %arg2[%min3A_246, %dma_start3A_247] : memref<100000x128xf32, #tpu.memory_space<hbm>> -> memref<488x128xf32, #tpu.memory_space<hbm>>
      %dma_start3A_249 = arith.constant 0 : i32
      %dma_start3A_250 = tpu.memref_slice %arg2[%min3A_246, %dma_start3A_249] : memref<100000x128xf32, #tpu.memory_space<hbm>> -> memref<488x128xf32, #tpu.memory_space<hbm>>
      tpu.enqueue_dma source(%dma_start3A_250 : memref<488x128xf32, #tpu.memory_space<hbm>>) target(%arg7 : memref<488x128xf32, #tpu.memory_space<vmem>>) target_semaphore(%arg10 : memref<!tpu.dma_semaphore, #tpu.memory_space<semaphore_mem>>)
      %mul3A_251 = arith.constant 2 : i32
      %mul3A_252 = arith.muli %mul3A_251, %while3A_214 : i32
      %mul3A_253 = arith.constant 488 : i32
      %mul3A_254 = arith.muli %mul3A_252, %mul3A_253 : i32
      %add3A_255 = arith.addi %mul3A_27, %mul3A_254 : i32
      %min3A_256 = arith.constant 99512 : i32
      %min3A_257 = arith.minsi %add3A_255, %min3A_256 : i32
      %mul3A_258 = arith.constant 488 : i32
      %mul3A_259 = arith.muli %mul3A_252, %mul3A_258 : i32
      %add3A_260 = arith.addi %mul3A_27, %mul3A_259 : i32
      %max3A_261 = arith.maxsi %squeeze3A, %add3A_260 : i32
      %min3A_262 = arith.minsi %max3A_261, %squeeze3A_9 : i32
      %add3A_263 = arith.constant 1 : i32
      %add3A_264 = arith.addi %mul3A_252, %add3A_263 : i32
      %mul3A_265 = arith.constant 488 : i32
      %mul3A_266 = arith.muli %add3A_264, %mul3A_265 : i32
      %add3A_267 = arith.addi %mul3A_27, %mul3A_266 : i32
      %min3A_268 = arith.minsi %squeeze3A_9, %add3A_267 : i32
      %max3A_269 = arith.maxsi %min3A_268, %min3A_262 : i32
      %sub3A_270 = arith.constant 1 : i32
      %sub3A_271 = arith.subi %max3A_269, %sub3A_270 : i32
      %slice3A_272 = vector.extract_strided_slice %get3A_4 {offsets = [0], sizes = [1], strides = [1]} : vector<16xi32> to vector<1xi32>
      %squeeze3A_273 = vector.extract %slice3A_272[0] : i32 from vector<1xi32>
      %le3A = arith.cmpi sle, %squeeze3A_273, %sub3A_271 : i32
      %convert_element_type3A_274 = arith.extui %le3A : i1 to i32
      %add3A_275 = arith.constant 0 : i32
      %add3A_276 = arith.addi %add3A_275, %convert_element_type3A_274 : i32
      %slice3A_277 = vector.extract_strided_slice %get3A_4 {offsets = [1], sizes = [1], strides = [1]} : vector<16xi32> to vector<1xi32>
      %squeeze3A_278 = vector.extract %slice3A_277[0] : i32 from vector<1xi32>
      %le3A_279 = arith.cmpi sle, %squeeze3A_278, %sub3A_271 : i32
      %convert_element_type3A_280 = arith.extui %le3A_279 : i1 to i32
      %add3A_281 = arith.addi %add3A_276, %convert_element_type3A_280 : i32
      %slice3A_282 = vector.extract_strided_slice %get3A_4 {offsets = [2], sizes = [1], strides = [1]} : vector<16xi32> to vector<1xi32>
      %squeeze3A_283 = vector.extract %slice3A_282[0] : i32 from vector<1xi32>
      %le3A_284 = arith.cmpi sle, %squeeze3A_283, %sub3A_271 : i32
      %convert_element_type3A_285 = arith.extui %le3A_284 : i1 to i32
      %add3A_286 = arith.addi %add3A_281, %convert_element_type3A_285 : i32
      %slice3A_287 = vector.extract_strided_slice %get3A_4 {offsets = [3], sizes = [1], strides = [1]} : vector<16xi32> to vector<1xi32>
      %squeeze3A_288 = vector.extract %slice3A_287[0] : i32 from vector<1xi32>
      %le3A_289 = arith.cmpi sle, %squeeze3A_288, %sub3A_271 : i32
      %convert_element_type3A_290 = arith.extui %le3A_289 : i1 to i32
      %add3A_291 = arith.addi %add3A_286, %convert_element_type3A_290 : i32
      %slice3A_292 = vector.extract_strided_slice %get3A_4 {offsets = [4], sizes = [1], strides = [1]} : vector<16xi32> to vector<1xi32>
      %squeeze3A_293 = vector.extract %slice3A_292[0] : i32 from vector<1xi32>
      %le3A_294 = arith.cmpi sle, %squeeze3A_293, %sub3A_271 : i32
      %convert_element_type3A_295 = arith.extui %le3A_294 : i1 to i32
      %add3A_296 = arith.addi %add3A_291, %convert_element_type3A_295 : i32
      %slice3A_297 = vector.extract_strided_slice %get3A_4 {offsets = [5], sizes = [1], strides = [1]} : vector<16xi32> to vector<1xi32>
      %squeeze3A_298 = vector.extract %slice3A_297[0] : i32 from vector<1xi32>
      %le3A_299 = arith.cmpi sle, %squeeze3A_298, %sub3A_271 : i32
      %convert_element_type3A_300 = arith.extui %le3A_299 : i1 to i32
      %add3A_301 = arith.addi %add3A_296, %convert_element_type3A_300 : i32
      %slice3A_302 = vector.extract_strided_slice %get3A_4 {offsets = [6], sizes = [1], strides = [1]} : vector<16xi32> to vector<1xi32>
      %squeeze3A_303 = vector.extract %slice3A_302[0] : i32 from vector<1xi32>
      %le3A_304 = arith.cmpi sle, %squeeze3A_303, %sub3A_271 : i32
      %convert_element_type3A_305 = arith.extui %le3A_304 : i1 to i32
      %add3A_306 = arith.addi %add3A_301, %convert_element_type3A_305 : i32
      %slice3A_307 = vector.extract_strided_slice %get3A_4 {offsets = [7], sizes = [1], strides = [1]} : vector<16xi32> to vector<1xi32>
      %squeeze3A_308 = vector.extract %slice3A_307[0] : i32 from vector<1xi32>
      %le3A_309 = arith.cmpi sle, %squeeze3A_308, %sub3A_271 : i32
      %convert_element_type3A_310 = arith.extui %le3A_309 : i1 to i32
      %add3A_311 = arith.addi %add3A_306, %convert_element_type3A_310 : i32
      %slice3A_312 = vector.extract_strided_slice %get3A_4 {offsets = [8], sizes = [1], strides = [1]} : vector<16xi32> to vector<1xi32>
      %squeeze3A_313 = vector.extract %slice3A_312[0] : i32 from vector<1xi32>
      %le3A_314 = arith.cmpi sle, %squeeze3A_313, %sub3A_271 : i32
      %convert_element_type3A_315 = arith.extui %le3A_314 : i1 to i32
      %add3A_316 = arith.addi %add3A_311, %convert_element_type3A_315 : i32
      %slice3A_317 = vector.extract_strided_slice %get3A_4 {offsets = [9], sizes = [1], strides = [1]} : vector<16xi32> to vector<1xi32>
      %squeeze3A_318 = vector.extract %slice3A_317[0] : i32 from vector<1xi32>
      %le3A_319 = arith.cmpi sle, %squeeze3A_318, %sub3A_271 : i32
      %convert_element_type3A_320 = arith.extui %le3A_319 : i1 to i32
      %add3A_321 = arith.addi %add3A_316, %convert_element_type3A_320 : i32
      %slice3A_322 = vector.extract_strided_slice %get3A_4 {offsets = [10], sizes = [1], strides = [1]} : vector<16xi32> to vector<1xi32>
      %squeeze3A_323 = vector.extract %slice3A_322[0] : i32 from vector<1xi32>
      %le3A_324 = arith.cmpi sle, %squeeze3A_323, %sub3A_271 : i32
      %convert_element_type3A_325 = arith.extui %le3A_324 : i1 to i32
      %add3A_326 = arith.addi %add3A_321, %convert_element_type3A_325 : i32
      %slice3A_327 = vector.extract_strided_slice %get3A_4 {offsets = [11], sizes = [1], strides = [1]} : vector<16xi32> to vector<1xi32>
      %squeeze3A_328 = vector.extract %slice3A_327[0] : i32 from vector<1xi32>
      %le3A_329 = arith.cmpi sle, %squeeze3A_328, %sub3A_271 : i32
      %convert_element_type3A_330 = arith.extui %le3A_329 : i1 to i32
      %add3A_331 = arith.addi %add3A_326, %convert_element_type3A_330 : i32
      %slice3A_332 = vector.extract_strided_slice %get3A_4 {offsets = [12], sizes = [1], strides = [1]} : vector<16xi32> to vector<1xi32>
      %squeeze3A_333 = vector.extract %slice3A_332[0] : i32 from vector<1xi32>
      %le3A_334 = arith.cmpi sle, %squeeze3A_333, %sub3A_271 : i32
      %convert_element_type3A_335 = arith.extui %le3A_334 : i1 to i32
      %add3A_336 = arith.addi %add3A_331, %convert_element_type3A_335 : i32
      %slice3A_337 = vector.extract_strided_slice %get3A_4 {offsets = [13], sizes = [1], strides = [1]} : vector<16xi32> to vector<1xi32>
      %squeeze3A_338 = vector.extract %slice3A_337[0] : i32 from vector<1xi32>
      %le3A_339 = arith.cmpi sle, %squeeze3A_338, %sub3A_271 : i32
      %convert_element_type3A_340 = arith.extui %le3A_339 : i1 to i32
      %add3A_341 = arith.addi %add3A_336, %convert_element_type3A_340 : i32
      %slice3A_342 = vector.extract_strided_slice %get3A_4 {offsets = [14], sizes = [1], strides = [1]} : vector<16xi32> to vector<1xi32>
      %squeeze3A_343 = vector.extract %slice3A_342[0] : i32 from vector<1xi32>
      %le3A_344 = arith.cmpi sle, %squeeze3A_343, %sub3A_271 : i32
      %convert_element_type3A_345 = arith.extui %le3A_344 : i1 to i32
      %add3A_346 = arith.addi %add3A_341, %convert_element_type3A_345 : i32
      %slice3A_347 = vector.extract_strided_slice %get3A_4 {offsets = [15], sizes = [1], strides = [1]} : vector<16xi32> to vector<1xi32>
      %squeeze3A_348 = vector.extract %slice3A_347[0] : i32 from vector<1xi32>
      %le3A_349 = arith.cmpi sle, %squeeze3A_348, %sub3A_271 : i32
      %convert_element_type3A_350 = arith.extui %le3A_349 : i1 to i32
      %add3A_351 = arith.addi %add3A_346, %convert_element_type3A_350 : i32
      %while3A_352 = arith.subi %add3A_351, %while3A_215 : i32
      %while3A_353 = arith.addi %while3A_215, %while3A_352 : i32
      %while3A_354 = arith.constant 1 : i32
      %while3A_355 = arith.divsi %while3A_352, %while3A_354 : i32
      %while3A_356 = arith.muli %while3A_355, %while3A_354 : i32
      %while3A_357 = arith.addi %while3A_215, %while3A_356 : i32
      %while3A_358 = arith.constant 1 : i32
      %while3A_359:16 = scf.for %while3A_533 = %while3A_215 to %while3A_357 step %while3A_358 iter_args(%while3A_534 = %while3A_216, %while3A_535 = %while3A_217, %while3A_536 = %while3A_218, %while3A_537 = %while3A_219, %while3A_538 = %while3A_220, %while3A_539 = %while3A_221, %while3A_540 = %while3A_222, %while3A_541 = %while3A_223, %while3A_542 = %while3A_224, %while3A_543 = %while3A_225, %while3A_544 = %while3A_226, %while3A_545 = %while3A_227, %while3A_546 = %while3A_228, %while3A_547 = %while3A_229, %while3A_548 = %while3A_230, %while3A_549 = %while3A_231) -> (vector<16xf32>, vector<16xf32>, vector<16xf32>, vector<16xf32>, vector<16xf32>, vector<16xf32>, vector<16xf32>, vector<16xf32>, vector<16xf32>, vector<16xf32>, vector<16xf32>, vector<16xf32>, vector<16xf32>, vector<16xf32>, vector<16xf32>, vector<16xf32>)  : i32 {
        %get3A_550 = arith.index_cast %while3A_533 : i32 to index
        %get3A_551 = tpu.vector_load %arg5[%get3A_550] {strides = array<i32>} : memref<32xi32, #tpu.memory_space<vmem>>, vector<16xi32>,
        %get3A_552 = vector.shape_cast %get3A_551 : vector<16xi32> to vector<16xi32>
        %slice3A_553 = vector.extract_strided_slice %get3A_552 {offsets = [0], sizes = [1], strides = [1]} : vector<16xi32> to vector<1xi32>
        %squeeze3A_554 = vector.extract %slice3A_553[0] : i32 from vector<1xi32>
        %max3A_555 = arith.maxsi %squeeze3A_554, %min3A_262 : i32
        %slice3A_556 = vector.extract_strided_slice %get3A_552 {offsets = [1], sizes = [1], strides = [1]} : vector<16xi32> to vector<1xi32>
        %squeeze3A_557 = vector.extract %slice3A_556[0] : i32 from vector<1xi32>
        %min3A_558 = arith.minsi %squeeze3A_557, %max3A_269 : i32
        %while3A_559 = arith.subi %min3A_558, %max3A_555 : i32
        %while3A_560 = arith.addi %max3A_555, %while3A_559 : i32
        %while3A_561 = arith.constant 1 : i32
        %while3A_562 = arith.divsi %while3A_559, %while3A_561 : i32
        %while3A_563 = arith.muli %while3A_562, %while3A_561 : i32
        %while3A_564 = arith.addi %max3A_555, %while3A_563 : i32
        %while3A_565 = arith.constant 1 : i32
        %while3A_566:16 = scf.for %while3A_669 = %max3A_555 to %while3A_564 step %while3A_565 iter_args(%while3A_670 = %while3A_534, %while3A_671 = %while3A_535, %while3A_672 = %while3A_536, %while3A_673 = %while3A_537, %while3A_674 = %while3A_538, %while3A_675 = %while3A_539, %while3A_676 = %while3A_540, %while3A_677 = %while3A_541, %while3A_678 = %while3A_542, %while3A_679 = %while3A_543, %while3A_680 = %while3A_544, %while3A_681 = %while3A_545, %while3A_682 = %while3A_546, %while3A_683 = %while3A_547, %while3A_684 = %while3A_548, %while3A_685 = %while3A_549) -> (vector<16xf32>, vector<16xf32>, vector<16xf32>, vector<16xf32>, vector<16xf32>, vector<16xf32>, vector<16xf32>, vector<16xf32>, vector<16xf32>, vector<16xf32>, vector<16xf32>, vector<16xf32>, vector<16xf32>, vector<16xf32>, vector<16xf32>, vector<16xf32>)  : i32 {
          %sub3A_686 = arith.subi %while3A_669, %min3A_257 : i32
          %get3A_687 = arith.index_cast %sub3A_686 : i32 to index
          %get3A_688 = arith.constant 0 : index
          %get3A_689 = tpu.vector_load %arg6[%get3A_687, %get3A_688] {strides = array<i32>} : memref<488x128xf32, #tpu.memory_space<vmem>>, vector<1x16xf32>,
          %get3A_690 = vector.shape_cast %get3A_689 : vector<1x16xf32> to vector<16xf32>
          %get3A_691 = arith.index_cast %sub3A_686 : i32 to index
          %get3A_692 = arith.constant 16 : index
          %get3A_693 = tpu.vector_load %arg6[%get3A_691, %get3A_692] {strides = array<i32>} : memref<488x128xf32, #tpu.memory_space<vmem>>, vector<1x16xf32>,
          %get3A_694 = vector.shape_cast %get3A_693 : vector<1x16xf32> to vector<16xf32>
          %get3A_695 = arith.index_cast %sub3A_686 : i32 to index
          %get3A_696 = arith.constant 32 : index
          %get3A_697 = tpu.vector_load %arg6[%get3A_695, %get3A_696] {strides = array<i32>} : memref<488x128xf32, #tpu.memory_space<vmem>>, vector<1x16xf32>,
          %get3A_698 = vector.shape_cast %get3A_697 : vector<1x16xf32> to vector<16xf32>
          %get3A_699 = arith.index_cast %sub3A_686 : i32 to index
          %get3A_700 = arith.constant 48 : index
          %get3A_701 = tpu.vector_load %arg6[%get3A_699, %get3A_700] {strides = array<i32>} : memref<488x128xf32, #tpu.memory_space<vmem>>, vector<1x16xf32>,
          %get3A_702 = vector.shape_cast %get3A_701 : vector<1x16xf32> to vector<16xf32>
          %get3A_703 = arith.index_cast %sub3A_686 : i32 to index
          %get3A_704 = arith.constant 64 : index
          %get3A_705 = tpu.vector_load %arg6[%get3A_703, %get3A_704] {strides = array<i32>} : memref<488x128xf32, #tpu.memory_space<vmem>>, vector<1x16xf32>,
          %get3A_706 = vector.shape_cast %get3A_705 : vector<1x16xf32> to vector<16xf32>
          %get3A_707 = arith.index_cast %sub3A_686 : i32 to index
          %get3A_708 = arith.constant 80 : index
          %get3A_709 = tpu.vector_load %arg6[%get3A_707, %get3A_708] {strides = array<i32>} : memref<488x128xf32, #tpu.memory_space<vmem>>, vector<1x16xf32>,
          %get3A_710 = vector.shape_cast %get3A_709 : vector<1x16xf32> to vector<16xf32>
          %get3A_711 = arith.index_cast %sub3A_686 : i32 to index
          %get3A_712 = arith.constant 96 : index
          %get3A_713 = tpu.vector_load %arg6[%get3A_711, %get3A_712] {strides = array<i32>} : memref<488x128xf32, #tpu.memory_space<vmem>>, vector<1x16xf32>,
          %get3A_714 = vector.shape_cast %get3A_713 : vector<1x16xf32> to vector<16xf32>
          %get3A_715 = arith.index_cast %sub3A_686 : i32 to index
          %get3A_716 = arith.constant 112 : index
          %get3A_717 = tpu.vector_load %arg6[%get3A_715, %get3A_716] {strides = array<i32>} : memref<488x128xf32, #tpu.memory_space<vmem>>, vector<1x16xf32>,
          %get3A_718 = vector.shape_cast %get3A_717 : vector<1x16xf32> to vector<16xf32>
          %add3A_719 = arith.addf %while3A_670, %get3A_690 : vector<16xf32>
          %add3A_720 = arith.addf %while3A_671, %get3A_694 : vector<16xf32>
          %add3A_721 = arith.addf %while3A_672, %get3A_698 : vector<16xf32>
          %add3A_722 = arith.addf %while3A_673, %get3A_702 : vector<16xf32>
          %add3A_723 = arith.addf %while3A_674, %get3A_706 : vector<16xf32>
          %add3A_724 = arith.addf %while3A_675, %get3A_710 : vector<16xf32>
          %add3A_725 = arith.addf %while3A_676, %get3A_714 : vector<16xf32>
          %add3A_726 = arith.addf %while3A_677, %get3A_718 : vector<16xf32>
          %max3A_727 = arith.maximumf %while3A_678, %get3A_690 : vector<16xf32>
          %max3A_728 = arith.maximumf %while3A_679, %get3A_694 : vector<16xf32>
          %max3A_729 = arith.maximumf %while3A_680, %get3A_698 : vector<16xf32>
          %max3A_730 = arith.maximumf %while3A_681, %get3A_702 : vector<16xf32>
          %max3A_731 = arith.maximumf %while3A_682, %get3A_706 : vector<16xf32>
          %max3A_732 = arith.maximumf %while3A_683, %get3A_710 : vector<16xf32>
          %max3A_733 = arith.maximumf %while3A_684, %get3A_714 : vector<16xf32>
          %max3A_734 = arith.maximumf %while3A_685, %get3A_718 : vector<16xf32>
          scf.yield %add3A_719, %add3A_720, %add3A_721, %add3A_722, %add3A_723, %add3A_724, %add3A_725, %add3A_726, %max3A_727, %max3A_728, %max3A_729, %max3A_730, %max3A_731, %max3A_732, %max3A_733, %max3A_734 : vector<16xf32>, vector<16xf32>, vector<16xf32>, vector<16xf32>, vector<16xf32>, vector<16xf32>, vector<16xf32>, vector<16xf32>, vector<16xf32>, vector<16xf32>, vector<16xf32>, vector<16xf32>, vector<16xf32>, vector<16xf32>, vector<16xf32>, vector<16xf32>
        }
        %while3A_567 = arith.constant 1 : i32
        %while3A_568:16 = scf.for %while3A_669 = %while3A_564 to %while3A_560 step %while3A_567 iter_args(%while3A_670 = %while3A_566#0, %while3A_671 = %while3A_566#1, %while3A_672 = %while3A_566#2, %while3A_673 = %while3A_566#3, %while3A_674 = %while3A_566#4, %while3A_675 = %while3A_566#5, %while3A_676 = %while3A_566#6, %while3A_677 = %while3A_566#7, %while3A_678 = %while3A_566#8, %while3A_679 = %while3A_566#9, %while3A_680 = %while3A_566#10, %while3A_681 = %while3A_566#11, %while3A_682 = %while3A_566#12, %while3A_683 = %while3A_566#13, %while3A_684 = %while3A_566#14, %while3A_685 = %while3A_566#15) -> (vector<16xf32>, vector<16xf32>, vector<16xf32>, vector<16xf32>, vector<16xf32>, vector<16xf32>, vector<16xf32>, vector<16xf32>, vector<16xf32>, vector<16xf32>, vector<16xf32>, vector<16xf32>, vector<16xf32>, vector<16xf32>, vector<16xf32>, vector<16xf32>)  : i32 {
          %sub3A_686 = arith.subi %while3A_669, %min3A_257 : i32
          %get3A_687 = arith.index_cast %sub3A_686 : i32 to index
          %get3A_688 = arith.constant 0 : index
          %get3A_689 = tpu.vector_load %arg6[%get3A_687, %get3A_688] {strides = array<i32>} : memref<488x128xf32, #tpu.memory_space<vmem>>, vector<1x16xf32>,
          %get3A_690 = vector.shape_cast %get3A_689 : vector<1x16xf32> to vector<16xf32>
          %get3A_691 = arith.index_cast %sub3A_686 : i32 to index
          %get3A_692 = arith.constant 16 : index
          %get3A_693 = tpu.vector_load %arg6[%get3A_691, %get3A_692] {strides = array<i32>} : memref<488x128xf32, #tpu.memory_space<vmem>>, vector<1x16xf32>,
          %get3A_694 = vector.shape_cast %get3A_693 : vector<1x16xf32> to vector<16xf32>
          %get3A_695 = arith.index_cast %sub3A_686 : i32 to index
          %get3A_696 = arith.constant 32 : index
          %get3A_697 = tpu.vector_load %arg6[%get3A_695, %get3A_696] {strides = array<i32>} : memref<488x128xf32, #tpu.memory_space<vmem>>, vector<1x16xf32>,
          %get3A_698 = vector.shape_cast %get3A_697 : vector<1x16xf32> to vector<16xf32>
          %get3A_699 = arith.index_cast %sub3A_686 : i32 to index
          %get3A_700 = arith.constant 48 : index
          %get3A_701 = tpu.vector_load %arg6[%get3A_699, %get3A_700] {strides = array<i32>} : memref<488x128xf32, #tpu.memory_space<vmem>>, vector<1x16xf32>,
          %get3A_702 = vector.shape_cast %get3A_701 : vector<1x16xf32> to vector<16xf32>
          %get3A_703 = arith.index_cast %sub3A_686 : i32 to index
          %get3A_704 = arith.constant 64 : index
          %get3A_705 = tpu.vector_load %arg6[%get3A_703, %get3A_704] {strides = array<i32>} : memref<488x128xf32, #tpu.memory_space<vmem>>, vector<1x16xf32>,
          %get3A_706 = vector.shape_cast %get3A_705 : vector<1x16xf32> to vector<16xf32>
          %get3A_707 = arith.index_cast %sub3A_686 : i32 to index
          %get3A_708 = arith.constant 80 : index
          %get3A_709 = tpu.vector_load %arg6[%get3A_707, %get3A_708] {strides = array<i32>} : memref<488x128xf32, #tpu.memory_space<vmem>>, vector<1x16xf32>,
          %get3A_710 = vector.shape_cast %get3A_709 : vector<1x16xf32> to vector<16xf32>
          %get3A_711 = arith.index_cast %sub3A_686 : i32 to index
          %get3A_712 = arith.constant 96 : index
          %get3A_713 = tpu.vector_load %arg6[%get3A_711, %get3A_712] {strides = array<i32>} : memref<488x128xf32, #tpu.memory_space<vmem>>, vector<1x16xf32>,
          %get3A_714 = vector.shape_cast %get3A_713 : vector<1x16xf32> to vector<16xf32>
          %get3A_715 = arith.index_cast %sub3A_686 : i32 to index
          %get3A_716 = arith.constant 112 : index
          %get3A_717 = tpu.vector_load %arg6[%get3A_715, %get3A_716] {strides = array<i32>} : memref<488x128xf32, #tpu.memory_space<vmem>>, vector<1x16xf32>,
          %get3A_718 = vector.shape_cast %get3A_717 : vector<1x16xf32> to vector<16xf32>
          %add3A_719 = arith.addf %while3A_670, %get3A_690 : vector<16xf32>
          %add3A_720 = arith.addf %while3A_671, %get3A_694 : vector<16xf32>
          %add3A_721 = arith.addf %while3A_672, %get3A_698 : vector<16xf32>
          %add3A_722 = arith.addf %while3A_673, %get3A_702 : vector<16xf32>
          %add3A_723 = arith.addf %while3A_674, %get3A_706 : vector<16xf32>
          %add3A_724 = arith.addf %while3A_675, %get3A_710 : vector<16xf32>
          %add3A_725 = arith.addf %while3A_676, %get3A_714 : vector<16xf32>
          %add3A_726 = arith.addf %while3A_677, %get3A_718 : vector<16xf32>
          %max3A_727 = arith.maximumf %while3A_678, %get3A_690 : vector<16xf32>
          %max3A_728 = arith.maximumf %while3A_679, %get3A_694 : vector<16xf32>
          %max3A_729 = arith.maximumf %while3A_680, %get3A_698 : vector<16xf32>
          %max3A_730 = arith.maximumf %while3A_681, %get3A_702 : vector<16xf32>
          %max3A_731 = arith.maximumf %while3A_682, %get3A_706 : vector<16xf32>
          %max3A_732 = arith.maximumf %while3A_683, %get3A_710 : vector<16xf32>
          %max3A_733 = arith.maximumf %while3A_684, %get3A_714 : vector<16xf32>
          %max3A_734 = arith.maximumf %while3A_685, %get3A_718 : vector<16xf32>
          scf.yield %add3A_719, %add3A_720, %add3A_721, %add3A_722, %add3A_723, %add3A_724, %add3A_725, %add3A_726, %max3A_727, %max3A_728, %max3A_729, %max3A_730, %max3A_731, %max3A_732, %max3A_733, %max3A_734 : vector<16xf32>, vector<16xf32>, vector<16xf32>, vector<16xf32>, vector<16xf32>, vector<16xf32>, vector<16xf32>, vector<16xf32>, vector<16xf32>, vector<16xf32>, vector<16xf32>, vector<16xf32>, vector<16xf32>, vector<16xf32>, vector<16xf32>, vector<16xf32>
        }
        %slice3A_569 = vector.extract_strided_slice %get3A_552 {offsets = [1], sizes = [1], strides = [1]} : vector<16xi32> to vector<1xi32>
        %squeeze3A_570 = vector.extract %slice3A_569[0] : i32 from vector<1xi32>
        %slice3A_571 = vector.extract_strided_slice %get3A_552 {offsets = [0], sizes = [1], strides = [1]} : vector<16xi32> to vector<1xi32>
        %squeeze3A_572 = vector.extract %slice3A_571[0] : i32 from vector<1xi32>
        %sub3A_573 = arith.subi %squeeze3A_570, %squeeze3A_572 : i32
        %convert_element_type3A_574 = arith.sitofp %sub3A_573 : i32 to f32
        %max3A_575 = arith.constant 1.000000e+00 : f32
        %max3A_576 = arith.maximumf %convert_element_type3A_574, %max3A_575 : f32
        %broadcast_in_dim3A_577 = vector.broadcast %max3A_576 : f32 to vector<16xf32>
        %div3A_578 = arith.constant 1.000000e+00 : f32
        %div3A_579 = vector.broadcast %div3A_578 : f32 to vector<16xf32>
        %div3A_580 = arith.divf %div3A_579, %broadcast_in_dim3A_577 : vector<16xf32>
        %mul3A_581 = arith.mulf %while3A_568#0, %div3A_580 : vector<16xf32>
        %swap3A_582 = arith.index_cast %while3A_533 : i32 to index
        %swap3A_583 = arith.constant 0 : index
        %swap3A_584 = tpu.vector_load %arg8[%swap3A_582, %swap3A_583] {strides = array<i32>} : memref<16x256xf32, #tpu.memory_space<vmem>>, vector<1x16xf32>,
        %swap3A_585 = vector.shape_cast %swap3A_584 : vector<1x16xf32> to vector<16xf32>
        %swap3A_586 = vector.shape_cast %mul3A_581 : vector<16xf32> to vector<1x16xf32>
        tpu.vector_store %arg8[%swap3A_582, %swap3A_583], %swap3A_586 {strides = array<i32>} : memref<16x256xf32, #tpu.memory_space<vmem>>, vector<1x16xf32>,
        %mul3A_587 = arith.mulf %while3A_568#1, %div3A_580 : vector<16xf32>
        %swap3A_588 = arith.index_cast %while3A_533 : i32 to index
        %swap3A_589 = arith.constant 16 : index
        %swap3A_590 = tpu.vector_load %arg8[%swap3A_588, %swap3A_589] {strides = array<i32>} : memref<16x256xf32, #tpu.memory_space<vmem>>, vector<1x16xf32>,
        %swap3A_591 = vector.shape_cast %swap3A_590 : vector<1x16xf32> to vector<16xf32>
        %swap3A_592 = vector.shape_cast %mul3A_587 : vector<16xf32> to vector<1x16xf32>
        tpu.vector_store %arg8[%swap3A_588, %swap3A_589], %swap3A_592 {strides = array<i32>} : memref<16x256xf32, #tpu.memory_space<vmem>>, vector<1x16xf32>,
        %mul3A_593 = arith.mulf %while3A_568#2, %div3A_580 : vector<16xf32>
        %swap3A_594 = arith.index_cast %while3A_533 : i32 to index
        %swap3A_595 = arith.constant 32 : index
        %swap3A_596 = tpu.vector_load %arg8[%swap3A_594, %swap3A_595] {strides = array<i32>} : memref<16x256xf32, #tpu.memory_space<vmem>>, vector<1x16xf32>,
        %swap3A_597 = vector.shape_cast %swap3A_596 : vector<1x16xf32> to vector<16xf32>
        %swap3A_598 = vector.shape_cast %mul3A_593 : vector<16xf32> to vector<1x16xf32>
        tpu.vector_store %arg8[%swap3A_594, %swap3A_595], %swap3A_598 {strides = array<i32>} : memref<16x256xf32, #tpu.memory_space<vmem>>, vector<1x16xf32>,
        %mul3A_599 = arith.mulf %while3A_568#3, %div3A_580 : vector<16xf32>
        %swap3A_600 = arith.index_cast %while3A_533 : i32 to index
        %swap3A_601 = arith.constant 48 : index
        %swap3A_602 = tpu.vector_load %arg8[%swap3A_600, %swap3A_601] {strides = array<i32>} : memref<16x256xf32, #tpu.memory_space<vmem>>, vector<1x16xf32>,
        %swap3A_603 = vector.shape_cast %swap3A_602 : vector<1x16xf32> to vector<16xf32>
        %swap3A_604 = vector.shape_cast %mul3A_599 : vector<16xf32> to vector<1x16xf32>
        tpu.vector_store %arg8[%swap3A_600, %swap3A_601], %swap3A_604 {strides = array<i32>} : memref<16x256xf32, #tpu.memory_space<vmem>>, vector<1x16xf32>,
        %mul3A_605 = arith.mulf %while3A_568#4, %div3A_580 : vector<16xf32>
        %swap3A_606 = arith.index_cast %while3A_533 : i32 to index
        %swap3A_607 = arith.constant 64 : index
        %swap3A_608 = tpu.vector_load %arg8[%swap3A_606, %swap3A_607] {strides = array<i32>} : memref<16x256xf32, #tpu.memory_space<vmem>>, vector<1x16xf32>,
        %swap3A_609 = vector.shape_cast %swap3A_608 : vector<1x16xf32> to vector<16xf32>
        %swap3A_610 = vector.shape_cast %mul3A_605 : vector<16xf32> to vector<1x16xf32>
        tpu.vector_store %arg8[%swap3A_606, %swap3A_607], %swap3A_610 {strides = array<i32>} : memref<16x256xf32, #tpu.memory_space<vmem>>, vector<1x16xf32>,
        %mul3A_611 = arith.mulf %while3A_568#5, %div3A_580 : vector<16xf32>
        %swap3A_612 = arith.index_cast %while3A_533 : i32 to index
        %swap3A_613 = arith.constant 80 : index
        %swap3A_614 = tpu.vector_load %arg8[%swap3A_612, %swap3A_613] {strides = array<i32>} : memref<16x256xf32, #tpu.memory_space<vmem>>, vector<1x16xf32>,
        %swap3A_615 = vector.shape_cast %swap3A_614 : vector<1x16xf32> to vector<16xf32>
        %swap3A_616 = vector.shape_cast %mul3A_611 : vector<16xf32> to vector<1x16xf32>
        tpu.vector_store %arg8[%swap3A_612, %swap3A_613], %swap3A_616 {strides = array<i32>} : memref<16x256xf32, #tpu.memory_space<vmem>>, vector<1x16xf32>,
        %mul3A_617 = arith.mulf %while3A_568#6, %div3A_580 : vector<16xf32>
        %swap3A_618 = arith.index_cast %while3A_533 : i32 to index
        %swap3A_619 = arith.constant 96 : index
        %swap3A_620 = tpu.vector_load %arg8[%swap3A_618, %swap3A_619] {strides = array<i32>} : memref<16x256xf32, #tpu.memory_space<vmem>>, vector<1x16xf32>,
        %swap3A_621 = vector.shape_cast %swap3A_620 : vector<1x16xf32> to vector<16xf32>
        %swap3A_622 = vector.shape_cast %mul3A_617 : vector<16xf32> to vector<1x16xf32>
        tpu.vector_store %arg8[%swap3A_618, %swap3A_619], %swap3A_622 {strides = array<i32>} : memref<16x256xf32, #tpu.memory_space<vmem>>, vector<1x16xf32>,
        %mul3A_623 = arith.mulf %while3A_568#7, %div3A_580 : vector<16xf32>
        %swap3A_624 = arith.index_cast %while3A_533 : i32 to index
        %swap3A_625 = arith.constant 112 : index
        %swap3A_626 = tpu.vector_load %arg8[%swap3A_624, %swap3A_625] {strides = array<i32>} : memref<16x256xf32, #tpu.memory_space<vmem>>, vector<1x16xf32>,
        %swap3A_627 = vector.shape_cast %swap3A_626 : vector<1x16xf32> to vector<16xf32>
        %swap3A_628 = vector.shape_cast %mul3A_623 : vector<16xf32> to vector<1x16xf32>
        tpu.vector_store %arg8[%swap3A_624, %swap3A_625], %swap3A_628 {strides = array<i32>} : memref<16x256xf32, #tpu.memory_space<vmem>>, vector<1x16xf32>,
        %swap3A_629 = arith.index_cast %while3A_533 : i32 to index
        %swap3A_630 = arith.constant 128 : index
        %swap3A_631 = tpu.vector_load %arg8[%swap3A_629, %swap3A_630] {strides = array<i32>} : memref<16x256xf32, #tpu.memory_space<vmem>>, vector<1x16xf32>,
        %swap3A_632 = vector.shape_cast %swap3A_631 : vector<1x16xf32> to vector<16xf32>
        %swap3A_633 = vector.shape_cast %while3A_568#8 : vector<16xf32> to vector<1x16xf32>
        tpu.vector_store %arg8[%swap3A_629, %swap3A_630], %swap3A_633 {strides = array<i32>} : memref<16x256xf32, #tpu.memory_space<vmem>>, vector<1x16xf32>,
        %swap3A_634 = arith.index_cast %while3A_533 : i32 to index
        %swap3A_635 = arith.constant 144 : index
        %swap3A_636 = tpu.vector_load %arg8[%swap3A_634, %swap3A_635] {strides = array<i32>} : memref<16x256xf32, #tpu.memory_space<vmem>>, vector<1x16xf32>,
        %swap3A_637 = vector.shape_cast %swap3A_636 : vector<1x16xf32> to vector<16xf32>
        %swap3A_638 = vector.shape_cast %while3A_568#9 : vector<16xf32> to vector<1x16xf32>
        tpu.vector_store %arg8[%swap3A_634, %swap3A_635], %swap3A_638 {strides = array<i32>} : memref<16x256xf32, #tpu.memory_space<vmem>>, vector<1x16xf32>,
        %swap3A_639 = arith.index_cast %while3A_533 : i32 to index
        %swap3A_640 = arith.constant 160 : index
        %swap3A_641 = tpu.vector_load %arg8[%swap3A_639, %swap3A_640] {strides = array<i32>} : memref<16x256xf32, #tpu.memory_space<vmem>>, vector<1x16xf32>,
        %swap3A_642 = vector.shape_cast %swap3A_641 : vector<1x16xf32> to vector<16xf32>
        %swap3A_643 = vector.shape_cast %while3A_568#10 : vector<16xf32> to vector<1x16xf32>
        tpu.vector_store %arg8[%swap3A_639, %swap3A_640], %swap3A_643 {strides = array<i32>} : memref<16x256xf32, #tpu.memory_space<vmem>>, vector<1x16xf32>,
        %swap3A_644 = arith.index_cast %while3A_533 : i32 to index
        %swap3A_645 = arith.constant 176 : index
        %swap3A_646 = tpu.vector_load %arg8[%swap3A_644, %swap3A_645] {strides = array<i32>} : memref<16x256xf32, #tpu.memory_space<vmem>>, vector<1x16xf32>,
        %swap3A_647 = vector.shape_cast %swap3A_646 : vector<1x16xf32> to vector<16xf32>
        %swap3A_648 = vector.shape_cast %while3A_568#11 : vector<16xf32> to vector<1x16xf32>
        tpu.vector_store %arg8[%swap3A_644, %swap3A_645], %swap3A_648 {strides = array<i32>} : memref<16x256xf32, #tpu.memory_space<vmem>>, vector<1x16xf32>,
        %swap3A_649 = arith.index_cast %while3A_533 : i32 to index
        %swap3A_650 = arith.constant 192 : index
        %swap3A_651 = tpu.vector_load %arg8[%swap3A_649, %swap3A_650] {strides = array<i32>} : memref<16x256xf32, #tpu.memory_space<vmem>>, vector<1x16xf32>,
        %swap3A_652 = vector.shape_cast %swap3A_651 : vector<1x16xf32> to vector<16xf32>
        %swap3A_653 = vector.shape_cast %while3A_568#12 : vector<16xf32> to vector<1x16xf32>
        tpu.vector_store %arg8[%swap3A_649, %swap3A_650], %swap3A_653 {strides = array<i32>} : memref<16x256xf32, #tpu.memory_space<vmem>>, vector<1x16xf32>,
        %swap3A_654 = arith.index_cast %while3A_533 : i32 to index
        %swap3A_655 = arith.constant 208 : index
        %swap3A_656 = tpu.vector_load %arg8[%swap3A_654, %swap3A_655] {strides = array<i32>} : memref<16x256xf32, #tpu.memory_space<vmem>>, vector<1x16xf32>,
        %swap3A_657 = vector.shape_cast %swap3A_656 : vector<1x16xf32> to vector<16xf32>
        %swap3A_658 = vector.shape_cast %while3A_568#13 : vector<16xf32> to vector<1x16xf32>
        tpu.vector_store %arg8[%swap3A_654, %swap3A_655], %swap3A_658 {strides = array<i32>} : memref<16x256xf32, #tpu.memory_space<vmem>>, vector<1x16xf32>,
        %swap3A_659 = arith.index_cast %while3A_533 : i32 to index
        %swap3A_660 = arith.constant 224 : index
        %swap3A_661 = tpu.vector_load %arg8[%swap3A_659, %swap3A_660] {strides = array<i32>} : memref<16x256xf32, #tpu.memory_space<vmem>>, vector<1x16xf32>,
        %swap3A_662 = vector.shape_cast %swap3A_661 : vector<1x16xf32> to vector<16xf32>
        %swap3A_663 = vector.shape_cast %while3A_568#14 : vector<16xf32> to vector<1x16xf32>
        tpu.vector_store %arg8[%swap3A_659, %swap3A_660], %swap3A_663 {strides = array<i32>} : memref<16x256xf32, #tpu.memory_space<vmem>>, vector<1x16xf32>,
        %swap3A_664 = arith.index_cast %while3A_533 : i32 to index
        %swap3A_665 = arith.constant 240 : index
        %swap3A_666 = tpu.vector_load %arg8[%swap3A_664, %swap3A_665] {strides = array<i32>} : memref<16x256xf32, #tpu.memory_space<vmem>>, vector<1x16xf32>,
        %swap3A_667 = vector.shape_cast %swap3A_666 : vector<1x16xf32> to vector<16xf32>
        %swap3A_668 = vector.shape_cast %while3A_568#15 : vector<16xf32> to vector<1x16xf32>
        tpu.vector_store %arg8[%swap3A_664, %swap3A_665], %swap3A_668 {strides = array<i32>} : memref<16x256xf32, #tpu.memory_space<vmem>>, vector<1x16xf32>,
        scf.yield %broadcast_in_dim3A_57, %broadcast_in_dim3A_57, %broadcast_in_dim3A_57, %broadcast_in_dim3A_57, %broadcast_in_dim3A_57, %broadcast_in_dim3A_57, %broadcast_in_dim3A_57, %broadcast_in_dim3A_57, %broadcast_in_dim3A_59, %broadcast_in_dim3A_59, %broadcast_in_dim3A_59, %broadcast_in_dim3A_59, %broadcast_in_dim3A_59, %broadcast_in_dim3A_59, %broadcast_in_dim3A_59, %broadcast_in_dim3A_59 : vector<16xf32>, vector<16xf32>, vector<16xf32>, vector<16xf32>, vector<16xf32>, vector<16xf32>, vector<16xf32>, vector<16xf32>, vector<16xf32>, vector<16xf32>, vector<16xf32>, vector<16xf32>, vector<16xf32>, vector<16xf32>, vector<16xf32>, vector<16xf32>
      }
      %while3A_360 = arith.constant 1 : i32
      %while3A_361:16 = scf.for %while3A_533 = %while3A_357 to %while3A_353 step %while3A_360 iter_args(%while3A_534 = %while3A_359#0, %while3A_535 = %while3A_359#1, %while3A_536 = %while3A_359#2, %while3A_537 = %while3A_359#3, %while3A_538 = %while3A_359#4, %while3A_539 = %while3A_359#5, %while3A_540 = %while3A_359#6, %while3A_541 = %while3A_359#7, %while3A_542 = %while3A_359#8, %while3A_543 = %while3A_359#9, %while3A_544 = %while3A_359#10, %while3A_545 = %while3A_359#11, %while3A_546 = %while3A_359#12, %while3A_547 = %while3A_359#13, %while3A_548 = %while3A_359#14, %while3A_549 = %while3A_359#15) -> (vector<16xf32>, vector<16xf32>, vector<16xf32>, vector<16xf32>, vector<16xf32>, vector<16xf32>, vector<16xf32>, vector<16xf32>, vector<16xf32>, vector<16xf32>, vector<16xf32>, vector<16xf32>, vector<16xf32>, vector<16xf32>, vector<16xf32>, vector<16xf32>)  : i32 {
        %get3A_550 = arith.index_cast %while3A_533 : i32 to index
        %get3A_551 = tpu.vector_load %arg5[%get3A_550] {strides = array<i32>} : memref<32xi32, #tpu.memory_space<vmem>>, vector<16xi32>,
        %get3A_552 = vector.shape_cast %get3A_551 : vector<16xi32> to vector<16xi32>
        %slice3A_553 = vector.extract_strided_slice %get3A_552 {offsets = [0], sizes = [1], strides = [1]} : vector<16xi32> to vector<1xi32>
        %squeeze3A_554 = vector.extract %slice3A_553[0] : i32 from vector<1xi32>
        %max3A_555 = arith.maxsi %squeeze3A_554, %min3A_262 : i32
        %slice3A_556 = vector.extract_strided_slice %get3A_552 {offsets = [1], sizes = [1], strides = [1]} : vector<16xi32> to vector<1xi32>
        %squeeze3A_557 = vector.extract %slice3A_556[0] : i32 from vector<1xi32>
        %min3A_558 = arith.minsi %squeeze3A_557, %max3A_269 : i32
        %while3A_559 = arith.subi %min3A_558, %max3A_555 : i32
        %while3A_560 = arith.addi %max3A_555, %while3A_559 : i32
        %while3A_561 = arith.constant 1 : i32
        %while3A_562 = arith.divsi %while3A_559, %while3A_561 : i32
        %while3A_563 = arith.muli %while3A_562, %while3A_561 : i32
        %while3A_564 = arith.addi %max3A_555, %while3A_563 : i32
        %while3A_565 = arith.constant 1 : i32
        %while3A_566:16 = scf.for %while3A_669 = %max3A_555 to %while3A_564 step %while3A_565 iter_args(%while3A_670 = %while3A_534, %while3A_671 = %while3A_535, %while3A_672 = %while3A_536, %while3A_673 = %while3A_537, %while3A_674 = %while3A_538, %while3A_675 = %while3A_539, %while3A_676 = %while3A_540, %while3A_677 = %while3A_541, %while3A_678 = %while3A_542, %while3A_679 = %while3A_543, %while3A_680 = %while3A_544, %while3A_681 = %while3A_545, %while3A_682 = %while3A_546, %while3A_683 = %while3A_547, %while3A_684 = %while3A_548, %while3A_685 = %while3A_549) -> (vector<16xf32>, vector<16xf32>, vector<16xf32>, vector<16xf32>, vector<16xf32>, vector<16xf32>, vector<16xf32>, vector<16xf32>, vector<16xf32>, vector<16xf32>, vector<16xf32>, vector<16xf32>, vector<16xf32>, vector<16xf32>, vector<16xf32>, vector<16xf32>)  : i32 {
          %sub3A_686 = arith.subi %while3A_669, %min3A_257 : i32
          %get3A_687 = arith.index_cast %sub3A_686 : i32 to index
          %get3A_688 = arith.constant 0 : index
          %get3A_689 = tpu.vector_load %arg6[%get3A_687, %get3A_688] {strides = array<i32>} : memref<488x128xf32, #tpu.memory_space<vmem>>, vector<1x16xf32>,
          %get3A_690 = vector.shape_cast %get3A_689 : vector<1x16xf32> to vector<16xf32>
          %get3A_691 = arith.index_cast %sub3A_686 : i32 to index
          %get3A_692 = arith.constant 16 : index
          %get3A_693 = tpu.vector_load %arg6[%get3A_691, %get3A_692] {strides = array<i32>} : memref<488x128xf32, #tpu.memory_space<vmem>>, vector<1x16xf32>,
          %get3A_694 = vector.shape_cast %get3A_693 : vector<1x16xf32> to vector<16xf32>
          %get3A_695 = arith.index_cast %sub3A_686 : i32 to index
          %get3A_696 = arith.constant 32 : index
          %get3A_697 = tpu.vector_load %arg6[%get3A_695, %get3A_696] {strides = array<i32>} : memref<488x128xf32, #tpu.memory_space<vmem>>, vector<1x16xf32>,
          %get3A_698 = vector.shape_cast %get3A_697 : vector<1x16xf32> to vector<16xf32>
          %get3A_699 = arith.index_cast %sub3A_686 : i32 to index
          %get3A_700 = arith.constant 48 : index
          %get3A_701 = tpu.vector_load %arg6[%get3A_699, %get3A_700] {strides = array<i32>} : memref<488x128xf32, #tpu.memory_space<vmem>>, vector<1x16xf32>,
          %get3A_702 = vector.shape_cast %get3A_701 : vector<1x16xf32> to vector<16xf32>
          %get3A_703 = arith.index_cast %sub3A_686 : i32 to index
          %get3A_704 = arith.constant 64 : index
          %get3A_705 = tpu.vector_load %arg6[%get3A_703, %get3A_704] {strides = array<i32>} : memref<488x128xf32, #tpu.memory_space<vmem>>, vector<1x16xf32>,
          %get3A_706 = vector.shape_cast %get3A_705 : vector<1x16xf32> to vector<16xf32>
          %get3A_707 = arith.index_cast %sub3A_686 : i32 to index
          %get3A_708 = arith.constant 80 : index
          %get3A_709 = tpu.vector_load %arg6[%get3A_707, %get3A_708] {strides = array<i32>} : memref<488x128xf32, #tpu.memory_space<vmem>>, vector<1x16xf32>,
          %get3A_710 = vector.shape_cast %get3A_709 : vector<1x16xf32> to vector<16xf32>
          %get3A_711 = arith.index_cast %sub3A_686 : i32 to index
          %get3A_712 = arith.constant 96 : index
          %get3A_713 = tpu.vector_load %arg6[%get3A_711, %get3A_712] {strides = array<i32>} : memref<488x128xf32, #tpu.memory_space<vmem>>, vector<1x16xf32>,
          %get3A_714 = vector.shape_cast %get3A_713 : vector<1x16xf32> to vector<16xf32>
          %get3A_715 = arith.index_cast %sub3A_686 : i32 to index
          %get3A_716 = arith.constant 112 : index
          %get3A_717 = tpu.vector_load %arg6[%get3A_715, %get3A_716] {strides = array<i32>} : memref<488x128xf32, #tpu.memory_space<vmem>>, vector<1x16xf32>,
          %get3A_718 = vector.shape_cast %get3A_717 : vector<1x16xf32> to vector<16xf32>
          %add3A_719 = arith.addf %while3A_670, %get3A_690 : vector<16xf32>
          %add3A_720 = arith.addf %while3A_671, %get3A_694 : vector<16xf32>
          %add3A_721 = arith.addf %while3A_672, %get3A_698 : vector<16xf32>
          %add3A_722 = arith.addf %while3A_673, %get3A_702 : vector<16xf32>
          %add3A_723 = arith.addf %while3A_674, %get3A_706 : vector<16xf32>
          %add3A_724 = arith.addf %while3A_675, %get3A_710 : vector<16xf32>
          %add3A_725 = arith.addf %while3A_676, %get3A_714 : vector<16xf32>
          %add3A_726 = arith.addf %while3A_677, %get3A_718 : vector<16xf32>
          %max3A_727 = arith.maximumf %while3A_678, %get3A_690 : vector<16xf32>
          %max3A_728 = arith.maximumf %while3A_679, %get3A_694 : vector<16xf32>
          %max3A_729 = arith.maximumf %while3A_680, %get3A_698 : vector<16xf32>
          %max3A_730 = arith.maximumf %while3A_681, %get3A_702 : vector<16xf32>
          %max3A_731 = arith.maximumf %while3A_682, %get3A_706 : vector<16xf32>
          %max3A_732 = arith.maximumf %while3A_683, %get3A_710 : vector<16xf32>
          %max3A_733 = arith.maximumf %while3A_684, %get3A_714 : vector<16xf32>
          %max3A_734 = arith.maximumf %while3A_685, %get3A_718 : vector<16xf32>
          scf.yield %add3A_719, %add3A_720, %add3A_721, %add3A_722, %add3A_723, %add3A_724, %add3A_725, %add3A_726, %max3A_727, %max3A_728, %max3A_729, %max3A_730, %max3A_731, %max3A_732, %max3A_733, %max3A_734 : vector<16xf32>, vector<16xf32>, vector<16xf32>, vector<16xf32>, vector<16xf32>, vector<16xf32>, vector<16xf32>, vector<16xf32>, vector<16xf32>, vector<16xf32>, vector<16xf32>, vector<16xf32>, vector<16xf32>, vector<16xf32>, vector<16xf32>, vector<16xf32>
        }
        %while3A_567 = arith.constant 1 : i32
        %while3A_568:16 = scf.for %while3A_669 = %while3A_564 to %while3A_560 step %while3A_567 iter_args(%while3A_670 = %while3A_566#0, %while3A_671 = %while3A_566#1, %while3A_672 = %while3A_566#2, %while3A_673 = %while3A_566#3, %while3A_674 = %while3A_566#4, %while3A_675 = %while3A_566#5, %while3A_676 = %while3A_566#6, %while3A_677 = %while3A_566#7, %while3A_678 = %while3A_566#8, %while3A_679 = %while3A_566#9, %while3A_680 = %while3A_566#10, %while3A_681 = %while3A_566#11, %while3A_682 = %while3A_566#12, %while3A_683 = %while3A_566#13, %while3A_684 = %while3A_566#14, %while3A_685 = %while3A_566#15) -> (vector<16xf32>, vector<16xf32>, vector<16xf32>, vector<16xf32>, vector<16xf32>, vector<16xf32>, vector<16xf32>, vector<16xf32>, vector<16xf32>, vector<16xf32>, vector<16xf32>, vector<16xf32>, vector<16xf32>, vector<16xf32>, vector<16xf32>, vector<16xf32>)  : i32 {
          %sub3A_686 = arith.subi %while3A_669, %min3A_257 : i32
          %get3A_687 = arith.index_cast %sub3A_686 : i32 to index
          %get3A_688 = arith.constant 0 : index
          %get3A_689 = tpu.vector_load %arg6[%get3A_687, %get3A_688] {strides = array<i32>} : memref<488x128xf32, #tpu.memory_space<vmem>>, vector<1x16xf32>,
          %get3A_690 = vector.shape_cast %get3A_689 : vector<1x16xf32> to vector<16xf32>
          %get3A_691 = arith.index_cast %sub3A_686 : i32 to index
          %get3A_692 = arith.constant 16 : index
          %get3A_693 = tpu.vector_load %arg6[%get3A_691, %get3A_692] {strides = array<i32>} : memref<488x128xf32, #tpu.memory_space<vmem>>, vector<1x16xf32>,
          %get3A_694 = vector.shape_cast %get3A_693 : vector<1x16xf32> to vector<16xf32>
          %get3A_695 = arith.index_cast %sub3A_686 : i32 to index
          %get3A_696 = arith.constant 32 : index
          %get3A_697 = tpu.vector_load %arg6[%get3A_695, %get3A_696] {strides = array<i32>} : memref<488x128xf32, #tpu.memory_space<vmem>>, vector<1x16xf32>,
          %get3A_698 = vector.shape_cast %get3A_697 : vector<1x16xf32> to vector<16xf32>
          %get3A_699 = arith.index_cast %sub3A_686 : i32 to index
          %get3A_700 = arith.constant 48 : index
          %get3A_701 = tpu.vector_load %arg6[%get3A_699, %get3A_700] {strides = array<i32>} : memref<488x128xf32, #tpu.memory_space<vmem>>, vector<1x16xf32>,
          %get3A_702 = vector.shape_cast %get3A_701 : vector<1x16xf32> to vector<16xf32>
          %get3A_703 = arith.index_cast %sub3A_686 : i32 to index
          %get3A_704 = arith.constant 64 : index
          %get3A_705 = tpu.vector_load %arg6[%get3A_703, %get3A_704] {strides = array<i32>} : memref<488x128xf32, #tpu.memory_space<vmem>>, vector<1x16xf32>,
          %get3A_706 = vector.shape_cast %get3A_705 : vector<1x16xf32> to vector<16xf32>
          %get3A_707 = arith.index_cast %sub3A_686 : i32 to index
          %get3A_708 = arith.constant 80 : index
          %get3A_709 = tpu.vector_load %arg6[%get3A_707, %get3A_708] {strides = array<i32>} : memref<488x128xf32, #tpu.memory_space<vmem>>, vector<1x16xf32>,
          %get3A_710 = vector.shape_cast %get3A_709 : vector<1x16xf32> to vector<16xf32>
          %get3A_711 = arith.index_cast %sub3A_686 : i32 to index
          %get3A_712 = arith.constant 96 : index
          %get3A_713 = tpu.vector_load %arg6[%get3A_711, %get3A_712] {strides = array<i32>} : memref<488x128xf32, #tpu.memory_space<vmem>>, vector<1x16xf32>,
          %get3A_714 = vector.shape_cast %get3A_713 : vector<1x16xf32> to vector<16xf32>
          %get3A_715 = arith.index_cast %sub3A_686 : i32 to index
          %get3A_716 = arith.constant 112 : index
          %get3A_717 = tpu.vector_load %arg6[%get3A_715, %get3A_716] {strides = array<i32>} : memref<488x128xf32, #tpu.memory_space<vmem>>, vector<1x16xf32>,
          %get3A_718 = vector.shape_cast %get3A_717 : vector<1x16xf32> to vector<16xf32>
          %add3A_719 = arith.addf %while3A_670, %get3A_690 : vector<16xf32>
          %add3A_720 = arith.addf %while3A_671, %get3A_694 : vector<16xf32>
          %add3A_721 = arith.addf %while3A_672, %get3A_698 : vector<16xf32>
          %add3A_722 = arith.addf %while3A_673, %get3A_702 : vector<16xf32>
          %add3A_723 = arith.addf %while3A_674, %get3A_706 : vector<16xf32>
          %add3A_724 = arith.addf %while3A_675, %get3A_710 : vector<16xf32>
          %add3A_725 = arith.addf %while3A_676, %get3A_714 : vector<16xf32>
          %add3A_726 = arith.addf %while3A_677, %get3A_718 : vector<16xf32>
          %max3A_727 = arith.maximumf %while3A_678, %get3A_690 : vector<16xf32>
          %max3A_728 = arith.maximumf %while3A_679, %get3A_694 : vector<16xf32>
          %max3A_729 = arith.maximumf %while3A_680, %get3A_698 : vector<16xf32>
          %max3A_730 = arith.maximumf %while3A_681, %get3A_702 : vector<16xf32>
          %max3A_731 = arith.maximumf %while3A_682, %get3A_706 : vector<16xf32>
          %max3A_732 = arith.maximumf %while3A_683, %get3A_710 : vector<16xf32>
          %max3A_733 = arith.maximumf %while3A_684, %get3A_714 : vector<16xf32>
          %max3A_734 = arith.maximumf %while3A_685, %get3A_718 : vector<16xf32>
          scf.yield %add3A_719, %add3A_720, %add3A_721, %add3A_722, %add3A_723, %add3A_724, %add3A_725, %add3A_726, %max3A_727, %max3A_728, %max3A_729, %max3A_730, %max3A_731, %max3A_732, %max3A_733, %max3A_734 : vector<16xf32>, vector<16xf32>, vector<16xf32>, vector<16xf32>, vector<16xf32>, vector<16xf32>, vector<16xf32>, vector<16xf32>, vector<16xf32>, vector<16xf32>, vector<16xf32>, vector<16xf32>, vector<16xf32>, vector<16xf32>, vector<16xf32>, vector<16xf32>
        }
        %slice3A_569 = vector.extract_strided_slice %get3A_552 {offsets = [1], sizes = [1], strides = [1]} : vector<16xi32> to vector<1xi32>
        %squeeze3A_570 = vector.extract %slice3A_569[0] : i32 from vector<1xi32>
        %slice3A_571 = vector.extract_strided_slice %get3A_552 {offsets = [0], sizes = [1], strides = [1]} : vector<16xi32> to vector<1xi32>
        %squeeze3A_572 = vector.extract %slice3A_571[0] : i32 from vector<1xi32>
        %sub3A_573 = arith.subi %squeeze3A_570, %squeeze3A_572 : i32
        %convert_element_type3A_574 = arith.sitofp %sub3A_573 : i32 to f32
        %max3A_575 = arith.constant 1.000000e+00 : f32
        %max3A_576 = arith.maximumf %convert_element_type3A_574, %max3A_575 : f32
        %broadcast_in_dim3A_577 = vector.broadcast %max3A_576 : f32 to vector<16xf32>
        %div3A_578 = arith.constant 1.000000e+00 : f32
        %div3A_579 = vector.broadcast %div3A_578 : f32 to vector<16xf32>
        %div3A_580 = arith.divf %div3A_579, %broadcast_in_dim3A_577 : vector<16xf32>
        %mul3A_581 = arith.mulf %while3A_568#0, %div3A_580 : vector<16xf32>
        %swap3A_582 = arith.index_cast %while3A_533 : i32 to index
        %swap3A_583 = arith.constant 0 : index
        %swap3A_584 = tpu.vector_load %arg8[%swap3A_582, %swap3A_583] {strides = array<i32>} : memref<16x256xf32, #tpu.memory_space<vmem>>, vector<1x16xf32>,
        %swap3A_585 = vector.shape_cast %swap3A_584 : vector<1x16xf32> to vector<16xf32>
        %swap3A_586 = vector.shape_cast %mul3A_581 : vector<16xf32> to vector<1x16xf32>
        tpu.vector_store %arg8[%swap3A_582, %swap3A_583], %swap3A_586 {strides = array<i32>} : memref<16x256xf32, #tpu.memory_space<vmem>>, vector<1x16xf32>,
        %mul3A_587 = arith.mulf %while3A_568#1, %div3A_580 : vector<16xf32>
        %swap3A_588 = arith.index_cast %while3A_533 : i32 to index
        %swap3A_589 = arith.constant 16 : index
        %swap3A_590 = tpu.vector_load %arg8[%swap3A_588, %swap3A_589] {strides = array<i32>} : memref<16x256xf32, #tpu.memory_space<vmem>>, vector<1x16xf32>,
        %swap3A_591 = vector.shape_cast %swap3A_590 : vector<1x16xf32> to vector<16xf32>
        %swap3A_592 = vector.shape_cast %mul3A_587 : vector<16xf32> to vector<1x16xf32>
        tpu.vector_store %arg8[%swap3A_588, %swap3A_589], %swap3A_592 {strides = array<i32>} : memref<16x256xf32, #tpu.memory_space<vmem>>, vector<1x16xf32>,
        %mul3A_593 = arith.mulf %while3A_568#2, %div3A_580 : vector<16xf32>
        %swap3A_594 = arith.index_cast %while3A_533 : i32 to index
        %swap3A_595 = arith.constant 32 : index
        %swap3A_596 = tpu.vector_load %arg8[%swap3A_594, %swap3A_595] {strides = array<i32>} : memref<16x256xf32, #tpu.memory_space<vmem>>, vector<1x16xf32>,
        %swap3A_597 = vector.shape_cast %swap3A_596 : vector<1x16xf32> to vector<16xf32>
        %swap3A_598 = vector.shape_cast %mul3A_593 : vector<16xf32> to vector<1x16xf32>
        tpu.vector_store %arg8[%swap3A_594, %swap3A_595], %swap3A_598 {strides = array<i32>} : memref<16x256xf32, #tpu.memory_space<vmem>>, vector<1x16xf32>,
        %mul3A_599 = arith.mulf %while3A_568#3, %div3A_580 : vector<16xf32>
        %swap3A_600 = arith.index_cast %while3A_533 : i32 to index
        %swap3A_601 = arith.constant 48 : index
        %swap3A_602 = tpu.vector_load %arg8[%swap3A_600, %swap3A_601] {strides = array<i32>} : memref<16x256xf32, #tpu.memory_space<vmem>>, vector<1x16xf32>,
        %swap3A_603 = vector.shape_cast %swap3A_602 : vector<1x16xf32> to vector<16xf32>
        %swap3A_604 = vector.shape_cast %mul3A_599 : vector<16xf32> to vector<1x16xf32>
        tpu.vector_store %arg8[%swap3A_600, %swap3A_601], %swap3A_604 {strides = array<i32>} : memref<16x256xf32, #tpu.memory_space<vmem>>, vector<1x16xf32>,
        %mul3A_605 = arith.mulf %while3A_568#4, %div3A_580 : vector<16xf32>
        %swap3A_606 = arith.index_cast %while3A_533 : i32 to index
        %swap3A_607 = arith.constant 64 : index
        %swap3A_608 = tpu.vector_load %arg8[%swap3A_606, %swap3A_607] {strides = array<i32>} : memref<16x256xf32, #tpu.memory_space<vmem>>, vector<1x16xf32>,
        %swap3A_609 = vector.shape_cast %swap3A_608 : vector<1x16xf32> to vector<16xf32>
        %swap3A_610 = vector.shape_cast %mul3A_605 : vector<16xf32> to vector<1x16xf32>
        tpu.vector_store %arg8[%swap3A_606, %swap3A_607], %swap3A_610 {strides = array<i32>} : memref<16x256xf32, #tpu.memory_space<vmem>>, vector<1x16xf32>,
        %mul3A_611 = arith.mulf %while3A_568#5, %div3A_580 : vector<16xf32>
        %swap3A_612 = arith.index_cast %while3A_533 : i32 to index
        %swap3A_613 = arith.constant 80 : index
        %swap3A_614 = tpu.vector_load %arg8[%swap3A_612, %swap3A_613] {strides = array<i32>} : memref<16x256xf32, #tpu.memory_space<vmem>>, vector<1x16xf32>,
        %swap3A_615 = vector.shape_cast %swap3A_614 : vector<1x16xf32> to vector<16xf32>
        %swap3A_616 = vector.shape_cast %mul3A_611 : vector<16xf32> to vector<1x16xf32>
        tpu.vector_store %arg8[%swap3A_612, %swap3A_613], %swap3A_616 {strides = array<i32>} : memref<16x256xf32, #tpu.memory_space<vmem>>, vector<1x16xf32>,
        %mul3A_617 = arith.mulf %while3A_568#6, %div3A_580 : vector<16xf32>
        %swap3A_618 = arith.index_cast %while3A_533 : i32 to index
        %swap3A_619 = arith.constant 96 : index
        %swap3A_620 = tpu.vector_load %arg8[%swap3A_618, %swap3A_619] {strides = array<i32>} : memref<16x256xf32, #tpu.memory_space<vmem>>, vector<1x16xf32>,
        %swap3A_621 = vector.shape_cast %swap3A_620 : vector<1x16xf32> to vector<16xf32>
        %swap3A_622 = vector.shape_cast %mul3A_617 : vector<16xf32> to vector<1x16xf32>
        tpu.vector_store %arg8[%swap3A_618, %swap3A_619], %swap3A_622 {strides = array<i32>} : memref<16x256xf32, #tpu.memory_space<vmem>>, vector<1x16xf32>,
        %mul3A_623 = arith.mulf %while3A_568#7, %div3A_580 : vector<16xf32>
        %swap3A_624 = arith.index_cast %while3A_533 : i32 to index
        %swap3A_625 = arith.constant 112 : index
        %swap3A_626 = tpu.vector_load %arg8[%swap3A_624, %swap3A_625] {strides = array<i32>} : memref<16x256xf32, #tpu.memory_space<vmem>>, vector<1x16xf32>,
        %swap3A_627 = vector.shape_cast %swap3A_626 : vector<1x16xf32> to vector<16xf32>
        %swap3A_628 = vector.shape_cast %mul3A_623 : vector<16xf32> to vector<1x16xf32>
        tpu.vector_store %arg8[%swap3A_624, %swap3A_625], %swap3A_628 {strides = array<i32>} : memref<16x256xf32, #tpu.memory_space<vmem>>, vector<1x16xf32>,
        %swap3A_629 = arith.index_cast %while3A_533 : i32 to index
        %swap3A_630 = arith.constant 128 : index
        %swap3A_631 = tpu.vector_load %arg8[%swap3A_629, %swap3A_630] {strides = array<i32>} : memref<16x256xf32, #tpu.memory_space<vmem>>, vector<1x16xf32>,
        %swap3A_632 = vector.shape_cast %swap3A_631 : vector<1x16xf32> to vector<16xf32>
        %swap3A_633 = vector.shape_cast %while3A_568#8 : vector<16xf32> to vector<1x16xf32>
        tpu.vector_store %arg8[%swap3A_629, %swap3A_630], %swap3A_633 {strides = array<i32>} : memref<16x256xf32, #tpu.memory_space<vmem>>, vector<1x16xf32>,
        %swap3A_634 = arith.index_cast %while3A_533 : i32 to index
        %swap3A_635 = arith.constant 144 : index
        %swap3A_636 = tpu.vector_load %arg8[%swap3A_634, %swap3A_635] {strides = array<i32>} : memref<16x256xf32, #tpu.memory_space<vmem>>, vector<1x16xf32>,
        %swap3A_637 = vector.shape_cast %swap3A_636 : vector<1x16xf32> to vector<16xf32>
        %swap3A_638 = vector.shape_cast %while3A_568#9 : vector<16xf32> to vector<1x16xf32>
        tpu.vector_store %arg8[%swap3A_634, %swap3A_635], %swap3A_638 {strides = array<i32>} : memref<16x256xf32, #tpu.memory_space<vmem>>, vector<1x16xf32>,
        %swap3A_639 = arith.index_cast %while3A_533 : i32 to index
        %swap3A_640 = arith.constant 160 : index
        %swap3A_641 = tpu.vector_load %arg8[%swap3A_639, %swap3A_640] {strides = array<i32>} : memref<16x256xf32, #tpu.memory_space<vmem>>, vector<1x16xf32>,
        %swap3A_642 = vector.shape_cast %swap3A_641 : vector<1x16xf32> to vector<16xf32>
        %swap3A_643 = vector.shape_cast %while3A_568#10 : vector<16xf32> to vector<1x16xf32>
        tpu.vector_store %arg8[%swap3A_639, %swap3A_640], %swap3A_643 {strides = array<i32>} : memref<16x256xf32, #tpu.memory_space<vmem>>, vector<1x16xf32>,
        %swap3A_644 = arith.index_cast %while3A_533 : i32 to index
        %swap3A_645 = arith.constant 176 : index
        %swap3A_646 = tpu.vector_load %arg8[%swap3A_644, %swap3A_645] {strides = array<i32>} : memref<16x256xf32, #tpu.memory_space<vmem>>, vector<1x16xf32>,
        %swap3A_647 = vector.shape_cast %swap3A_646 : vector<1x16xf32> to vector<16xf32>
        %swap3A_648 = vector.shape_cast %while3A_568#11 : vector<16xf32> to vector<1x16xf32>
        tpu.vector_store %arg8[%swap3A_644, %swap3A_645], %swap3A_648 {strides = array<i32>} : memref<16x256xf32, #tpu.memory_space<vmem>>, vector<1x16xf32>,
        %swap3A_649 = arith.index_cast %while3A_533 : i32 to index
        %swap3A_650 = arith.constant 192 : index
        %swap3A_651 = tpu.vector_load %arg8[%swap3A_649, %swap3A_650] {strides = array<i32>} : memref<16x256xf32, #tpu.memory_space<vmem>>, vector<1x16xf32>,
        %swap3A_652 = vector.shape_cast %swap3A_651 : vector<1x16xf32> to vector<16xf32>
        %swap3A_653 = vector.shape_cast %while3A_568#12 : vector<16xf32> to vector<1x16xf32>
        tpu.vector_store %arg8[%swap3A_649, %swap3A_650], %swap3A_653 {strides = array<i32>} : memref<16x256xf32, #tpu.memory_space<vmem>>, vector<1x16xf32>,
        %swap3A_654 = arith.index_cast %while3A_533 : i32 to index
        %swap3A_655 = arith.constant 208 : index
        %swap3A_656 = tpu.vector_load %arg8[%swap3A_654, %swap3A_655] {strides = array<i32>} : memref<16x256xf32, #tpu.memory_space<vmem>>, vector<1x16xf32>,
        %swap3A_657 = vector.shape_cast %swap3A_656 : vector<1x16xf32> to vector<16xf32>
        %swap3A_658 = vector.shape_cast %while3A_568#13 : vector<16xf32> to vector<1x16xf32>
        tpu.vector_store %arg8[%swap3A_654, %swap3A_655], %swap3A_658 {strides = array<i32>} : memref<16x256xf32, #tpu.memory_space<vmem>>, vector<1x16xf32>,
        %swap3A_659 = arith.index_cast %while3A_533 : i32 to index
        %swap3A_660 = arith.constant 224 : index
        %swap3A_661 = tpu.vector_load %arg8[%swap3A_659, %swap3A_660] {strides = array<i32>} : memref<16x256xf32, #tpu.memory_space<vmem>>, vector<1x16xf32>,
        %swap3A_662 = vector.shape_cast %swap3A_661 : vector<1x16xf32> to vector<16xf32>
        %swap3A_663 = vector.shape_cast %while3A_568#14 : vector<16xf32> to vector<1x16xf32>
        tpu.vector_store %arg8[%swap3A_659, %swap3A_660], %swap3A_663 {strides = array<i32>} : memref<16x256xf32, #tpu.memory_space<vmem>>, vector<1x16xf32>,
        %swap3A_664 = arith.index_cast %while3A_533 : i32 to index
        %swap3A_665 = arith.constant 240 : index
        %swap3A_666 = tpu.vector_load %arg8[%swap3A_664, %swap3A_665] {strides = array<i32>} : memref<16x256xf32, #tpu.memory_space<vmem>>, vector<1x16xf32>,
        %swap3A_667 = vector.shape_cast %swap3A_666 : vector<1x16xf32> to vector<16xf32>
        %swap3A_668 = vector.shape_cast %while3A_568#15 : vector<16xf32> to vector<1x16xf32>
        tpu.vector_store %arg8[%swap3A_664, %swap3A_665], %swap3A_668 {strides = array<i32>} : memref<16x256xf32, #tpu.memory_space<vmem>>, vector<1x16xf32>,
        scf.yield %broadcast_in_dim3A_57, %broadcast_in_dim3A_57, %broadcast_in_dim3A_57, %broadcast_in_dim3A_57, %broadcast_in_dim3A_57, %broadcast_in_dim3A_57, %broadcast_in_dim3A_57, %broadcast_in_dim3A_57, %broadcast_in_dim3A_59, %broadcast_in_dim3A_59, %broadcast_in_dim3A_59, %broadcast_in_dim3A_59, %broadcast_in_dim3A_59, %broadcast_in_dim3A_59, %broadcast_in_dim3A_59, %broadcast_in_dim3A_59 : vector<16xf32>, vector<16xf32>, vector<16xf32>, vector<16xf32>, vector<16xf32>, vector<16xf32>, vector<16xf32>, vector<16xf32>, vector<16xf32>, vector<16xf32>, vector<16xf32>, vector<16xf32>, vector<16xf32>, vector<16xf32>, vector<16xf32>, vector<16xf32>
      }
      %get3A_362 = arith.index_cast %add3A_351 : i32 to index
      %get3A_363 = tpu.vector_load %arg5[%get3A_362] {strides = array<i32>} : memref<32xi32, #tpu.memory_space<vmem>>, vector<16xi32>,
      %get3A_364 = vector.shape_cast %get3A_363 : vector<16xi32> to vector<16xi32>
      %slice3A_365 = vector.extract_strided_slice %get3A_364 {offsets = [0], sizes = [1], strides = [1]} : vector<16xi32> to vector<1xi32>
      %squeeze3A_366 = vector.extract %slice3A_365[0] : i32 from vector<1xi32>
      %max3A_367 = arith.maxsi %squeeze3A_366, %min3A_262 : i32
      %slice3A_368 = vector.extract_strided_slice %get3A_364 {offsets = [1], sizes = [1], strides = [1]} : vector<16xi32> to vector<1xi32>
      %squeeze3A_369 = vector.extract %slice3A_368[0] : i32 from vector<1xi32>
      %min3A_370 = arith.minsi %squeeze3A_369, %max3A_269 : i32
      %while3A_371 = arith.subi %min3A_370, %max3A_367 : i32
      %while3A_372 = arith.addi %max3A_367, %while3A_371 : i32
      %while3A_373 = arith.constant 1 : i32
      %while3A_374 = arith.divsi %while3A_371, %while3A_373 : i32
      %while3A_375 = arith.muli %while3A_374, %while3A_373 : i32
      %while3A_376 = arith.addi %max3A_367, %while3A_375 : i32
      %while3A_377 = arith.constant 1 : i32
      %while3A_378:16 = scf.for %while3A_533 = %max3A_367 to %while3A_376 step %while3A_377 iter_args(%while3A_534 = %while3A_361#0, %while3A_535 = %while3A_361#1, %while3A_536 = %while3A_361#2, %while3A_537 = %while3A_361#3, %while3A_538 = %while3A_361#4, %while3A_539 = %while3A_361#5, %while3A_540 = %while3A_361#6, %while3A_541 = %while3A_361#7, %while3A_542 = %while3A_361#8, %while3A_543 = %while3A_361#9, %while3A_544 = %while3A_361#10, %while3A_545 = %while3A_361#11, %while3A_546 = %while3A_361#12, %while3A_547 = %while3A_361#13, %while3A_548 = %while3A_361#14, %while3A_549 = %while3A_361#15) -> (vector<16xf32>, vector<16xf32>, vector<16xf32>, vector<16xf32>, vector<16xf32>, vector<16xf32>, vector<16xf32>, vector<16xf32>, vector<16xf32>, vector<16xf32>, vector<16xf32>, vector<16xf32>, vector<16xf32>, vector<16xf32>, vector<16xf32>, vector<16xf32>)  : i32 {
        %sub3A_550 = arith.subi %while3A_533, %min3A_257 : i32
        %get3A_551 = arith.index_cast %sub3A_550 : i32 to index
        %get3A_552 = arith.constant 0 : index
        %get3A_553 = tpu.vector_load %arg6[%get3A_551, %get3A_552] {strides = array<i32>} : memref<488x128xf32, #tpu.memory_space<vmem>>, vector<1x16xf32>,
        %get3A_554 = vector.shape_cast %get3A_553 : vector<1x16xf32> to vector<16xf32>
        %get3A_555 = arith.index_cast %sub3A_550 : i32 to index
        %get3A_556 = arith.constant 16 : index
        %get3A_557 = tpu.vector_load %arg6[%get3A_555, %get3A_556] {strides = array<i32>} : memref<488x128xf32, #tpu.memory_space<vmem>>, vector<1x16xf32>,
        %get3A_558 = vector.shape_cast %get3A_557 : vector<1x16xf32> to vector<16xf32>
        %get3A_559 = arith.index_cast %sub3A_550 : i32 to index
        %get3A_560 = arith.constant 32 : index
        %get3A_561 = tpu.vector_load %arg6[%get3A_559, %get3A_560] {strides = array<i32>} : memref<488x128xf32, #tpu.memory_space<vmem>>, vector<1x16xf32>,
        %get3A_562 = vector.shape_cast %get3A_561 : vector<1x16xf32> to vector<16xf32>
        %get3A_563 = arith.index_cast %sub3A_550 : i32 to index
        %get3A_564 = arith.constant 48 : index
        %get3A_565 = tpu.vector_load %arg6[%get3A_563, %get3A_564] {strides = array<i32>} : memref<488x128xf32, #tpu.memory_space<vmem>>, vector<1x16xf32>,
        %get3A_566 = vector.shape_cast %get3A_565 : vector<1x16xf32> to vector<16xf32>
        %get3A_567 = arith.index_cast %sub3A_550 : i32 to index
        %get3A_568 = arith.constant 64 : index
        %get3A_569 = tpu.vector_load %arg6[%get3A_567, %get3A_568] {strides = array<i32>} : memref<488x128xf32, #tpu.memory_space<vmem>>, vector<1x16xf32>,
        %get3A_570 = vector.shape_cast %get3A_569 : vector<1x16xf32> to vector<16xf32>
        %get3A_571 = arith.index_cast %sub3A_550 : i32 to index
        %get3A_572 = arith.constant 80 : index
        %get3A_573 = tpu.vector_load %arg6[%get3A_571, %get3A_572] {strides = array<i32>} : memref<488x128xf32, #tpu.memory_space<vmem>>, vector<1x16xf32>,
        %get3A_574 = vector.shape_cast %get3A_573 : vector<1x16xf32> to vector<16xf32>
        %get3A_575 = arith.index_cast %sub3A_550 : i32 to index
        %get3A_576 = arith.constant 96 : index
        %get3A_577 = tpu.vector_load %arg6[%get3A_575, %get3A_576] {strides = array<i32>} : memref<488x128xf32, #tpu.memory_space<vmem>>, vector<1x16xf32>,
        %get3A_578 = vector.shape_cast %get3A_577 : vector<1x16xf32> to vector<16xf32>
        %get3A_579 = arith.index_cast %sub3A_550 : i32 to index
        %get3A_580 = arith.constant 112 : index
        %get3A_581 = tpu.vector_load %arg6[%get3A_579, %get3A_580] {strides = array<i32>} : memref<488x128xf32, #tpu.memory_space<vmem>>, vector<1x16xf32>,
        %get3A_582 = vector.shape_cast %get3A_581 : vector<1x16xf32> to vector<16xf32>
        %add3A_583 = arith.addf %while3A_534, %get3A_554 : vector<16xf32>
        %add3A_584 = arith.addf %while3A_535, %get3A_558 : vector<16xf32>
        %add3A_585 = arith.addf %while3A_536, %get3A_562 : vector<16xf32>
        %add3A_586 = arith.addf %while3A_537, %get3A_566 : vector<16xf32>
        %add3A_587 = arith.addf %while3A_538, %get3A_570 : vector<16xf32>
        %add3A_588 = arith.addf %while3A_539, %get3A_574 : vector<16xf32>
        %add3A_589 = arith.addf %while3A_540, %get3A_578 : vector<16xf32>
        %add3A_590 = arith.addf %while3A_541, %get3A_582 : vector<16xf32>
        %max3A_591 = arith.maximumf %while3A_542, %get3A_554 : vector<16xf32>
        %max3A_592 = arith.maximumf %while3A_543, %get3A_558 : vector<16xf32>
        %max3A_593 = arith.maximumf %while3A_544, %get3A_562 : vector<16xf32>
        %max3A_594 = arith.maximumf %while3A_545, %get3A_566 : vector<16xf32>
        %max3A_595 = arith.maximumf %while3A_546, %get3A_570 : vector<16xf32>
        %max3A_596 = arith.maximumf %while3A_547, %get3A_574 : vector<16xf32>
        %max3A_597 = arith.maximumf %while3A_548, %get3A_578 : vector<16xf32>
        %max3A_598 = arith.maximumf %while3A_549, %get3A_582 : vector<16xf32>
        scf.yield %add3A_583, %add3A_584, %add3A_585, %add3A_586, %add3A_587, %add3A_588, %add3A_589, %add3A_590, %max3A_591, %max3A_592, %max3A_593, %max3A_594, %max3A_595, %max3A_596, %max3A_597, %max3A_598 : vector<16xf32>, vector<16xf32>, vector<16xf32>, vector<16xf32>, vector<16xf32>, vector<16xf32>, vector<16xf32>, vector<16xf32>, vector<16xf32>, vector<16xf32>, vector<16xf32>, vector<16xf32>, vector<16xf32>, vector<16xf32>, vector<16xf32>, vector<16xf32>
      }
      %while3A_379 = arith.constant 1 : i32
      %while3A_380:16 = scf.for %while3A_533 = %while3A_376 to %while3A_372 step %while3A_379 iter_args(%while3A_534 = %while3A_378#0, %while3A_535 = %while3A_378#1, %while3A_536 = %while3A_378#2, %while3A_537 = %while3A_378#3, %while3A_538 = %while3A_378#4, %while3A_539 = %while3A_378#5, %while3A_540 = %while3A_378#6, %while3A_541 = %while3A_378#7, %while3A_542 = %while3A_378#8, %while3A_543 = %while3A_378#9, %while3A_544 = %while3A_378#10, %while3A_545 = %while3A_378#11, %while3A_546 = %while3A_378#12, %while3A_547 = %while3A_378#13, %while3A_548 = %while3A_378#14, %while3A_549 = %while3A_378#15) -> (vector<16xf32>, vector<16xf32>, vector<16xf32>, vector<16xf32>, vector<16xf32>, vector<16xf32>, vector<16xf32>, vector<16xf32>, vector<16xf32>, vector<16xf32>, vector<16xf32>, vector<16xf32>, vector<16xf32>, vector<16xf32>, vector<16xf32>, vector<16xf32>)  : i32 {
        %sub3A_550 = arith.subi %while3A_533, %min3A_257 : i32
        %get3A_551 = arith.index_cast %sub3A_550 : i32 to index
        %get3A_552 = arith.constant 0 : index
        %get3A_553 = tpu.vector_load %arg6[%get3A_551, %get3A_552] {strides = array<i32>} : memref<488x128xf32, #tpu.memory_space<vmem>>, vector<1x16xf32>,
        %get3A_554 = vector.shape_cast %get3A_553 : vector<1x16xf32> to vector<16xf32>
        %get3A_555 = arith.index_cast %sub3A_550 : i32 to index
        %get3A_556 = arith.constant 16 : index
        %get3A_557 = tpu.vector_load %arg6[%get3A_555, %get3A_556] {strides = array<i32>} : memref<488x128xf32, #tpu.memory_space<vmem>>, vector<1x16xf32>,
        %get3A_558 = vector.shape_cast %get3A_557 : vector<1x16xf32> to vector<16xf32>
        %get3A_559 = arith.index_cast %sub3A_550 : i32 to index
        %get3A_560 = arith.constant 32 : index
        %get3A_561 = tpu.vector_load %arg6[%get3A_559, %get3A_560] {strides = array<i32>} : memref<488x128xf32, #tpu.memory_space<vmem>>, vector<1x16xf32>,
        %get3A_562 = vector.shape_cast %get3A_561 : vector<1x16xf32> to vector<16xf32>
        %get3A_563 = arith.index_cast %sub3A_550 : i32 to index
        %get3A_564 = arith.constant 48 : index
        %get3A_565 = tpu.vector_load %arg6[%get3A_563, %get3A_564] {strides = array<i32>} : memref<488x128xf32, #tpu.memory_space<vmem>>, vector<1x16xf32>,
        %get3A_566 = vector.shape_cast %get3A_565 : vector<1x16xf32> to vector<16xf32>
        %get3A_567 = arith.index_cast %sub3A_550 : i32 to index
        %get3A_568 = arith.constant 64 : index
        %get3A_569 = tpu.vector_load %arg6[%get3A_567, %get3A_568] {strides = array<i32>} : memref<488x128xf32, #tpu.memory_space<vmem>>, vector<1x16xf32>,
        %get3A_570 = vector.shape_cast %get3A_569 : vector<1x16xf32> to vector<16xf32>
        %get3A_571 = arith.index_cast %sub3A_550 : i32 to index
        %get3A_572 = arith.constant 80 : index
        %get3A_573 = tpu.vector_load %arg6[%get3A_571, %get3A_572] {strides = array<i32>} : memref<488x128xf32, #tpu.memory_space<vmem>>, vector<1x16xf32>,
        %get3A_574 = vector.shape_cast %get3A_573 : vector<1x16xf32> to vector<16xf32>
        %get3A_575 = arith.index_cast %sub3A_550 : i32 to index
        %get3A_576 = arith.constant 96 : index
        %get3A_577 = tpu.vector_load %arg6[%get3A_575, %get3A_576] {strides = array<i32>} : memref<488x128xf32, #tpu.memory_space<vmem>>, vector<1x16xf32>,
        %get3A_578 = vector.shape_cast %get3A_577 : vector<1x16xf32> to vector<16xf32>
        %get3A_579 = arith.index_cast %sub3A_550 : i32 to index
        %get3A_580 = arith.constant 112 : index
        %get3A_581 = tpu.vector_load %arg6[%get3A_579, %get3A_580] {strides = array<i32>} : memref<488x128xf32, #tpu.memory_space<vmem>>, vector<1x16xf32>,
        %get3A_582 = vector.shape_cast %get3A_581 : vector<1x16xf32> to vector<16xf32>
        %add3A_583 = arith.addf %while3A_534, %get3A_554 : vector<16xf32>
        %add3A_584 = arith.addf %while3A_535, %get3A_558 : vector<16xf32>
        %add3A_585 = arith.addf %while3A_536, %get3A_562 : vector<16xf32>
        %add3A_586 = arith.addf %while3A_537, %get3A_566 : vector<16xf32>
        %add3A_587 = arith.addf %while3A_538, %get3A_570 : vector<16xf32>
        %add3A_588 = arith.addf %while3A_539, %get3A_574 : vector<16xf32>
        %add3A_589 = arith.addf %while3A_540, %get3A_578 : vector<16xf32>
        %add3A_590 = arith.addf %while3A_541, %get3A_582 : vector<16xf32>
        %max3A_591 = arith.maximumf %while3A_542, %get3A_554 : vector<16xf32>
        %max3A_592 = arith.maximumf %while3A_543, %get3A_558 : vector<16xf32>
        %max3A_593 = arith.maximumf %while3A_544, %get3A_562 : vector<16xf32>
        %max3A_594 = arith.maximumf %while3A_545, %get3A_566 : vector<16xf32>
        %max3A_595 = arith.maximumf %while3A_546, %get3A_570 : vector<16xf32>
        %max3A_596 = arith.maximumf %while3A_547, %get3A_574 : vector<16xf32>
        %max3A_597 = arith.maximumf %while3A_548, %get3A_578 : vector<16xf32>
        %max3A_598 = arith.maximumf %while3A_549, %get3A_582 : vector<16xf32>
        scf.yield %add3A_583, %add3A_584, %add3A_585, %add3A_586, %add3A_587, %add3A_588, %add3A_589, %add3A_590, %max3A_591, %max3A_592, %max3A_593, %max3A_594, %max3A_595, %max3A_596, %max3A_597, %max3A_598 : vector<16xf32>, vector<16xf32>, vector<16xf32>, vector<16xf32>, vector<16xf32>, vector<16xf32>, vector<16xf32>, vector<16xf32>, vector<16xf32>, vector<16xf32>, vector<16xf32>, vector<16xf32>, vector<16xf32>, vector<16xf32>, vector<16xf32>, vector<16xf32>
      }
      %dma_wait3A_381 = arith.constant 0 : i32
      %dma_wait3A_382 = arith.constant 0 : i32
      %dma_wait3A_383 = tpu.memref_slice %arg2[%dma_wait3A_381, %dma_wait3A_382] : memref<100000x128xf32, #tpu.memory_space<hbm>> -> memref<488x128xf32, #tpu.memory_space<hbm>>
      %dma_wait3A_384 = arith.constant 0 : i32
      %dma_wait3A_385 = arith.constant 0 : i32
      %dma_wait3A_386 = tpu.memref_slice %arg2[%dma_wait3A_384, %dma_wait3A_385] : memref<100000x128xf32, #tpu.memory_space<hbm>> -> memref<488x128xf32, #tpu.memory_space<hbm>>
      tpu.wait_dma2 semaphore(%arg10 : memref<!tpu.dma_semaphore, #tpu.memory_space<semaphore_mem>>) src(%dma_wait3A_386 : memref<488x128xf32, #tpu.memory_space<hbm>>) dst(%arg7 : memref<488x128xf32, #tpu.memory_space<vmem>>)
      %mul3A_387 = arith.constant 2 : i32
      %mul3A_388 = arith.muli %mul3A_387, %while3A_214 : i32
      %add3A_389 = arith.constant 2 : i32
      %add3A_390 = arith.addi %mul3A_388, %add3A_389 : i32
      %mul3A_391 = arith.constant 488 : i32
      %mul3A_392 = arith.muli %add3A_390, %mul3A_391 : i32
      %add3A_393 = arith.addi %mul3A_27, %mul3A_392 : i32
      %min3A_394 = arith.constant 99512 : i32
      %min3A_395 = arith.minsi %add3A_393, %min3A_394 : i32
      %dma_start3A_396 = arith.constant 0 : i32
      %dma_start3A_397 = tpu.memref_slice %arg2[%min3A_395, %dma_start3A_396] : memref<100000x128xf32, #tpu.memory_space<hbm>> -> memref<488x128xf32, #tpu.memory_space<hbm>>
      %dma_start3A_398 = arith.constant 0 : i32
      %dma_start3A_399 = tpu.memref_slice %arg2[%min3A_395, %dma_start3A_398] : memref<100000x128xf32, #tpu.memory_space<hbm>> -> memref<488x128xf32, #tpu.memory_space<hbm>>
      tpu.enqueue_dma source(%dma_start3A_399 : memref<488x128xf32, #tpu.memory_space<hbm>>) target(%arg6 : memref<488x128xf32, #tpu.memory_space<vmem>>) target_semaphore(%arg9 : memref<!tpu.dma_semaphore, #tpu.memory_space<semaphore_mem>>)
      %mul3A_400 = arith.constant 2 : i32
      %mul3A_401 = arith.muli %mul3A_400, %while3A_214 : i32
      %add3A_402 = arith.constant 1 : i32
      %add3A_403 = arith.addi %mul3A_401, %add3A_402 : i32
      %mul3A_404 = arith.constant 488 : i32
      %mul3A_405 = arith.muli %add3A_403, %mul3A_404 : i32
      %add3A_406 = arith.addi %mul3A_27, %mul3A_405 : i32
      %min3A_407 = arith.constant 99512 : i32
      %min3A_408 = arith.minsi %add3A_406, %min3A_407 : i32
      %mul3A_409 = arith.constant 488 : i32
      %mul3A_410 = arith.muli %add3A_403, %mul3A_409 : i32
      %add3A_411 = arith.addi %mul3A_27, %mul3A_410 : i32
      %max3A_412 = arith.maxsi %squeeze3A, %add3A_411 : i32
      %min3A_413 = arith.minsi %max3A_412, %squeeze3A_9 : i32
      %add3A_414 = arith.constant 1 : i32
      %add3A_415 = arith.addi %add3A_403, %add3A_414 : i32
      %mul3A_416 = arith.constant 488 : i32
      %mul3A_417 = arith.muli %add3A_415, %mul3A_416 : i32
      %add3A_418 = arith.addi %mul3A_27, %mul3A_417 : i32
      %min3A_419 = arith.minsi %squeeze3A_9, %add3A_418 : i32
      %max3A_420 = arith.maxsi %min3A_419, %min3A_413 : i32
      %sub3A_421 = arith.constant 1 : i32
      %sub3A_422 = arith.subi %max3A_420, %sub3A_421 : i32
      %slice3A_423 = vector.extract_strided_slice %get3A_4 {offsets = [0], sizes = [1], strides = [1]} : vector<16xi32> to vector<1xi32>
      %squeeze3A_424 = vector.extract %slice3A_423[0] : i32 from vector<1xi32>
      %le3A_425 = arith.cmpi sle, %squeeze3A_424, %sub3A_422 : i32
      %convert_element_type3A_426 = arith.extui %le3A_425 : i1 to i32
      %add3A_427 = arith.constant 0 : i32
      %add3A_428 = arith.addi %add3A_427, %convert_element_type3A_426 : i32
      %slice3A_429 = vector.extract_strided_slice %get3A_4 {offsets = [1], sizes = [1], strides = [1]} : vector<16xi32> to vector<1xi32>
      %squeeze3A_430 = vector.extract %slice3A_429[0] : i32 from vector<1xi32>
      %le3A_431 = arith.cmpi sle, %squeeze3A_430, %sub3A_422 : i32
      %convert_element_type3A_432 = arith.extui %le3A_431 : i1 to i32
      %add3A_433 = arith.addi %add3A_428, %convert_element_type3A_432 : i32
      %slice3A_434 = vector.extract_strided_slice %get3A_4 {offsets = [2], sizes = [1], strides = [1]} : vector<16xi32> to vector<1xi32>
      %squeeze3A_435 = vector.extract %slice3A_434[0] : i32 from vector<1xi32>
      %le3A_436 = arith.cmpi sle, %squeeze3A_435, %sub3A_422 : i32
      %convert_element_type3A_437 = arith.extui %le3A_436 : i1 to i32
      %add3A_438 = arith.addi %add3A_433, %convert_element_type3A_437 : i32
      %slice3A_439 = vector.extract_strided_slice %get3A_4 {offsets = [3], sizes = [1], strides = [1]} : vector<16xi32> to vector<1xi32>
      %squeeze3A_440 = vector.extract %slice3A_439[0] : i32 from vector<1xi32>
      %le3A_441 = arith.cmpi sle, %squeeze3A_440, %sub3A_422 : i32
      %convert_element_type3A_442 = arith.extui %le3A_441 : i1 to i32
      %add3A_443 = arith.addi %add3A_438, %convert_element_type3A_442 : i32
      %slice3A_444 = vector.extract_strided_slice %get3A_4 {offsets = [4], sizes = [1], strides = [1]} : vector<16xi32> to vector<1xi32>
      %squeeze3A_445 = vector.extract %slice3A_444[0] : i32 from vector<1xi32>
      %le3A_446 = arith.cmpi sle, %squeeze3A_445, %sub3A_422 : i32
      %convert_element_type3A_447 = arith.extui %le3A_446 : i1 to i32
      %add3A_448 = arith.addi %add3A_443, %convert_element_type3A_447 : i32
      %slice3A_449 = vector.extract_strided_slice %get3A_4 {offsets = [5], sizes = [1], strides = [1]} : vector<16xi32> to vector<1xi32>
      %squeeze3A_450 = vector.extract %slice3A_449[0] : i32 from vector<1xi32>
      %le3A_451 = arith.cmpi sle, %squeeze3A_450, %sub3A_422 : i32
      %convert_element_type3A_452 = arith.extui %le3A_451 : i1 to i32
      %add3A_453 = arith.addi %add3A_448, %convert_element_type3A_452 : i32
      %slice3A_454 = vector.extract_strided_slice %get3A_4 {offsets = [6], sizes = [1], strides = [1]} : vector<16xi32> to vector<1xi32>
      %squeeze3A_455 = vector.extract %slice3A_454[0] : i32 from vector<1xi32>
      %le3A_456 = arith.cmpi sle, %squeeze3A_455, %sub3A_422 : i32
      %convert_element_type3A_457 = arith.extui %le3A_456 : i1 to i32
      %add3A_458 = arith.addi %add3A_453, %convert_element_type3A_457 : i32
      %slice3A_459 = vector.extract_strided_slice %get3A_4 {offsets = [7], sizes = [1], strides = [1]} : vector<16xi32> to vector<1xi32>
      %squeeze3A_460 = vector.extract %slice3A_459[0] : i32 from vector<1xi32>
      %le3A_461 = arith.cmpi sle, %squeeze3A_460, %sub3A_422 : i32
      %convert_element_type3A_462 = arith.extui %le3A_461 : i1 to i32
      %add3A_463 = arith.addi %add3A_458, %convert_element_type3A_462 : i32
      %slice3A_464 = vector.extract_strided_slice %get3A_4 {offsets = [8], sizes = [1], strides = [1]} : vector<16xi32> to vector<1xi32>
      %squeeze3A_465 = vector.extract %slice3A_464[0] : i32 from vector<1xi32>
      %le3A_466 = arith.cmpi sle, %squeeze3A_465, %sub3A_422 : i32
      %convert_element_type3A_467 = arith.extui %le3A_466 : i1 to i32
      %add3A_468 = arith.addi %add3A_463, %convert_element_type3A_467 : i32
      %slice3A_469 = vector.extract_strided_slice %get3A_4 {offsets = [9], sizes = [1], strides = [1]} : vector<16xi32> to vector<1xi32>
      %squeeze3A_470 = vector.extract %slice3A_469[0] : i32 from vector<1xi32>
      %le3A_471 = arith.cmpi sle, %squeeze3A_470, %sub3A_422 : i32
      %convert_element_type3A_472 = arith.extui %le3A_471 : i1 to i32
      %add3A_473 = arith.addi %add3A_468, %convert_element_type3A_472 : i32
      %slice3A_474 = vector.extract_strided_slice %get3A_4 {offsets = [10], sizes = [1], strides = [1]} : vector<16xi32> to vector<1xi32>
      %squeeze3A_475 = vector.extract %slice3A_474[0] : i32 from vector<1xi32>
      %le3A_476 = arith.cmpi sle, %squeeze3A_475, %sub3A_422 : i32
      %convert_element_type3A_477 = arith.extui %le3A_476 : i1 to i32
      %add3A_478 = arith.addi %add3A_473, %convert_element_type3A_477 : i32
      %slice3A_479 = vector.extract_strided_slice %get3A_4 {offsets = [11], sizes = [1], strides = [1]} : vector<16xi32> to vector<1xi32>
      %squeeze3A_480 = vector.extract %slice3A_479[0] : i32 from vector<1xi32>
      %le3A_481 = arith.cmpi sle, %squeeze3A_480, %sub3A_422 : i32
      %convert_element_type3A_482 = arith.extui %le3A_481 : i1 to i32
      %add3A_483 = arith.addi %add3A_478, %convert_element_type3A_482 : i32
      %slice3A_484 = vector.extract_strided_slice %get3A_4 {offsets = [12], sizes = [1], strides = [1]} : vector<16xi32> to vector<1xi32>
      %squeeze3A_485 = vector.extract %slice3A_484[0] : i32 from vector<1xi32>
      %le3A_486 = arith.cmpi sle, %squeeze3A_485, %sub3A_422 : i32
      %convert_element_type3A_487 = arith.extui %le3A_486 : i1 to i32
      %add3A_488 = arith.addi %add3A_483, %convert_element_type3A_487 : i32
      %slice3A_489 = vector.extract_strided_slice %get3A_4 {offsets = [13], sizes = [1], strides = [1]} : vector<16xi32> to vector<1xi32>
      %squeeze3A_490 = vector.extract %slice3A_489[0] : i32 from vector<1xi32>
      %le3A_491 = arith.cmpi sle, %squeeze3A_490, %sub3A_422 : i32
      %convert_element_type3A_492 = arith.extui %le3A_491 : i1 to i32
      %add3A_493 = arith.addi %add3A_488, %convert_element_type3A_492 : i32
      %slice3A_494 = vector.extract_strided_slice %get3A_4 {offsets = [14], sizes = [1], strides = [1]} : vector<16xi32> to vector<1xi32>
      %squeeze3A_495 = vector.extract %slice3A_494[0] : i32 from vector<1xi32>
      %le3A_496 = arith.cmpi sle, %squeeze3A_495, %sub3A_422 : i32
      %convert_element_type3A_497 = arith.extui %le3A_496 : i1 to i32
      %add3A_498 = arith.addi %add3A_493, %convert_element_type3A_497 : i32
      %slice3A_499 = vector.extract_strided_slice %get3A_4 {offsets = [15], sizes = [1], strides = [1]} : vector<16xi32> to vector<1xi32>
      %squeeze3A_500 = vector.extract %slice3A_499[0] : i32 from vector<1xi32>
      %le3A_501 = arith.cmpi sle, %squeeze3A_500, %sub3A_422 : i32
      %convert_element_type3A_502 = arith.extui %le3A_501 : i1 to i32
      %add3A_503 = arith.addi %add3A_498, %convert_element_type3A_502 : i32
      %while3A_504 = arith.subi %add3A_503, %add3A_351 : i32
      %while3A_505 = arith.addi %add3A_351, %while3A_504 : i32
      %while3A_506 = arith.constant 1 : i32
      %while3A_507 = arith.divsi %while3A_504, %while3A_506 : i32
      %while3A_508 = arith.muli %while3A_507, %while3A_506 : i32
      %while3A_509 = arith.addi %add3A_351, %while3A_508 : i32
      %while3A_510 = arith.constant 1 : i32
      %while3A_511:16 = scf.for %while3A_533 = %add3A_351 to %while3A_509 step %while3A_510 iter_args(%while3A_534 = %while3A_380#0, %while3A_535 = %while3A_380#1, %while3A_536 = %while3A_380#2, %while3A_537 = %while3A_380#3, %while3A_538 = %while3A_380#4, %while3A_539 = %while3A_380#5, %while3A_540 = %while3A_380#6, %while3A_541 = %while3A_380#7, %while3A_542 = %while3A_380#8, %while3A_543 = %while3A_380#9, %while3A_544 = %while3A_380#10, %while3A_545 = %while3A_380#11, %while3A_546 = %while3A_380#12, %while3A_547 = %while3A_380#13, %while3A_548 = %while3A_380#14, %while3A_549 = %while3A_380#15) -> (vector<16xf32>, vector<16xf32>, vector<16xf32>, vector<16xf32>, vector<16xf32>, vector<16xf32>, vector<16xf32>, vector<16xf32>, vector<16xf32>, vector<16xf32>, vector<16xf32>, vector<16xf32>, vector<16xf32>, vector<16xf32>, vector<16xf32>, vector<16xf32>)  : i32 {
        %get3A_550 = arith.index_cast %while3A_533 : i32 to index
        %get3A_551 = tpu.vector_load %arg5[%get3A_550] {strides = array<i32>} : memref<32xi32, #tpu.memory_space<vmem>>, vector<16xi32>,
        %get3A_552 = vector.shape_cast %get3A_551 : vector<16xi32> to vector<16xi32>
        %slice3A_553 = vector.extract_strided_slice %get3A_552 {offsets = [0], sizes = [1], strides = [1]} : vector<16xi32> to vector<1xi32>
        %squeeze3A_554 = vector.extract %slice3A_553[0] : i32 from vector<1xi32>
        %max3A_555 = arith.maxsi %squeeze3A_554, %min3A_413 : i32
        %slice3A_556 = vector.extract_strided_slice %get3A_552 {offsets = [1], sizes = [1], strides = [1]} : vector<16xi32> to vector<1xi32>
        %squeeze3A_557 = vector.extract %slice3A_556[0] : i32 from vector<1xi32>
        %min3A_558 = arith.minsi %squeeze3A_557, %max3A_420 : i32
        %while3A_559 = arith.subi %min3A_558, %max3A_555 : i32
        %while3A_560 = arith.addi %max3A_555, %while3A_559 : i32
        %while3A_561 = arith.constant 1 : i32
        %while3A_562 = arith.divsi %while3A_559, %while3A_561 : i32
        %while3A_563 = arith.muli %while3A_562, %while3A_561 : i32
        %while3A_564 = arith.addi %max3A_555, %while3A_563 : i32
        %while3A_565 = arith.constant 1 : i32
        %while3A_566:16 = scf.for %while3A_669 = %max3A_555 to %while3A_564 step %while3A_565 iter_args(%while3A_670 = %while3A_534, %while3A_671 = %while3A_535, %while3A_672 = %while3A_536, %while3A_673 = %while3A_537, %while3A_674 = %while3A_538, %while3A_675 = %while3A_539, %while3A_676 = %while3A_540, %while3A_677 = %while3A_541, %while3A_678 = %while3A_542, %while3A_679 = %while3A_543, %while3A_680 = %while3A_544, %while3A_681 = %while3A_545, %while3A_682 = %while3A_546, %while3A_683 = %while3A_547, %while3A_684 = %while3A_548, %while3A_685 = %while3A_549) -> (vector<16xf32>, vector<16xf32>, vector<16xf32>, vector<16xf32>, vector<16xf32>, vector<16xf32>, vector<16xf32>, vector<16xf32>, vector<16xf32>, vector<16xf32>, vector<16xf32>, vector<16xf32>, vector<16xf32>, vector<16xf32>, vector<16xf32>, vector<16xf32>)  : i32 {
          %sub3A_686 = arith.subi %while3A_669, %min3A_408 : i32
          %get3A_687 = arith.index_cast %sub3A_686 : i32 to index
          %get3A_688 = arith.constant 0 : index
          %get3A_689 = tpu.vector_load %arg7[%get3A_687, %get3A_688] {strides = array<i32>} : memref<488x128xf32, #tpu.memory_space<vmem>>, vector<1x16xf32>,
          %get3A_690 = vector.shape_cast %get3A_689 : vector<1x16xf32> to vector<16xf32>
          %get3A_691 = arith.index_cast %sub3A_686 : i32 to index
          %get3A_692 = arith.constant 16 : index
          %get3A_693 = tpu.vector_load %arg7[%get3A_691, %get3A_692] {strides = array<i32>} : memref<488x128xf32, #tpu.memory_space<vmem>>, vector<1x16xf32>,
          %get3A_694 = vector.shape_cast %get3A_693 : vector<1x16xf32> to vector<16xf32>
          %get3A_695 = arith.index_cast %sub3A_686 : i32 to index
          %get3A_696 = arith.constant 32 : index
          %get3A_697 = tpu.vector_load %arg7[%get3A_695, %get3A_696] {strides = array<i32>} : memref<488x128xf32, #tpu.memory_space<vmem>>, vector<1x16xf32>,
          %get3A_698 = vector.shape_cast %get3A_697 : vector<1x16xf32> to vector<16xf32>
          %get3A_699 = arith.index_cast %sub3A_686 : i32 to index
          %get3A_700 = arith.constant 48 : index
          %get3A_701 = tpu.vector_load %arg7[%get3A_699, %get3A_700] {strides = array<i32>} : memref<488x128xf32, #tpu.memory_space<vmem>>, vector<1x16xf32>,
          %get3A_702 = vector.shape_cast %get3A_701 : vector<1x16xf32> to vector<16xf32>
          %get3A_703 = arith.index_cast %sub3A_686 : i32 to index
          %get3A_704 = arith.constant 64 : index
          %get3A_705 = tpu.vector_load %arg7[%get3A_703, %get3A_704] {strides = array<i32>} : memref<488x128xf32, #tpu.memory_space<vmem>>, vector<1x16xf32>,
          %get3A_706 = vector.shape_cast %get3A_705 : vector<1x16xf32> to vector<16xf32>
          %get3A_707 = arith.index_cast %sub3A_686 : i32 to index
          %get3A_708 = arith.constant 80 : index
          %get3A_709 = tpu.vector_load %arg7[%get3A_707, %get3A_708] {strides = array<i32>} : memref<488x128xf32, #tpu.memory_space<vmem>>, vector<1x16xf32>,
          %get3A_710 = vector.shape_cast %get3A_709 : vector<1x16xf32> to vector<16xf32>
          %get3A_711 = arith.index_cast %sub3A_686 : i32 to index
          %get3A_712 = arith.constant 96 : index
          %get3A_713 = tpu.vector_load %arg7[%get3A_711, %get3A_712] {strides = array<i32>} : memref<488x128xf32, #tpu.memory_space<vmem>>, vector<1x16xf32>,
          %get3A_714 = vector.shape_cast %get3A_713 : vector<1x16xf32> to vector<16xf32>
          %get3A_715 = arith.index_cast %sub3A_686 : i32 to index
          %get3A_716 = arith.constant 112 : index
          %get3A_717 = tpu.vector_load %arg7[%get3A_715, %get3A_716] {strides = array<i32>} : memref<488x128xf32, #tpu.memory_space<vmem>>, vector<1x16xf32>,
          %get3A_718 = vector.shape_cast %get3A_717 : vector<1x16xf32> to vector<16xf32>
          %add3A_719 = arith.addf %while3A_670, %get3A_690 : vector<16xf32>
          %add3A_720 = arith.addf %while3A_671, %get3A_694 : vector<16xf32>
          %add3A_721 = arith.addf %while3A_672, %get3A_698 : vector<16xf32>
          %add3A_722 = arith.addf %while3A_673, %get3A_702 : vector<16xf32>
          %add3A_723 = arith.addf %while3A_674, %get3A_706 : vector<16xf32>
          %add3A_724 = arith.addf %while3A_675, %get3A_710 : vector<16xf32>
          %add3A_725 = arith.addf %while3A_676, %get3A_714 : vector<16xf32>
          %add3A_726 = arith.addf %while3A_677, %get3A_718 : vector<16xf32>
          %max3A_727 = arith.maximumf %while3A_678, %get3A_690 : vector<16xf32>
          %max3A_728 = arith.maximumf %while3A_679, %get3A_694 : vector<16xf32>
          %max3A_729 = arith.maximumf %while3A_680, %get3A_698 : vector<16xf32>
          %max3A_730 = arith.maximumf %while3A_681, %get3A_702 : vector<16xf32>
          %max3A_731 = arith.maximumf %while3A_682, %get3A_706 : vector<16xf32>
          %max3A_732 = arith.maximumf %while3A_683, %get3A_710 : vector<16xf32>
          %max3A_733 = arith.maximumf %while3A_684, %get3A_714 : vector<16xf32>
          %max3A_734 = arith.maximumf %while3A_685, %get3A_718 : vector<16xf32>
          scf.yield %add3A_719, %add3A_720, %add3A_721, %add3A_722, %add3A_723, %add3A_724, %add3A_725, %add3A_726, %max3A_727, %max3A_728, %max3A_729, %max3A_730, %max3A_731, %max3A_732, %max3A_733, %max3A_734 : vector<16xf32>, vector<16xf32>, vector<16xf32>, vector<16xf32>, vector<16xf32>, vector<16xf32>, vector<16xf32>, vector<16xf32>, vector<16xf32>, vector<16xf32>, vector<16xf32>, vector<16xf32>, vector<16xf32>, vector<16xf32>, vector<16xf32>, vector<16xf32>
        }
        %while3A_567 = arith.constant 1 : i32
        %while3A_568:16 = scf.for %while3A_669 = %while3A_564 to %while3A_560 step %while3A_567 iter_args(%while3A_670 = %while3A_566#0, %while3A_671 = %while3A_566#1, %while3A_672 = %while3A_566#2, %while3A_673 = %while3A_566#3, %while3A_674 = %while3A_566#4, %while3A_675 = %while3A_566#5, %while3A_676 = %while3A_566#6, %while3A_677 = %while3A_566#7, %while3A_678 = %while3A_566#8, %while3A_679 = %while3A_566#9, %while3A_680 = %while3A_566#10, %while3A_681 = %while3A_566#11, %while3A_682 = %while3A_566#12, %while3A_683 = %while3A_566#13, %while3A_684 = %while3A_566#14, %while3A_685 = %while3A_566#15) -> (vector<16xf32>, vector<16xf32>, vector<16xf32>, vector<16xf32>, vector<16xf32>, vector<16xf32>, vector<16xf32>, vector<16xf32>, vector<16xf32>, vector<16xf32>, vector<16xf32>, vector<16xf32>, vector<16xf32>, vector<16xf32>, vector<16xf32>, vector<16xf32>)  : i32 {
          %sub3A_686 = arith.subi %while3A_669, %min3A_408 : i32
          %get3A_687 = arith.index_cast %sub3A_686 : i32 to index
          %get3A_688 = arith.constant 0 : index
          %get3A_689 = tpu.vector_load %arg7[%get3A_687, %get3A_688] {strides = array<i32>} : memref<488x128xf32, #tpu.memory_space<vmem>>, vector<1x16xf32>,
          %get3A_690 = vector.shape_cast %get3A_689 : vector<1x16xf32> to vector<16xf32>
          %get3A_691 = arith.index_cast %sub3A_686 : i32 to index
          %get3A_692 = arith.constant 16 : index
          %get3A_693 = tpu.vector_load %arg7[%get3A_691, %get3A_692] {strides = array<i32>} : memref<488x128xf32, #tpu.memory_space<vmem>>, vector<1x16xf32>,
          %get3A_694 = vector.shape_cast %get3A_693 : vector<1x16xf32> to vector<16xf32>
          %get3A_695 = arith.index_cast %sub3A_686 : i32 to index
          %get3A_696 = arith.constant 32 : index
          %get3A_697 = tpu.vector_load %arg7[%get3A_695, %get3A_696] {strides = array<i32>} : memref<488x128xf32, #tpu.memory_space<vmem>>, vector<1x16xf32>,
          %get3A_698 = vector.shape_cast %get3A_697 : vector<1x16xf32> to vector<16xf32>
          %get3A_699 = arith.index_cast %sub3A_686 : i32 to index
          %get3A_700 = arith.constant 48 : index
          %get3A_701 = tpu.vector_load %arg7[%get3A_699, %get3A_700] {strides = array<i32>} : memref<488x128xf32, #tpu.memory_space<vmem>>, vector<1x16xf32>,
          %get3A_702 = vector.shape_cast %get3A_701 : vector<1x16xf32> to vector<16xf32>
          %get3A_703 = arith.index_cast %sub3A_686 : i32 to index
          %get3A_704 = arith.constant 64 : index
          %get3A_705 = tpu.vector_load %arg7[%get3A_703, %get3A_704] {strides = array<i32>} : memref<488x128xf32, #tpu.memory_space<vmem>>, vector<1x16xf32>,
          %get3A_706 = vector.shape_cast %get3A_705 : vector<1x16xf32> to vector<16xf32>
          %get3A_707 = arith.index_cast %sub3A_686 : i32 to index
          %get3A_708 = arith.constant 80 : index
          %get3A_709 = tpu.vector_load %arg7[%get3A_707, %get3A_708] {strides = array<i32>} : memref<488x128xf32, #tpu.memory_space<vmem>>, vector<1x16xf32>,
          %get3A_710 = vector.shape_cast %get3A_709 : vector<1x16xf32> to vector<16xf32>
          %get3A_711 = arith.index_cast %sub3A_686 : i32 to index
          %get3A_712 = arith.constant 96 : index
          %get3A_713 = tpu.vector_load %arg7[%get3A_711, %get3A_712] {strides = array<i32>} : memref<488x128xf32, #tpu.memory_space<vmem>>, vector<1x16xf32>,
          %get3A_714 = vector.shape_cast %get3A_713 : vector<1x16xf32> to vector<16xf32>
          %get3A_715 = arith.index_cast %sub3A_686 : i32 to index
          %get3A_716 = arith.constant 112 : index
          %get3A_717 = tpu.vector_load %arg7[%get3A_715, %get3A_716] {strides = array<i32>} : memref<488x128xf32, #tpu.memory_space<vmem>>, vector<1x16xf32>,
          %get3A_718 = vector.shape_cast %get3A_717 : vector<1x16xf32> to vector<16xf32>
          %add3A_719 = arith.addf %while3A_670, %get3A_690 : vector<16xf32>
          %add3A_720 = arith.addf %while3A_671, %get3A_694 : vector<16xf32>
          %add3A_721 = arith.addf %while3A_672, %get3A_698 : vector<16xf32>
          %add3A_722 = arith.addf %while3A_673, %get3A_702 : vector<16xf32>
          %add3A_723 = arith.addf %while3A_674, %get3A_706 : vector<16xf32>
          %add3A_724 = arith.addf %while3A_675, %get3A_710 : vector<16xf32>
          %add3A_725 = arith.addf %while3A_676, %get3A_714 : vector<16xf32>
          %add3A_726 = arith.addf %while3A_677, %get3A_718 : vector<16xf32>
          %max3A_727 = arith.maximumf %while3A_678, %get3A_690 : vector<16xf32>
          %max3A_728 = arith.maximumf %while3A_679, %get3A_694 : vector<16xf32>
          %max3A_729 = arith.maximumf %while3A_680, %get3A_698 : vector<16xf32>
          %max3A_730 = arith.maximumf %while3A_681, %get3A_702 : vector<16xf32>
          %max3A_731 = arith.maximumf %while3A_682, %get3A_706 : vector<16xf32>
          %max3A_732 = arith.maximumf %while3A_683, %get3A_710 : vector<16xf32>
          %max3A_733 = arith.maximumf %while3A_684, %get3A_714 : vector<16xf32>
          %max3A_734 = arith.maximumf %while3A_685, %get3A_718 : vector<16xf32>
          scf.yield %add3A_719, %add3A_720, %add3A_721, %add3A_722, %add3A_723, %add3A_724, %add3A_725, %add3A_726, %max3A_727, %max3A_728, %max3A_729, %max3A_730, %max3A_731, %max3A_732, %max3A_733, %max3A_734 : vector<16xf32>, vector<16xf32>, vector<16xf32>, vector<16xf32>, vector<16xf32>, vector<16xf32>, vector<16xf32>, vector<16xf32>, vector<16xf32>, vector<16xf32>, vector<16xf32>, vector<16xf32>, vector<16xf32>, vector<16xf32>, vector<16xf32>, vector<16xf32>
        }
        %slice3A_569 = vector.extract_strided_slice %get3A_552 {offsets = [1], sizes = [1], strides = [1]} : vector<16xi32> to vector<1xi32>
        %squeeze3A_570 = vector.extract %slice3A_569[0] : i32 from vector<1xi32>
        %slice3A_571 = vector.extract_strided_slice %get3A_552 {offsets = [0], sizes = [1], strides = [1]} : vector<16xi32> to vector<1xi32>
        %squeeze3A_572 = vector.extract %slice3A_571[0] : i32 from vector<1xi32>
        %sub3A_573 = arith.subi %squeeze3A_570, %squeeze3A_572 : i32
        %convert_element_type3A_574 = arith.sitofp %sub3A_573 : i32 to f32
        %max3A_575 = arith.constant 1.000000e+00 : f32
        %max3A_576 = arith.maximumf %convert_element_type3A_574, %max3A_575 : f32
        %broadcast_in_dim3A_577 = vector.broadcast %max3A_576 : f32 to vector<16xf32>
        %div3A_578 = arith.constant 1.000000e+00 : f32
        %div3A_579 = vector.broadcast %div3A_578 : f32 to vector<16xf32>
        %div3A_580 = arith.divf %div3A_579, %broadcast_in_dim3A_577 : vector<16xf32>
        %mul3A_581 = arith.mulf %while3A_568#0, %div3A_580 : vector<16xf32>
        %swap3A_582 = arith.index_cast %while3A_533 : i32 to index
        %swap3A_583 = arith.constant 0 : index
        %swap3A_584 = tpu.vector_load %arg8[%swap3A_582, %swap3A_583] {strides = array<i32>} : memref<16x256xf32, #tpu.memory_space<vmem>>, vector<1x16xf32>,
        %swap3A_585 = vector.shape_cast %swap3A_584 : vector<1x16xf32> to vector<16xf32>
        %swap3A_586 = vector.shape_cast %mul3A_581 : vector<16xf32> to vector<1x16xf32>
        tpu.vector_store %arg8[%swap3A_582, %swap3A_583], %swap3A_586 {strides = array<i32>} : memref<16x256xf32, #tpu.memory_space<vmem>>, vector<1x16xf32>,
        %mul3A_587 = arith.mulf %while3A_568#1, %div3A_580 : vector<16xf32>
        %swap3A_588 = arith.index_cast %while3A_533 : i32 to index
        %swap3A_589 = arith.constant 16 : index
        %swap3A_590 = tpu.vector_load %arg8[%swap3A_588, %swap3A_589] {strides = array<i32>} : memref<16x256xf32, #tpu.memory_space<vmem>>, vector<1x16xf32>,
        %swap3A_591 = vector.shape_cast %swap3A_590 : vector<1x16xf32> to vector<16xf32>
        %swap3A_592 = vector.shape_cast %mul3A_587 : vector<16xf32> to vector<1x16xf32>
        tpu.vector_store %arg8[%swap3A_588, %swap3A_589], %swap3A_592 {strides = array<i32>} : memref<16x256xf32, #tpu.memory_space<vmem>>, vector<1x16xf32>,
        %mul3A_593 = arith.mulf %while3A_568#2, %div3A_580 : vector<16xf32>
        %swap3A_594 = arith.index_cast %while3A_533 : i32 to index
        %swap3A_595 = arith.constant 32 : index
        %swap3A_596 = tpu.vector_load %arg8[%swap3A_594, %swap3A_595] {strides = array<i32>} : memref<16x256xf32, #tpu.memory_space<vmem>>, vector<1x16xf32>,
        %swap3A_597 = vector.shape_cast %swap3A_596 : vector<1x16xf32> to vector<16xf32>
        %swap3A_598 = vector.shape_cast %mul3A_593 : vector<16xf32> to vector<1x16xf32>
        tpu.vector_store %arg8[%swap3A_594, %swap3A_595], %swap3A_598 {strides = array<i32>} : memref<16x256xf32, #tpu.memory_space<vmem>>, vector<1x16xf32>,
        %mul3A_599 = arith.mulf %while3A_568#3, %div3A_580 : vector<16xf32>
        %swap3A_600 = arith.index_cast %while3A_533 : i32 to index
        %swap3A_601 = arith.constant 48 : index
        %swap3A_602 = tpu.vector_load %arg8[%swap3A_600, %swap3A_601] {strides = array<i32>} : memref<16x256xf32, #tpu.memory_space<vmem>>, vector<1x16xf32>,
        %swap3A_603 = vector.shape_cast %swap3A_602 : vector<1x16xf32> to vector<16xf32>
        %swap3A_604 = vector.shape_cast %mul3A_599 : vector<16xf32> to vector<1x16xf32>
        tpu.vector_store %arg8[%swap3A_600, %swap3A_601], %swap3A_604 {strides = array<i32>} : memref<16x256xf32, #tpu.memory_space<vmem>>, vector<1x16xf32>,
        %mul3A_605 = arith.mulf %while3A_568#4, %div3A_580 : vector<16xf32>
        %swap3A_606 = arith.index_cast %while3A_533 : i32 to index
        %swap3A_607 = arith.constant 64 : index
        %swap3A_608 = tpu.vector_load %arg8[%swap3A_606, %swap3A_607] {strides = array<i32>} : memref<16x256xf32, #tpu.memory_space<vmem>>, vector<1x16xf32>,
        %swap3A_609 = vector.shape_cast %swap3A_608 : vector<1x16xf32> to vector<16xf32>
        %swap3A_610 = vector.shape_cast %mul3A_605 : vector<16xf32> to vector<1x16xf32>
        tpu.vector_store %arg8[%swap3A_606, %swap3A_607], %swap3A_610 {strides = array<i32>} : memref<16x256xf32, #tpu.memory_space<vmem>>, vector<1x16xf32>,
        %mul3A_611 = arith.mulf %while3A_568#5, %div3A_580 : vector<16xf32>
        %swap3A_612 = arith.index_cast %while3A_533 : i32 to index
        %swap3A_613 = arith.constant 80 : index
        %swap3A_614 = tpu.vector_load %arg8[%swap3A_612, %swap3A_613] {strides = array<i32>} : memref<16x256xf32, #tpu.memory_space<vmem>>, vector<1x16xf32>,
        %swap3A_615 = vector.shape_cast %swap3A_614 : vector<1x16xf32> to vector<16xf32>
        %swap3A_616 = vector.shape_cast %mul3A_611 : vector<16xf32> to vector<1x16xf32>
        tpu.vector_store %arg8[%swap3A_612, %swap3A_613], %swap3A_616 {strides = array<i32>} : memref<16x256xf32, #tpu.memory_space<vmem>>, vector<1x16xf32>,
        %mul3A_617 = arith.mulf %while3A_568#6, %div3A_580 : vector<16xf32>
        %swap3A_618 = arith.index_cast %while3A_533 : i32 to index
        %swap3A_619 = arith.constant 96 : index
        %swap3A_620 = tpu.vector_load %arg8[%swap3A_618, %swap3A_619] {strides = array<i32>} : memref<16x256xf32, #tpu.memory_space<vmem>>, vector<1x16xf32>,
        %swap3A_621 = vector.shape_cast %swap3A_620 : vector<1x16xf32> to vector<16xf32>
        %swap3A_622 = vector.shape_cast %mul3A_617 : vector<16xf32> to vector<1x16xf32>
        tpu.vector_store %arg8[%swap3A_618, %swap3A_619], %swap3A_622 {strides = array<i32>} : memref<16x256xf32, #tpu.memory_space<vmem>>, vector<1x16xf32>,
        %mul3A_623 = arith.mulf %while3A_568#7, %div3A_580 : vector<16xf32>
        %swap3A_624 = arith.index_cast %while3A_533 : i32 to index
        %swap3A_625 = arith.constant 112 : index
        %swap3A_626 = tpu.vector_load %arg8[%swap3A_624, %swap3A_625] {strides = array<i32>} : memref<16x256xf32, #tpu.memory_space<vmem>>, vector<1x16xf32>,
        %swap3A_627 = vector.shape_cast %swap3A_626 : vector<1x16xf32> to vector<16xf32>
        %swap3A_628 = vector.shape_cast %mul3A_623 : vector<16xf32> to vector<1x16xf32>
        tpu.vector_store %arg8[%swap3A_624, %swap3A_625], %swap3A_628 {strides = array<i32>} : memref<16x256xf32, #tpu.memory_space<vmem>>, vector<1x16xf32>,
        %swap3A_629 = arith.index_cast %while3A_533 : i32 to index
        %swap3A_630 = arith.constant 128 : index
        %swap3A_631 = tpu.vector_load %arg8[%swap3A_629, %swap3A_630] {strides = array<i32>} : memref<16x256xf32, #tpu.memory_space<vmem>>, vector<1x16xf32>,
        %swap3A_632 = vector.shape_cast %swap3A_631 : vector<1x16xf32> to vector<16xf32>
        %swap3A_633 = vector.shape_cast %while3A_568#8 : vector<16xf32> to vector<1x16xf32>
        tpu.vector_store %arg8[%swap3A_629, %swap3A_630], %swap3A_633 {strides = array<i32>} : memref<16x256xf32, #tpu.memory_space<vmem>>, vector<1x16xf32>,
        %swap3A_634 = arith.index_cast %while3A_533 : i32 to index
        %swap3A_635 = arith.constant 144 : index
        %swap3A_636 = tpu.vector_load %arg8[%swap3A_634, %swap3A_635] {strides = array<i32>} : memref<16x256xf32, #tpu.memory_space<vmem>>, vector<1x16xf32>,
        %swap3A_637 = vector.shape_cast %swap3A_636 : vector<1x16xf32> to vector<16xf32>
        %swap3A_638 = vector.shape_cast %while3A_568#9 : vector<16xf32> to vector<1x16xf32>
        tpu.vector_store %arg8[%swap3A_634, %swap3A_635], %swap3A_638 {strides = array<i32>} : memref<16x256xf32, #tpu.memory_space<vmem>>, vector<1x16xf32>,
        %swap3A_639 = arith.index_cast %while3A_533 : i32 to index
        %swap3A_640 = arith.constant 160 : index
        %swap3A_641 = tpu.vector_load %arg8[%swap3A_639, %swap3A_640] {strides = array<i32>} : memref<16x256xf32, #tpu.memory_space<vmem>>, vector<1x16xf32>,
        %swap3A_642 = vector.shape_cast %swap3A_641 : vector<1x16xf32> to vector<16xf32>
        %swap3A_643 = vector.shape_cast %while3A_568#10 : vector<16xf32> to vector<1x16xf32>
        tpu.vector_store %arg8[%swap3A_639, %swap3A_640], %swap3A_643 {strides = array<i32>} : memref<16x256xf32, #tpu.memory_space<vmem>>, vector<1x16xf32>,
        %swap3A_644 = arith.index_cast %while3A_533 : i32 to index
        %swap3A_645 = arith.constant 176 : index
        %swap3A_646 = tpu.vector_load %arg8[%swap3A_644, %swap3A_645] {strides = array<i32>} : memref<16x256xf32, #tpu.memory_space<vmem>>, vector<1x16xf32>,
        %swap3A_647 = vector.shape_cast %swap3A_646 : vector<1x16xf32> to vector<16xf32>
        %swap3A_648 = vector.shape_cast %while3A_568#11 : vector<16xf32> to vector<1x16xf32>
        tpu.vector_store %arg8[%swap3A_644, %swap3A_645], %swap3A_648 {strides = array<i32>} : memref<16x256xf32, #tpu.memory_space<vmem>>, vector<1x16xf32>,
        %swap3A_649 = arith.index_cast %while3A_533 : i32 to index
        %swap3A_650 = arith.constant 192 : index
        %swap3A_651 = tpu.vector_load %arg8[%swap3A_649, %swap3A_650] {strides = array<i32>} : memref<16x256xf32, #tpu.memory_space<vmem>>, vector<1x16xf32>,
        %swap3A_652 = vector.shape_cast %swap3A_651 : vector<1x16xf32> to vector<16xf32>
        %swap3A_653 = vector.shape_cast %while3A_568#12 : vector<16xf32> to vector<1x16xf32>
        tpu.vector_store %arg8[%swap3A_649, %swap3A_650], %swap3A_653 {strides = array<i32>} : memref<16x256xf32, #tpu.memory_space<vmem>>, vector<1x16xf32>,
        %swap3A_654 = arith.index_cast %while3A_533 : i32 to index
        %swap3A_655 = arith.constant 208 : index
        %swap3A_656 = tpu.vector_load %arg8[%swap3A_654, %swap3A_655] {strides = array<i32>} : memref<16x256xf32, #tpu.memory_space<vmem>>, vector<1x16xf32>,
        %swap3A_657 = vector.shape_cast %swap3A_656 : vector<1x16xf32> to vector<16xf32>
        %swap3A_658 = vector.shape_cast %while3A_568#13 : vector<16xf32> to vector<1x16xf32>
        tpu.vector_store %arg8[%swap3A_654, %swap3A_655], %swap3A_658 {strides = array<i32>} : memref<16x256xf32, #tpu.memory_space<vmem>>, vector<1x16xf32>,
        %swap3A_659 = arith.index_cast %while3A_533 : i32 to index
        %swap3A_660 = arith.constant 224 : index
        %swap3A_661 = tpu.vector_load %arg8[%swap3A_659, %swap3A_660] {strides = array<i32>} : memref<16x256xf32, #tpu.memory_space<vmem>>, vector<1x16xf32>,
        %swap3A_662 = vector.shape_cast %swap3A_661 : vector<1x16xf32> to vector<16xf32>
        %swap3A_663 = vector.shape_cast %while3A_568#14 : vector<16xf32> to vector<1x16xf32>
        tpu.vector_store %arg8[%swap3A_659, %swap3A_660], %swap3A_663 {strides = array<i32>} : memref<16x256xf32, #tpu.memory_space<vmem>>, vector<1x16xf32>,
        %swap3A_664 = arith.index_cast %while3A_533 : i32 to index
        %swap3A_665 = arith.constant 240 : index
        %swap3A_666 = tpu.vector_load %arg8[%swap3A_664, %swap3A_665] {strides = array<i32>} : memref<16x256xf32, #tpu.memory_space<vmem>>, vector<1x16xf32>,
        %swap3A_667 = vector.shape_cast %swap3A_666 : vector<1x16xf32> to vector<16xf32>
        %swap3A_668 = vector.shape_cast %while3A_568#15 : vector<16xf32> to vector<1x16xf32>
        tpu.vector_store %arg8[%swap3A_664, %swap3A_665], %swap3A_668 {strides = array<i32>} : memref<16x256xf32, #tpu.memory_space<vmem>>, vector<1x16xf32>,
        scf.yield %broadcast_in_dim3A_57, %broadcast_in_dim3A_57, %broadcast_in_dim3A_57, %broadcast_in_dim3A_57, %broadcast_in_dim3A_57, %broadcast_in_dim3A_57, %broadcast_in_dim3A_57, %broadcast_in_dim3A_57, %broadcast_in_dim3A_59, %broadcast_in_dim3A_59, %broadcast_in_dim3A_59, %broadcast_in_dim3A_59, %broadcast_in_dim3A_59, %broadcast_in_dim3A_59, %broadcast_in_dim3A_59, %broadcast_in_dim3A_59 : vector<16xf32>, vector<16xf32>, vector<16xf32>, vector<16xf32>, vector<16xf32>, vector<16xf32>, vector<16xf32>, vector<16xf32>, vector<16xf32>, vector<16xf32>, vector<16xf32>, vector<16xf32>, vector<16xf32>, vector<16xf32>, vector<16xf32>, vector<16xf32>
      }
      %while3A_512 = arith.constant 1 : i32
      %while3A_513:16 = scf.for %while3A_533 = %while3A_509 to %while3A_505 step %while3A_512 iter_args(%while3A_534 = %while3A_511#0, %while3A_535 = %while3A_511#1, %while3A_536 = %while3A_511#2, %while3A_537 = %while3A_511#3, %while3A_538 = %while3A_511#4, %while3A_539 = %while3A_511#5, %while3A_540 = %while3A_511#6, %while3A_541 = %while3A_511#7, %while3A_542 = %while3A_511#8, %while3A_543 = %while3A_511#9, %while3A_544 = %while3A_511#10, %while3A_545 = %while3A_511#11, %while3A_546 = %while3A_511#12, %while3A_547 = %while3A_511#13, %while3A_548 = %while3A_511#14, %while3A_549 = %while3A_511#15) -> (vector<16xf32>, vector<16xf32>, vector<16xf32>, vector<16xf32>, vector<16xf32>, vector<16xf32>, vector<16xf32>, vector<16xf32>, vector<16xf32>, vector<16xf32>, vector<16xf32>, vector<16xf32>, vector<16xf32>, vector<16xf32>, vector<16xf32>, vector<16xf32>)  : i32 {
        %get3A_550 = arith.index_cast %while3A_533 : i32 to index
        %get3A_551 = tpu.vector_load %arg5[%get3A_550] {strides = array<i32>} : memref<32xi32, #tpu.memory_space<vmem>>, vector<16xi32>,
        %get3A_552 = vector.shape_cast %get3A_551 : vector<16xi32> to vector<16xi32>
        %slice3A_553 = vector.extract_strided_slice %get3A_552 {offsets = [0], sizes = [1], strides = [1]} : vector<16xi32> to vector<1xi32>
        %squeeze3A_554 = vector.extract %slice3A_553[0] : i32 from vector<1xi32>
        %max3A_555 = arith.maxsi %squeeze3A_554, %min3A_413 : i32
        %slice3A_556 = vector.extract_strided_slice %get3A_552 {offsets = [1], sizes = [1], strides = [1]} : vector<16xi32> to vector<1xi32>
        %squeeze3A_557 = vector.extract %slice3A_556[0] : i32 from vector<1xi32>
        %min3A_558 = arith.minsi %squeeze3A_557, %max3A_420 : i32
        %while3A_559 = arith.subi %min3A_558, %max3A_555 : i32
        %while3A_560 = arith.addi %max3A_555, %while3A_559 : i32
        %while3A_561 = arith.constant 1 : i32
        %while3A_562 = arith.divsi %while3A_559, %while3A_561 : i32
        %while3A_563 = arith.muli %while3A_562, %while3A_561 : i32
        %while3A_564 = arith.addi %max3A_555, %while3A_563 : i32
        %while3A_565 = arith.constant 1 : i32
        %while3A_566:16 = scf.for %while3A_669 = %max3A_555 to %while3A_564 step %while3A_565 iter_args(%while3A_670 = %while3A_534, %while3A_671 = %while3A_535, %while3A_672 = %while3A_536, %while3A_673 = %while3A_537, %while3A_674 = %while3A_538, %while3A_675 = %while3A_539, %while3A_676 = %while3A_540, %while3A_677 = %while3A_541, %while3A_678 = %while3A_542, %while3A_679 = %while3A_543, %while3A_680 = %while3A_544, %while3A_681 = %while3A_545, %while3A_682 = %while3A_546, %while3A_683 = %while3A_547, %while3A_684 = %while3A_548, %while3A_685 = %while3A_549) -> (vector<16xf32>, vector<16xf32>, vector<16xf32>, vector<16xf32>, vector<16xf32>, vector<16xf32>, vector<16xf32>, vector<16xf32>, vector<16xf32>, vector<16xf32>, vector<16xf32>, vector<16xf32>, vector<16xf32>, vector<16xf32>, vector<16xf32>, vector<16xf32>)  : i32 {
          %sub3A_686 = arith.subi %while3A_669, %min3A_408 : i32
          %get3A_687 = arith.index_cast %sub3A_686 : i32 to index
          %get3A_688 = arith.constant 0 : index
          %get3A_689 = tpu.vector_load %arg7[%get3A_687, %get3A_688] {strides = array<i32>} : memref<488x128xf32, #tpu.memory_space<vmem>>, vector<1x16xf32>,
          %get3A_690 = vector.shape_cast %get3A_689 : vector<1x16xf32> to vector<16xf32>
          %get3A_691 = arith.index_cast %sub3A_686 : i32 to index
          %get3A_692 = arith.constant 16 : index
          %get3A_693 = tpu.vector_load %arg7[%get3A_691, %get3A_692] {strides = array<i32>} : memref<488x128xf32, #tpu.memory_space<vmem>>, vector<1x16xf32>,
          %get3A_694 = vector.shape_cast %get3A_693 : vector<1x16xf32> to vector<16xf32>
          %get3A_695 = arith.index_cast %sub3A_686 : i32 to index
          %get3A_696 = arith.constant 32 : index
          %get3A_697 = tpu.vector_load %arg7[%get3A_695, %get3A_696] {strides = array<i32>} : memref<488x128xf32, #tpu.memory_space<vmem>>, vector<1x16xf32>,
          %get3A_698 = vector.shape_cast %get3A_697 : vector<1x16xf32> to vector<16xf32>
          %get3A_699 = arith.index_cast %sub3A_686 : i32 to index
          %get3A_700 = arith.constant 48 : index
          %get3A_701 = tpu.vector_load %arg7[%get3A_699, %get3A_700] {strides = array<i32>} : memref<488x128xf32, #tpu.memory_space<vmem>>, vector<1x16xf32>,
          %get3A_702 = vector.shape_cast %get3A_701 : vector<1x16xf32> to vector<16xf32>
          %get3A_703 = arith.index_cast %sub3A_686 : i32 to index
          %get3A_704 = arith.constant 64 : index
          %get3A_705 = tpu.vector_load %arg7[%get3A_703, %get3A_704] {strides = array<i32>} : memref<488x128xf32, #tpu.memory_space<vmem>>, vector<1x16xf32>,
          %get3A_706 = vector.shape_cast %get3A_705 : vector<1x16xf32> to vector<16xf32>
          %get3A_707 = arith.index_cast %sub3A_686 : i32 to index
          %get3A_708 = arith.constant 80 : index
          %get3A_709 = tpu.vector_load %arg7[%get3A_707, %get3A_708] {strides = array<i32>} : memref<488x128xf32, #tpu.memory_space<vmem>>, vector<1x16xf32>,
          %get3A_710 = vector.shape_cast %get3A_709 : vector<1x16xf32> to vector<16xf32>
          %get3A_711 = arith.index_cast %sub3A_686 : i32 to index
          %get3A_712 = arith.constant 96 : index
          %get3A_713 = tpu.vector_load %arg7[%get3A_711, %get3A_712] {strides = array<i32>} : memref<488x128xf32, #tpu.memory_space<vmem>>, vector<1x16xf32>,
          %get3A_714 = vector.shape_cast %get3A_713 : vector<1x16xf32> to vector<16xf32>
          %get3A_715 = arith.index_cast %sub3A_686 : i32 to index
          %get3A_716 = arith.constant 112 : index
          %get3A_717 = tpu.vector_load %arg7[%get3A_715, %get3A_716] {strides = array<i32>} : memref<488x128xf32, #tpu.memory_space<vmem>>, vector<1x16xf32>,
          %get3A_718 = vector.shape_cast %get3A_717 : vector<1x16xf32> to vector<16xf32>
          %add3A_719 = arith.addf %while3A_670, %get3A_690 : vector<16xf32>
          %add3A_720 = arith.addf %while3A_671, %get3A_694 : vector<16xf32>
          %add3A_721 = arith.addf %while3A_672, %get3A_698 : vector<16xf32>
          %add3A_722 = arith.addf %while3A_673, %get3A_702 : vector<16xf32>
          %add3A_723 = arith.addf %while3A_674, %get3A_706 : vector<16xf32>
          %add3A_724 = arith.addf %while3A_675, %get3A_710 : vector<16xf32>
          %add3A_725 = arith.addf %while3A_676, %get3A_714 : vector<16xf32>
          %add3A_726 = arith.addf %while3A_677, %get3A_718 : vector<16xf32>
          %max3A_727 = arith.maximumf %while3A_678, %get3A_690 : vector<16xf32>
          %max3A_728 = arith.maximumf %while3A_679, %get3A_694 : vector<16xf32>
          %max3A_729 = arith.maximumf %while3A_680, %get3A_698 : vector<16xf32>
          %max3A_730 = arith.maximumf %while3A_681, %get3A_702 : vector<16xf32>
          %max3A_731 = arith.maximumf %while3A_682, %get3A_706 : vector<16xf32>
          %max3A_732 = arith.maximumf %while3A_683, %get3A_710 : vector<16xf32>
          %max3A_733 = arith.maximumf %while3A_684, %get3A_714 : vector<16xf32>
          %max3A_734 = arith.maximumf %while3A_685, %get3A_718 : vector<16xf32>
          scf.yield %add3A_719, %add3A_720, %add3A_721, %add3A_722, %add3A_723, %add3A_724, %add3A_725, %add3A_726, %max3A_727, %max3A_728, %max3A_729, %max3A_730, %max3A_731, %max3A_732, %max3A_733, %max3A_734 : vector<16xf32>, vector<16xf32>, vector<16xf32>, vector<16xf32>, vector<16xf32>, vector<16xf32>, vector<16xf32>, vector<16xf32>, vector<16xf32>, vector<16xf32>, vector<16xf32>, vector<16xf32>, vector<16xf32>, vector<16xf32>, vector<16xf32>, vector<16xf32>
        }
        %while3A_567 = arith.constant 1 : i32
        %while3A_568:16 = scf.for %while3A_669 = %while3A_564 to %while3A_560 step %while3A_567 iter_args(%while3A_670 = %while3A_566#0, %while3A_671 = %while3A_566#1, %while3A_672 = %while3A_566#2, %while3A_673 = %while3A_566#3, %while3A_674 = %while3A_566#4, %while3A_675 = %while3A_566#5, %while3A_676 = %while3A_566#6, %while3A_677 = %while3A_566#7, %while3A_678 = %while3A_566#8, %while3A_679 = %while3A_566#9, %while3A_680 = %while3A_566#10, %while3A_681 = %while3A_566#11, %while3A_682 = %while3A_566#12, %while3A_683 = %while3A_566#13, %while3A_684 = %while3A_566#14, %while3A_685 = %while3A_566#15) -> (vector<16xf32>, vector<16xf32>, vector<16xf32>, vector<16xf32>, vector<16xf32>, vector<16xf32>, vector<16xf32>, vector<16xf32>, vector<16xf32>, vector<16xf32>, vector<16xf32>, vector<16xf32>, vector<16xf32>, vector<16xf32>, vector<16xf32>, vector<16xf32>)  : i32 {
          %sub3A_686 = arith.subi %while3A_669, %min3A_408 : i32
          %get3A_687 = arith.index_cast %sub3A_686 : i32 to index
          %get3A_688 = arith.constant 0 : index
          %get3A_689 = tpu.vector_load %arg7[%get3A_687, %get3A_688] {strides = array<i32>} : memref<488x128xf32, #tpu.memory_space<vmem>>, vector<1x16xf32>,
          %get3A_690 = vector.shape_cast %get3A_689 : vector<1x16xf32> to vector<16xf32>
          %get3A_691 = arith.index_cast %sub3A_686 : i32 to index
          %get3A_692 = arith.constant 16 : index
          %get3A_693 = tpu.vector_load %arg7[%get3A_691, %get3A_692] {strides = array<i32>} : memref<488x128xf32, #tpu.memory_space<vmem>>, vector<1x16xf32>,
          %get3A_694 = vector.shape_cast %get3A_693 : vector<1x16xf32> to vector<16xf32>
          %get3A_695 = arith.index_cast %sub3A_686 : i32 to index
          %get3A_696 = arith.constant 32 : index
          %get3A_697 = tpu.vector_load %arg7[%get3A_695, %get3A_696] {strides = array<i32>} : memref<488x128xf32, #tpu.memory_space<vmem>>, vector<1x16xf32>,
          %get3A_698 = vector.shape_cast %get3A_697 : vector<1x16xf32> to vector<16xf32>
          %get3A_699 = arith.index_cast %sub3A_686 : i32 to index
          %get3A_700 = arith.constant 48 : index
          %get3A_701 = tpu.vector_load %arg7[%get3A_699, %get3A_700] {strides = array<i32>} : memref<488x128xf32, #tpu.memory_space<vmem>>, vector<1x16xf32>,
          %get3A_702 = vector.shape_cast %get3A_701 : vector<1x16xf32> to vector<16xf32>
          %get3A_703 = arith.index_cast %sub3A_686 : i32 to index
          %get3A_704 = arith.constant 64 : index
          %get3A_705 = tpu.vector_load %arg7[%get3A_703, %get3A_704] {strides = array<i32>} : memref<488x128xf32, #tpu.memory_space<vmem>>, vector<1x16xf32>,
          %get3A_706 = vector.shape_cast %get3A_705 : vector<1x16xf32> to vector<16xf32>
          %get3A_707 = arith.index_cast %sub3A_686 : i32 to index
          %get3A_708 = arith.constant 80 : index
          %get3A_709 = tpu.vector_load %arg7[%get3A_707, %get3A_708] {strides = array<i32>} : memref<488x128xf32, #tpu.memory_space<vmem>>, vector<1x16xf32>,
          %get3A_710 = vector.shape_cast %get3A_709 : vector<1x16xf32> to vector<16xf32>
          %get3A_711 = arith.index_cast %sub3A_686 : i32 to index
          %get3A_712 = arith.constant 96 : index
          %get3A_713 = tpu.vector_load %arg7[%get3A_711, %get3A_712] {strides = array<i32>} : memref<488x128xf32, #tpu.memory_space<vmem>>, vector<1x16xf32>,
          %get3A_714 = vector.shape_cast %get3A_713 : vector<1x16xf32> to vector<16xf32>
          %get3A_715 = arith.index_cast %sub3A_686 : i32 to index
          %get3A_716 = arith.constant 112 : index
          %get3A_717 = tpu.vector_load %arg7[%get3A_715, %get3A_716] {strides = array<i32>} : memref<488x128xf32, #tpu.memory_space<vmem>>, vector<1x16xf32>,
          %get3A_718 = vector.shape_cast %get3A_717 : vector<1x16xf32> to vector<16xf32>
          %add3A_719 = arith.addf %while3A_670, %get3A_690 : vector<16xf32>
          %add3A_720 = arith.addf %while3A_671, %get3A_694 : vector<16xf32>
          %add3A_721 = arith.addf %while3A_672, %get3A_698 : vector<16xf32>
          %add3A_722 = arith.addf %while3A_673, %get3A_702 : vector<16xf32>
          %add3A_723 = arith.addf %while3A_674, %get3A_706 : vector<16xf32>
          %add3A_724 = arith.addf %while3A_675, %get3A_710 : vector<16xf32>
          %add3A_725 = arith.addf %while3A_676, %get3A_714 : vector<16xf32>
          %add3A_726 = arith.addf %while3A_677, %get3A_718 : vector<16xf32>
          %max3A_727 = arith.maximumf %while3A_678, %get3A_690 : vector<16xf32>
          %max3A_728 = arith.maximumf %while3A_679, %get3A_694 : vector<16xf32>
          %max3A_729 = arith.maximumf %while3A_680, %get3A_698 : vector<16xf32>
          %max3A_730 = arith.maximumf %while3A_681, %get3A_702 : vector<16xf32>
          %max3A_731 = arith.maximumf %while3A_682, %get3A_706 : vector<16xf32>
          %max3A_732 = arith.maximumf %while3A_683, %get3A_710 : vector<16xf32>
          %max3A_733 = arith.maximumf %while3A_684, %get3A_714 : vector<16xf32>
          %max3A_734 = arith.maximumf %while3A_685, %get3A_718 : vector<16xf32>
          scf.yield %add3A_719, %add3A_720, %add3A_721, %add3A_722, %add3A_723, %add3A_724, %add3A_725, %add3A_726, %max3A_727, %max3A_728, %max3A_729, %max3A_730, %max3A_731, %max3A_732, %max3A_733, %max3A_734 : vector<16xf32>, vector<16xf32>, vector<16xf32>, vector<16xf32>, vector<16xf32>, vector<16xf32>, vector<16xf32>, vector<16xf32>, vector<16xf32>, vector<16xf32>, vector<16xf32>, vector<16xf32>, vector<16xf32>, vector<16xf32>, vector<16xf32>, vector<16xf32>
        }
        %slice3A_569 = vector.extract_strided_slice %get3A_552 {offsets = [1], sizes = [1], strides = [1]} : vector<16xi32> to vector<1xi32>
        %squeeze3A_570 = vector.extract %slice3A_569[0] : i32 from vector<1xi32>
        %slice3A_571 = vector.extract_strided_slice %get3A_552 {offsets = [0], sizes = [1], strides = [1]} : vector<16xi32> to vector<1xi32>
        %squeeze3A_572 = vector.extract %slice3A_571[0] : i32 from vector<1xi32>
        %sub3A_573 = arith.subi %squeeze3A_570, %squeeze3A_572 : i32
        %convert_element_type3A_574 = arith.sitofp %sub3A_573 : i32 to f32
        %max3A_575 = arith.constant 1.000000e+00 : f32
        %max3A_576 = arith.maximumf %convert_element_type3A_574, %max3A_575 : f32
        %broadcast_in_dim3A_577 = vector.broadcast %max3A_576 : f32 to vector<16xf32>
        %div3A_578 = arith.constant 1.000000e+00 : f32
        %div3A_579 = vector.broadcast %div3A_578 : f32 to vector<16xf32>
        %div3A_580 = arith.divf %div3A_579, %broadcast_in_dim3A_577 : vector<16xf32>
        %mul3A_581 = arith.mulf %while3A_568#0, %div3A_580 : vector<16xf32>
        %swap3A_582 = arith.index_cast %while3A_533 : i32 to index
        %swap3A_583 = arith.constant 0 : index
        %swap3A_584 = tpu.vector_load %arg8[%swap3A_582, %swap3A_583] {strides = array<i32>} : memref<16x256xf32, #tpu.memory_space<vmem>>, vector<1x16xf32>,
        %swap3A_585 = vector.shape_cast %swap3A_584 : vector<1x16xf32> to vector<16xf32>
        %swap3A_586 = vector.shape_cast %mul3A_581 : vector<16xf32> to vector<1x16xf32>
        tpu.vector_store %arg8[%swap3A_582, %swap3A_583], %swap3A_586 {strides = array<i32>} : memref<16x256xf32, #tpu.memory_space<vmem>>, vector<1x16xf32>,
        %mul3A_587 = arith.mulf %while3A_568#1, %div3A_580 : vector<16xf32>
        %swap3A_588 = arith.index_cast %while3A_533 : i32 to index
        %swap3A_589 = arith.constant 16 : index
        %swap3A_590 = tpu.vector_load %arg8[%swap3A_588, %swap3A_589] {strides = array<i32>} : memref<16x256xf32, #tpu.memory_space<vmem>>, vector<1x16xf32>,
        %swap3A_591 = vector.shape_cast %swap3A_590 : vector<1x16xf32> to vector<16xf32>
        %swap3A_592 = vector.shape_cast %mul3A_587 : vector<16xf32> to vector<1x16xf32>
        tpu.vector_store %arg8[%swap3A_588, %swap3A_589], %swap3A_592 {strides = array<i32>} : memref<16x256xf32, #tpu.memory_space<vmem>>, vector<1x16xf32>,
        %mul3A_593 = arith.mulf %while3A_568#2, %div3A_580 : vector<16xf32>
        %swap3A_594 = arith.index_cast %while3A_533 : i32 to index
        %swap3A_595 = arith.constant 32 : index
        %swap3A_596 = tpu.vector_load %arg8[%swap3A_594, %swap3A_595] {strides = array<i32>} : memref<16x256xf32, #tpu.memory_space<vmem>>, vector<1x16xf32>,
        %swap3A_597 = vector.shape_cast %swap3A_596 : vector<1x16xf32> to vector<16xf32>
        %swap3A_598 = vector.shape_cast %mul3A_593 : vector<16xf32> to vector<1x16xf32>
        tpu.vector_store %arg8[%swap3A_594, %swap3A_595], %swap3A_598 {strides = array<i32>} : memref<16x256xf32, #tpu.memory_space<vmem>>, vector<1x16xf32>,
        %mul3A_599 = arith.mulf %while3A_568#3, %div3A_580 : vector<16xf32>
        %swap3A_600 = arith.index_cast %while3A_533 : i32 to index
        %swap3A_601 = arith.constant 48 : index
        %swap3A_602 = tpu.vector_load %arg8[%swap3A_600, %swap3A_601] {strides = array<i32>} : memref<16x256xf32, #tpu.memory_space<vmem>>, vector<1x16xf32>,
        %swap3A_603 = vector.shape_cast %swap3A_602 : vector<1x16xf32> to vector<16xf32>
        %swap3A_604 = vector.shape_cast %mul3A_599 : vector<16xf32> to vector<1x16xf32>
        tpu.vector_store %arg8[%swap3A_600, %swap3A_601], %swap3A_604 {strides = array<i32>} : memref<16x256xf32, #tpu.memory_space<vmem>>, vector<1x16xf32>,
        %mul3A_605 = arith.mulf %while3A_568#4, %div3A_580 : vector<16xf32>
        %swap3A_606 = arith.index_cast %while3A_533 : i32 to index
        %swap3A_607 = arith.constant 64 : index
        %swap3A_608 = tpu.vector_load %arg8[%swap3A_606, %swap3A_607] {strides = array<i32>} : memref<16x256xf32, #tpu.memory_space<vmem>>, vector<1x16xf32>,
        %swap3A_609 = vector.shape_cast %swap3A_608 : vector<1x16xf32> to vector<16xf32>
        %swap3A_610 = vector.shape_cast %mul3A_605 : vector<16xf32> to vector<1x16xf32>
        tpu.vector_store %arg8[%swap3A_606, %swap3A_607], %swap3A_610 {strides = array<i32>} : memref<16x256xf32, #tpu.memory_space<vmem>>, vector<1x16xf32>,
        %mul3A_611 = arith.mulf %while3A_568#5, %div3A_580 : vector<16xf32>
        %swap3A_612 = arith.index_cast %while3A_533 : i32 to index
        %swap3A_613 = arith.constant 80 : index
        %swap3A_614 = tpu.vector_load %arg8[%swap3A_612, %swap3A_613] {strides = array<i32>} : memref<16x256xf32, #tpu.memory_space<vmem>>, vector<1x16xf32>,
        %swap3A_615 = vector.shape_cast %swap3A_614 : vector<1x16xf32> to vector<16xf32>
        %swap3A_616 = vector.shape_cast %mul3A_611 : vector<16xf32> to vector<1x16xf32>
        tpu.vector_store %arg8[%swap3A_612, %swap3A_613], %swap3A_616 {strides = array<i32>} : memref<16x256xf32, #tpu.memory_space<vmem>>, vector<1x16xf32>,
        %mul3A_617 = arith.mulf %while3A_568#6, %div3A_580 : vector<16xf32>
        %swap3A_618 = arith.index_cast %while3A_533 : i32 to index
        %swap3A_619 = arith.constant 96 : index
        %swap3A_620 = tpu.vector_load %arg8[%swap3A_618, %swap3A_619] {strides = array<i32>} : memref<16x256xf32, #tpu.memory_space<vmem>>, vector<1x16xf32>,
        %swap3A_621 = vector.shape_cast %swap3A_620 : vector<1x16xf32> to vector<16xf32>
        %swap3A_622 = vector.shape_cast %mul3A_617 : vector<16xf32> to vector<1x16xf32>
        tpu.vector_store %arg8[%swap3A_618, %swap3A_619], %swap3A_622 {strides = array<i32>} : memref<16x256xf32, #tpu.memory_space<vmem>>, vector<1x16xf32>,
        %mul3A_623 = arith.mulf %while3A_568#7, %div3A_580 : vector<16xf32>
        %swap3A_624 = arith.index_cast %while3A_533 : i32 to index
        %swap3A_625 = arith.constant 112 : index
        %swap3A_626 = tpu.vector_load %arg8[%swap3A_624, %swap3A_625] {strides = array<i32>} : memref<16x256xf32, #tpu.memory_space<vmem>>, vector<1x16xf32>,
        %swap3A_627 = vector.shape_cast %swap3A_626 : vector<1x16xf32> to vector<16xf32>
        %swap3A_628 = vector.shape_cast %mul3A_623 : vector<16xf32> to vector<1x16xf32>
        tpu.vector_store %arg8[%swap3A_624, %swap3A_625], %swap3A_628 {strides = array<i32>} : memref<16x256xf32, #tpu.memory_space<vmem>>, vector<1x16xf32>,
        %swap3A_629 = arith.index_cast %while3A_533 : i32 to index
        %swap3A_630 = arith.constant 128 : index
        %swap3A_631 = tpu.vector_load %arg8[%swap3A_629, %swap3A_630] {strides = array<i32>} : memref<16x256xf32, #tpu.memory_space<vmem>>, vector<1x16xf32>,
        %swap3A_632 = vector.shape_cast %swap3A_631 : vector<1x16xf32> to vector<16xf32>
        %swap3A_633 = vector.shape_cast %while3A_568#8 : vector<16xf32> to vector<1x16xf32>
        tpu.vector_store %arg8[%swap3A_629, %swap3A_630], %swap3A_633 {strides = array<i32>} : memref<16x256xf32, #tpu.memory_space<vmem>>, vector<1x16xf32>,
        %swap3A_634 = arith.index_cast %while3A_533 : i32 to index
        %swap3A_635 = arith.constant 144 : index
        %swap3A_636 = tpu.vector_load %arg8[%swap3A_634, %swap3A_635] {strides = array<i32>} : memref<16x256xf32, #tpu.memory_space<vmem>>, vector<1x16xf32>,
        %swap3A_637 = vector.shape_cast %swap3A_636 : vector<1x16xf32> to vector<16xf32>
        %swap3A_638 = vector.shape_cast %while3A_568#9 : vector<16xf32> to vector<1x16xf32>
        tpu.vector_store %arg8[%swap3A_634, %swap3A_635], %swap3A_638 {strides = array<i32>} : memref<16x256xf32, #tpu.memory_space<vmem>>, vector<1x16xf32>,
        %swap3A_639 = arith.index_cast %while3A_533 : i32 to index
        %swap3A_640 = arith.constant 160 : index
        %swap3A_641 = tpu.vector_load %arg8[%swap3A_639, %swap3A_640] {strides = array<i32>} : memref<16x256xf32, #tpu.memory_space<vmem>>, vector<1x16xf32>,
        %swap3A_642 = vector.shape_cast %swap3A_641 : vector<1x16xf32> to vector<16xf32>
        %swap3A_643 = vector.shape_cast %while3A_568#10 : vector<16xf32> to vector<1x16xf32>
        tpu.vector_store %arg8[%swap3A_639, %swap3A_640], %swap3A_643 {strides = array<i32>} : memref<16x256xf32, #tpu.memory_space<vmem>>, vector<1x16xf32>,
        %swap3A_644 = arith.index_cast %while3A_533 : i32 to index
        %swap3A_645 = arith.constant 176 : index
        %swap3A_646 = tpu.vector_load %arg8[%swap3A_644, %swap3A_645] {strides = array<i32>} : memref<16x256xf32, #tpu.memory_space<vmem>>, vector<1x16xf32>,
        %swap3A_647 = vector.shape_cast %swap3A_646 : vector<1x16xf32> to vector<16xf32>
        %swap3A_648 = vector.shape_cast %while3A_568#11 : vector<16xf32> to vector<1x16xf32>
        tpu.vector_store %arg8[%swap3A_644, %swap3A_645], %swap3A_648 {strides = array<i32>} : memref<16x256xf32, #tpu.memory_space<vmem>>, vector<1x16xf32>,
        %swap3A_649 = arith.index_cast %while3A_533 : i32 to index
        %swap3A_650 = arith.constant 192 : index
        %swap3A_651 = tpu.vector_load %arg8[%swap3A_649, %swap3A_650] {strides = array<i32>} : memref<16x256xf32, #tpu.memory_space<vmem>>, vector<1x16xf32>,
        %swap3A_652 = vector.shape_cast %swap3A_651 : vector<1x16xf32> to vector<16xf32>
        %swap3A_653 = vector.shape_cast %while3A_568#12 : vector<16xf32> to vector<1x16xf32>
        tpu.vector_store %arg8[%swap3A_649, %swap3A_650], %swap3A_653 {strides = array<i32>} : memref<16x256xf32, #tpu.memory_space<vmem>>, vector<1x16xf32>,
        %swap3A_654 = arith.index_cast %while3A_533 : i32 to index
        %swap3A_655 = arith.constant 208 : index
        %swap3A_656 = tpu.vector_load %arg8[%swap3A_654, %swap3A_655] {strides = array<i32>} : memref<16x256xf32, #tpu.memory_space<vmem>>, vector<1x16xf32>,
        %swap3A_657 = vector.shape_cast %swap3A_656 : vector<1x16xf32> to vector<16xf32>
        %swap3A_658 = vector.shape_cast %while3A_568#13 : vector<16xf32> to vector<1x16xf32>
        tpu.vector_store %arg8[%swap3A_654, %swap3A_655], %swap3A_658 {strides = array<i32>} : memref<16x256xf32, #tpu.memory_space<vmem>>, vector<1x16xf32>,
        %swap3A_659 = arith.index_cast %while3A_533 : i32 to index
        %swap3A_660 = arith.constant 224 : index
        %swap3A_661 = tpu.vector_load %arg8[%swap3A_659, %swap3A_660] {strides = array<i32>} : memref<16x256xf32, #tpu.memory_space<vmem>>, vector<1x16xf32>,
        %swap3A_662 = vector.shape_cast %swap3A_661 : vector<1x16xf32> to vector<16xf32>
        %swap3A_663 = vector.shape_cast %while3A_568#14 : vector<16xf32> to vector<1x16xf32>
        tpu.vector_store %arg8[%swap3A_659, %swap3A_660], %swap3A_663 {strides = array<i32>} : memref<16x256xf32, #tpu.memory_space<vmem>>, vector<1x16xf32>,
        %swap3A_664 = arith.index_cast %while3A_533 : i32 to index
        %swap3A_665 = arith.constant 240 : index
        %swap3A_666 = tpu.vector_load %arg8[%swap3A_664, %swap3A_665] {strides = array<i32>} : memref<16x256xf32, #tpu.memory_space<vmem>>, vector<1x16xf32>,
        %swap3A_667 = vector.shape_cast %swap3A_666 : vector<1x16xf32> to vector<16xf32>
        %swap3A_668 = vector.shape_cast %while3A_568#15 : vector<16xf32> to vector<1x16xf32>
        tpu.vector_store %arg8[%swap3A_664, %swap3A_665], %swap3A_668 {strides = array<i32>} : memref<16x256xf32, #tpu.memory_space<vmem>>, vector<1x16xf32>,
        scf.yield %broadcast_in_dim3A_57, %broadcast_in_dim3A_57, %broadcast_in_dim3A_57, %broadcast_in_dim3A_57, %broadcast_in_dim3A_57, %broadcast_in_dim3A_57, %broadcast_in_dim3A_57, %broadcast_in_dim3A_57, %broadcast_in_dim3A_59, %broadcast_in_dim3A_59, %broadcast_in_dim3A_59, %broadcast_in_dim3A_59, %broadcast_in_dim3A_59, %broadcast_in_dim3A_59, %broadcast_in_dim3A_59, %broadcast_in_dim3A_59 : vector<16xf32>, vector<16xf32>, vector<16xf32>, vector<16xf32>, vector<16xf32>, vector<16xf32>, vector<16xf32>, vector<16xf32>, vector<16xf32>, vector<16xf32>, vector<16xf32>, vector<16xf32>, vector<16xf32>, vector<16xf32>, vector<16xf32>, vector<16xf32>
      }
      %get3A_514 = arith.index_cast %add3A_503 : i32 to index
      %get3A_515 = tpu.vector_load %arg5[%get3A_514] {strides = array<i32>} : memref<32xi32, #tpu.memory_space<vmem>>, vector<16xi32>,
      %get3A_516 = vector.shape_cast %get3A_515 : vector<16xi32> to vector<16xi32>
      %slice3A_517 = vector.extract_strided_slice %get3A_516 {offsets = [0], sizes = [1], strides = [1]} : vector<16xi32> to vector<1xi32>
      %squeeze3A_518 = vector.extract %slice3A_517[0] : i32 from vector<1xi32>
      %max3A_519 = arith.maxsi %squeeze3A_518, %min3A_413 : i32
      %slice3A_520 = vector.extract_strided_slice %get3A_516 {offsets = [1], sizes = [1], strides = [1]} : vector<16xi32> to vector<1xi32>
      %squeeze3A_521 = vector.extract %slice3A_520[0] : i32 from vector<1xi32>
      %min3A_522 = arith.minsi %squeeze3A_521, %max3A_420 : i32
      %while3A_523 = arith.subi %min3A_522, %max3A_519 : i32
      %while3A_524 = arith.addi %max3A_519, %while3A_523 : i32
      %while3A_525 = arith.constant 1 : i32
      %while3A_526 = arith.divsi %while3A_523, %while3A_525 : i32
      %while3A_527 = arith.muli %while3A_526, %while3A_525 : i32
      %while3A_528 = arith.addi %max3A_519, %while3A_527 : i32
      %while3A_529 = arith.constant 1 : i32
      %while3A_530:16 = scf.for %while3A_533 = %max3A_519 to %while3A_528 step %while3A_529 iter_args(%while3A_534 = %while3A_513#0, %while3A_535 = %while3A_513#1, %while3A_536 = %while3A_513#2, %while3A_537 = %while3A_513#3, %while3A_538 = %while3A_513#4, %while3A_539 = %while3A_513#5, %while3A_540 = %while3A_513#6, %while3A_541 = %while3A_513#7, %while3A_542 = %while3A_513#8, %while3A_543 = %while3A_513#9, %while3A_544 = %while3A_513#10, %while3A_545 = %while3A_513#11, %while3A_546 = %while3A_513#12, %while3A_547 = %while3A_513#13, %while3A_548 = %while3A_513#14, %while3A_549 = %while3A_513#15) -> (vector<16xf32>, vector<16xf32>, vector<16xf32>, vector<16xf32>, vector<16xf32>, vector<16xf32>, vector<16xf32>, vector<16xf32>, vector<16xf32>, vector<16xf32>, vector<16xf32>, vector<16xf32>, vector<16xf32>, vector<16xf32>, vector<16xf32>, vector<16xf32>)  : i32 {
        %sub3A_550 = arith.subi %while3A_533, %min3A_408 : i32
        %get3A_551 = arith.index_cast %sub3A_550 : i32 to index
        %get3A_552 = arith.constant 0 : index
        %get3A_553 = tpu.vector_load %arg7[%get3A_551, %get3A_552] {strides = array<i32>} : memref<488x128xf32, #tpu.memory_space<vmem>>, vector<1x16xf32>,
        %get3A_554 = vector.shape_cast %get3A_553 : vector<1x16xf32> to vector<16xf32>
        %get3A_555 = arith.index_cast %sub3A_550 : i32 to index
        %get3A_556 = arith.constant 16 : index
        %get3A_557 = tpu.vector_load %arg7[%get3A_555, %get3A_556] {strides = array<i32>} : memref<488x128xf32, #tpu.memory_space<vmem>>, vector<1x16xf32>,
        %get3A_558 = vector.shape_cast %get3A_557 : vector<1x16xf32> to vector<16xf32>
        %get3A_559 = arith.index_cast %sub3A_550 : i32 to index
        %get3A_560 = arith.constant 32 : index
        %get3A_561 = tpu.vector_load %arg7[%get3A_559, %get3A_560] {strides = array<i32>} : memref<488x128xf32, #tpu.memory_space<vmem>>, vector<1x16xf32>,
        %get3A_562 = vector.shape_cast %get3A_561 : vector<1x16xf32> to vector<16xf32>
        %get3A_563 = arith.index_cast %sub3A_550 : i32 to index
        %get3A_564 = arith.constant 48 : index
        %get3A_565 = tpu.vector_load %arg7[%get3A_563, %get3A_564] {strides = array<i32>} : memref<488x128xf32, #tpu.memory_space<vmem>>, vector<1x16xf32>,
        %get3A_566 = vector.shape_cast %get3A_565 : vector<1x16xf32> to vector<16xf32>
        %get3A_567 = arith.index_cast %sub3A_550 : i32 to index
        %get3A_568 = arith.constant 64 : index
        %get3A_569 = tpu.vector_load %arg7[%get3A_567, %get3A_568] {strides = array<i32>} : memref<488x128xf32, #tpu.memory_space<vmem>>, vector<1x16xf32>,
        %get3A_570 = vector.shape_cast %get3A_569 : vector<1x16xf32> to vector<16xf32>
        %get3A_571 = arith.index_cast %sub3A_550 : i32 to index
        %get3A_572 = arith.constant 80 : index
        %get3A_573 = tpu.vector_load %arg7[%get3A_571, %get3A_572] {strides = array<i32>} : memref<488x128xf32, #tpu.memory_space<vmem>>, vector<1x16xf32>,
        %get3A_574 = vector.shape_cast %get3A_573 : vector<1x16xf32> to vector<16xf32>
        %get3A_575 = arith.index_cast %sub3A_550 : i32 to index
        %get3A_576 = arith.constant 96 : index
        %get3A_577 = tpu.vector_load %arg7[%get3A_575, %get3A_576] {strides = array<i32>} : memref<488x128xf32, #tpu.memory_space<vmem>>, vector<1x16xf32>,
        %get3A_578 = vector.shape_cast %get3A_577 : vector<1x16xf32> to vector<16xf32>
        %get3A_579 = arith.index_cast %sub3A_550 : i32 to index
        %get3A_580 = arith.constant 112 : index
        %get3A_581 = tpu.vector_load %arg7[%get3A_579, %get3A_580] {strides = array<i32>} : memref<488x128xf32, #tpu.memory_space<vmem>>, vector<1x16xf32>,
        %get3A_582 = vector.shape_cast %get3A_581 : vector<1x16xf32> to vector<16xf32>
        %add3A_583 = arith.addf %while3A_534, %get3A_554 : vector<16xf32>
        %add3A_584 = arith.addf %while3A_535, %get3A_558 : vector<16xf32>
        %add3A_585 = arith.addf %while3A_536, %get3A_562 : vector<16xf32>
        %add3A_586 = arith.addf %while3A_537, %get3A_566 : vector<16xf32>
        %add3A_587 = arith.addf %while3A_538, %get3A_570 : vector<16xf32>
        %add3A_588 = arith.addf %while3A_539, %get3A_574 : vector<16xf32>
        %add3A_589 = arith.addf %while3A_540, %get3A_578 : vector<16xf32>
        %add3A_590 = arith.addf %while3A_541, %get3A_582 : vector<16xf32>
        %max3A_591 = arith.maximumf %while3A_542, %get3A_554 : vector<16xf32>
        %max3A_592 = arith.maximumf %while3A_543, %get3A_558 : vector<16xf32>
        %max3A_593 = arith.maximumf %while3A_544, %get3A_562 : vector<16xf32>
        %max3A_594 = arith.maximumf %while3A_545, %get3A_566 : vector<16xf32>
        %max3A_595 = arith.maximumf %while3A_546, %get3A_570 : vector<16xf32>
        %max3A_596 = arith.maximumf %while3A_547, %get3A_574 : vector<16xf32>
        %max3A_597 = arith.maximumf %while3A_548, %get3A_578 : vector<16xf32>
        %max3A_598 = arith.maximumf %while3A_549, %get3A_582 : vector<16xf32>
        scf.yield %add3A_583, %add3A_584, %add3A_585, %add3A_586, %add3A_587, %add3A_588, %add3A_589, %add3A_590, %max3A_591, %max3A_592, %max3A_593, %max3A_594, %max3A_595, %max3A_596, %max3A_597, %max3A_598 : vector<16xf32>, vector<16xf32>, vector<16xf32>, vector<16xf32>, vector<16xf32>, vector<16xf32>, vector<16xf32>, vector<16xf32>, vector<16xf32>, vector<16xf32>, vector<16xf32>, vector<16xf32>, vector<16xf32>, vector<16xf32>, vector<16xf32>, vector<16xf32>
      }
      %while3A_531 = arith.constant 1 : i32
      %while3A_532:16 = scf.for %while3A_533 = %while3A_528 to %while3A_524 step %while3A_531 iter_args(%while3A_534 = %while3A_530#0, %while3A_535 = %while3A_530#1, %while3A_536 = %while3A_530#2, %while3A_537 = %while3A_530#3, %while3A_538 = %while3A_530#4, %while3A_539 = %while3A_530#5, %while3A_540 = %while3A_530#6, %while3A_541 = %while3A_530#7, %while3A_542 = %while3A_530#8, %while3A_543 = %while3A_530#9, %while3A_544 = %while3A_530#10, %while3A_545 = %while3A_530#11, %while3A_546 = %while3A_530#12, %while3A_547 = %while3A_530#13, %while3A_548 = %while3A_530#14, %while3A_549 = %while3A_530#15) -> (vector<16xf32>, vector<16xf32>, vector<16xf32>, vector<16xf32>, vector<16xf32>, vector<16xf32>, vector<16xf32>, vector<16xf32>, vector<16xf32>, vector<16xf32>, vector<16xf32>, vector<16xf32>, vector<16xf32>, vector<16xf32>, vector<16xf32>, vector<16xf32>)  : i32 {
        %sub3A_550 = arith.subi %while3A_533, %min3A_408 : i32
        %get3A_551 = arith.index_cast %sub3A_550 : i32 to index
        %get3A_552 = arith.constant 0 : index
        %get3A_553 = tpu.vector_load %arg7[%get3A_551, %get3A_552] {strides = array<i32>} : memref<488x128xf32, #tpu.memory_space<vmem>>, vector<1x16xf32>,
        %get3A_554 = vector.shape_cast %get3A_553 : vector<1x16xf32> to vector<16xf32>
        %get3A_555 = arith.index_cast %sub3A_550 : i32 to index
        %get3A_556 = arith.constant 16 : index
        %get3A_557 = tpu.vector_load %arg7[%get3A_555, %get3A_556] {strides = array<i32>} : memref<488x128xf32, #tpu.memory_space<vmem>>, vector<1x16xf32>,
        %get3A_558 = vector.shape_cast %get3A_557 : vector<1x16xf32> to vector<16xf32>
        %get3A_559 = arith.index_cast %sub3A_550 : i32 to index
        %get3A_560 = arith.constant 32 : index
        %get3A_561 = tpu.vector_load %arg7[%get3A_559, %get3A_560] {strides = array<i32>} : memref<488x128xf32, #tpu.memory_space<vmem>>, vector<1x16xf32>,
        %get3A_562 = vector.shape_cast %get3A_561 : vector<1x16xf32> to vector<16xf32>
        %get3A_563 = arith.index_cast %sub3A_550 : i32 to index
        %get3A_564 = arith.constant 48 : index
        %get3A_565 = tpu.vector_load %arg7[%get3A_563, %get3A_564] {strides = array<i32>} : memref<488x128xf32, #tpu.memory_space<vmem>>, vector<1x16xf32>,
        %get3A_566 = vector.shape_cast %get3A_565 : vector<1x16xf32> to vector<16xf32>
        %get3A_567 = arith.index_cast %sub3A_550 : i32 to index
        %get3A_568 = arith.constant 64 : index
        %get3A_569 = tpu.vector_load %arg7[%get3A_567, %get3A_568] {strides = array<i32>} : memref<488x128xf32, #tpu.memory_space<vmem>>, vector<1x16xf32>,
        %get3A_570 = vector.shape_cast %get3A_569 : vector<1x16xf32> to vector<16xf32>
        %get3A_571 = arith.index_cast %sub3A_550 : i32 to index
        %get3A_572 = arith.constant 80 : index
        %get3A_573 = tpu.vector_load %arg7[%get3A_571, %get3A_572] {strides = array<i32>} : memref<488x128xf32, #tpu.memory_space<vmem>>, vector<1x16xf32>,
        %get3A_574 = vector.shape_cast %get3A_573 : vector<1x16xf32> to vector<16xf32>
        %get3A_575 = arith.index_cast %sub3A_550 : i32 to index
        %get3A_576 = arith.constant 96 : index
        %get3A_577 = tpu.vector_load %arg7[%get3A_575, %get3A_576] {strides = array<i32>} : memref<488x128xf32, #tpu.memory_space<vmem>>, vector<1x16xf32>,
        %get3A_578 = vector.shape_cast %get3A_577 : vector<1x16xf32> to vector<16xf32>
        %get3A_579 = arith.index_cast %sub3A_550 : i32 to index
        %get3A_580 = arith.constant 112 : index
        %get3A_581 = tpu.vector_load %arg7[%get3A_579, %get3A_580] {strides = array<i32>} : memref<488x128xf32, #tpu.memory_space<vmem>>, vector<1x16xf32>,
        %get3A_582 = vector.shape_cast %get3A_581 : vector<1x16xf32> to vector<16xf32>
        %add3A_583 = arith.addf %while3A_534, %get3A_554 : vector<16xf32>
        %add3A_584 = arith.addf %while3A_535, %get3A_558 : vector<16xf32>
        %add3A_585 = arith.addf %while3A_536, %get3A_562 : vector<16xf32>
        %add3A_586 = arith.addf %while3A_537, %get3A_566 : vector<16xf32>
        %add3A_587 = arith.addf %while3A_538, %get3A_570 : vector<16xf32>
        %add3A_588 = arith.addf %while3A_539, %get3A_574 : vector<16xf32>
        %add3A_589 = arith.addf %while3A_540, %get3A_578 : vector<16xf32>
        %add3A_590 = arith.addf %while3A_541, %get3A_582 : vector<16xf32>
        %max3A_591 = arith.maximumf %while3A_542, %get3A_554 : vector<16xf32>
        %max3A_592 = arith.maximumf %while3A_543, %get3A_558 : vector<16xf32>
        %max3A_593 = arith.maximumf %while3A_544, %get3A_562 : vector<16xf32>
        %max3A_594 = arith.maximumf %while3A_545, %get3A_566 : vector<16xf32>
        %max3A_595 = arith.maximumf %while3A_546, %get3A_570 : vector<16xf32>
        %max3A_596 = arith.maximumf %while3A_547, %get3A_574 : vector<16xf32>
        %max3A_597 = arith.maximumf %while3A_548, %get3A_578 : vector<16xf32>
        %max3A_598 = arith.maximumf %while3A_549, %get3A_582 : vector<16xf32>
        scf.yield %add3A_583, %add3A_584, %add3A_585, %add3A_586, %add3A_587, %add3A_588, %add3A_589, %add3A_590, %max3A_591, %max3A_592, %max3A_593, %max3A_594, %max3A_595, %max3A_596, %max3A_597, %max3A_598 : vector<16xf32>, vector<16xf32>, vector<16xf32>, vector<16xf32>, vector<16xf32>, vector<16xf32>, vector<16xf32>, vector<16xf32>, vector<16xf32>, vector<16xf32>, vector<16xf32>, vector<16xf32>, vector<16xf32>, vector<16xf32>, vector<16xf32>, vector<16xf32>
      }
      scf.yield %add3A_503, %while3A_532#0, %while3A_532#1, %while3A_532#2, %while3A_532#3, %while3A_532#4, %while3A_532#5, %while3A_532#6, %while3A_532#7, %while3A_532#8, %while3A_532#9, %while3A_532#10, %while3A_532#11, %while3A_532#12, %while3A_532#13, %while3A_532#14, %while3A_532#15 : i32, vector<16xf32>, vector<16xf32>, vector<16xf32>, vector<16xf32>, vector<16xf32>, vector<16xf32>, vector<16xf32>, vector<16xf32>, vector<16xf32>, vector<16xf32>, vector<16xf32>, vector<16xf32>, vector<16xf32>, vector<16xf32>, vector<16xf32>, vector<16xf32>
    }
    %dma_wait3A = arith.constant 0 : i32
    %dma_wait3A_109 = arith.constant 0 : i32
    %dma_wait3A_110 = tpu.memref_slice %arg2[%dma_wait3A, %dma_wait3A_109] : memref<100000x128xf32, #tpu.memory_space<hbm>> -> memref<488x128xf32, #tpu.memory_space<hbm>>
    %dma_wait3A_111 = arith.constant 0 : i32
    %dma_wait3A_112 = arith.constant 0 : i32
    %dma_wait3A_113 = tpu.memref_slice %arg2[%dma_wait3A_111, %dma_wait3A_112] : memref<100000x128xf32, #tpu.memory_space<hbm>> -> memref<488x128xf32, #tpu.memory_space<hbm>>
    tpu.wait_dma2 semaphore(%arg9 : memref<!tpu.dma_semaphore, #tpu.memory_space<semaphore_mem>>) src(%dma_wait3A_113 : memref<488x128xf32, #tpu.memory_space<hbm>>) dst(%arg6 : memref<488x128xf32, #tpu.memory_space<vmem>>)
    %get3A_114 = arith.index_cast %while3A_108#0 : i32 to index
    %get3A_115 = tpu.vector_load %arg5[%get3A_114] {strides = array<i32>} : memref<32xi32, #tpu.memory_space<vmem>>, vector<16xi32>,
    %get3A_116 = vector.shape_cast %get3A_115 : vector<16xi32> to vector<16xi32>
    %slice3A_117 = vector.extract_strided_slice %get3A_116 {offsets = [1], sizes = [1], strides = [1]} : vector<16xi32> to vector<1xi32>
    %squeeze3A_118 = vector.extract %slice3A_117[0] : i32 from vector<1xi32>
    %slice3A_119 = vector.extract_strided_slice %get3A_116 {offsets = [0], sizes = [1], strides = [1]} : vector<16xi32> to vector<1xi32>
    %squeeze3A_120 = vector.extract %slice3A_119[0] : i32 from vector<1xi32>
    %sub3A_121 = arith.subi %squeeze3A_118, %squeeze3A_120 : i32
    %convert_element_type3A = arith.sitofp %sub3A_121 : i32 to f32
    %max3A = arith.constant 1.000000e+00 : f32
    %max3A_122 = arith.maximumf %convert_element_type3A, %max3A : f32
    %broadcast_in_dim3A_123 = vector.broadcast %max3A_122 : f32 to vector<16xf32>
    %div3A_124 = arith.constant 1.000000e+00 : f32
    %div3A_125 = vector.broadcast %div3A_124 : f32 to vector<16xf32>
    %div3A_126 = arith.divf %div3A_125, %broadcast_in_dim3A_123 : vector<16xf32>
    %mul3A_127 = arith.mulf %while3A_108#1, %div3A_126 : vector<16xf32>
    %swap3A = arith.index_cast %while3A_108#0 : i32 to index
    %swap3A_128 = arith.constant 0 : index
    %swap3A_129 = tpu.vector_load %arg8[%swap3A, %swap3A_128] {strides = array<i32>} : memref<16x256xf32, #tpu.memory_space<vmem>>, vector<1x16xf32>,
    %swap3A_130 = vector.shape_cast %swap3A_129 : vector<1x16xf32> to vector<16xf32>
    %swap3A_131 = vector.shape_cast %mul3A_127 : vector<16xf32> to vector<1x16xf32>
    tpu.vector_store %arg8[%swap3A, %swap3A_128], %swap3A_131 {strides = array<i32>} : memref<16x256xf32, #tpu.memory_space<vmem>>, vector<1x16xf32>,
    %mul3A_132 = arith.mulf %while3A_108#2, %div3A_126 : vector<16xf32>
    %swap3A_133 = arith.index_cast %while3A_108#0 : i32 to index
    %swap3A_134 = arith.constant 16 : index
    %swap3A_135 = tpu.vector_load %arg8[%swap3A_133, %swap3A_134] {strides = array<i32>} : memref<16x256xf32, #tpu.memory_space<vmem>>, vector<1x16xf32>,
    %swap3A_136 = vector.shape_cast %swap3A_135 : vector<1x16xf32> to vector<16xf32>
    %swap3A_137 = vector.shape_cast %mul3A_132 : vector<16xf32> to vector<1x16xf32>
    tpu.vector_store %arg8[%swap3A_133, %swap3A_134], %swap3A_137 {strides = array<i32>} : memref<16x256xf32, #tpu.memory_space<vmem>>, vector<1x16xf32>,
    %mul3A_138 = arith.mulf %while3A_108#3, %div3A_126 : vector<16xf32>
    %swap3A_139 = arith.index_cast %while3A_108#0 : i32 to index
    %swap3A_140 = arith.constant 32 : index
    %swap3A_141 = tpu.vector_load %arg8[%swap3A_139, %swap3A_140] {strides = array<i32>} : memref<16x256xf32, #tpu.memory_space<vmem>>, vector<1x16xf32>,
    %swap3A_142 = vector.shape_cast %swap3A_141 : vector<1x16xf32> to vector<16xf32>
    %swap3A_143 = vector.shape_cast %mul3A_138 : vector<16xf32> to vector<1x16xf32>
    tpu.vector_store %arg8[%swap3A_139, %swap3A_140], %swap3A_143 {strides = array<i32>} : memref<16x256xf32, #tpu.memory_space<vmem>>, vector<1x16xf32>,
    %mul3A_144 = arith.mulf %while3A_108#4, %div3A_126 : vector<16xf32>
    %swap3A_145 = arith.index_cast %while3A_108#0 : i32 to index
    %swap3A_146 = arith.constant 48 : index
    %swap3A_147 = tpu.vector_load %arg8[%swap3A_145, %swap3A_146] {strides = array<i32>} : memref<16x256xf32, #tpu.memory_space<vmem>>, vector<1x16xf32>,
    %swap3A_148 = vector.shape_cast %swap3A_147 : vector<1x16xf32> to vector<16xf32>
    %swap3A_149 = vector.shape_cast %mul3A_144 : vector<16xf32> to vector<1x16xf32>
    tpu.vector_store %arg8[%swap3A_145, %swap3A_146], %swap3A_149 {strides = array<i32>} : memref<16x256xf32, #tpu.memory_space<vmem>>, vector<1x16xf32>,
    %mul3A_150 = arith.mulf %while3A_108#5, %div3A_126 : vector<16xf32>
    %swap3A_151 = arith.index_cast %while3A_108#0 : i32 to index
    %swap3A_152 = arith.constant 64 : index
    %swap3A_153 = tpu.vector_load %arg8[%swap3A_151, %swap3A_152] {strides = array<i32>} : memref<16x256xf32, #tpu.memory_space<vmem>>, vector<1x16xf32>,
    %swap3A_154 = vector.shape_cast %swap3A_153 : vector<1x16xf32> to vector<16xf32>
    %swap3A_155 = vector.shape_cast %mul3A_150 : vector<16xf32> to vector<1x16xf32>
    tpu.vector_store %arg8[%swap3A_151, %swap3A_152], %swap3A_155 {strides = array<i32>} : memref<16x256xf32, #tpu.memory_space<vmem>>, vector<1x16xf32>,
    %mul3A_156 = arith.mulf %while3A_108#6, %div3A_126 : vector<16xf32>
    %swap3A_157 = arith.index_cast %while3A_108#0 : i32 to index
    %swap3A_158 = arith.constant 80 : index
    %swap3A_159 = tpu.vector_load %arg8[%swap3A_157, %swap3A_158] {strides = array<i32>} : memref<16x256xf32, #tpu.memory_space<vmem>>, vector<1x16xf32>,
    %swap3A_160 = vector.shape_cast %swap3A_159 : vector<1x16xf32> to vector<16xf32>
    %swap3A_161 = vector.shape_cast %mul3A_156 : vector<16xf32> to vector<1x16xf32>
    tpu.vector_store %arg8[%swap3A_157, %swap3A_158], %swap3A_161 {strides = array<i32>} : memref<16x256xf32, #tpu.memory_space<vmem>>, vector<1x16xf32>,
    %mul3A_162 = arith.mulf %while3A_108#7, %div3A_126 : vector<16xf32>
    %swap3A_163 = arith.index_cast %while3A_108#0 : i32 to index
    %swap3A_164 = arith.constant 96 : index
    %swap3A_165 = tpu.vector_load %arg8[%swap3A_163, %swap3A_164] {strides = array<i32>} : memref<16x256xf32, #tpu.memory_space<vmem>>, vector<1x16xf32>,
    %swap3A_166 = vector.shape_cast %swap3A_165 : vector<1x16xf32> to vector<16xf32>
    %swap3A_167 = vector.shape_cast %mul3A_162 : vector<16xf32> to vector<1x16xf32>
    tpu.vector_store %arg8[%swap3A_163, %swap3A_164], %swap3A_167 {strides = array<i32>} : memref<16x256xf32, #tpu.memory_space<vmem>>, vector<1x16xf32>,
    %mul3A_168 = arith.mulf %while3A_108#8, %div3A_126 : vector<16xf32>
    %swap3A_169 = arith.index_cast %while3A_108#0 : i32 to index
    %swap3A_170 = arith.constant 112 : index
    %swap3A_171 = tpu.vector_load %arg8[%swap3A_169, %swap3A_170] {strides = array<i32>} : memref<16x256xf32, #tpu.memory_space<vmem>>, vector<1x16xf32>,
    %swap3A_172 = vector.shape_cast %swap3A_171 : vector<1x16xf32> to vector<16xf32>
    %swap3A_173 = vector.shape_cast %mul3A_168 : vector<16xf32> to vector<1x16xf32>
    tpu.vector_store %arg8[%swap3A_169, %swap3A_170], %swap3A_173 {strides = array<i32>} : memref<16x256xf32, #tpu.memory_space<vmem>>, vector<1x16xf32>,
    %swap3A_174 = arith.index_cast %while3A_108#0 : i32 to index
    %swap3A_175 = arith.constant 128 : index
    %swap3A_176 = tpu.vector_load %arg8[%swap3A_174, %swap3A_175] {strides = array<i32>} : memref<16x256xf32, #tpu.memory_space<vmem>>, vector<1x16xf32>,
    %swap3A_177 = vector.shape_cast %swap3A_176 : vector<1x16xf32> to vector<16xf32>
    %swap3A_178 = vector.shape_cast %while3A_108#9 : vector<16xf32> to vector<1x16xf32>
    tpu.vector_store %arg8[%swap3A_174, %swap3A_175], %swap3A_178 {strides = array<i32>} : memref<16x256xf32, #tpu.memory_space<vmem>>, vector<1x16xf32>,
    %swap3A_179 = arith.index_cast %while3A_108#0 : i32 to index
    %swap3A_180 = arith.constant 144 : index
    %swap3A_181 = tpu.vector_load %arg8[%swap3A_179, %swap3A_180] {strides = array<i32>} : memref<16x256xf32, #tpu.memory_space<vmem>>, vector<1x16xf32>,
    %swap3A_182 = vector.shape_cast %swap3A_181 : vector<1x16xf32> to vector<16xf32>
    %swap3A_183 = vector.shape_cast %while3A_108#10 : vector<16xf32> to vector<1x16xf32>
    tpu.vector_store %arg8[%swap3A_179, %swap3A_180], %swap3A_183 {strides = array<i32>} : memref<16x256xf32, #tpu.memory_space<vmem>>, vector<1x16xf32>,
    %swap3A_184 = arith.index_cast %while3A_108#0 : i32 to index
    %swap3A_185 = arith.constant 160 : index
    %swap3A_186 = tpu.vector_load %arg8[%swap3A_184, %swap3A_185] {strides = array<i32>} : memref<16x256xf32, #tpu.memory_space<vmem>>, vector<1x16xf32>,
    %swap3A_187 = vector.shape_cast %swap3A_186 : vector<1x16xf32> to vector<16xf32>
    %swap3A_188 = vector.shape_cast %while3A_108#11 : vector<16xf32> to vector<1x16xf32>
    tpu.vector_store %arg8[%swap3A_184, %swap3A_185], %swap3A_188 {strides = array<i32>} : memref<16x256xf32, #tpu.memory_space<vmem>>, vector<1x16xf32>,
    %swap3A_189 = arith.index_cast %while3A_108#0 : i32 to index
    %swap3A_190 = arith.constant 176 : index
    %swap3A_191 = tpu.vector_load %arg8[%swap3A_189, %swap3A_190] {strides = array<i32>} : memref<16x256xf32, #tpu.memory_space<vmem>>, vector<1x16xf32>,
    %swap3A_192 = vector.shape_cast %swap3A_191 : vector<1x16xf32> to vector<16xf32>
    %swap3A_193 = vector.shape_cast %while3A_108#12 : vector<16xf32> to vector<1x16xf32>
    tpu.vector_store %arg8[%swap3A_189, %swap3A_190], %swap3A_193 {strides = array<i32>} : memref<16x256xf32, #tpu.memory_space<vmem>>, vector<1x16xf32>,
    %swap3A_194 = arith.index_cast %while3A_108#0 : i32 to index
    %swap3A_195 = arith.constant 192 : index
    %swap3A_196 = tpu.vector_load %arg8[%swap3A_194, %swap3A_195] {strides = array<i32>} : memref<16x256xf32, #tpu.memory_space<vmem>>, vector<1x16xf32>,
    %swap3A_197 = vector.shape_cast %swap3A_196 : vector<1x16xf32> to vector<16xf32>
    %swap3A_198 = vector.shape_cast %while3A_108#13 : vector<16xf32> to vector<1x16xf32>
    tpu.vector_store %arg8[%swap3A_194, %swap3A_195], %swap3A_198 {strides = array<i32>} : memref<16x256xf32, #tpu.memory_space<vmem>>, vector<1x16xf32>,
    %swap3A_199 = arith.index_cast %while3A_108#0 : i32 to index
    %swap3A_200 = arith.constant 208 : index
    %swap3A_201 = tpu.vector_load %arg8[%swap3A_199, %swap3A_200] {strides = array<i32>} : memref<16x256xf32, #tpu.memory_space<vmem>>, vector<1x16xf32>,
    %swap3A_202 = vector.shape_cast %swap3A_201 : vector<1x16xf32> to vector<16xf32>
    %swap3A_203 = vector.shape_cast %while3A_108#14 : vector<16xf32> to vector<1x16xf32>
    tpu.vector_store %arg8[%swap3A_199, %swap3A_200], %swap3A_203 {strides = array<i32>} : memref<16x256xf32, #tpu.memory_space<vmem>>, vector<1x16xf32>,
    %swap3A_204 = arith.index_cast %while3A_108#0 : i32 to index
    %swap3A_205 = arith.constant 224 : index
    %swap3A_206 = tpu.vector_load %arg8[%swap3A_204, %swap3A_205] {strides = array<i32>} : memref<16x256xf32, #tpu.memory_space<vmem>>, vector<1x16xf32>,
    %swap3A_207 = vector.shape_cast %swap3A_206 : vector<1x16xf32> to vector<16xf32>
    %swap3A_208 = vector.shape_cast %while3A_108#15 : vector<16xf32> to vector<1x16xf32>
    tpu.vector_store %arg8[%swap3A_204, %swap3A_205], %swap3A_208 {strides = array<i32>} : memref<16x256xf32, #tpu.memory_space<vmem>>, vector<1x16xf32>,
    %swap3A_209 = arith.index_cast %while3A_108#0 : i32 to index
    %swap3A_210 = arith.constant 240 : index
    %swap3A_211 = tpu.vector_load %arg8[%swap3A_209, %swap3A_210] {strides = array<i32>} : memref<16x256xf32, #tpu.memory_space<vmem>>, vector<1x16xf32>,
    %swap3A_212 = vector.shape_cast %swap3A_211 : vector<1x16xf32> to vector<16xf32>
    %swap3A_213 = vector.shape_cast %while3A_108#16 : vector<16xf32> to vector<1x16xf32>
    tpu.vector_store %arg8[%swap3A_209, %swap3A_210], %swap3A_213 {strides = array<i32>} : memref<16x256xf32, #tpu.memory_space<vmem>>, vector<1x16xf32>,
    "tpu.region"() ({
      %run_scoped3A = tpu.sem_alloc : memref<!tpu.dma_semaphore, #tpu.memory_space<semaphore_mem>>
      %dma_start3A_214 = arith.constant 0 : i32
      %dma_start3A_215 = tpu.memref_slice %arg4[%mul3A_2, %dma_start3A_214] : memref<512x256xf32, #tpu.memory_space<hbm>> -> memref<16x256xf32, #tpu.memory_space<hbm>>
      %dma_start3A_216 = arith.constant 0 : i32
      %dma_start3A_217 = tpu.memref_slice %arg4[%mul3A_2, %dma_start3A_216] : memref<512x256xf32, #tpu.memory_space<hbm>> -> memref<16x256xf32, #tpu.memory_space<hbm>>
      tpu.enqueue_dma source(%arg8 : memref<16x256xf32, #tpu.memory_space<vmem>>) target(%dma_start3A_217 : memref<16x256xf32, #tpu.memory_space<hbm>>) target_semaphore(%run_scoped3A : memref<!tpu.dma_semaphore, #tpu.memory_space<semaphore_mem>>)
      %dma_wait3A_218 = arith.constant 0 : i32
      %dma_wait3A_219 = tpu.memref_slice %arg4[%mul3A_2, %dma_wait3A_218] : memref<512x256xf32, #tpu.memory_space<hbm>> -> memref<16x256xf32, #tpu.memory_space<hbm>>
      %dma_wait3A_220 = arith.constant 0 : i32
      %dma_wait3A_221 = tpu.memref_slice %arg4[%mul3A_2, %dma_wait3A_220] : memref<512x256xf32, #tpu.memory_space<hbm>> -> memref<16x256xf32, #tpu.memory_space<hbm>>
      tpu.wait_dma2 semaphore(%run_scoped3A : memref<!tpu.dma_semaphore, #tpu.memory_space<semaphore_mem>>) src(%arg8 : memref<16x256xf32, #tpu.memory_space<vmem>>) dst(%dma_wait3A_221 : memref<16x256xf32, #tpu.memory_space<hbm>>)
      tpu.yield
    }) : () -> ()
    return
  }
}

module attributes {stable_mosaic.version = 14 : i64} {
  func.func @_rs_body(%arg0: i32, %arg1: memref<1x1x5000xi32, #tpu.memory_space<vmem>>, %arg2: memref<640xi32, #tpu.memory_space<vmem>>, %arg3: memref<576x1xi32, #tpu.memory_space<vmem>>, %arg4: memref<5x128xi32, #tpu.memory_space<vmem>>) attributes {dimension_semantics = [#tpu.dimension_semantics<arbitrary>], iteration_bounds = array<i64: 20>, scalar_prefetch = 0 : i64, scratch_operands = 2 : i64, tpu.core_type = #tpu.core_type<tc>, window_params = [{transform_indices = @transform_0, window_bounds = array<i64: 1, 1, 5000>}, {pipeline_mode = #tpu.pipeline_mode<synchronous>, transform_indices = @transform_1, window_bounds = array<i64: 640>}]} {
    %get3A = arith.constant 0 : index
    %get3A_0 = arith.constant 0 : index
    %get3A_1 = arith.constant 0 : index
    %get3A_2 = vector.load %arg1[%get3A, %get3A_0, %get3A_1] : memref<1x1x5000xi32, #tpu.memory_space<vmem>>, vector<1x1x5000xi32>
    %get3A_3 = vector.shape_cast %get3A_2 : vector<1x1x5000xi32> to vector<5000xi32>
    %get3A_4 = arith.constant 0 : index
    %get3A_5 = arith.constant 0 : index
    %get3A_6 = arith.constant 0 : index
    %get3A_7 = vector.load %arg1[%get3A_4, %get3A_5, %get3A_6] : memref<1x1x5000xi32, #tpu.memory_space<vmem>>, vector<1x1x1xi32>
    %get3A_8 = vector.extract %get3A_7[0, 0, 0] : i32 from vector<1x1x1xi32>
    %get3A_9 = arith.constant 0 : index
    %get3A_10 = arith.constant 0 : index
    %get3A_11 = arith.constant 4999 : index
    %get3A_12 = vector.load %arg1[%get3A_9, %get3A_10, %get3A_11] : memref<1x1x5000xi32, #tpu.memory_space<vmem>>, vector<1x1x1xi32>
    %get3A_13 = vector.extract %get3A_12[0, 0, 0] : i32 from vector<1x1x1xi32>
    %jit3A = arith.constant 8 : i32
    %div3A = arith.divsi %get3A_8, %jit3A : i32
    %sign3A = arith.constant 0 : i32
    %sign3A_14 = arith.cmpi sgt, %get3A_8, %sign3A : i32
    %sign3A_15 = arith.extui %sign3A_14 : i1 to i32
    %sign3A_16 = arith.constant 0 : i32
    %sign3A_17 = arith.cmpi slt, %get3A_8, %sign3A_16 : i32
    %sign3A_18 = arith.extui %sign3A_17 : i1 to i32
    %sign3A_19 = arith.subi %sign3A_15, %sign3A_18 : i32
    %sign3A_20 = arith.constant 0 : i32
    %sign3A_21 = arith.cmpi sgt, %jit3A, %sign3A_20 : i32
    %sign3A_22 = arith.extui %sign3A_21 : i1 to i32
    %sign3A_23 = arith.constant 0 : i32
    %sign3A_24 = arith.cmpi slt, %jit3A, %sign3A_23 : i32
    %sign3A_25 = arith.extui %sign3A_24 : i1 to i32
    %sign3A_26 = arith.subi %sign3A_22, %sign3A_25 : i32
    %ne3A = arith.cmpi ne, %sign3A_19, %sign3A_26 : i32
    %rem3A = arith.remsi %get3A_8, %jit3A : i32
    %ne3A_27 = arith.constant 0 : i32
    %ne3A_28 = arith.cmpi ne, %rem3A, %ne3A_27 : i32
    %and3A = arith.andi %ne3A, %ne3A_28 : i1
    %sub3A = arith.constant 1 : i32
    %sub3A_29 = arith.subi %div3A, %sub3A : i32
    %select_n3A = arith.select %and3A, %sub3A_29, %div3A : i32
    %mul3A = arith.constant 8 : i32
    %mul3A_30 = arith.muli %select_n3A, %mul3A : i32
    %eq3A = arith.constant 0 : i32
    %eq3A_31 = arith.cmpi eq, %arg0, %eq3A : i32
    %convert_element_type3A = arith.extui %eq3A_31 : i1 to i32
    %cond3A = arith.constant 0 : i32
    %cond3A_32 = arith.cmpi ne, %convert_element_type3A, %cond3A : i32
    scf.if %cond3A_32 {
      %broadcast_in_dim3A_64 = arith.constant 0 : i32
      %broadcast_in_dim3A_65 = vector.broadcast %broadcast_in_dim3A_64 : i32 to vector<576x1xi32>
      %swap3A_66 = arith.constant 0 : index
      %swap3A_67 = arith.constant 0 : index
      %swap3A_68 = vector.load %arg3[%swap3A_66, %swap3A_67] : memref<576x1xi32, #tpu.memory_space<vmem>>, vector<576x1xi32>
      tpu.vector_store %arg3[%swap3A_66, %swap3A_67], %broadcast_in_dim3A_65 {strides = array<i32>} : memref<576x1xi32, #tpu.memory_space<vmem>>, vector<576x1xi32>,
      %broadcast_in_dim3A_69 = arith.constant 0 : i32
      %broadcast_in_dim3A_70 = vector.broadcast %broadcast_in_dim3A_69 : i32 to vector<5x128xi32>
      %swap3A_71 = arith.constant 0 : index
      %swap3A_72 = arith.constant 0 : index
      %swap3A_73 = vector.load %arg4[%swap3A_71, %swap3A_72] : memref<5x128xi32, #tpu.memory_space<vmem>>, vector<5x128xi32>
      tpu.vector_store %arg4[%swap3A_71, %swap3A_72], %broadcast_in_dim3A_70 {strides = array<i32>} : memref<5x128xi32, #tpu.memory_space<vmem>>, vector<5x128xi32>,
    } else {
    }
    %sub3A_33 = arith.subi %get3A_13, %get3A_8 : i32
    %le3A = arith.constant 40 : i32
    %le3A_34 = arith.cmpi sle, %sub3A_33, %le3A : i32
    %convert_element_type3A_35 = arith.extui %le3A_34 : i1 to i32
    %cond3A_36 = arith.constant 0 : i32
    %cond3A_37 = arith.cmpi ne, %convert_element_type3A_35, %cond3A_36 : i32
    scf.if %cond3A_37 {
      %iota3A_64 = tpu.iota {dimensions = array<i32: 0>} : vector<48x5000xi32>
      %add3A_65 = vector.broadcast %mul3A_30 : i32 to vector<48x5000xi32>
      %add3A_66 = arith.addi %add3A_65, %iota3A_64 : vector<48x5000xi32>
      %broadcast_in_dim3A_67 = vector.shape_cast %get3A_3 : vector<5000xi32> to vector<1x5000xi32>
      %lt3A = vector.broadcast %broadcast_in_dim3A_67 : vector<1x5000xi32> to vector<48x5000xi32>
      %lt3A_68 = arith.cmpi slt, %lt3A, %add3A_66 : vector<48x5000xi32>
      %convert_element_type3A_69 = arith.extui %lt3A_68 : vector<48x5000xi1> to vector<48x5000xi32>
      %reduce_sum3A = arith.constant dense<0> : vector<48xi32>
      %reduce_sum3A_70 = vector.multi_reduction <add>, %convert_element_type3A_69, %reduce_sum3A [1] : vector<48x5000xi32> to vector<48xi32>
      %broadcast_in_dim3A_71 = vector.shape_cast %reduce_sum3A_70 : vector<48xi32> to vector<48x1xi32>
      %iota3A_72 = tpu.iota {dimensions = array<i32: 0>} : vector<48x1xi32>
      %add3A_73 = vector.broadcast %mul3A_30 : i32 to vector<48x1xi32>
      %add3A_74 = arith.addi %add3A_73, %iota3A_72 : vector<48x1xi32>
      %get3A_75 = arith.index_cast %mul3A_30 : i32 to index
      %get3A_76 = arith.constant 0 : index
      %get3A_77 = vector.load %arg3[%get3A_75, %get3A_76] : memref<576x1xi32, #tpu.memory_space<vmem>>, vector<48x1xi32>
      %le3A_78 = vector.broadcast %get3A_13 : i32 to vector<48x1xi32>
      %le3A_79 = arith.cmpi sle, %add3A_74, %le3A_78 : vector<48x1xi32>
      %jit3A_80 = arith.constant 0 : i32
      %broadcast_in_dim3A_81 = vector.broadcast %jit3A_80 : i32 to vector<48x1xi32>
      %select_n3A_82 = arith.select %le3A_79, %broadcast_in_dim3A_71, %broadcast_in_dim3A_81 : vector<48x1xi1>, vector<48x1xi32>
      %add3A_83 = arith.addi %get3A_77, %select_n3A_82 : vector<48x1xi32>
      %swap3A_84 = arith.index_cast %mul3A_30 : i32 to index
      %swap3A_85 = arith.constant 0 : index
      %swap3A_86 = vector.load %arg3[%swap3A_84, %swap3A_85] : memref<576x1xi32, #tpu.memory_space<vmem>>, vector<48x1xi32>
      tpu.vector_store %arg3[%swap3A_84, %swap3A_85], %add3A_83 {strides = array<i32>} : memref<576x1xi32, #tpu.memory_space<vmem>>, vector<48x1xi32>,
    } else {
    }
    %sub3A_38 = arith.subi %get3A_13, %get3A_8 : i32
    %gt3A = arith.constant 40 : i32
    %gt3A_39 = arith.cmpi sgt, %sub3A_38, %gt3A : i32
    %convert_element_type3A_40 = arith.extui %gt3A_39 : i1 to i32
    %cond3A_41 = arith.constant 0 : i32
    %cond3A_42 = arith.cmpi ne, %convert_element_type3A_40, %cond3A_41 : i32
    scf.if %cond3A_42 {
      %iota3A_64 = tpu.iota {dimensions = array<i32: 0>} : vector<576x5000xi32>
      %broadcast_in_dim3A_65 = vector.shape_cast %get3A_3 : vector<5000xi32> to vector<1x5000xi32>
      %lt3A = vector.broadcast %broadcast_in_dim3A_65 : vector<1x5000xi32> to vector<576x5000xi32>
      %lt3A_66 = arith.cmpi slt, %lt3A, %iota3A_64 : vector<576x5000xi32>
      %convert_element_type3A_67 = arith.extui %lt3A_66 : vector<576x5000xi1> to vector<576x5000xi32>
      %reduce_sum3A = arith.constant dense<0> : vector<576xi32>
      %reduce_sum3A_68 = vector.multi_reduction <add>, %convert_element_type3A_67, %reduce_sum3A [1] : vector<576x5000xi32> to vector<576xi32>
      %broadcast_in_dim3A_69 = vector.shape_cast %reduce_sum3A_68 : vector<576xi32> to vector<576x1xi32>
      %iota3A_70 = tpu.iota {dimensions = array<i32: 0>} : vector<576x1xi32>
      %get3A_71 = arith.constant 0 : index
      %get3A_72 = arith.constant 0 : index
      %get3A_73 = vector.load %arg3[%get3A_71, %get3A_72] : memref<576x1xi32, #tpu.memory_space<vmem>>, vector<576x1xi32>
      %le3A_74 = vector.broadcast %get3A_13 : i32 to vector<576x1xi32>
      %le3A_75 = arith.cmpi sle, %iota3A_70, %le3A_74 : vector<576x1xi32>
      %jit3A_76 = arith.constant 0 : i32
      %broadcast_in_dim3A_77 = vector.broadcast %jit3A_76 : i32 to vector<576x1xi32>
      %select_n3A_78 = arith.select %le3A_75, %broadcast_in_dim3A_69, %broadcast_in_dim3A_77 : vector<576x1xi1>, vector<576x1xi32>
      %add3A_79 = arith.addi %get3A_73, %select_n3A_78 : vector<576x1xi32>
      %swap3A_80 = arith.constant 0 : index
      %swap3A_81 = arith.constant 0 : index
      %swap3A_82 = vector.load %arg3[%swap3A_80, %swap3A_81] : memref<576x1xi32, #tpu.memory_space<vmem>>, vector<576x1xi32>
      tpu.vector_store %arg3[%swap3A_80, %swap3A_81], %add3A_79 {strides = array<i32>} : memref<576x1xi32, #tpu.memory_space<vmem>>, vector<576x1xi32>,
    } else {
    }
    %iota3A = tpu.iota {dimensions = array<i32: 0>} : vector<5x128xi32>
    %mul3A_43 = arith.constant 128 : i32
    %mul3A_44 = vector.broadcast %mul3A_43 : i32 to vector<5x128xi32>
    %mul3A_45 = arith.muli %iota3A, %mul3A_44 : vector<5x128xi32>
    %iota3A_46 = tpu.iota {dimensions = array<i32: 1>} : vector<5x128xi32>
    %add3A = arith.addi %mul3A_45, %iota3A_46 : vector<5x128xi32>
    %get3A_47 = arith.constant 0 : index
    %get3A_48 = arith.constant 0 : index
    %get3A_49 = vector.load %arg4[%get3A_47, %get3A_48] : memref<5x128xi32, #tpu.memory_space<vmem>>, vector<5x128xi32>
    %gt3A_50 = vector.broadcast %get3A_13 : i32 to vector<5x128xi32>
    %gt3A_51 = arith.cmpi sgt, %add3A, %gt3A_50 : vector<5x128xi32>
    %jit3A_52 = arith.constant 5000 : i32
    %jit3A_53 = arith.constant 0 : i32
    %broadcast_in_dim3A = vector.broadcast %jit3A_52 : i32 to vector<5x128xi32>
    %broadcast_in_dim3A_54 = vector.broadcast %jit3A_53 : i32 to vector<5x128xi32>
    %select_n3A_55 = arith.select %gt3A_51, %broadcast_in_dim3A, %broadcast_in_dim3A_54 : vector<5x128xi1>, vector<5x128xi32>
    %add3A_56 = arith.addi %get3A_49, %select_n3A_55 : vector<5x128xi32>
    %swap3A = arith.constant 0 : index
    %swap3A_57 = arith.constant 0 : index
    %swap3A_58 = vector.load %arg4[%swap3A, %swap3A_57] : memref<5x128xi32, #tpu.memory_space<vmem>>, vector<5x128xi32>
    tpu.vector_store %arg4[%swap3A, %swap3A_57], %add3A_56 {strides = array<i32>} : memref<5x128xi32, #tpu.memory_space<vmem>>, vector<5x128xi32>,
    %eq3A_59 = arith.constant 19 : i32
    %eq3A_60 = arith.cmpi eq, %arg0, %eq3A_59 : i32
    %convert_element_type3A_61 = arith.extui %eq3A_60 : i1 to i32
    %cond3A_62 = arith.constant 0 : i32
    %cond3A_63 = arith.cmpi ne, %convert_element_type3A_61, %cond3A_62 : i32
    scf.if %cond3A_63 {
      %get3A_64 = arith.constant 0 : index
      %get3A_65 = arith.constant 0 : index
      %get3A_66 = vector.load %arg3[%get3A_64, %get3A_65] : memref<576x1xi32, #tpu.memory_space<vmem>>, vector<576x1xi32>
      %slice3A = vector.extract_strided_slice %get3A_66 {offsets = [0, 0], sizes = [512, 1], strides = [1, 1]} : vector<576x1xi32> to vector<512x1xi32>
      %squeeze3A = vector.shape_cast %slice3A : vector<512x1xi32> to vector<512xi32>
      %broadcast_in_dim3A_67 = arith.constant 0 : i32
      %broadcast_in_dim3A_68 = vector.broadcast %broadcast_in_dim3A_67 : i32 to vector<128xi32>
      %concatenate3A = tpu.concatenate %squeeze3A, %broadcast_in_dim3A_68 in 0 : vector<512xi32>, vector<128xi32> -> vector<640xi32>
      %get3A_69 = arith.constant 0 : index
      %get3A_70 = arith.constant 0 : index
      %get3A_71 = vector.load %arg4[%get3A_69, %get3A_70] : memref<5x128xi32, #tpu.memory_space<vmem>>, vector<5x128xi32>
      %reshape3A = vector.shape_cast %get3A_71 : vector<5x128xi32> to vector<640xi32>
      %add3A_72 = arith.addi %concatenate3A, %reshape3A : vector<640xi32>
      %iota3A_73 = tpu.iota {dimensions = array<i32: 1>} : vector<1x640xi32>
      %iota3A_74 = vector.shape_cast %iota3A_73 : vector<1x640xi32> to vector<640xi32>
      %ge3A = arith.constant 512 : i32
      %ge3A_75 = vector.broadcast %ge3A : i32 to vector<640xi32>
      %ge3A_76 = arith.cmpi sge, %iota3A_74, %ge3A_75 : vector<640xi32>
      %jit3A_77 = arith.constant 100000 : i32
      %broadcast_in_dim3A_78 = vector.broadcast %jit3A_77 : i32 to vector<640xi32>
      %select_n3A_79 = arith.select %ge3A_76, %broadcast_in_dim3A_78, %add3A_72 : vector<640xi1>, vector<640xi32>
      %swap3A_80 = arith.constant 0 : index
      %swap3A_81 = vector.load %arg2[%swap3A_80] : memref<640xi32, #tpu.memory_space<vmem>>, vector<640xi32>
      tpu.vector_store %arg2[%swap3A_80], %select_n3A_79 {strides = array<i32>} : memref<640xi32, #tpu.memory_space<vmem>>, vector<640xi32>,
    } else {
    }
    return
  }
  func.func @transform_0(%arg0: i32) -> (i32, i32, i32) {
    %c0_i32 = arith.constant 0 : i32
    %c0_i32_0 = arith.constant 0 : i32
    %c0_i32_1 = arith.constant 0 : i32
    return %arg0, %c0_i32, %c0_i32_0 : i32, i32, i32
  }
  func.func @transform_1(%arg0: i32) -> i32 {
    %c0_i32 = arith.constant 0 : i32
    %c0_i32_0 = arith.constant 0 : i32
    return %c0_i32 : i32
  }
}

module attributes {stable_mosaic.version = 14 : i64} {
  func.func @_tc_body(%arg0: i32, %arg1: memref<1x1x5000xi32, #tpu.memory_space<vmem>>, %arg2: memref<5000x128xf32, #tpu.memory_space<vmem>>, %arg3: memref<128x128xf32, #tpu.memory_space<vmem>>, %arg4: memref<1x128xf32, #tpu.memory_space<vmem>>, %arg5: memref<1x64xf32, #tpu.memory_space<vmem>>, %arg6: memref<512x192xf32, #tpu.memory_space<vmem>>, %arg7: memref<576x128xf32, #tpu.memory_space<vmem>>, %arg8: memref<576x72xf32, #tpu.memory_space<vmem>>) attributes {dimension_semantics = [#tpu.dimension_semantics<arbitrary>], iteration_bounds = array<i64: 20>, scalar_prefetch = 0 : i64, scratch_operands = 2 : i64, tpu.core_type = #tpu.core_type<tc>, window_params = [{transform_indices = @transform_0, window_bounds = array<i64: 1, 1, 5000>}, {transform_indices = @transform_1, window_bounds = array<i64: 5000, 128>}, {pipeline_mode = #tpu.pipeline_mode<synchronous>, transform_indices = @transform_2, window_bounds = array<i64: 128, 128>}, {pipeline_mode = #tpu.pipeline_mode<synchronous>, transform_indices = @transform_3, window_bounds = array<i64: 1, 128>}, {pipeline_mode = #tpu.pipeline_mode<synchronous>, transform_indices = @transform_4, window_bounds = array<i64: 1, 64>}, {pipeline_mode = #tpu.pipeline_mode<synchronous>, transform_indices = @transform_5, window_bounds = array<i64: 512, 192>}]} {
    %get3A = arith.constant 0 : index
    %get3A_0 = arith.constant 0 : index
    %get3A_1 = vector.load %arg2[%get3A, %get3A_0] : memref<5000x128xf32, #tpu.memory_space<vmem>>, vector<5000x128xf32>
    %get3A_2 = arith.constant 0 : index
    %get3A_3 = arith.constant 0 : index
    %get3A_4 = vector.load %arg3[%get3A_2, %get3A_3] : memref<128x128xf32, #tpu.memory_space<vmem>>, vector<128x128xf32>
    %dot_general3A = arith.constant dense<0.000000e+00> : vector<5000x128xf32>
    %dot_general3A_5 = tpu.matmul %get3A_1, %get3A_4, %dot_general3A {dimension_numbers = #tpu.dot_dimension_numbers<[1], [0], [0], [1], [0, 0, 1, 1], [], []>, transpose_lhs_hint = false} : vector<5000x128xf32>, vector<128x128xf32>, vector<5000x128xf32> -> vector<5000x128xf32>
    %get3A_6 = arith.constant 0 : index
    %get3A_7 = arith.constant 0 : index
    %get3A_8 = vector.load %arg4[%get3A_6, %get3A_7] : memref<1x128xf32, #tpu.memory_space<vmem>>, vector<1x128xf32>
    %add3A = vector.broadcast %get3A_8 : vector<1x128xf32> to vector<5000x128xf32>
    %add3A_9 = arith.addf %dot_general3A_5, %add3A : vector<5000x128xf32>
    %mul3A = arith.constant 5.000000e-01 : f32
    %mul3A_10 = vector.broadcast %mul3A : f32 to vector<5000x128xf32>
    %mul3A_11 = arith.mulf %mul3A_10, %add3A_9 : vector<5000x128xf32>
    %mul3A_12 = arith.constant 0.707106769 : f32
    %mul3A_13 = vector.broadcast %mul3A_12 : f32 to vector<5000x128xf32>
    %mul3A_14 = arith.mulf %add3A_9, %mul3A_13 : vector<5000x128xf32>
    %erf3A = math.erf %mul3A_14 : vector<5000x128xf32>
    %add3A_15 = arith.constant 1.000000e+00 : f32
    %add3A_16 = vector.broadcast %add3A_15 : f32 to vector<5000x128xf32>
    %add3A_17 = arith.addf %add3A_16, %erf3A : vector<5000x128xf32>
    %mul3A_18 = arith.mulf %mul3A_11, %add3A_17 : vector<5000x128xf32>
    %slice3A = vector.extract_strided_slice %mul3A_18 {offsets = [0, 0], sizes = [5000, 64], strides = [1, 1]} : vector<5000x128xf32> to vector<5000x64xf32>
    %get3A_19 = arith.constant 0 : index
    %get3A_20 = arith.constant 0 : index
    %get3A_21 = vector.load %arg5[%get3A_19, %get3A_20] : memref<1x64xf32, #tpu.memory_space<vmem>>, vector<1x64xf32>
    %mul3A_22 = vector.broadcast %get3A_21 : vector<1x64xf32> to vector<5000x64xf32>
    %mul3A_23 = arith.mulf %slice3A, %mul3A_22 : vector<5000x64xf32>
    %reduce_sum3A = arith.constant dense<0.000000e+00> : vector<5000xf32>
    %reduce_sum3A_24 = vector.multi_reduction <add>, %mul3A_23, %reduce_sum3A [1] : vector<5000x64xf32> to vector<5000xf32>
    %broadcast_in_dim3A = vector.shape_cast %reduce_sum3A_24 : vector<5000xf32> to vector<5000x1xf32>
    %exp3A = math.exp %broadcast_in_dim3A : vector<5000x1xf32>
    %mul3A_25 = vector.broadcast %exp3A : vector<5000x1xf32> to vector<5000x128xf32>
    %mul3A_26 = arith.mulf %get3A_1, %mul3A_25 : vector<5000x128xf32>
    %slice3A_27 = vector.extract_strided_slice %mul3A_18 {offsets = [0, 64], sizes = [5000, 64], strides = [1, 1]} : vector<5000x128xf32> to vector<5000x64xf32>
    %broadcast_in_dim3A_28 = arith.constant 1.000000e+00 : f32
    %broadcast_in_dim3A_29 = vector.broadcast %broadcast_in_dim3A_28 : f32 to vector<5000x1xf32>
    %broadcast_in_dim3A_30 = arith.constant 0.000000e+00 : f32
    %broadcast_in_dim3A_31 = vector.broadcast %broadcast_in_dim3A_30 : f32 to vector<5000x6xf32>
    %concatenate3A = tpu.concatenate %slice3A_27, %broadcast_in_dim3A_29, %exp3A, %broadcast_in_dim3A_31 in 1 : vector<5000x64xf32>, vector<5000x1xf32>, vector<5000x1xf32>, vector<5000x6xf32> -> vector<5000x72xf32>
    %get3A_32 = arith.constant 0 : index
    %get3A_33 = arith.constant 0 : index
    %get3A_34 = arith.constant 0 : index
    %get3A_35 = vector.load %arg1[%get3A_32, %get3A_33, %get3A_34] : memref<1x1x5000xi32, #tpu.memory_space<vmem>>, vector<1x1x5000xi32>
    %get3A_36 = vector.shape_cast %get3A_35 : vector<1x1x5000xi32> to vector<5000xi32>
    %get3A_37 = arith.constant 0 : index
    %get3A_38 = arith.constant 0 : index
    %get3A_39 = arith.constant 0 : index
    %get3A_40 = vector.load %arg1[%get3A_37, %get3A_38, %get3A_39] : memref<1x1x5000xi32, #tpu.memory_space<vmem>>, vector<1x1x1xi32>
    %get3A_41 = vector.extract %get3A_40[0, 0, 0] : i32 from vector<1x1x1xi32>
    %get3A_42 = arith.constant 0 : index
    %get3A_43 = arith.constant 0 : index
    %get3A_44 = arith.constant 4999 : index
    %get3A_45 = vector.load %arg1[%get3A_42, %get3A_43, %get3A_44] : memref<1x1x5000xi32, #tpu.memory_space<vmem>>, vector<1x1x1xi32>
    %get3A_46 = vector.extract %get3A_45[0, 0, 0] : i32 from vector<1x1x1xi32>
    %jit3A = arith.constant 8 : i32
    %div3A = arith.divsi %get3A_41, %jit3A : i32
    %sign3A = arith.constant 0 : i32
    %sign3A_47 = arith.cmpi sgt, %get3A_41, %sign3A : i32
    %sign3A_48 = arith.extui %sign3A_47 : i1 to i32
    %sign3A_49 = arith.constant 0 : i32
    %sign3A_50 = arith.cmpi slt, %get3A_41, %sign3A_49 : i32
    %sign3A_51 = arith.extui %sign3A_50 : i1 to i32
    %sign3A_52 = arith.subi %sign3A_48, %sign3A_51 : i32
    %sign3A_53 = arith.constant 0 : i32
    %sign3A_54 = arith.cmpi sgt, %jit3A, %sign3A_53 : i32
    %sign3A_55 = arith.extui %sign3A_54 : i1 to i32
    %sign3A_56 = arith.constant 0 : i32
    %sign3A_57 = arith.cmpi slt, %jit3A, %sign3A_56 : i32
    %sign3A_58 = arith.extui %sign3A_57 : i1 to i32
    %sign3A_59 = arith.subi %sign3A_55, %sign3A_58 : i32
    %ne3A = arith.cmpi ne, %sign3A_52, %sign3A_59 : i32
    %rem3A = arith.remsi %get3A_41, %jit3A : i32
    %ne3A_60 = arith.constant 0 : i32
    %ne3A_61 = arith.cmpi ne, %rem3A, %ne3A_60 : i32
    %and3A = arith.andi %ne3A, %ne3A_61 : i1
    %sub3A = arith.constant 1 : i32
    %sub3A_62 = arith.subi %div3A, %sub3A : i32
    %select_n3A = arith.select %and3A, %sub3A_62, %div3A : i32
    %mul3A_63 = arith.constant 8 : i32
    %mul3A_64 = arith.muli %select_n3A, %mul3A_63 : i32
    %eq3A = arith.constant 0 : i32
    %eq3A_65 = arith.cmpi eq, %arg0, %eq3A : i32
    %convert_element_type3A = arith.extui %eq3A_65 : i1 to i32
    %cond3A = arith.constant 0 : i32
    %cond3A_66 = arith.cmpi ne, %convert_element_type3A, %cond3A : i32
    scf.if %cond3A_66 {
      %broadcast_in_dim3A_82 = arith.constant 0.000000e+00 : f32
      %broadcast_in_dim3A_83 = vector.broadcast %broadcast_in_dim3A_82 : f32 to vector<576x128xf32>
      %swap3A = arith.constant 0 : index
      %swap3A_84 = arith.constant 0 : index
      %swap3A_85 = vector.load %arg7[%swap3A, %swap3A_84] : memref<576x128xf32, #tpu.memory_space<vmem>>, vector<576x128xf32>
      tpu.vector_store %arg7[%swap3A, %swap3A_84], %broadcast_in_dim3A_83 {strides = array<i32>} : memref<576x128xf32, #tpu.memory_space<vmem>>, vector<576x128xf32>,
      %broadcast_in_dim3A_86 = arith.constant 0.000000e+00 : f32
      %broadcast_in_dim3A_87 = vector.broadcast %broadcast_in_dim3A_86 : f32 to vector<576x72xf32>
      %swap3A_88 = arith.constant 0 : index
      %swap3A_89 = arith.constant 0 : index
      %swap3A_90 = vector.load %arg8[%swap3A_88, %swap3A_89] : memref<576x72xf32, #tpu.memory_space<vmem>>, vector<576x72xf32>
      tpu.vector_store %arg8[%swap3A_88, %swap3A_89], %broadcast_in_dim3A_87 {strides = array<i32>} : memref<576x72xf32, #tpu.memory_space<vmem>>, vector<576x72xf32>,
    } else {
    }
    %sub3A_67 = arith.subi %get3A_46, %get3A_41 : i32
    %le3A = arith.constant 40 : i32
    %le3A_68 = arith.cmpi sle, %sub3A_67, %le3A : i32
    %convert_element_type3A_69 = arith.extui %le3A_68 : i1 to i32
    %cond3A_70 = arith.constant 0 : i32
    %cond3A_71 = arith.cmpi ne, %convert_element_type3A_69, %cond3A_70 : i32
    scf.if %cond3A_71 {
      %iota3A = tpu.iota {dimensions = array<i32: 0>} : vector<48x5000xi32>
      %add3A_82 = vector.broadcast %mul3A_64 : i32 to vector<48x5000xi32>
      %add3A_83 = arith.addi %add3A_82, %iota3A : vector<48x5000xi32>
      %broadcast_in_dim3A_84 = vector.shape_cast %get3A_36 : vector<5000xi32> to vector<1x5000xi32>
      %eq3A_85 = vector.broadcast %broadcast_in_dim3A_84 : vector<1x5000xi32> to vector<48x5000xi32>
      %eq3A_86 = arith.cmpi eq, %eq3A_85, %add3A_83 : vector<48x5000xi32>
      %convert_element_type3A_87 = arith.extui %eq3A_86 : vector<48x5000xi1> to vector<48x5000xi32>
      %convert_element_type3A_88 = arith.sitofp %convert_element_type3A_87 : vector<48x5000xi32> to vector<48x5000xf32>
      %get3A_89 = arith.index_cast %mul3A_64 : i32 to index
      %get3A_90 = arith.constant 0 : index
      %get3A_91 = vector.load %arg7[%get3A_89, %get3A_90] : memref<576x128xf32, #tpu.memory_space<vmem>>, vector<48x128xf32>
      %dot_general3A_92 = arith.constant dense<0.000000e+00> : vector<48x128xf32>
      %dot_general3A_93 = tpu.matmul %convert_element_type3A_88, %mul3A_26, %dot_general3A_92 {dimension_numbers = #tpu.dot_dimension_numbers<[1], [0], [0], [1], [0, 0, 1, 1], [], []>, transpose_lhs_hint = false} : vector<48x5000xf32>, vector<5000x128xf32>, vector<48x128xf32> -> vector<48x128xf32>
      %add3A_94 = arith.addf %get3A_91, %dot_general3A_93 : vector<48x128xf32>
      %swap3A = arith.index_cast %mul3A_64 : i32 to index
      %swap3A_95 = arith.constant 0 : index
      %swap3A_96 = vector.load %arg7[%swap3A, %swap3A_95] : memref<576x128xf32, #tpu.memory_space<vmem>>, vector<48x128xf32>
      tpu.vector_store %arg7[%swap3A, %swap3A_95], %add3A_94 {strides = array<i32>} : memref<576x128xf32, #tpu.memory_space<vmem>>, vector<48x128xf32>,
      %get3A_97 = arith.index_cast %mul3A_64 : i32 to index
      %get3A_98 = arith.constant 0 : index
      %get3A_99 = vector.load %arg8[%get3A_97, %get3A_98] : memref<576x72xf32, #tpu.memory_space<vmem>>, vector<48x72xf32>
      %dot_general3A_100 = arith.constant dense<0.000000e+00> : vector<48x72xf32>
      %dot_general3A_101 = tpu.matmul %convert_element_type3A_88, %concatenate3A, %dot_general3A_100 {dimension_numbers = #tpu.dot_dimension_numbers<[1], [0], [0], [1], [0, 0, 1, 1], [], []>, transpose_lhs_hint = false} : vector<48x5000xf32>, vector<5000x72xf32>, vector<48x72xf32> -> vector<48x72xf32>
      %add3A_102 = arith.addf %get3A_99, %dot_general3A_101 : vector<48x72xf32>
      %swap3A_103 = arith.index_cast %mul3A_64 : i32 to index
      %swap3A_104 = arith.constant 0 : index
      %swap3A_105 = vector.load %arg8[%swap3A_103, %swap3A_104] : memref<576x72xf32, #tpu.memory_space<vmem>>, vector<48x72xf32>
      tpu.vector_store %arg8[%swap3A_103, %swap3A_104], %add3A_102 {strides = array<i32>} : memref<576x72xf32, #tpu.memory_space<vmem>>, vector<48x72xf32>,
    } else {
    }
    %sub3A_72 = arith.subi %get3A_46, %get3A_41 : i32
    %gt3A = arith.constant 40 : i32
    %gt3A_73 = arith.cmpi sgt, %sub3A_72, %gt3A : i32
    %convert_element_type3A_74 = arith.extui %gt3A_73 : i1 to i32
    %cond3A_75 = arith.constant 0 : i32
    %cond3A_76 = arith.cmpi ne, %convert_element_type3A_74, %cond3A_75 : i32
    scf.if %cond3A_76 {
      %iota3A = tpu.iota {dimensions = array<i32: 0>} : vector<576x5000xi32>
      %broadcast_in_dim3A_82 = vector.shape_cast %get3A_36 : vector<5000xi32> to vector<1x5000xi32>
      %eq3A_83 = vector.broadcast %broadcast_in_dim3A_82 : vector<1x5000xi32> to vector<576x5000xi32>
      %eq3A_84 = arith.cmpi eq, %eq3A_83, %iota3A : vector<576x5000xi32>
      %convert_element_type3A_85 = arith.extui %eq3A_84 : vector<576x5000xi1> to vector<576x5000xi32>
      %convert_element_type3A_86 = arith.sitofp %convert_element_type3A_85 : vector<576x5000xi32> to vector<576x5000xf32>
      %get3A_87 = arith.constant 0 : index
      %get3A_88 = arith.constant 0 : index
      %get3A_89 = vector.load %arg7[%get3A_87, %get3A_88] : memref<576x128xf32, #tpu.memory_space<vmem>>, vector<576x128xf32>
      %dot_general3A_90 = arith.constant dense<0.000000e+00> : vector<576x128xf32>
      %dot_general3A_91 = tpu.matmul %convert_element_type3A_86, %mul3A_26, %dot_general3A_90 {dimension_numbers = #tpu.dot_dimension_numbers<[1], [0], [0], [1], [0, 0, 1, 1], [], []>, transpose_lhs_hint = false} : vector<576x5000xf32>, vector<5000x128xf32>, vector<576x128xf32> -> vector<576x128xf32>
      %add3A_92 = arith.addf %get3A_89, %dot_general3A_91 : vector<576x128xf32>
      %swap3A = arith.constant 0 : index
      %swap3A_93 = arith.constant 0 : index
      %swap3A_94 = vector.load %arg7[%swap3A, %swap3A_93] : memref<576x128xf32, #tpu.memory_space<vmem>>, vector<576x128xf32>
      tpu.vector_store %arg7[%swap3A, %swap3A_93], %add3A_92 {strides = array<i32>} : memref<576x128xf32, #tpu.memory_space<vmem>>, vector<576x128xf32>,
      %get3A_95 = arith.constant 0 : index
      %get3A_96 = arith.constant 0 : index
      %get3A_97 = vector.load %arg8[%get3A_95, %get3A_96] : memref<576x72xf32, #tpu.memory_space<vmem>>, vector<576x72xf32>
      %dot_general3A_98 = arith.constant dense<0.000000e+00> : vector<576x72xf32>
      %dot_general3A_99 = tpu.matmul %convert_element_type3A_86, %concatenate3A, %dot_general3A_98 {dimension_numbers = #tpu.dot_dimension_numbers<[1], [0], [0], [1], [0, 0, 1, 1], [], []>, transpose_lhs_hint = false} : vector<576x5000xf32>, vector<5000x72xf32>, vector<576x72xf32> -> vector<576x72xf32>
      %add3A_100 = arith.addf %get3A_97, %dot_general3A_99 : vector<576x72xf32>
      %swap3A_101 = arith.constant 0 : index
      %swap3A_102 = arith.constant 0 : index
      %swap3A_103 = vector.load %arg8[%swap3A_101, %swap3A_102] : memref<576x72xf32, #tpu.memory_space<vmem>>, vector<576x72xf32>
      tpu.vector_store %arg8[%swap3A_101, %swap3A_102], %add3A_100 {strides = array<i32>} : memref<576x72xf32, #tpu.memory_space<vmem>>, vector<576x72xf32>,
    } else {
    }
    %eq3A_77 = arith.constant 19 : i32
    %eq3A_78 = arith.cmpi eq, %arg0, %eq3A_77 : i32
    %convert_element_type3A_79 = arith.extui %eq3A_78 : i1 to i32
    %cond3A_80 = arith.constant 0 : i32
    %cond3A_81 = arith.cmpi ne, %convert_element_type3A_79, %cond3A_80 : i32
    scf.if %cond3A_81 {
      %get3A_82 = arith.constant 0 : index
      %get3A_83 = arith.constant 0 : index
      %get3A_84 = vector.load %arg8[%get3A_82, %get3A_83] : memref<576x72xf32, #tpu.memory_space<vmem>>, vector<576x72xf32>
      %slice3A_85 = vector.extract_strided_slice %get3A_84 {offsets = [0, 64], sizes = [512, 1], strides = [1, 1]} : vector<576x72xf32> to vector<512x1xf32>
      %get3A_86 = arith.constant 0 : index
      %get3A_87 = arith.constant 0 : index
      %get3A_88 = vector.load %arg8[%get3A_86, %get3A_87] : memref<576x72xf32, #tpu.memory_space<vmem>>, vector<576x72xf32>
      %slice3A_89 = vector.extract_strided_slice %get3A_88 {offsets = [0, 65], sizes = [512, 1], strides = [1, 1]} : vector<576x72xf32> to vector<512x1xf32>
      %gt3A_90 = arith.constant 0.000000e+00 : f32
      %gt3A_91 = vector.broadcast %gt3A_90 : f32 to vector<512x1xf32>
      %gt3A_92 = arith.cmpf ogt, %slice3A_89, %gt3A_91 : vector<512x1xf32>
      %jit3A_93 = arith.constant 1.000000e+00 : f32
      %broadcast_in_dim3A_94 = vector.broadcast %jit3A_93 : f32 to vector<512x1xf32>
      %select_n3A_95 = arith.select %gt3A_92, %slice3A_89, %broadcast_in_dim3A_94 : vector<512x1xi1>, vector<512x1xf32>
      %get3A_96 = arith.constant 0 : index
      %get3A_97 = arith.constant 0 : index
      %get3A_98 = vector.load %arg7[%get3A_96, %get3A_97] : memref<576x128xf32, #tpu.memory_space<vmem>>, vector<576x128xf32>
      %slice3A_99 = vector.extract_strided_slice %get3A_98 {offsets = [0, 0], sizes = [512, 128], strides = [1, 1]} : vector<576x128xf32> to vector<512x128xf32>
      %div3A_100 = vector.broadcast %select_n3A_95 : vector<512x1xf32> to vector<512x128xf32>
      %div3A_101 = arith.divf %slice3A_99, %div3A_100 : vector<512x128xf32>
      %get3A_102 = arith.constant 0 : index
      %get3A_103 = arith.constant 0 : index
      %get3A_104 = vector.load %arg8[%get3A_102, %get3A_103] : memref<576x72xf32, #tpu.memory_space<vmem>>, vector<576x72xf32>
      %slice3A_105 = vector.extract_strided_slice %get3A_104 {offsets = [0, 0], sizes = [512, 64], strides = [1, 1]} : vector<576x72xf32> to vector<512x64xf32>
      %max3A = arith.constant 1.000000e+00 : f32
      %max3A_106 = vector.broadcast %max3A : f32 to vector<512x1xf32>
      %max3A_107 = arith.maximumf %slice3A_85, %max3A_106 : vector<512x1xf32>
      %div3A_108 = vector.broadcast %max3A_107 : vector<512x1xf32> to vector<512x64xf32>
      %div3A_109 = arith.divf %slice3A_105, %div3A_108 : vector<512x64xf32>
      %concatenate3A_110 = tpu.concatenate %div3A_101, %div3A_109 in 1 : vector<512x128xf32>, vector<512x64xf32> -> vector<512x192xf32>
      %swap3A = arith.constant 0 : index
      %swap3A_111 = arith.constant 0 : index
      %swap3A_112 = vector.load %arg6[%swap3A, %swap3A_111] : memref<512x192xf32, #tpu.memory_space<vmem>>, vector<512x192xf32>
      tpu.vector_store %arg6[%swap3A, %swap3A_111], %concatenate3A_110 {strides = array<i32>} : memref<512x192xf32, #tpu.memory_space<vmem>>, vector<512x192xf32>,
    } else {
    }
    return
  }
  func.func @transform_0(%arg0: i32) -> (i32, i32, i32) {
    %c0_i32 = arith.constant 0 : i32
    %c0_i32_0 = arith.constant 0 : i32
    %c0_i32_1 = arith.constant 0 : i32
    return %arg0, %c0_i32, %c0_i32_0 : i32, i32, i32
  }
  func.func @transform_1(%arg0: i32) -> (i32, i32) {
    %c0_i32 = arith.constant 0 : i32
    %c0_i32_0 = arith.constant 0 : i32
    return %arg0, %c0_i32 : i32, i32
  }
  func.func @transform_2(%arg0: i32) -> (i32, i32) {
    %c0_i32 = arith.constant 0 : i32
    %c0_i32_0 = arith.constant 0 : i32
    %c0_i32_1 = arith.constant 0 : i32
    return %c0_i32, %c0_i32_0 : i32, i32
  }
  func.func @transform_3(%arg0: i32) -> (i32, i32) {
    %c0_i32 = arith.constant 0 : i32
    %c0_i32_0 = arith.constant 0 : i32
    %c0_i32_1 = arith.constant 0 : i32
    return %c0_i32, %c0_i32_0 : i32, i32
  }
  func.func @transform_4(%arg0: i32) -> (i32, i32) {
    %c0_i32 = arith.constant 0 : i32
    %c0_i32_0 = arith.constant 0 : i32
    %c0_i32_1 = arith.constant 0 : i32
    return %c0_i32, %c0_i32_0 : i32, i32
  }
  func.func @transform_5(%arg0: i32) -> (i32, i32) {
    %c0_i32 = arith.constant 0 : i32
    %c0_i32_0 = arith.constant 0 : i32
    %c0_i32_1 = arith.constant 0 : i32
    return %c0_i32, %c0_i32_0 : i32, i32
  }
}

</mosaic_0001>

<sc_bundles>
// kernel: kernel.5.cloned.1.call-start
scs
__scs_entry_jumppad:
0x0: {  	(pc) =	sbr.rel $0x88, $3  }
0x1: {  	(tag) =	ssettag $0x0;
	lr =	simm.s32 $0x1  }
0x2: {  	[smem:$0x3F9A] =	sst lr;
	_ =	strace $0xD0000000  }
0x3: {  	_ = 	snop  }
0x4: {  	_ = 	snop  }
0x5: {  	_ = 	snop  }
0x6: {  	_ = 	snop  }
0x7: {  	_ = 	snop  }
__scs_overlays_trampoline_lowered:
0x8: {  	[smem:$0x3FA9] =	sst s0  }
0x9: {  	[smem:$0x3FAA] =	sst s1  }
0xa: {  	[smem:$0x3FAB] =	sst s2  }
0xb: {  	[smem:$0x3FAC] =	sst s3  }
0xc: {  	[smem:$0x3FAD] =	sst s4  }
0xd: {  	[smem:$0x3FAE] =	sst s5  }
0xe: {  	[smem:$0x3FAF] =	sst s6  }
0xf: {  	[smem:$0x3FB0] =	sst s7  }
0x10: {  	[smem:$0x3FB1] =	sst s8  }
0x11: {  	[smem:$0x3FB2] =	sst s9;
	s0 =	simm.s32 @!p0 $0x0  }
0x12: {  	s1 =	sld [smem:$0x3F98];
	s0 =	simm.s32 @p0 $0x1  }
0x13: {  	[smem:$0x3FB3] =	sst s0;
	s0 =	simm.s32 @!p1 $0x0  }
0x14: {  	s2 =	sld [smem:$0x3F97];
	s0 =	simm.s32 @p1 $0x1  }
0x15: {  	[smem:$0x3FB4] =	sst s0;
	s0 =	simm.s32 @!p2 $0x0  }
0x16: {  	s3 =	sld [smem:$0x3FDB];
	s0 =	simm.s32 @p2 $0x1  }
0x17: {  	s4 =	simm.s32 $0x1BF5;
	[smem:$0x3FB6] =	sst s0  }
0x18: {  	s0 =	sld [smem:$0x3F99];
	_ =	swait.ge [sflag:s4], $0x0  }
0x19: {  	s7 =	sld [smem:$0x3F9A]  }
0x1a: {  	s8 =	sadd.s32 $0xFFFFE003, lr  }
0x1b: {  	s9 =	sadd.s32 $0xFFFFFEF7, lr;
	s5 =	simm.s32 $0xFFFFFFFF;
	p2 =	slt.u32 s8, $0xFFFFF086  }
0x1c: {  	p1 =	slt.u32 s9, $0xF7A;
	s5 =	simm.s32 @!p2 $0x0  }
0x1d: {  	s5 =	simm.s32 @p1 $0x1;
	p0 =	seq.s32 s7, s2  }
0x1e: {  	s7 =	smul.u32 @!p0 $0xF7A, s2;
	p2 =	seq.s32 @!p0 s5, $0x0  }
0x1f: {  	s9 =	smul.u32 $0xF7A, s1;
	s8 =	simm.s32 @!p0 $0x1BF5;
	p2 =	por !p2, p0  }
0x20: {  	[sflag:s8] =	ssyncset.s32 @!p0 $0xFFFFF086;
	s6 =	sadd.s32 @!p0 s3, s7;
	s7 =	simm.s32 @!p0 $0x108  }
0x21: {  	s3 =	sadd.s32 s3, s9;
	s6 =	sadd.s32 @!p0 $0x88, s6;
	s7 =	simm.s32 @p2 $0x1082  }
0x22: {  	[simem:s7], [sflag:s8] =	dma.local @!p0 [hbm:s6], $0xF7A  }
0x23: {  	s9 =	sor.u32 $0xD0000000, s2;
	s6 =	simm.s32 $0x108;
	_ =	swait.ge @!p0 [sflag:s8], $0x0  }
0x24: {  	s3 =	sadd.s32 $0x88, s3;
	s6 =	simm.s32 @!p1 $0x1082;
	[sflag:s4] =	ssyncset.s32 $0xFFFFF086  }
0x25: {  	[simem:s6], [sflag:s4] =	dma.local [hbm:s3], $0xF7A  }
0x26: {  	[smem:$0x3F9A] =	sst s1;
	(tag) =	ssettag s2;
	_ =	strace s9  }
0x27: {  	s1 =	sld [smem:$0x3FAA]  }
0x28: {  	s2 =	sld [smem:$0x3FAB]  }
0x29: {  	s4 =	sld [smem:$0x3FAD]  }
0x2a: {  	p0 =	seq.s32 s5, $0x0;
	s5 =	sld [smem:$0x3FAE]  }
0x2b: {  	s6 =	sld [smem:$0x3FAF]  }
0x2c: {  	s7 =	sld [smem:$0x3FB0]  }
0x2d: {  	s3 =	simm.s32 $0x108;
	s8 =	sld [smem:$0x3FB1]  }
0x2e: {  	s3 =	simm.s32 @!p0 $0x1082;
	s9 =	sld [smem:$0x3FB2]  }
0x2f: {  	lr =	sadd.s32 s0, s3;
	s0 =	sld [smem:$0x3FA9]  }
0x30: {  	s3 =	sld [smem:$0x3FAC]  }
0x31: {  	[smem:$0x3FB5] =	sst s10  }
0x32: {  	s10 =	sld [smem:$0x3FB3];
	_ =	sdelay $0x3  }
0x33: {  	p0 =	seq.s32 s10, $0x1;
	s10 =	sld [smem:$0x3FB5];
	_ =	sdelay $0x3  }
0x34: {  	[smem:$0x3FB5] =	sst s10  }
0x35: {  	s10 =	sld [smem:$0x3FB4];
	_ =	sdelay $0x3  }
0x36: {  	p1 =	seq.s32 s10, $0x1;
	s10 =	sld [smem:$0x3FB5];
	_ =	sdelay $0x3  }
0x37: {  	[smem:$0x3FB5] =	sst s10  }
0x38: {  	s10 =	sld [smem:$0x3FB6]  }
0x39: {  	_ = 	snop;
	(pc) =	sbr.ind lr, $3  }
0x3a: {  	_ = 	snop  }
0x3b: {  	_ = 	snop  }
0x3c: {  	p2 =	seq.s32 s10, $0x1;
	s10 =	sld [smem:$0x3FB5]  }
0x3d: {  	_ =	shalt  }
0x3e: {  	_ =	shalt  }
0x3f: {  	_ =	shalt  }
0x40: {  	_ =	shalt  }
0x41: {  	_ =	shalt  }
0x42: {  	_ =	shalt  }
0x43: {  	_ =	shalt  }
0x44: {  	_ =	shalt  }
0x45: {  	_ =	shalt  }
0x46: {  	_ =	shalt  }
0x47: {  	_ =	shalt  }
0x48: {  	_ =	shalt  }
0x49: {  	_ =	shalt  }
0x4a: {  	_ =	shalt  }
0x4b: {  	_ =	shalt  }
0x4c: {  	_ =	shalt  }
0x4d: {  	_ =	shalt  }
0x4e: {  	_ =	shalt  }
0x4f: {  	_ =	shalt  }
0x50: {  	_ =	shalt  }
0x51: {  	_ =	shalt  }
0x52: {  	_ =	shalt  }
0x53: {  	_ =	shalt  }
0x54: {  	_ =	shalt  }
0x55: {  	_ =	shalt  }
0x56: {  	_ =	shalt  }
0x57: {  	_ =	shalt  }
0x58: {  	_ =	shalt  }
0x59: {  	_ =	shalt  }
0x5a: {  	_ =	shalt  }
0x5b: {  	_ =	shalt  }
0x5c: {  	_ =	shalt  }
0x5d: {  	_ =	shalt  }
0x5e: {  	_ =	shalt  }
0x5f: {  	_ =	shalt  }
0x60: {  	_ =	shalt  }
0x61: {  	_ =	shalt  }
0x62: {  	_ =	shalt  }
0x63: {  	_ =	shalt  }
0x64: {  	_ =	shalt  }
0x65: {  	_ =	shalt  }
0x66: {  	_ =	shalt  }
0x67: {  	_ =	shalt  }
0x68: {  	_ =	shalt  }
0x69: {  	_ =	shalt  }
0x6a: {  	_ =	shalt  }
0x6b: {  	_ =	shalt  }
0x6c: {  	_ =	shalt  }
0x6d: {  	_ =	shalt  }
0x6e: {  	_ =	shalt  }
0x6f: {  	_ =	shalt  }
0x70: {  	_ =	shalt  }
0x71: {  	_ =	shalt  }
0x72: {  	_ =	shalt  }
0x73: {  	_ =	shalt  }
0x74: {  	_ =	shalt  }
0x75: {  	_ =	shalt  }
0x76: {  	_ =	shalt  }
0x77: {  	_ =	shalt  }
0x78: {  	_ =	shalt  }
0x79: {  	_ =	shalt  }
0x7a: {  	_ =	shalt  }
0x7b: {  	_ =	shalt  }
0x7c: {  	_ =	shalt  }
0x7d: {  	_ =	shalt  }
0x7e: {  	_ =	shalt  }
0x7f: {  	_ =	shalt  }
0x80: {  	_ =	shalt  }
0x81: {  	_ =	shalt  }
0x82: {  	_ =	shalt  }
0x83: {  	_ =	shalt  }
0x84: {  	_ =	shalt  }
0x85: {  	_ =	shalt  }
0x86: {  	_ =	shalt  }
0x87: {  	_ =	shalt  }
.Lfunc_end0:
.L_simem_size_0:
called_computation_lowered:
.L_overlay_start_0:
0x88: {  	s2 =	sld [smem:$0x3FD9]  }
0x89: {  	s3 =	sld [smem:$0x3FFE];
	_ =	sdelay $0x1  }
0x8a: {  	s1 =	srdreg.scid  }
0x8b: {  	s0 =	sand.u32 $0x1, s1  }
0x8c: {  	s17 =	sshll.u32 s0, $0xA;
	s2 =	sadd.s32 s3, s2  }
0x8d: {  	s2 =	sadd.s32 s2, s17  }
0x8e: {  	[smem:$0x3FC1] =	sst s2  }
0x8f: {  	_ = 	snop  }
0x90: {  	s2 =	sld [smem:$0x3FC9]  }
0x91: {  	s18 =	sld [smem:$0x3FD0];
	(tm) =	ssettm $0x1  }
0x92: {  	s4 =	sld [smem:$0x3FFB];
	_ =	sdelay $0x3  }
0x93: {  	_ =	strace s4  }
0x94: {  	s4 =	sld [smem:$0x3FFC];
	_ =	sdelay $0x3  }
0x95: {  	_ =	strace s4  }
0x96: {  	s4 =	sld [smem:$0x3FFD];
	_ =	sdelay $0x3  }
0x97: {  	_ =	strace s4  }
0x98: {  	_ =	strace $0x8FFFFFFF  }
0x99: {  	s19 =	sld [smem:$0x3FDB];
	_ =	sdelay $0x1  }
0x9a: {  	s5 =	simm.s32 $_scs_section_size  }
0x9b: {  	s6 =	simm.s32 $_size__tile_overlayer_lowered;
	s7 =	simm.s32 $_tile_overlayer_lowered  }
0x9c: {  	s22 =	simm.s32 $0x1BFF;
	s21 =	sshll.u32 s7, $0x1;
	s4 =	sadd.s32 s5, s19  }
0x9d: {  	s8 =	simm.s32 $0x0;
	s20 =	sshll.u32 s6, $0x1;
	s6 =	sadd.s32 s21, s4  }
0x9e: {  	[timem:s8], [sflag:s22] =	dma.local [hbm:s6], s20  }
0x9f: {  	_ =	swait.ge [sflag:s22], s20  }
0xa0: {  	s5 =	ssub.s32 $0x0, s20;
	[sflag:s22] =	ssyncset.done $0x0  }
0xa1: {  	[sflag:s22] =	ssyncadd.s32 s5;
	_ =	sdelay $0x1  }
0xa2: {  	s23 =	simm.s32 $0x1B8B  }
0xa3: {  	_ =	swait.ge [sflag:s23], $0x1  }
0xa4: {  	[sflag:s23] =	ssyncset.done $0x0  }
0xa5: {  	s25 =	simm.s32 $0x1B8E;
	s24 =	sld [smem:$0x3FFE];
	[sflag:s23] =	ssyncadd.s32 $0xFFFFFFFF  }
0xa6: {  	s26 =	simm.s32 $execute0_lowered;
	[smem:$0x3FD2] =	sst s25  }
0xa7: {  	s6 =	sshll.u32 s26, $0x1;
	_ =	strace $0x80000046;
	[dreg:$0x1] =	wrdreg $0xFFFFFFFF  }
0xa8: {  	s28 =	simm.s32 $_size_execute0_lowered;
	s4 =	sadd.s32 s4, s6;
	[dreg:$0x0] =	wrdreg $0x0  }
0xa9: {  	s6 =	sshll.u32 s28, $0x1;
	[dreg:$0x2] =	wrdreg s4  }
0xaa: {  	[dreg:$0x3] =	wrdreg s6  }
0xab: {  	[dreg:$0x4] =	wrdreg $0xC0  }
0xac: {  	_ =	task [dreg:s8], $0x5FFFF  }
0xad: {  	[dreg:$0x1] =	wrdreg $0xFFFFFFFF  }
0xae: {  	[dreg:$0x0] =	wrdreg $0x60  }
0xaf: {  	[dreg:$0x2] =	wrdreg s2  }
0xb0: {  	[dreg:$0x3] =	wrdreg s24  }
0xb1: {  	[dreg:$0x4] =	wrdreg s18  }
0xb2: {  	[dreg:$0x5] =	wrdreg $0x9  }
0xb3: {  	_ =	task.clear_ibuf [dreg:s8], $0x6FFFF;
	_ =	strace $0x90000046  }
0xb4: {  	s29 =	simm.s32 $0x9;
	_ =	strace $0x80000048  }
0xb5: {  	_ =	swait.ge [sflag:s29], $0x1  }
0xb6: {  	[sflag:s29] =	ssyncadd.s32 $0xFFFFFFFF  }
0xb7: {  	_ =	strace $0x90000048  }
0xb8: {  	_ =	sfence  }
0xb9: {  	s30 =	sld [smem:$0x0];
	_ =	sdelay $0x2  }
0xba: {  	s31 =	sshll.u32 s1, $0xD;
	s1 =	sshrl.u32 s1, $0x2  }
0xbb: {  	s3 =	sand.u32 $0x4000, s31;
	s1 =	sadd.s32 s1, s30  }
0xbc: {  	s0 =	sor.u32 s3, s0;
	s1 =	sshll.u32 s1, $0x11  }
0xbd: {  	s0 =	sor.u32 s1, s0  }
0xbe: {  	s0 =	sadd.s32 $0x8F2B, s0  }
0xbf: {  	[sflag:s0] =	ssyncadd.remote.s32 $0x1  }
0xc0: {  	_ =	sfence.sel $0xFFFF  }
0xc1: {  	[dreg:$0x0] =	wrdreg $0xFFFFFFFF;
	(pc) =	sbr.abs _section_cstart, $3  }
0xc2: {  	[dreg:$0x1] =	wrdreg $0xFFFFFFFF  }
0xc3: {  	_ =	task.clear_ibuf [dreg:s8], $0x2FFFF;
	_ =	strace $0x9FFFFFFF  }
0xc4: {  	(tm) =	ssettm $0x7FFFFFFF  }
0xc5: {  	_ =	shalt  }
tec
execute0_lowered:
.L_overlay_start_1:
0x0: {  	(tag) =	ssettag $0x1  }
0x1: {  	s19 =	rddreg [dreg:$0x0];
	s0 =	srdreg.scid  }
0x2: {  	s1 =	rddreg [dreg:$0x1];
	s3 =	stileid.u32  }
0x3: {  	s2 =	rddreg [dreg:$0x2];
	s8 =	simm.s32 $0x0;
	s0 =	sand.u32 $0x1, s0  }
0x4: {  	s3 =	sshll.u32 s3, $0x5;
	s4 =	sshll.u32 s0, $0x4;
	s0 =	ssub.s32 $0x2, s0  }
0x5: {  	[smem:$0x7FF] =	sst s8;
	s3 =	sor.u32 s4, s3;
	s30 =	sshrl.u32 s0, $0x1  }
.Ltmp0:
0x6: {  	s4 =	sshrl.u32 s3, $0x3;
	s0 =	ssub.s32 s0, s30;
	(pc) =	sbr.rel .LBB2_1-.Ltmp0, $4  }
0x7: {  	_ =	strace $0x80000047;
	s1 =	sadd.s32 s4, s1;
	s0 =	smax.u32 s0, $0x1  }
0x8: {  	s31 =	sshll.u32 s3, $0x5;
	s1 =	sadd.s32 $0x1000, s1;
	[dreg:$0x6] =	wrdreg s0  }
0x9: {  	[dreg:$0x4] =	wrdreg s1;
	s1 =	sadd.s32 s2, s31  }
0xa: {  	v0 =	vimm.f32 $0.0e+00;
	v1 =	vimm.f32 $-Inf;
	s2 =	simm.s32 $0x0;
	[dreg:$0x5] =	wrdreg s1;
	s1 =	simm.s32 $0x3  }
.LBB2_4:
0xb: {  	v2 =	vimm.f32 $-Inf  }
0xc: {  	v3 =	vimm.f32 $0.0e+00;
	v19 =	vimm.f32 $0.0e+00;
	v18 =	vimm.f32 $0.0e+00  }
0xd: {  	v17 =	vimm.f32 $0.0e+00;
	v16 =	vimm.f32 $0.0e+00;
	v15 =	vimm.f32 $0.0e+00  }
0xe: {  	v13 =	vimm.f32 $0.0e+00;
	v4 =	vimm.f32 $0.0e+00;
	v14 =	vimm.f32 $-Inf  }
0xf: {  	v8 =	vimm.f32 $-Inf;
	v12 =	vimm.f32 $-Inf;
	v11 =	vimm.f32 $-Inf  }
0x10: {  	v9 =	vimm.f32 $-Inf;
	v10 =	vimm.f32 $-Inf;
	v7 =	vimm.f32 $-Inf  }
.LBB2_33:
0x11: {  	s0 =	simm.s32 $0x1  }
0x12: {  	_ =	swait.ge [sflag:s0], $0xF400  }
0x13: {  	[sflag:s0] =	ssyncset.done $0x0  }
0x14: {  	[sflag:s0] =	ssyncadd.s32 $0xFFFF0C00  }
0x15: {  	v5 =	vld [tilespmem:s13+$0x0];
	_ =	sdelay $0x4  }
0x16: {  	(v2sf) =	vpush v5, $0x1  }
0x17: {  	(v2sf) =	vpush v5, $0x0;
	_ =	sdelay $0xd  }
0x18: {  	s25 =	spop (v2sf)  }
0x19: {  	s1 =	spop (v2sf)  }
0x1a: {  	s0 =	ssub.s32 s25, s1  }
0x1b: {  	s0 =	scvt.s32.f32 s0;
	_ =	sdelay $0x1  }
0x1c: {  	s0 =	smax.f32 s0, $1.000000000e+00  }
0x1d: {  	v61 =	vmov s0  }
0x1e: {  	s26 =	sshll.u32 s13, $0x8;
	s28 =	sshll.u32 s13, $0x7;
	(erf) = vrcp.f32 v61  }
0x1f: {  	s1 =	sand.u32 $0x380, s28;
	s0 =	sand.u32 $0x7FFFF800, s26  }
0x20: {  	s0 =	sor.u32 s1, s0  }
0x21: {  	s1 =	sadd.s32 $0x1E880, s0  }
0x22: {  	[tilespmem:s1+$0x400] =	vst v2  }
0x23: {  	[tilespmem:s1+$0x410] =	vst v14  }
0x24: {  	[tilespmem:s1+$0x420] =	vst v8  }
0x25: {  	[tilespmem:s1+$0x430] =	vst v12  }
0x26: {  	[tilespmem:s1+$0x440] =	vst v11  }
0x27: {  	[tilespmem:s1+$0x450] =	vst v9;
	v5 =	vpop (erf)  }
0x28: {  	[tilespmem:s1+$0x460] =	vst v10;
	v3 =	vmul.f32 v5, v3  }
0x29: {  	[tilespmem:s1+$0x470] =	vst v7;
	v63 =	vmul.f32 v5, v15  }
0x2a: {  	v4 =	vmul.f32 v5, v4;
	[tilespmem:s0+$0x1E880] =	vst v3  }
0x2b: {  	v3 =	vmul.f32 v5, v18;
	[tilespmem:s1+$0x50] =	vst v63  }
0x2c: {  	v6 =	vmul.f32 v5, v19;
	[tilespmem:s1+$0x70] =	vst v4  }
0x2d: {  	[tilespmem:s1+$0x20] =	vst v3;
	v3 =	vmul.f32 v5, v16  }
0x2e: {  	v62 =	vmul.f32 v5, v17;
	[tilespmem:s1+$0x10] =	vst v6  }
0x2f: {  	[tilespmem:s1+$0x40] =	vst v3;
	v3 =	vmul.f32 v5, v13  }
0x30: {  	[tilespmem:s1+$0x30] =	vst v62  }
0x31: {  	s30 =	simm.s32 $0x1E880;
	s29 =	rddreg [dreg:$0x5];
	[tilespmem:s1+$0x60] =	vst v3;
	s1 =	simm.s32 $0x3  }
0x32: {  	[hbm4b:s29+s8] =	stream.linear.scatter [tilespmem:s30], [sflag:$0x3], $0x1000, $0x38;
	[tilespmem:$0x1F880] =	vst v63  }
0x33: {  	_ =	swait.ge [sflag:s1], $0x1000  }
0x34: {  	s2 =	rddreg [dreg:$0x7]  }
0x35: {  	s31 =	rddreg [dreg:$0x6];
	s2 =	sadd.s32 $0x1, s2  }
0x36: {  	p0 =	sne.s32 s2, s31  }
.Ltmp1:
0x37: {  	_ = 	snop;
	(pc) =	sbr.rel @!p0 .LBB2_34-.Ltmp1, $3  }
0x38: {  	_ =	sdelay $0x1  }
0x39: {  	[sflag:s1] =	ssyncset.done $0x0  }
0x3a: {  	[sflag:s1] =	ssyncadd.s32 $0xFFFFF000  }
.LBB2_1:
0x3b: {  	[dreg:$0x7] =	wrdreg s2  }
0x3c: {  	s0 =	rddreg [dreg:$0x4]  }
0x3d: {  	[tilespmem:s8], [sflag:$0x3] =	stream.linear.gather [hbm4b:s0+s8], $0x20, $0x38;
	[tilespmem:$0x1F880] =	vst v63  }
0x3e: {  	_ =	swait.ge [sflag:s1], $0x20  }
0x3f: {  	[sflag:s1] =	ssyncset.done $0x0  }
0x40: {  	s29 =	sand.u32 $0x800, s8;
	s30 =	sand.u32 $0x380, s8;
	[sflag:s1] =	ssyncadd.s32 $0xFFFFFFE0  }
0x41: {  	s1 =	sor.u32 s30, s29;
	v2 =	vld [tilespmem:$0x1]  }
0x42: {  	v3 =	vld [tilespmem:$0x0];
	s0 =	sadd.s32 $0x1E880, s1;
	[tilespmem:s1+$0x1E880] =	vst v0  }
0x43: {  	[tilespmem:s0+$0x10] =	vst v0  }
0x44: {  	[tilespmem:s0+$0x20] =	vst v0  }
0x45: {  	[tilespmem:s0+$0x30] =	vst v0  }
0x46: {  	[tilespmem:s0+$0x40] =	vst v0  }
0x47: {  	[tilespmem:s0+$0x50] =	vst v0  }
0x48: {  	[tilespmem:s0+$0x60] =	vst v0  }
0x49: {  	[tilespmem:s0+$0x70] =	vst v0  }
0x4a: {  	[tilespmem:s0+$0x400] =	vst v1  }
0x4b: {  	[tilespmem:s0+$0x410] =	vst v1  }
0x4c: {  	[tilespmem:s0+$0x420] =	vst v1  }
0x4d: {  	[tilespmem:s0+$0x430] =	vst v1  }
0x4e: {  	[tilespmem:s0+$0x440] =	vst v1  }
0x4f: {  	s31 =	simm.s32 $0x100;
	s1 =	simm.s32 $0x80;
	[tilespmem:s0+$0x450] =	vst v1  }
0x50: {  	s2 =	simm.s32 $0x200;
	s3 =	sand.u32 $0x800, s31;
	s4 =	sand.u32 $0x380, s1;
	[tilespmem:s0+$0x460] =	vst v1  }
.LBB2_2:
0x51: {  	p0 =	sne.s32 s2, $0xF00;
	s3 =	sor.u32 s4, s3;
	[tilespmem:s0+$0x470] =	vst v1  }
0x52: {  	s0 =	sadd.s32 $0x1E880, s3;
	[tilespmem:s3+$0x1E880] =	vst v0  }
0x53: {  	[tilespmem:s0+$0x10] =	vst v0  }
0x54: {  	[tilespmem:s0+$0x20] =	vst v0  }
0x55: {  	[tilespmem:s0+$0x30] =	vst v0  }
0x56: {  	[tilespmem:s0+$0x40] =	vst v0  }
0x57: {  	[tilespmem:s0+$0x50] =	vst v0  }
0x58: {  	[tilespmem:s0+$0x60] =	vst v0  }
0x59: {  	[tilespmem:s0+$0x70] =	vst v0  }
0x5a: {  	[tilespmem:s0+$0x400] =	vst v1  }
0x5b: {  	[tilespmem:s0+$0x410] =	vst v1  }
.Ltmp2:
0x5c: {  	[tilespmem:s0+$0x420] =	vst v1;
	(pc) =	sbr.rel @p0 .LBB2_2-.Ltmp2, $4  }
0x5d: {  	[tilespmem:s0+$0x430] =	vst v1  }
0x5e: {  	[tilespmem:s0+$0x440] =	vst v1  }
0x5f: {  	s1 =	sadd.s32 $0x80, s1;
	[tilespmem:s0+$0x450] =	vst v1  }
0x60: {  	s3 =	sand.u32 $0x800, s2;
	s4 =	sand.u32 $0x380, s1;
	s2 =	sadd.s32 $0x100, s2;
	[tilespmem:s0+$0x460] =	vst v1  }
0x61: {  	(v2sf) =	vpush v3, $0x0;
	_ =	sdelay $0x6  }
0x62: {  	(v2sf) =	vpush v2, $0xF;
	_ =	sdelay $0x7  }
0x63: {  	s14 =	spop (v2sf)  }
0x64: {  	s1 =	sand.u32 $0x7, s14  }
0x65: {  	s2 =	sshra.s32 s14, $0x1F;
	p0 =	slt.s32 s14, $0x1;
	p1 =	sne.s32 s1, $0x0  }
0x66: {  	s20 =	sshrl.u32 s2, $0x1D;
	p0 =	por !p0, !p1  }
0x67: {  	s2 =	simm.s32 $0x1;
	s1 =	sadd.s32 s20, s14;
	p0 =	por !p0, !p0  }
0x68: {  	s1 =	sshrl.u32 s1, $0x3;
	s2 =	simm.s32 @!p0 $0x0  }
0x69: {  	s3 =	sor.u32 s4, s3;
	[tilespmem:s0+$0x470] =	vst v1;
	s21 =	ssub.s32 s1, s2  }
0x6a: {  	s22 =	sadd.s32 $0x1E880, s3;
	[tilespmem:s3+$0x1E880] =	vst v0;
	s18 =	spop (v2sf);
	s10 =	sshll.u32 s21, $0x3  }
0x6b: {  	[tilespmem:s22+$0x10] =	vst v0;
	s0 =	ssub.s32 s18, s10  }
0x6c: {  	[tilespmem:s22+$0x20] =	vst v0;
	s23 =	sadd.s32 $0x1E7, s0  }
0x6d: {  	[tilespmem:s22+$0x30] =	vst v0;
	s24 =	smulhi.u32 $0x4325C53F, s23;
	s25 =	sshra.s32 s23, $0x1F  }
0x6e: {  	[tilespmem:s22+$0x40] =	vst v0;
	s4 =	smul.u32 $0x4325C53F, s25  }
0x6f: {  	[tilespmem:s22+$0x50] =	vst v0  }
0x70: {  	[tilespmem:s22+$0x60] =	vst v0;
	s3 =	sadd.s32 s4, s24  }
0x71: {  	[tilespmem:s22+$0x70] =	vst v0;
	s4 =	sshrl.u32 s3, $0x1F;
	s3 =	sshra.s32 s3, $0x7  }
0x72: {  	[tilespmem:s22+$0x400] =	vst v1;
	s3 =	sadd.s32 s4, s3  }
0x73: {  	[tilespmem:s22+$0x410] =	vst v1;
	s4 =	smul.u32 $0xFFFFFE18, s3  }
0x74: {  	[tilespmem:s22+$0x420] =	vst v1;
	s0 =	ssub.s32 $0xFFFFFE19, s0  }
0x75: {  	[tilespmem:s22+$0x430] =	vst v1;
	p3 =	slt.s32 s23, $0x1;
	p4 =	sne.s32 s4, s0  }
0x76: {  	[tilespmem:s22+$0x440] =	vst v1;
	p1 =	slt.s32 s10, $0x184B8;
	s0 =	smov.u32 s10;
	p0 =	por !p3, !p4  }
0x77: {  	[tilespmem:s22+$0x450] =	vst v1;
	s2 =	simm.s32 $0x1;
	s0 =	simm.s32 @!p1 $0x184B8;
	p0 =	por !p0, !p0  }
0x78: {  	s13 =	simm.s32 $0x0;
	[tilespmem:s22+$0x460] =	vst v1;
	s0 =	sshll.u32 s0, $0x4;
	s2 =	simm.s32 @!p0 $0x0  }
0x79: {  	s28 =	simm.s32 $0x80;
	[tilespmem:s22+$0x470] =	vst v1;
	s0 =	sadd.s32 s19, s0;
	s26 =	ssub.s32 s3, s2  }
0x7a: {  	[tilespmem:s28], [sflag:$0x1] =	stream.linear.gather [hbm4b:s0+s13], $0xF400, $0x38;
	[tilespmem:$0x1F880] =	vst v63  }
0x7b: {  	s29 =	sadd.s32 $0x1, s26  }
0x7c: {  	s30 =	sand.u32 $0x1, s29  }
0x7d: {  	p5 =	slt.s32 s26, $0x0;
	p6 =	seq.s32 s30, $0x1  }
0x7e: {  	s31 =	sshrl.u32 s29, $0x1F;
	p0 =	por !p5, !p6  }
0x7f: {  	s1 =	simm.s32 $0x1;
	s0 =	sadd.s32 s31, s29;
	p0 =	por !p0, !p0  }
0x80: {  	s0 =	sshra.s32 s0, $0x1;
	s1 =	simm.s32 @!p0 $0x0  }
0x81: {  	s0 =	ssub.s32 s0, s1  }
0x82: {  	p0 =	slt.s32 s0, $0x1  }
.Ltmp3:
0x83: {  	_ = 	snop;
	(pc) =	sbr.rel @p0 .LBB2_4-.Ltmp3, $2  }
0x84: {  	_ =	sdelay $0x2  }
0x85: {  	[dreg:$0x8] =	wrdreg s0  }
0x86: {  	(v2sf) =	vpush v2, $0x0  }
0x87: {  	(v2sf) =	vpush v2, $0x1  }
0x88: {  	(v2sf) =	vpush v2, $0x2  }
0x89: {  	(v2sf) =	vpush v2, $0x3  }
0x8a: {  	(v2sf) =	vpush v2, $0x4  }
0x8b: {  	(v2sf) =	vpush v2, $0x5  }
0x8c: {  	(v2sf) =	vpush v2, $0x6  }
0x8d: {  	(v2sf) =	vpush v2, $0x7  }
0x8e: {  	(v2sf) =	vpush v2, $0x8  }
0x8f: {  	(v2sf) =	vpush v2, $0x9  }
0x90: {  	(v2sf) =	vpush v2, $0xA  }
0x91: {  	(v2sf) =	vpush v2, $0xB  }
0x92: {  	(v2sf) =	vpush v2, $0xC  }
0x93: {  	(v2sf) =	vpush v2, $0xD  }
0x94: {  	(v2sf) =	vpush v2, $0xE  }
0x95: {  	s0 =	spop (v2sf)  }
0x96: {  	s16 =	spop (v2sf)  }
0x97: {  	s17 =	spop (v2sf)  }
0x98: {  	s20 =	spop (v2sf)  }
0x99: {  	s21 =	spop (v2sf)  }
0x9a: {  	s23 =	spop (v2sf)  }
0x9b: {  	s22 =	sadd.s32 $0x3D0, s10;
	s24 =	spop (v2sf)  }
0x9c: {  	s5 =	sadd.s32 $0x1E8, s10;
	[dreg:$0xf] =	wrdreg s22;
	s25 =	spop (v2sf)  }
0x9d: {  	[dreg:$0xe] =	wrdreg s5;
	s26 =	spop (v2sf)  }
0x9e: {  	v4 =	vimm.f32 $0.0e+00;
	[dreg:$0x9] =	wrdreg s0;
	s28 =	spop (v2sf)  }
.Ltmp4:
0x9f: {  	v7 =	vimm.f32 $-Inf;
	v10 =	vimm.f32 $-Inf;
	v9 =	vimm.f32 $-Inf;
	s29 =	spop (v2sf);
	(pc) =	sbr.rel .LBB2_6-.Ltmp4, $4  }
0xa0: {  	v11 =	vimm.f32 $-Inf;
	v12 =	vimm.f32 $-Inf;
	v8 =	vimm.f32 $-Inf;
	[dreg:$0xa] =	wrdreg s16;
	s30 =	spop (v2sf)  }
0xa1: {  	v14 =	vimm.f32 $-Inf;
	v13 =	vimm.f32 $0.0e+00;
	v15 =	vimm.f32 $0.0e+00;
	s13 =	simm.s32 $0x0;
	[dreg:$0xb] =	wrdreg s17;
	s31 =	spop (v2sf)  }
0xa2: {  	v16 =	vimm.f32 $0.0e+00;
	v17 =	vimm.f32 $0.0e+00;
	s6 =	smov.u32 s10;
	v18 =	vimm.f32 $0.0e+00;
	[dreg:$0xc] =	wrdreg s20;
	s2 =	spop (v2sf)  }
0xa3: {  	v19 =	vimm.f32 $0.0e+00;
	v3 =	vimm.f32 $0.0e+00;
	s7 =	simm.s32 $0x0;
	v2 =	vimm.f32 $-Inf;
	[dreg:$0xd] =	wrdreg s21;
	s12 =	spop (v2sf)  }
.LBB2_28:
0xa4: {  	s8 =	simm.s32 $0x0;
	s10 =	smov.u32 s22  }
.LBB2_32:
0xa5: {  	s7 =	sadd.s32 $0x1, s7;
	s0 =	rddreg [dreg:$0x8]  }
0xa6: {  	p0 =	sne.s32 s7, s0  }
.Ltmp5:
0xa7: {  	_ = 	snop;
	(pc) =	sbr.rel @!p0 .LBB2_33-.Ltmp5, $2  }
0xa8: {  	_ =	sdelay $0x2  }
0xa9: {  	s6 =	sadd.s32 $0x3D0, s6;
	s5 =	sadd.s32 $0x3D0, s5  }
.LBB2_6:
0xaa: {  	s1 =	smul.u32 $0x3D0, s7  }
0xab: {  	s0 =	rddreg [dreg:$0xe]  }
0xac: {  	s9 =	sadd.s32 s1, s0  }
0xad: {  	s3 =	simm.s32 $0x1;
	p0 =	slt.s32 s9, $0x184B8;
	s0 =	smov.u32 s9  }
0xae: {  	_ =	swait.ge [sflag:s3], $0xF400;
	s0 =	simm.s32 @!p0 $0x184B8  }
0xaf: {  	[sflag:s3] =	ssyncset.done $0x0;
	s0 =	sshll.u32 s0, $0x4  }
0xb0: {  	s4 =	simm.s32 $0xF480;
	[sflag:s3] =	ssyncadd.s32 $0xFFFF0C00;
	s0 =	sadd.s32 s19, s0  }
0xb1: {  	[tilespmem:s4], [sflag:$0x2] =	stream.linear.gather [hbm4b:s0+s8], $0xF400, $0x38;
	[tilespmem:$0x1F880] =	vst v63  }
0xb2: {  	s0 =	sadd.s32 s10, s1  }
0xb3: {  	p0 =	sgt.s32 s14, s0  }
0xb4: {  	s17 =	smov.u32 s18;
	s0 =	smov.u32 @p0 s14  }
0xb5: {  	p1 =	slt.s32 s18, s9;
	s3 =	smov.u32 s9;
	p0 =	slt.s32 s0, s18  }
0xb6: {  	s3 =	smov.u32 @p1 s18;
	s17 =	smov.u32 @p0 s0  }
0xb7: {  	s11 =	rddreg [dreg:$0x9];
	p0 =	sgt.s32 s3, s17;
	s15 =	smov.u32 s17  }
0xb8: {  	s22 =	smov.u32 s10;
	s16 =	rddreg [dreg:$0xb];
	s15 =	smov.u32 @p0 s3  }
0xb9: {  	s4 =	rddreg [dreg:$0xa];
	s3 =	simm.s32 $0x1;
	s10 =	sadd.s32 $0xFFFFFFFF, s15  }
0xba: {  	p0 =	sle.s32 s11, s10;
	p1 =	sle.s32 s4, s10;
	s4 =	simm.s32 $0x1  }
0xbb: {  	s20 =	rddreg [dreg:$0xd];
	s3 =	simm.s32 @!p0 $0x0;
	s4 =	simm.s32 @!p1 $0x0  }
0xbc: {  	p0 =	sle.s32 s16, s10;
	s3 =	sadd.s32 s4, s3;
	s4 =	simm.s32 $0x1  }
0xbd: {  	s21 =	smov.u32 s19;
	s19 =	rddreg [dreg:$0xc];
	s4 =	simm.s32 @!p0 $0x0  }
0xbe: {  	s8 =	simm.s32 $0x1;
	p0 =	sle.s32 s19, s10;
	s3 =	sadd.s32 s4, s3  }
0xbf: {  	s8 =	simm.s32 @!p0 $0x0;
	p0 =	sle.s32 s20, s10;
	s4 =	simm.s32 $0x1  }
0xc0: {  	s3 =	sadd.s32 s8, s3;
	s4 =	simm.s32 @!p0 $0x0  }
0xc1: {  	p0 =	sle.s32 s23, s10;
	s8 =	simm.s32 $0x1;
	s3 =	sadd.s32 s4, s3  }
0xc2: {  	s8 =	simm.s32 @!p0 $0x0;
	p0 =	sle.s32 s24, s10;
	s4 =	simm.s32 $0x1  }
0xc3: {  	s3 =	sadd.s32 s8, s3;
	s4 =	simm.s32 @!p0 $0x0  }
0xc4: {  	p0 =	sle.s32 s25, s10;
	s8 =	simm.s32 $0x1;
	s3 =	sadd.s32 s4, s3  }
0xc5: {  	s8 =	simm.s32 @!p0 $0x0;
	p0 =	sle.s32 s26, s10;
	s4 =	simm.s32 $0x1  }
0xc6: {  	s3 =	sadd.s32 s8, s3;
	s4 =	simm.s32 @!p0 $0x0  }
0xc7: {  	p0 =	sle.s32 s28, s10;
	s8 =	simm.s32 $0x1;
	s3 =	sadd.s32 s4, s3  }
0xc8: {  	s8 =	simm.s32 @!p0 $0x0;
	p0 =	sle.s32 s29, s10;
	s4 =	simm.s32 $0x1  }
0xc9: {  	s3 =	sadd.s32 s8, s3;
	s4 =	simm.s32 @!p0 $0x0  }
0xca: {  	p0 =	sle.s32 s30, s10;
	s8 =	simm.s32 $0x1;
	s3 =	sadd.s32 s4, s3  }
0xcb: {  	s8 =	simm.s32 @!p0 $0x0;
	p0 =	sle.s32 s31, s10;
	s4 =	simm.s32 $0x1  }
0xcc: {  	s0 =	simm.s32 $0x1;
	s3 =	sadd.s32 s8, s3;
	s4 =	simm.s32 @!p0 $0x0  }
0xcd: {  	p0 =	sle.s32 s2, s10;
	s8 =	simm.s32 $0x1;
	s3 =	sadd.s32 s4, s3  }
0xce: {  	s8 =	simm.s32 @!p0 $0x0;
	p0 =	sle.s32 s12, s10;
	s4 =	simm.s32 $0x1  }
0xcf: {  	s3 =	sadd.s32 s8, s3;
	s4 =	simm.s32 @!p0 $0x0;
	p0 =	sle.s32 s18, s10  }
0xd0: {  	s3 =	sadd.s32 s4, s3;
	s0 =	simm.s32 @!p0 $0x0  }
0xd1: {  	p0 =	slt.s32 s6, $0x184B8;
	s10 =	sadd.s32 s0, s3;
	s0 =	smov.u32 s6  }
0xd2: {  	s0 =	simm.s32 @!p0 $0x184B8;
	p0 =	sge.s32 s13, s10  }
.Ltmp6:
0xd3: {  	_ = 	snop;
	(pc) =	sbr.rel @p0 .LBB2_7-.Ltmp6, $4  }
0xd4: {  	p1 =	sgt.s32 s14, s6;
	s16 =	smov.u32 s6  }
0xd5: {  	s16 =	smov.u32 @p1 s14  }
0xd6: {  	p1 =	slt.s32 s18, s16  }
0xd7: {  	s16 =	smov.u32 @p1 s18;
	s11 =	sshll.u32 s0, $0x9  }
.Ltmp7:
0xd8: {  	(pc) =	sbr.rel .LBB2_9-.Ltmp7, $4  }
0xd9: {  	_ = 	snop  }
0xda: {  	s0 =	ssub.s32 $0x0, s11  }
0xdb: {  	s0 =	sshra.s32 s0, $0x2  }
0xdc: {  	v5 =	vmov v7;
	v6 =	vmov v4;
	s0 =	sadd.s32 $0xC0, s0  }
.LBB2_12:
0xdd: {  	v17 =	vadd.f32 v20, v17  }
0xde: {  	v12 =	vmax.f32 v12, v20;
	v16 =	vadd.f32 v4, v16;
	v11 =	vmax.f32 v11, v4  }
0xdf: {  	v15 =	vadd.f32 v7, v15;
	v9 =	vmax.f32 v9, v7;
	v13 =	vadd.f32 v21, v13  }
0xe0: {  	v10 =	vmax.f32 v10, v21;
	v3 =	vadd.f32 v22, v3;
	v2 =	vmax.f32 v2, v22  }
.LBB2_13:
0xe1: {  	s3 =	ssub.s32 s8, s3  }
0xe2: {  	s3 =	scvt.s32.f32 s3;
	_ =	sdelay $0x1  }
0xe3: {  	s3 =	smax.f32 s3, $1.000000000e+00  }
0xe4: {  	v4 =	vmov s3  }
0xe5: {  	s20 =	sshll.u32 s13, $0x8;
	s4 =	sshll.u32 s13, $0x7;
	(erf) = vrcp.f32 v4  }
0xe6: {  	s4 =	sand.u32 $0x380, s4;
	s3 =	sand.u32 $0xFFFFF800, s20  }
0xe7: {  	s3 =	sor.u32 s4, s3  }
0xe8: {  	s4 =	sadd.s32 $0x1E880, s3  }
0xe9: {  	[tilespmem:s4+$0x400] =	vst v2  }
0xea: {  	[tilespmem:s4+$0x410] =	vst v14  }
0xeb: {  	[tilespmem:s4+$0x430] =	vst v12  }
0xec: {  	v29 =	vimm.f32 $0.0e+00;
	v26 =	vimm.f32 $0.0e+00;
	[tilespmem:s4+$0x440] =	vst v11  }
0xed: {  	v27 =	vimm.f32 $0.0e+00;
	v24 =	vimm.f32 $0.0e+00;
	v22 =	vimm.f32 $0.0e+00;
	[tilespmem:s4+$0x460] =	vst v10  }
0xee: {  	v31 =	vimm.f32 $-Inf;
	v30 =	vimm.f32 $-Inf;
	v28 =	vimm.f32 $-Inf;
	[tilespmem:s4+$0x470] =	vst v5;
	v2 =	vpop (erf)  }
0xef: {  	[tilespmem:s4+$0x450] =	vst v9;
	v5 =	vimm.f32 $-Inf;
	v10 =	vimm.f32 $-Inf;
	v3 =	vmul.f32 v3, v2  }
0xf0: {  	[tilespmem:s4+$0x420] =	vst v8;
	v9 =	vimm.f32 $-Inf;
	v11 =	vimm.f32 $-Inf;
	v21 =	vmul.f32 v16, v2  }
0xf1: {  	v12 =	vimm.f32 $-Inf;
	v4 =	vmul.f32 v19, v2;
	v23 =	vmul.f32 v15, v2;
	[tilespmem:s3+$0x1E880] =	vst v3  }
0xf2: {  	s13 =	sadd.s32 $0x1, s13;
	v8 =	vimm.f32 $-Inf;
	v7 =	vmul.f32 v18, v2;
	v25 =	vmul.f32 v13, v2;
	[tilespmem:s4+$0x40] =	vst v21  }
0xf3: {  	p0 =	slt.s32 s13, s10;
	v14 =	vimm.f32 $-Inf;
	v20 =	vmul.f32 v17, v2;
	v32 =	vmul.f32 v6, v2;
	[tilespmem:s4+$0x50] =	vst v23  }
.Ltmp8:
0xf4: {  	v6 =	vimm.f32 $0.0e+00;
	v2 =	vimm.f32 $-Inf;
	v13 =	vimm.f32 $0.0e+00;
	[tilespmem:s4+$0x60] =	vst v25;
	(pc) =	sbr.rel @!p0 .LBB2_14-.Ltmp8, $4  }
0xf5: {  	v15 =	vimm.f32 $0.0e+00;
	v16 =	vimm.f32 $0.0e+00;
	v17 =	vimm.f32 $0.0e+00;
	[tilespmem:s4+$0x70] =	vst v32  }
0xf6: {  	v18 =	vimm.f32 $0.0e+00;
	v19 =	vimm.f32 $0.0e+00;
	v3 =	vimm.f32 $0.0e+00;
	[tilespmem:s4+$0x10] =	vst v4  }
0xf7: {  	v23 =	vimm.f32 $0.0e+00;
	v21 =	vimm.f32 $-Inf;
	v25 =	vimm.f32 $-Inf;
	[tilespmem:s4+$0x20] =	vst v7  }
0xf8: {  	[tilespmem:s4+$0x30] =	vst v20;
	v4 =	vimm.f32 $0.0e+00;
	v20 =	vimm.f32 $-Inf;
	v7 =	vimm.f32 $-Inf  }
.LBB2_9:
0xf9: {  	v4 =	vld [tilespmem:s13+$0x0];
	_ =	sdelay $0x4  }
0xfa: {  	(v2sf) =	vpush v4, $0x0  }
0xfb: {  	(v2sf) =	vpush v4, $0x1;
	_ =	sdelay $0xd  }
0xfc: {  	s3 =	spop (v2sf)  }
0xfd: {  	s19 =	smov.u32 s17;
	s8 =	spop (v2sf)  }
0xfe: {  	s4 =	smov.u32 s15;
	p0 =	sgt.s32 s3, s17;
	p1 =	slt.s32 s8, s15  }
0xff: {  	s19 =	smov.u32 @p0 s3;
	s4 =	smov.u32 @p1 s8  }
0x100: {  	p0 =	sge.s32 s19, s4  }
.Ltmp9:
0x101: {  	_ = 	snop;
	(pc) =	sbr.rel @p0 .LBB2_13-.Ltmp9, $1  }
0x102: {  	_ =	sdelay $0x3  }
0x103: {  	p0 =	sgt.s32 s3, s16;
	s20 =	smov.u32 s16  }
0x104: {  	s20 =	smov.u32 @p0 s3  }
0x105: {  	s20 =	sshll.u32 s20, $0x9  }
0x106: {  	s20 =	sshra.s32 s20, $0x2  }
0x107: {  	s20 =	sadd.s32 s20, s0  }
0x108: {  	v21 =	vld [tilespmem:s20+$0x30]  }
0x109: {  	v22 =	vld [tilespmem:s20+$0xFFFFFFD0]  }
0x10a: {  	s19 =	sadd.s32 $0x1, s19;
	v23 =	vld [tilespmem:s20+$0xFFFFFFE0]  }
0x10b: {  	p0 =	slt.s32 s19, s4;
	v20 =	vld [tilespmem:s20+$0xFFFFFFF0]  }
.Ltmp10:
0x10c: {  	v4 =	vld [tilespmem:s20+$0x0];
	(pc) =	sbr.rel @!p0 .LBB2_12-.Ltmp10, $4  }
0x10d: {  	v7 =	vld [tilespmem:s20+$0x10]  }
0x10e: {  	v6 =	vadd.f32 v21, v6;
	v5 =	vmax.f32 v5, v21;
	v21 =	vld [tilespmem:s20+$0x20]  }
0x10f: {  	v19 =	vadd.f32 v22, v19;
	v14 =	vmax.f32 v14, v22;
	v22 =	vld [tilespmem:s20+$0xFFFFFFC0]  }
0x110: {  	v18 =	vadd.f32 v23, v18;
	v8 =	vmax.f32 v8, v23;
	s20 =	sadd.s32 $0x80, s20  }
.LBB2_11:
0x111: {  	v23 =	vld [tilespmem:s20+$0x30];
	s19 =	sadd.s32 $0x1, s19;
	v17 =	vadd.f32 v20, v17;
	v12 =	vmax.f32 v12, v20  }
0x112: {  	v16 =	vadd.f32 v4, v16;
	v11 =	vmax.f32 v11, v4;
	v24 =	vld [tilespmem:s20+$0xFFFFFFD0];
	p0 =	slt.s32 s19, s4  }
0x113: {  	v15 =	vadd.f32 v7, v15;
	v9 =	vmax.f32 v9, v7;
	v25 =	vld [tilespmem:s20+$0xFFFFFFE0]  }
.Ltmp11:
0x114: {  	v13 =	vadd.f32 v21, v13;
	v10 =	vmax.f32 v10, v21;
	v20 =	vld [tilespmem:s20+$0xFFFFFFF0];
	(pc) =	sbr.rel @p0 .LBB2_11-.Ltmp11, $4  }
0x115: {  	v3 =	vadd.f32 v22, v3;
	v2 =	vmax.f32 v2, v22;
	v4 =	vld [tilespmem:s20+$0x0]  }
0x116: {  	v7 =	vld [tilespmem:s20+$0x10];
	v6 =	vadd.f32 v23, v6;
	v5 =	vmax.f32 v5, v23  }
0x117: {  	v21 =	vld [tilespmem:s20+$0x20];
	v19 =	vadd.f32 v24, v19;
	v14 =	vmax.f32 v14, v24  }
0x118: {  	v22 =	vld [tilespmem:s20+$0xFFFFFFC0];
	v18 =	vadd.f32 v25, v18;
	v8 =	vmax.f32 v8, v25;
	s20 =	sadd.s32 $0x80, s20  }
.Ltmp12:
0x119: {  	_ = 	snop;
	(pc) =	sbr.rel .LBB2_12-.Ltmp12, $1  }
0x11a: {  	_ =	sdelay $0x3  }
.LBB2_7:
0x11b: {  	v6 =	vmovc v3;
	v29 =	vmov v19;
	v26 =	vmov v18;
	v27 =	vmov v17  }
0x11c: {  	v24 =	vmovc v16;
	v22 =	vmovc v15;
	v23 =	vmov v13;
	v5 =	vmov v2;
	v31 =	vmov v14  }
0x11d: {  	v20 =	vmovc v8;
	v30 =	vmovc v12;
	v28 =	vmov v11;
	v21 =	vmov v9;
	v25 =	vmov v10  }
.LBB2_14:
0x11e: {  	v2 =	vld [tilespmem:s10+$0x0];
	_ =	sdelay $0x4  }
0x11f: {  	(v2sf) =	vpush v2, $0x0  }
0x120: {  	(v2sf) =	vpush v2, $0x1;
	_ =	sdelay $0xd  }
0x121: {  	s3 =	spop (v2sf)  }
0x122: {  	s4 =	spop (v2sf)  }
0x123: {  	p0 =	sgt.s32 s3, s17;
	p1 =	slt.s32 s4, s15  }
0x124: {  	s17 =	smov.u32 @p0 s3;
	s15 =	smov.u32 @p1 s4  }
0x125: {  	p1 =	sge.s32 s17, s15  }
.Ltmp13:
0x126: {  	_ = 	snop;
	(pc) =	sbr.rel @p1 .LBB2_15-.Ltmp13, $4  }
0x127: {  	_ = 	snop  }
0x128: {  	p2 =	sgt.s32 s14, s5;
	s0 =	smov.u32 s5  }
0x129: {  	s0 =	smov.u32 @p2 s14  }
0x12a: {  	p0 =	slt.s32 s18, s0  }
0x12b: {  	p1 =	sgt.s32 s3, s16  }
0x12c: {  	s16 =	smov.u32 @p1 s3  }
0x12d: {  	s3 =	sshll.u32 s16, $0x9  }
0x12e: {  	s3 =	ssub.s32 s3, s11  }
0x12f: {  	s3 =	sshra.s32 s3, $0x2  }
0x130: {  	s4 =	sadd.s32 $0xC0, s3  }
0x131: {  	v9 =	vld [tilespmem:s4+$0x30]  }
0x132: {  	s3 =	sadd.s32 $0x1, s17;
	v10 =	vld [tilespmem:s4+$0xFFFFFFD0]  }
0x133: {  	v11 =	vld [tilespmem:s4+$0xFFFFFFE0];
	p1 =	slt.s32 s3, s15  }
.Ltmp14:
0x134: {  	v8 =	vld [tilespmem:s4+$0xFFFFFFF0];
	(pc) =	sbr.rel @!p1 .LBB2_18-.Ltmp14, $4  }
0x135: {  	v2 =	vld [tilespmem:s4+$0x0]  }
0x136: {  	v3 =	vld [tilespmem:s4+$0x10]  }
0x137: {  	v4 =	vadd.f32 v9, v4;
	v7 =	vmax.f32 v7, v9;
	v9 =	vld [tilespmem:s4+$0x20];
	v29 =	vadd.f32 v10, v29  }
0x138: {  	s19 =	smov.u32 s21;
	s8 =	simm.s32 $0x0;
	v31 =	vmax.f32 v31, v10;
	v10 =	vld [tilespmem:s4+$0xFFFFFFC0];
	v26 =	vadd.f32 v11, v26;
	v20 =	vmax.f32 v20, v11;
	s4 =	sadd.s32 $0x80, s4  }
.LBB2_17:
0x139: {  	v11 =	vld [tilespmem:s4+$0x30];
	s3 =	sadd.s32 $0x1, s3;
	v27 =	vadd.f32 v8, v27;
	v30 =	vmax.f32 v30, v8  }
0x13a: {  	v12 =	vld [tilespmem:s4+$0xFFFFFFD0];
	p1 =	slt.s32 s3, s15;
	v24 =	vadd.f32 v2, v24;
	v28 =	vmax.f32 v28, v2  }
0x13b: {  	v13 =	vld [tilespmem:s4+$0xFFFFFFE0];
	v22 =	vadd.f32 v3, v22;
	v21 =	vmax.f32 v21, v3  }
.Ltmp15:
0x13c: {  	v8 =	vld [tilespmem:s4+$0xFFFFFFF0];
	v23 =	vadd.f32 v9, v23;
	v25 =	vmax.f32 v25, v9;
	(pc) =	sbr.rel @p1 .LBB2_17-.Ltmp15, $4  }
0x13d: {  	v2 =	vld [tilespmem:s4+$0x0];
	v6 =	vadd.f32 v10, v6;
	v5 =	vmax.f32 v5, v10  }
0x13e: {  	v3 =	vld [tilespmem:s4+$0x10];
	v4 =	vadd.f32 v11, v4;
	v7 =	vmax.f32 v7, v11  }
0x13f: {  	v9 =	vld [tilespmem:s4+$0x20];
	v29 =	vadd.f32 v12, v29;
	v31 =	vmax.f32 v31, v12  }
0x140: {  	v10 =	vld [tilespmem:s4+$0xFFFFFFC0];
	v26 =	vadd.f32 v13, v26;
	v20 =	vmax.f32 v20, v13;
	s4 =	sadd.s32 $0x80, s4  }
.LBB2_18:
.Ltmp16:
0x141: {  	_ = 	snop;
	(pc) =	sbr.rel .LBB2_19-.Ltmp16, $4  }
0x142: {  	v27 =	vadd.f32 v8, v27  }
0x143: {  	v30 =	vmax.f32 v30, v8;
	v24 =	vadd.f32 v2, v24;
	v28 =	vmax.f32 v28, v2  }
0x144: {  	v22 =	vadd.f32 v3, v22;
	v21 =	vmax.f32 v21, v3;
	v23 =	vadd.f32 v9, v23  }
0x145: {  	v25 =	vmax.f32 v25, v9;
	v6 =	vadd.f32 v10, v6;
	v5 =	vmax.f32 v5, v10  }
.LBB2_15:
0x146: {  	s19 =	smov.u32 s21;
	s8 =	simm.s32 $0x0  }
.LBB2_19:
0x147: {  	s3 =	rddreg [dreg:$0xf];
	s4 =	simm.s32 $0x2  }
0x148: {  	s15 =	simm.s32 $0x80;
	s3 =	sadd.s32 s1, s3;
	_ =	swait.ge [sflag:s4], $0xF400  }
0x149: {  	p1 =	slt.s32 s3, $0x184B8;
	s1 =	smov.u32 s3;
	[sflag:s4] =	ssyncset.done $0x0  }
0x14a: {  	p2 =	slt.s32 s18, s3;
	s1 =	simm.s32 @!p1 $0x184B8;
	p1 =	sgt.s32 s14, s9  }
0x14b: {  	[sflag:s4] =	ssyncadd.s32 $0xFFFF0C00;
	s1 =	sshll.u32 s1, $0x4;
	s9 =	smov.u32 @p1 s14  }
0x14c: {  	s4 =	smov.u32 s18;
	s1 =	sadd.s32 s19, s1;
	p1 =	slt.s32 s9, s18  }
0x14d: {  	[tilespmem:s15], [sflag:$0x1] =	stream.linear.gather [hbm4b:s1+s8], $0xF400, $0x38;
	[tilespmem:$0x1F880] =	vst v63  }
0x14e: {  	s3 =	smov.u32 @p2 s18;
	s4 =	smov.u32 @p1 s9  }
0x14f: {  	s16 =	rddreg [dreg:$0x9];
	p1 =	sgt.s32 s3, s4;
	s1 =	smov.u32 s4  }
0x150: {  	s17 =	rddreg [dreg:$0xa];
	s1 =	smov.u32 @p1 s3  }
0x151: {  	s20 =	rddreg [dreg:$0xb];
	s8 =	simm.s32 $0x1;
	s3 =	sadd.s32 $0xFFFFFFFF, s1  }
0x152: {  	s9 =	simm.s32 $0x1;
	p1 =	sle.s32 s16, s3;
	p2 =	sle.s32 s17, s3  }
0x153: {  	s11 =	rddreg [dreg:$0xc];
	s8 =	simm.s32 @!p1 $0x0;
	s9 =	simm.s32 @!p2 $0x0  }
0x154: {  	p1 =	sle.s32 s20, s3;
	s8 =	sadd.s32 s9, s8;
	s9 =	simm.s32 $0x1  }
0x155: {  	s9 =	simm.s32 @!p1 $0x0;
	p1 =	sle.s32 s11, s3;
	s11 =	simm.s32 $0x1  }
0x156: {  	s21 =	rddreg [dreg:$0xd];
	s8 =	sadd.s32 s9, s8;
	s11 =	simm.s32 @!p1 $0x0  }
0x157: {  	p1 =	sle.s32 s21, s3;
	s9 =	simm.s32 $0x1;
	s8 =	sadd.s32 s11, s8  }
0x158: {  	s9 =	simm.s32 @!p1 $0x0;
	p1 =	sle.s32 s23, s3;
	s11 =	simm.s32 $0x1  }
0x159: {  	s8 =	sadd.s32 s9, s8;
	s11 =	simm.s32 @!p1 $0x0  }
0x15a: {  	p1 =	sle.s32 s24, s3;
	s9 =	simm.s32 $0x1;
	s8 =	sadd.s32 s11, s8  }
0x15b: {  	s9 =	simm.s32 @!p1 $0x0;
	p1 =	sle.s32 s25, s3;
	s11 =	simm.s32 $0x1  }
0x15c: {  	s8 =	sadd.s32 s9, s8;
	s11 =	simm.s32 @!p1 $0x0  }
0x15d: {  	p1 =	sle.s32 s26, s3;
	s9 =	simm.s32 $0x1;
	s8 =	sadd.s32 s11, s8  }
0x15e: {  	s9 =	simm.s32 @!p1 $0x0;
	p1 =	sle.s32 s28, s3;
	s11 =	simm.s32 $0x1  }
0x15f: {  	s8 =	sadd.s32 s9, s8;
	s11 =	simm.s32 @!p1 $0x0  }
0x160: {  	p1 =	sle.s32 s29, s3;
	s9 =	simm.s32 $0x1;
	s8 =	sadd.s32 s11, s8  }
0x161: {  	s9 =	simm.s32 @!p1 $0x0;
	p1 =	sle.s32 s30, s3;
	s11 =	simm.s32 $0x1  }
0x162: {  	s8 =	sadd.s32 s9, s8;
	s11 =	simm.s32 @!p1 $0x0  }
0x163: {  	p1 =	sle.s32 s31, s3;
	s9 =	simm.s32 $0x1;
	s8 =	sadd.s32 s11, s8  }
0x164: {  	s9 =	simm.s32 @!p1 $0x0;
	p1 =	sle.s32 s2, s3;
	s11 =	simm.s32 $0x1  }
0x165: {  	s8 =	sadd.s32 s9, s8;
	s11 =	simm.s32 @!p1 $0x0  }
0x166: {  	p1 =	sle.s32 s12, s3;
	s9 =	simm.s32 $0x1;
	s8 =	sadd.s32 s11, s8  }
0x167: {  	s9 =	simm.s32 @!p1 $0x0;
	p1 =	sle.s32 s18, s3;
	s3 =	simm.s32 $0x1  }
0x168: {  	s8 =	sadd.s32 s9, s8;
	s3 =	simm.s32 @!p1 $0x0  }
0x169: {  	p1 =	slt.s32 s5, $0x184B8;
	s13 =	sadd.s32 s3, s8;
	s3 =	smov.u32 s5  }
0x16a: {  	s3 =	simm.s32 @!p1 $0x184B8;
	p1 =	sge.s32 s10, s13  }
.Ltmp17:
0x16b: {  	_ = 	snop;
	(pc) =	sbr.rel @p1 .LBB2_20-.Ltmp17, $2  }
0x16c: {  	_ =	sdelay $0x2  }
0x16d: {  	s0 =	smov.u32 @p0 s18;
	s9 =	sshll.u32 s3, $0x9  }
.Ltmp18:
0x16e: {  	(pc) =	sbr.rel .LBB2_22-.Ltmp18, $4  }
0x16f: {  	_ = 	snop  }
0x170: {  	s3 =	ssub.s32 $0x0, s9  }
0x171: {  	s3 =	sshra.s32 s3, $0x2  }
0x172: {  	v2 =	vmov v7;
	v3 =	vmov v4;
	s11 =	sadd.s32 $0xF4C0, s3  }
.LBB2_25:
0x173: {  	v27 =	vadd.f32 v8, v27  }
0x174: {  	v30 =	vmax.f32 v30, v8;
	v24 =	vadd.f32 v4, v24;
	v28 =	vmax.f32 v28, v4  }
0x175: {  	v22 =	vadd.f32 v7, v22;
	v21 =	vmax.f32 v21, v7;
	v23 =	vadd.f32 v9, v23  }
0x176: {  	v25 =	vmax.f32 v25, v9;
	v6 =	vadd.f32 v10, v6;
	v5 =	vmax.f32 v5, v10  }
.LBB2_26:
0x177: {  	s3 =	ssub.s32 s8, s3  }
0x178: {  	s3 =	scvt.s32.f32 s3;
	_ =	sdelay $0x1  }
0x179: {  	s3 =	smax.f32 s3, $1.000000000e+00  }
0x17a: {  	v4 =	vmov s3  }
0x17b: {  	s20 =	sshll.u32 s10, $0x8;
	s21 =	sshll.u32 s10, $0x7;
	(erf) = vrcp.f32 v4  }
0x17c: {  	s8 =	sand.u32 $0x380, s21;
	s3 =	sand.u32 $0x7FFFF800, s20  }
0x17d: {  	s3 =	sor.u32 s8, s3  }
0x17e: {  	s8 =	sadd.s32 $0x1E880, s3  }
0x17f: {  	[tilespmem:s8+$0x400] =	vst v5  }
0x180: {  	[tilespmem:s8+$0x410] =	vst v31  }
0x181: {  	[tilespmem:s8+$0x430] =	vst v30  }
0x182: {  	v19 =	vimm.f32 $0.0e+00;
	v18 =	vimm.f32 $0.0e+00;
	[tilespmem:s8+$0x440] =	vst v28  }
0x183: {  	v17 =	vimm.f32 $0.0e+00;
	v16 =	vimm.f32 $0.0e+00;
	v15 =	vimm.f32 $0.0e+00;
	[tilespmem:s8+$0x460] =	vst v25  }
0x184: {  	v13 =	vimm.f32 $0.0e+00;
	v14 =	vimm.f32 $-Inf;
	v12 =	vimm.f32 $-Inf;
	[tilespmem:s8+$0x470] =	vst v2;
	v4 =	vpop (erf)  }
0x185: {  	[tilespmem:s8+$0x450] =	vst v21;
	v2 =	vimm.f32 $-Inf;
	v25 =	vimm.f32 $-Inf;
	v5 =	vmul.f32 v6, v4  }
0x186: {  	[tilespmem:s8+$0x420] =	vst v20;
	v21 =	vimm.f32 $-Inf;
	v28 =	vimm.f32 $-Inf;
	v9 =	vmul.f32 v24, v4  }
0x187: {  	v30 =	vimm.f32 $-Inf;
	v6 =	vmul.f32 v29, v4;
	v10 =	vmul.f32 v22, v4;
	[tilespmem:s3+$0x1E880] =	vst v5  }
0x188: {  	s10 =	sadd.s32 $0x1, s10;
	v20 =	vimm.f32 $-Inf;
	v7 =	vmul.f32 v26, v4;
	v11 =	vmul.f32 v23, v4;
	[tilespmem:s8+$0x40] =	vst v9  }
0x189: {  	p0 =	slt.u32 s10, s13;
	v31 =	vimm.f32 $-Inf;
	v8 =	vmul.f32 v27, v4;
	v32 =	vmul.f32 v3, v4;
	[tilespmem:s8+$0x50] =	vst v10  }
.Ltmp19:
0x18a: {  	v3 =	vimm.f32 $0.0e+00;
	v23 =	vimm.f32 $0.0e+00;
	v22 =	vimm.f32 $0.0e+00;
	[tilespmem:s8+$0x60] =	vst v11;
	(pc) =	sbr.rel @!p0 .LBB2_27-.Ltmp19, $4  }
0x18b: {  	v24 =	vimm.f32 $0.0e+00;
	v27 =	vimm.f32 $0.0e+00;
	v26 =	vimm.f32 $0.0e+00;
	[tilespmem:s8+$0x70] =	vst v32  }
0x18c: {  	v29 =	vimm.f32 $0.0e+00;
	v4 =	vimm.f32 $0.0e+00;
	v5 =	vimm.f32 $-Inf;
	[tilespmem:s8+$0x10] =	vst v6  }
0x18d: {  	v11 =	vimm.f32 $-Inf;
	v9 =	vimm.f32 $-Inf;
	v10 =	vimm.f32 $-Inf;
	[tilespmem:s8+$0x20] =	vst v7  }
0x18e: {  	[tilespmem:s8+$0x30] =	vst v8;
	v6 =	vimm.f32 $0.0e+00;
	v8 =	vimm.f32 $-Inf;
	v7 =	vimm.f32 $-Inf  }
.LBB2_22:
0x18f: {  	v4 =	vld [tilespmem:s10+$0x0];
	_ =	sdelay $0x4  }
0x190: {  	(v2sf) =	vpush v4, $0x0  }
0x191: {  	(v2sf) =	vpush v4, $0x1;
	_ =	sdelay $0xd  }
0x192: {  	s3 =	spop (v2sf)  }
0x193: {  	s16 =	smov.u32 s4;
	s8 =	spop (v2sf)  }
0x194: {  	s15 =	smov.u32 s1;
	p0 =	sgt.s32 s3, s4;
	p1 =	slt.s32 s8, s1  }
0x195: {  	s16 =	smov.u32 @p0 s3;
	s15 =	smov.u32 @p1 s8  }
0x196: {  	p0 =	sge.s32 s16, s15  }
.Ltmp20:
0x197: {  	_ = 	snop;
	(pc) =	sbr.rel @p0 .LBB2_26-.Ltmp20, $1  }
0x198: {  	_ =	sdelay $0x3  }
0x199: {  	p0 =	sgt.s32 s3, s0;
	s17 =	smov.u32 s0  }
0x19a: {  	s17 =	smov.u32 @p0 s3  }
0x19b: {  	s17 =	sshll.u32 s17, $0x9  }
0x19c: {  	s17 =	sshra.s32 s17, $0x2  }
0x19d: {  	s17 =	sadd.s32 s17, s11  }
0x19e: {  	v9 =	vld [tilespmem:s17+$0x30]  }
0x19f: {  	v10 =	vld [tilespmem:s17+$0xFFFFFFD0]  }
0x1a0: {  	s16 =	sadd.s32 $0x1, s16;
	v11 =	vld [tilespmem:s17+$0xFFFFFFE0]  }
0x1a1: {  	p0 =	slt.s32 s16, s15;
	v8 =	vld [tilespmem:s17+$0xFFFFFFF0]  }
.Ltmp21:
0x1a2: {  	v4 =	vld [tilespmem:s17+$0x0];
	(pc) =	sbr.rel @!p0 .LBB2_25-.Ltmp21, $4  }
0x1a3: {  	v7 =	vld [tilespmem:s17+$0x10]  }
0x1a4: {  	v3 =	vadd.f32 v9, v3;
	v2 =	vmax.f32 v2, v9;
	v9 =	vld [tilespmem:s17+$0x20]  }
0x1a5: {  	v29 =	vadd.f32 v10, v29;
	v31 =	vmax.f32 v31, v10;
	v10 =	vld [tilespmem:s17+$0xFFFFFFC0]  }
0x1a6: {  	v26 =	vadd.f32 v11, v26;
	v20 =	vmax.f32 v20, v11;
	s17 =	sadd.s32 $0x80, s17  }
.LBB2_24:
0x1a7: {  	v11 =	vld [tilespmem:s17+$0x30];
	s16 =	sadd.s32 $0x1, s16;
	v27 =	vadd.f32 v8, v27;
	v30 =	vmax.f32 v30, v8  }
0x1a8: {  	v24 =	vadd.f32 v4, v24;
	v28 =	vmax.f32 v28, v4;
	v12 =	vld [tilespmem:s17+$0xFFFFFFD0];
	p0 =	slt.s32 s16, s15  }
0x1a9: {  	v22 =	vadd.f32 v7, v22;
	v21 =	vmax.f32 v21, v7;
	v13 =	vld [tilespmem:s17+$0xFFFFFFE0]  }
.Ltmp22:
0x1aa: {  	v23 =	vadd.f32 v9, v23;
	v25 =	vmax.f32 v25, v9;
	v8 =	vld [tilespmem:s17+$0xFFFFFFF0];
	(pc) =	sbr.rel @p0 .LBB2_24-.Ltmp22, $4  }
0x1ab: {  	v6 =	vadd.f32 v10, v6;
	v5 =	vmax.f32 v5, v10;
	v4 =	vld [tilespmem:s17+$0x0]  }
0x1ac: {  	v7 =	vld [tilespmem:s17+$0x10];
	v3 =	vadd.f32 v11, v3;
	v2 =	vmax.f32 v2, v11  }
0x1ad: {  	v9 =	vld [tilespmem:s17+$0x20];
	v29 =	vadd.f32 v12, v29;
	v31 =	vmax.f32 v31, v12  }
0x1ae: {  	v10 =	vld [tilespmem:s17+$0xFFFFFFC0];
	v26 =	vadd.f32 v13, v26;
	v20 =	vmax.f32 v20, v13;
	s17 =	sadd.s32 $0x80, s17  }
.Ltmp23:
0x1af: {  	_ = 	snop;
	(pc) =	sbr.rel .LBB2_25-.Ltmp23, $1  }
0x1b0: {  	_ =	sdelay $0x3  }
.LBB2_20:
0x1b1: {  	v3 =	vmovc v6;
	v19 =	vmov v29;
	v18 =	vmov v26;
	v17 =	vmov v27  }
0x1b2: {  	v16 =	vmovc v24;
	v15 =	vmovc v22;
	v13 =	vmov v23;
	v2 =	vmov v5;
	v14 =	vmov v31  }
0x1b3: {  	v8 =	vmovc v20;
	v12 =	vmovc v30;
	v11 =	vmov v28;
	v9 =	vmov v21;
	v10 =	vmov v25  }
.LBB2_27:
0x1b4: {  	v5 =	vld [tilespmem:s13+$0x0];
	_ =	sdelay $0x4  }
0x1b5: {  	(v2sf) =	vpush v5, $0x0  }
0x1b6: {  	(v2sf) =	vpush v5, $0x1;
	_ =	sdelay $0xd  }
0x1b7: {  	s3 =	spop (v2sf)  }
0x1b8: {  	s8 =	spop (v2sf)  }
0x1b9: {  	p0 =	sgt.s32 s3, s4;
	p1 =	slt.s32 s8, s1  }
0x1ba: {  	s4 =	smov.u32 @p0 s3;
	s1 =	smov.u32 @p1 s8  }
0x1bb: {  	p0 =	sge.s32 s4, s1  }
.Ltmp24:
0x1bc: {  	_ = 	snop;
	(pc) =	sbr.rel @p0 .LBB2_28-.Ltmp24, $1  }
0x1bd: {  	_ =	sdelay $0x3  }
0x1be: {  	p0 =	sgt.s32 s3, s0  }
0x1bf: {  	s0 =	smov.u32 @p0 s3  }
0x1c0: {  	s0 =	sshll.u32 s0, $0x9  }
0x1c1: {  	s0 =	ssub.s32 s0, s9  }
0x1c2: {  	s0 =	sshra.s32 s0, $0x2  }
0x1c3: {  	s21 =	sadd.s32 $0xF4C0, s0  }
0x1c4: {  	v21 =	vld [tilespmem:s21+$0x30]  }
0x1c5: {  	s0 =	sadd.s32 $0x1, s4;
	v22 =	vld [tilespmem:s21+$0xFFFFFFD0]  }
0x1c6: {  	v23 =	vld [tilespmem:s21+$0xFFFFFFE0];
	p0 =	slt.s32 s0, s1  }
.Ltmp25:
0x1c7: {  	v20 =	vld [tilespmem:s21+$0xFFFFFFF0];
	(pc) =	sbr.rel @!p0 .LBB2_31-.Ltmp25, $4  }
0x1c8: {  	v5 =	vld [tilespmem:s21+$0x0]  }
0x1c9: {  	v6 =	vld [tilespmem:s21+$0x10]  }
0x1ca: {  	v4 =	vadd.f32 v21, v4;
	v7 =	vmax.f32 v7, v21;
	v21 =	vld [tilespmem:s21+$0x20];
	v19 =	vadd.f32 v22, v19  }
0x1cb: {  	s8 =	simm.s32 $0x0;
	s10 =	smov.u32 s22;
	s3 =	sadd.s32 $0x80, s21;
	v14 =	vmax.f32 v14, v22;
	v22 =	vld [tilespmem:s21+$0xFFFFFFC0];
	v18 =	vadd.f32 v23, v18;
	v8 =	vmax.f32 v8, v23  }
.LBB2_30:
0x1cc: {  	v23 =	vld [tilespmem:s3+$0x30];
	s0 =	sadd.s32 $0x1, s0;
	v17 =	vadd.f32 v20, v17;
	v12 =	vmax.f32 v12, v20  }
0x1cd: {  	v24 =	vld [tilespmem:s3+$0xFFFFFFD0];
	p0 =	slt.s32 s0, s1;
	v16 =	vadd.f32 v5, v16;
	v11 =	vmax.f32 v11, v5  }
0x1ce: {  	v25 =	vld [tilespmem:s3+$0xFFFFFFE0];
	v15 =	vadd.f32 v6, v15;
	v9 =	vmax.f32 v9, v6  }
.Ltmp26:
0x1cf: {  	v20 =	vld [tilespmem:s3+$0xFFFFFFF0];
	v13 =	vadd.f32 v21, v13;
	v10 =	vmax.f32 v10, v21;
	(pc) =	sbr.rel @p0 .LBB2_30-.Ltmp26, $4  }
0x1d0: {  	v5 =	vld [tilespmem:s3+$0x0];
	v3 =	vadd.f32 v22, v3;
	v2 =	vmax.f32 v2, v22  }
0x1d1: {  	v6 =	vld [tilespmem:s3+$0x10];
	v4 =	vadd.f32 v23, v4;
	v7 =	vmax.f32 v7, v23  }
0x1d2: {  	v21 =	vld [tilespmem:s3+$0x20];
	v19 =	vadd.f32 v24, v19;
	v14 =	vmax.f32 v14, v24  }
0x1d3: {  	v22 =	vld [tilespmem:s3+$0xFFFFFFC0];
	v18 =	vadd.f32 v25, v18;
	v8 =	vmax.f32 v8, v25;
	s3 =	sadd.s32 $0x80, s3  }
.LBB2_31:
.Ltmp27:
0x1d4: {  	_ = 	snop;
	(pc) =	sbr.rel .LBB2_32-.Ltmp27, $4  }
0x1d5: {  	v17 =	vadd.f32 v20, v17  }
0x1d6: {  	v12 =	vmax.f32 v12, v20;
	v16 =	vadd.f32 v5, v16;
	v11 =	vmax.f32 v11, v5  }
0x1d7: {  	v15 =	vadd.f32 v6, v15;
	v9 =	vmax.f32 v9, v6;
	v13 =	vadd.f32 v21, v13  }
0x1d8: {  	v10 =	vmax.f32 v10, v21;
	v3 =	vadd.f32 v22, v3;
	v2 =	vmax.f32 v2, v22  }
.LBB2_34:
0x1d9: {  	_ =	sfence.sel $0x180000  }
0x1da: {  	[bflag:$0x0] =	sbarrier.arrive $0xFFFF  }
0x1db: {  	_ =	strace $0x90000047  }
0x1dc: {  	s0 =	stileid.u32;
	[bflag:$0x2] =	sbarrier.arrive $0xFFFF  }
0x1dd: {  	p0 =	sne.s32 s0, $0x0;
	s0 =	rddreg [dreg:$0x3]  }
0x1de: {  	s0 =	sadd.s32 @!p0 $0x100000, s0  }
0x1df: {  	[sflag:s0] =	ssyncadd.tile.s32 @!p0 $0x1;
	_ =	shalt  }
.Lfunc_end2:
_tile_overlayer_lowered:
.L_overlay_start_2:
0x1e0: {  	(tag) =	ssettag $0x2  }
0x1e1: {  	s0 =	rddreg [dreg:$0x0];
	s2 =	stileid.u32  }
0x1e2: {  	s1 =	rddreg [dreg:$0x1];
	p0 =	sne.s32 s2, $0x0  }
0x1e3: {  	s3 =	rddreg [dreg:$0x2];
	[bflag:$0x3] =	sbarrier.arrive $0xFFFF;
	s2 =	simm.s32 @!p0 $0x1C03  }
0x1e4: {  	[timem:s3], [sflag:s2] =	dma.local @!p0 [hbm:s0], s1  }
0x1e5: {  	s0 =	simm.s32 @!p0 $0x3  }
0x1e6: {  	_ =	swait.ge @!p0 [sflag:s0], s1  }
0x1e7: {  	s1 =	ssub.s32 @!p0 $0x0, s1;
	[sflag:s0] =	ssyncset.done @!p0 $0x0  }
0x1e8: {  	[sflag:s0] =	ssyncadd.s32 @!p0 s1  }
0x1e9: {  	[bflag:$0x3] =	sbarrier.arrive $0xFFFF  }
0x1ea: {  	_ =	shalt  }

</sc_bundles>
